<compile_context>
chip_gen: v7x
topology: tpu7x:2x2x1
jax: 0.10.2.dev20260603
libtpu: 0.0.44.dev20260713+nightly
codegen_flags: <defaults>
</compile_context>

<pallas_src>
import jax
import jax.numpy as jnp
from jax import lax
from jax.experimental import pallas as pl
from jax.experimental.pallas import tpu as pltpu
from jax.experimental.pallas import tpu_sc as plsc

NUM_Q = 900
NUM_C = 91
N_REAL = NUM_Q * NUM_C
N_BUF = 81920
NV = N_BUF // 16
N_DMA = 81904
K_OUT = 300
K_PAD = 304
CAP = 4096
ROWS_PER_W = 4

_I32 = jnp.int32
_U32 = jnp.uint32


def _lane():
    return lax.iota(_I32, 16)


def _popcount(mask):
    return plsc.all_reduce_population_count(mask)[0]


def _keys_of(bits):
    m = plsc.bitcast(plsc.bitcast(bits, _I32) >> 31, _U32)
    return bits ^ (m | jnp.uint32(0x80000000))


def _tk_body(bits_hbm, boxes_hbm, wh_hbm, scores_hbm, labels_hbm,
             boxout_hbm, qidx_hbm, row_v, hist_v, ckey_v, cidx_v,
             fkey_v, fidx_v, skey_v, sidx_v, sc_v, lb_v, qi_v, bx_v,
             brow_v, wh_v):
    wid = lax.axis_index("s") * 2 + lax.axis_index("c")
    lane = _lane()
    ones = jnp.ones((16,), _I32)
    zeros16i = jnp.zeros((16,), _I32)

    def clear_hist():
        @plsc.parallel_loop(0, 1024, unroll=4)
        def _(i):
            hist_v[pl.ds(i * 16, 16)] = zeros16i

    def lanesum(b):
        v = hist_v[pl.ds(b * 16, 16)]
        v = v + hist_v[pl.ds(4096 + b * 16, 16)]
        v = v + hist_v[pl.ds(8192 + b * 16, 16)]
        v = v + hist_v[pl.ds(12288 + b * 16, 16)]
        return jnp.sum(v)

    def bin_walk(g0):
        def cond(st):
            _, g, c = st
            return g + c < K_OUT

        def body(st):
            b, g, c = st
            b2 = b - 1
            return b2, g + c, lanesum(b2)

        b0 = jnp.int32(255)
        return lax.while_loop(cond, body, (b0, g0, lanesum(b0)))

    def do_row(r_i, _):
        r = wid * ROWS_PER_W + r_i
        s = (r & 1) * 4
        start = pl.multiple_of(r * N_REAL - s, 8)
        pltpu.sync_copy(bits_hbm.at[pl.ds(start, N_DMA)],
                        row_v.at[pl.ds(0, N_DMA)])
        pltpu.sync_copy(boxes_hbm.at[r], brow_v)
        pltpu.sync_copy(wh_hbm.at[r], wh_v)

        clear_hist()

        def hist_one(i, mask):
            bits = row_v[pl.ds(i * 16, 16)]
            key = _keys_of(bits)
            if mask is not None:
                key = jnp.where(mask, key, jnp.uint32(0))
            row_v[pl.ds(i * 16, 16)] = key
            idxv = (plsc.bitcast(key >> jnp.uint32(24), _I32) << 4) | lane
            idxv = idxv | ((i & 3) << 12)
            if mask is None:
                plsc.addupdate_scatter(hist_v, [idxv], ones)
            else:
                plsc.addupdate_scatter(hist_v, [idxv], ones, mask=mask)

        hist_one(jnp.int32(0), lane >= s)
        hist_one(jnp.int32(NV - 2), lane < (12 + s))
        hist_one(jnp.int32(NV - 3), None)
        row_v[pl.ds((NV - 1) * 16, 16)] = jnp.zeros((16,), _U32)

        @plsc.parallel_loop(1, NV - 3, unroll=4)
        def _(i):
            hist_one(i, None)

        b, g, c = bin_walk(jnp.int32(0))
        t_lo = b.astype(_U32) << jnp.uint32(24)
        n_ge = g + c

        def refine_cond(st):
            lvl, _, _, n = st
            return (n > CAP) & (lvl < 3)

        def refine_body(st):
            lvl, t, g_in, _ = st
            lvl2 = lvl + 1
            shift = jnp.uint32(24) - jnp.uint32(8) * lvl2.astype(_U32)
            hi = shift + jnp.uint32(8)
            clear_hist()

            def histl(i, _2):
                key = row_v[pl.ds(i * 16, 16)]
                match = (key >> hi) == (t >> hi)
                binv = (key >> shift) & jnp.uint32(0xFF)
                idxv = (plsc.bitcast(binv, _I32) << 4) | lane
                plsc.addupdate_scatter(hist_v, [idxv], ones, mask=match)
                return 0

            lax.fori_loop(0, NV, histl, 0)
            b2, g2, c2 = bin_walk(g_in)
            t2 = t | (b2.astype(_U32) << shift)
            return lvl2, t2, g2, g2 + c2

        lvl_f, t_lo, g, n_ge = lax.while_loop(
            refine_cond, refine_body, (jnp.int32(0), t_lo, g, n_ge))

        exact_from_row = n_ge > CAP

        def compact_exact(src_key, src_idx, nvec, m_src, t, e_need,
                          from_row):

            def body(i, st):
                off, eq_taken = st
                key = src_key[pl.ds(i * 16, 16)]
                if from_row:
                    idxv = lane + i * 16 - s
                    valid = None
                    m_gt = key > t
                    m_eq = key == t
                else:
                    idxv = src_idx[pl.ds(i * 16, 16)]
                    valid = (lane + i * 16) < m_src
                    m_gt = (key > t) & valid
                    m_eq = (key == t) & valid
                eqc = plsc.cumsum(m_eq.astype(_I32))
                take = m_eq & ((eq_taken + eqc) <= e_need)
                m = m_gt | take
                plsc.store_compressed(fkey_v.at[pl.ds(off, 16)],
                                      plsc.bitcast(key, _I32), mask=m)
                plsc.store_compressed(fidx_v.at[pl.ds(off, 16)], idxv,
                                      mask=m)
                return off + _popcount(m), eq_taken + _popcount(take)

            plsc.parallel_loop(0, nvec, unroll=2,
                               carry=(jnp.int32(0), jnp.int32(0)))(body)

        def from_row_exact(_2):
            compact_exact(row_v, None, jnp.int32(NV), jnp.int32(0), t_lo,
                          K_OUT - g, True)
            return 0

        def via_candidates(_2):
            def cb(i, off):
                key = row_v[pl.ds(i * 16, 16)]
                m = key >= t_lo
                plsc.store_compressed(ckey_v.at[pl.ds(off, 16)], key,
                                      mask=m)
                idxv = lane + i * 16 - s
                plsc.store_compressed(cidx_v.at[pl.ds(off, 16)], idxv,
                                      mask=m)
                return off + _popcount(m)

            m_cand = plsc.parallel_loop(0, NV, unroll=4,
                                        carry=jnp.int32(0))(cb)
            mv = (m_cand + 15) >> 4

            t = t_lo
            g2 = g
            c2 = jnp.int32(0)
            for l in range(1, 4):
                shift = jnp.uint32(24 - 8 * l)
                hi = jnp.uint32(32 - 8 * l)
                clear_hist()
                t_cur = t

                def histc(i, _3, shift=shift, hi=hi, t_cur=t_cur):
                    key = ckey_v[pl.ds(i * 16, 16)]
                    valid = (lane + i * 16) < m_cand
                    match = valid & ((key >> hi) == (t_cur >> hi))
                    binv = (key >> shift) & jnp.uint32(0xFF)
                    idxv = (plsc.bitcast(binv, _I32) << 4) | lane
                    idxv = idxv | ((i & 3) << 12)
                    plsc.addupdate_scatter(hist_v, [idxv], ones,
                                           mask=match)
                    return 0

                lax.fori_loop(0, mv, histc, 0)
                b3, g2, c2 = bin_walk(g2)
                t = t | (b3.astype(_U32) << shift)

            e_need = K_OUT - g2
            compact_exact(ckey_v, cidx_v, mv, m_cand, t, e_need, False)
            return 0

        lax.cond(exact_from_row, from_row_exact, via_candidates, 0)

        pad_pos = (lane & 3) + K_OUT
        pad_m = lane < 4
        plsc.store_scatter(fkey_v, [pad_pos], zeros16i, mask=pad_m)
        plsc.store_scatter(fidx_v, [pad_pos],
                           jnp.full((16,), 0x7FFFFFFF, _I32), mask=pad_m)
        skey_v[pl.ds(K_PAD - 16, 16)] = zeros16i
        sidx_v[pl.ds(K_PAD - 16, 16)] = zeros16i

        nv_f = K_PAD // 16

        def rank_body(j, ranks):
            jb = zeros16i + j
            kj = plsc.bitcast(plsc.load_gather(fkey_v, [jb]), _U32)
            ij = plsc.load_gather(fidx_v, [jb])
            out = []
            for v in range(nv_f):
                kv = plsc.bitcast(fkey_v[pl.ds(v * 16, 16)], _U32)
                iv = fidx_v[pl.ds(v * 16, 16)]
                beat = (kj > kv) | ((kj == kv) & (ij < iv))
                out.append(ranks[v] + beat.astype(_I32))
            return tuple(out)

        ranks = plsc.parallel_loop(
            0, K_OUT, unroll=2,
            carry=tuple(zeros16i for _ in range(nv_f)))(rank_body)

        for v in range(nv_f):
            valid = (lane + v * 16) < K_OUT
            plsc.store_scatter(skey_v, [ranks[v]],
                               fkey_v[pl.ds(v * 16, 16)], mask=valid)
            plsc.store_scatter(sidx_v, [ranks[v]],
                               fidx_v[pl.ds(v * 16, 16)], mask=valid)

        wvec = wh_v[pl.ds(0, 16)]
        hvec = wh_v[pl.ds(16, 16)]
        lane4 = lane * 4

        @plsc.parallel_loop(0, nv_f, unroll=2)
        def _(g_i):
            key = plsc.bitcast(skey_v[pl.ds(g_i * 16, 16)], _U32)
            msb = key >= jnp.uint32(0x80000000)
            bits = jnp.where(msb, key ^ jnp.uint32(0x80000000), ~key)
            x = plsc.bitcast(bits, jnp.float32)
            score = 1.0 / (1.0 + jnp.exp(-x))
            idx = sidx_v[pl.ds(g_i * 16, 16)]
            q = lax.div(idx, jnp.int32(NUM_C))
            label = idx - q * NUM_C
            q4 = q * 4
            cx = plsc.load_gather(brow_v, [q4])
            cy = plsc.load_gather(brow_v, [q4 + 1])
            w = plsc.load_gather(brow_v, [q4 + 2])
            h = plsc.load_gather(brow_v, [q4 + 3])
            hw = 0.5 * w
            hh = 0.5 * h
            sc_v[pl.ds(g_i * 16, 16)] = score
            lb_v[pl.ds(g_i * 16, 16)] = label
            qi_v[pl.ds(g_i * 16, 16)] = q
            base = g_i * 64
            plsc.store_scatter(bx_v, [lane4 + base], (cx - hw) * wvec)
            plsc.store_scatter(bx_v, [lane4 + base + 1], (cy - hh) * hvec)
            plsc.store_scatter(bx_v, [lane4 + base + 2], (cx + hw) * wvec)
            plsc.store_scatter(bx_v, [lane4 + base + 3], (cy + hh) * hvec)

        pltpu.sync_copy(sc_v, scores_hbm.at[r])
        pltpu.sync_copy(lb_v, labels_hbm.at[r])
        pltpu.sync_copy(qi_v, qidx_hbm.at[r])
        pltpu.sync_copy(bx_v, boxout_hbm.at[r])
        return 0

    lax.fori_loop(0, ROWS_PER_W, do_row, 0)


@jax.jit
def _topk_sc(bits, boxes_flat, wh):
    b = 128
    mesh = plsc.VectorSubcoreMesh(core_axis_name="c", subcore_axis_name="s",
                                  num_cores=2, num_subcores=16)
    out_type = (
        jax.ShapeDtypeStruct((b, K_PAD), jnp.float32),
        jax.ShapeDtypeStruct((b, K_PAD), jnp.int32),
        jax.ShapeDtypeStruct((b, K_PAD * 4), jnp.float32),
        jax.ShapeDtypeStruct((b, K_PAD), jnp.int32),
    )
    scratch = [
        pltpu.VMEM((N_BUF,), _U32),
        pltpu.VMEM((4 * 4096,), _I32),
        pltpu.VMEM((CAP + 16,), _U32),
        pltpu.VMEM((CAP + 16,), _I32),
        pltpu.VMEM((K_PAD,), _I32),
        pltpu.VMEM((K_PAD,), _I32),
        pltpu.VMEM((K_PAD,), _I32),
        pltpu.VMEM((K_PAD,), _I32),
        pltpu.VMEM((K_PAD,), jnp.float32),
        pltpu.VMEM((K_PAD,), _I32),
        pltpu.VMEM((K_PAD,), _I32),
        pltpu.VMEM((K_PAD * 4,), jnp.float32),
        pltpu.VMEM((NUM_Q * 4,), jnp.float32),
        pltpu.VMEM((32,), jnp.float32),
    ]
    f = pl.kernel(_tk_body, out_type=out_type, mesh=mesh,
                  scratch_types=scratch,
                  compiler_params=pltpu.CompilerParams(
                      needs_layout_passes=False))
    return f(bits, boxes_flat, wh)


def kernel(pred_logits, pred_boxes, target_sizes):
    b, q, c = pred_logits.shape
    bits = lax.bitcast_convert_type(pred_logits, _U32).reshape(b * q * c)
    boxes_flat = pred_boxes.reshape(b, q * 4)
    ts = target_sizes.astype(jnp.float32)
    wv = jnp.broadcast_to(ts[:, 1:2], (b, 16))
    hv = jnp.broadcast_to(ts[:, 0:1], (b, 16))
    wh = jnp.concatenate([wv, hv], axis=1)
    scores, labels, boxes, qidx = _topk_sc(bits, boxes_flat, wh)
    boxes = boxes[:, : K_OUT * 4].reshape(b, K_OUT, 4)
    return (scores[:, :K_OUT], labels[:, :K_OUT], boxes, qidx[:, :K_OUT])

# --- scband reference (transcript-rebuilt; emitter-appended) ---
"""Pipeline reference for scband-def-detrpost-processor-82506321756353 (READ-ONLY COPY).

The authoritative reference and input builder live on the scoring server;
editing this copy changes nothing except your own understanding.
"""

import jax, jax.numpy as jnp
import numpy as np

NUM_OUT = 300


def box_cxcywh_to_xyxy(b):
    xc, yc, w, h = b[..., 0], b[..., 1], b[..., 2], b[..., 3]
    return jnp.stack([xc - 0.5 * w, yc - 0.5 * h, xc + 0.5 * w, yc + 0.5 * h], axis=-1)


def setup_inputs(seed: int = 0) -> dict:
    key = jax.random.key(seed)
    k1, k2, k3 = jax.random.split(key, 3)
    pred_logits = jax.random.normal(k1, (128, 900, 91), dtype=jnp.float32)
    pred_boxes = jax.random.uniform(k2, (128, 900, 4), dtype=jnp.float32)
    target_sizes = jax.random.randint(k3, (128, 2), 0, 1333, dtype=jnp.int32)
    return {"pred_logits": pred_logits, "pred_boxes": pred_boxes, "target_sizes": target_sizes}


def reference(pred_logits, pred_boxes, target_sizes):
    # focal_loss=True -> sigmoid over class logits
    prob = jax.nn.sigmoid(pred_logits)
    B, Q, C = prob.shape
    flat = prob.reshape(B, Q * C)
    scores, top_k_indexes = jax.lax.top_k(flat, NUM_OUT)
    query_top_k_indexes = top_k_indexes // C
    labels = top_k_indexes % C
    # gather boxes by query index (torch.gather with repeated index)
    gather_idx = jnp.repeat(query_top_k_indexes[..., None], 4, axis=-1)
    boxes = jnp.take_along_axis(pred_boxes, gather_idx, axis=1)
    # process_boxes: cxcywh -> xyxy, scale by image sizes
    boxes = box_cxcywh_to_xyxy(boxes)
    ts = target_sizes.astype(jnp.float32)
    img_h, img_w = ts[:, 0], ts[:, 1]
    scale_fct = jnp.stack([img_w, img_h, img_w, img_h], axis=1)
    boxes = boxes * scale_fct[:, None, :]
    return (scores, labels, boxes, query_top_k_indexes)

if __name__ == "__main__":
    import jax
    _d = setup_inputs()
    print(jax.jit(kernel)(*tuple(_d.values())))

</pallas_src>

<mosaic_0001>
#map = affine_map<(d0, d1) -> (0)>
#map1 = affine_map<(d0, d1) -> (0, 0)>
module attributes {stable_mosaic.version = 14 : i64} {
  func.func @_tk_body(%arg0: i32, %arg1: i32, %arg2: memref<10483200xi32, #tpu.memory_space<hbm>>, %arg3: memref<128x3600xf32, #tpu.memory_space<hbm>>, %arg4: memref<128x32xf32, #tpu.memory_space<hbm>>, %arg5: memref<128x304xf32, #tpu.memory_space<hbm>>, %arg6: memref<128x304xi32, #tpu.memory_space<hbm>>, %arg7: memref<128x1216xf32, #tpu.memory_space<hbm>>, %arg8: memref<128x304xi32, #tpu.memory_space<hbm>>, %arg9: memref<81920xi32, #tpu.memory_space<vmem>>, %arg10: memref<16384xi32, #tpu.memory_space<vmem>>, %arg11: memref<4112xi32, #tpu.memory_space<vmem>>, %arg12: memref<4112xi32, #tpu.memory_space<vmem>>, %arg13: memref<304xi32, #tpu.memory_space<vmem>>, %arg14: memref<304xi32, #tpu.memory_space<vmem>>, %arg15: memref<304xi32, #tpu.memory_space<vmem>>, %arg16: memref<304xi32, #tpu.memory_space<vmem>>, %arg17: memref<304xf32, #tpu.memory_space<vmem>>, %arg18: memref<304xi32, #tpu.memory_space<vmem>>, %arg19: memref<304xi32, #tpu.memory_space<vmem>>, %arg20: memref<1216xf32, #tpu.memory_space<vmem>>, %arg21: memref<3600xf32, #tpu.memory_space<vmem>>, %arg22: memref<32xf32, #tpu.memory_space<vmem>>) attributes {dimension_semantics = [#tpu.dimension_semantics<core_parallel>, #tpu.dimension_semantics<subcore_parallel>], iteration_bounds = array<i64: 2, 16>, scalar_prefetch = 0 : i64, scratch_operands = 14 : i64, tpu.core_type = #tpu.core_type<sc_vector_subcore>, window_params = [{transform_indices = #map}, {transform_indices = #map1}, {transform_indices = #map1}, {transform_indices = #map1}, {transform_indices = #map1}, {transform_indices = #map1}, {transform_indices = #map1}]} {
    %mul3A = arith.constant 2 : i32
    %mul3A_0 = arith.muli %arg1, %mul3A : i32
    %add3A = arith.addi %mul3A_0, %arg0 : i32
    %iota3A = tpu.iota {dimensions = array<i32: 0>} : vector<16xi32>
    %broadcast_in_dim3A = arith.constant 1 : i32
    %broadcast_in_dim3A_1 = vector.broadcast %broadcast_in_dim3A : i32 to vector<16xi32>
    %broadcast_in_dim3A_2 = arith.constant 0 : i32
    %broadcast_in_dim3A_3 = vector.broadcast %broadcast_in_dim3A_2 : i32 to vector<16xi32>
    %scan3A = arith.constant 0 : i32
    %scan3A_4 = arith.constant 0 : i32
    %scan3A_5 = arith.constant 4 : i32
    %scan3A_6 = arith.addi %scan3A_4, %scan3A_5 : i32
    %scan3A_7 = arith.constant 1 : i32
    %scan3A_8 = scf.for %scan3A_10 = %scan3A_4 to %scan3A_6 step %scan3A_7 iter_args(%scan3A_11 = %scan3A) -> (i32)  : i32 {
      %mul3A_12 = arith.constant 4 : i32
      %mul3A_13 = arith.muli %add3A, %mul3A_12 : i32
      %add3A_14 = arith.addi %mul3A_13, %scan3A_10 : i32
      %and3A = arith.constant 1 : i32
      %and3A_15 = arith.andi %add3A_14, %and3A : i32
      %mul3A_16 = arith.constant 4 : i32
      %mul3A_17 = arith.muli %and3A_15, %mul3A_16 : i32
      %mul3A_18 = arith.constant 81900 : i32
      %mul3A_19 = arith.muli %add3A_14, %mul3A_18 : i32
      %sub3A = arith.subi %mul3A_19, %mul3A_17 : i32
      %multiple_of3A = tpu.assume_multiple %sub3A, 8 : i32
      "tpu.region"() ({
        %run_scoped3A = tpu.sem_alloc : memref<!tpu.dma_semaphore, #tpu.memory_space<semaphore_mem>>
        %dma_start3A = arith.constant 0 : i32
        %dma_start3A_394 = tpu.memref_slice %arg9[%dma_start3A] : memref<81920xi32, #tpu.memory_space<vmem>> -> memref<81904xi32, #tpu.memory_space<vmem>>
        %dma_start3A_395 = tpu.memref_slice %arg2[%multiple_of3A] : memref<10483200xi32, #tpu.memory_space<hbm>> -> memref<81904xi32, #tpu.memory_space<hbm>>
        %dma_start3A_396 = arith.constant 0 : i32
        %dma_start3A_397 = tpu.memref_slice %arg9[%dma_start3A_396] : memref<81920xi32, #tpu.memory_space<vmem>> -> memref<81904xi32, #tpu.memory_space<vmem>>
        %dma_start3A_398 = tpu.memref_slice %arg2[%multiple_of3A] : memref<10483200xi32, #tpu.memory_space<hbm>> -> memref<81904xi32, #tpu.memory_space<hbm>>
        tpu.enqueue_dma source(%dma_start3A_398 : memref<81904xi32, #tpu.memory_space<hbm>>) target(%dma_start3A_397 : memref<81904xi32, #tpu.memory_space<vmem>>) target_semaphore(%run_scoped3A : memref<!tpu.dma_semaphore, #tpu.memory_space<semaphore_mem>>)
        %dma_wait3A = arith.constant 0 : i32
        %dma_wait3A_399 = tpu.memref_slice %arg9[%dma_wait3A] : memref<81920xi32, #tpu.memory_space<vmem>> -> memref<81904xi32, #tpu.memory_space<vmem>>
        %dma_wait3A_400 = tpu.memref_slice %arg2[%multiple_of3A] : memref<10483200xi32, #tpu.memory_space<hbm>> -> memref<81904xi32, #tpu.memory_space<hbm>>
        %dma_wait3A_401 = arith.constant 0 : i32
        %dma_wait3A_402 = tpu.memref_slice %arg9[%dma_wait3A_401] : memref<81920xi32, #tpu.memory_space<vmem>> -> memref<81904xi32, #tpu.memory_space<vmem>>
        %dma_wait3A_403 = tpu.memref_slice %arg2[%multiple_of3A] : memref<10483200xi32, #tpu.memory_space<hbm>> -> memref<81904xi32, #tpu.memory_space<hbm>>
        tpu.wait_dma2 semaphore(%run_scoped3A : memref<!tpu.dma_semaphore, #tpu.memory_space<semaphore_mem>>) src(%dma_wait3A_403 : memref<81904xi32, #tpu.memory_space<hbm>>) dst(%dma_wait3A_402 : memref<81904xi32, #tpu.memory_space<vmem>>)
        tpu.yield
      }) : () -> ()
      "tpu.region"() ({
        %run_scoped3A = tpu.sem_alloc : memref<!tpu.dma_semaphore, #tpu.memory_space<semaphore_mem>>
        %dma_start3A = arith.constant 0 : i32
        %dma_start3A_394 = tpu.memref_slice %arg3[%add3A_14, %dma_start3A] : memref<128x3600xf32, #tpu.memory_space<hbm>> -> memref<1x3600xf32, #tpu.memory_space<hbm>>
        %dma_start3A_395 = tpu.memref_squeeze %dma_start3A_394 : memref<1x3600xf32, #tpu.memory_space<hbm>> -> memref<3600xf32, #tpu.memory_space<hbm>>
        %dma_start3A_396 = arith.constant 0 : i32
        %dma_start3A_397 = tpu.memref_slice %arg3[%add3A_14, %dma_start3A_396] : memref<128x3600xf32, #tpu.memory_space<hbm>> -> memref<1x3600xf32, #tpu.memory_space<hbm>>
        %dma_start3A_398 = tpu.memref_squeeze %dma_start3A_397 : memref<1x3600xf32, #tpu.memory_space<hbm>> -> memref<3600xf32, #tpu.memory_space<hbm>>
        tpu.enqueue_dma source(%dma_start3A_398 : memref<3600xf32, #tpu.memory_space<hbm>>) target(%arg21 : memref<3600xf32, #tpu.memory_space<vmem>>) target_semaphore(%run_scoped3A : memref<!tpu.dma_semaphore, #tpu.memory_space<semaphore_mem>>)
        %dma_wait3A = arith.constant 0 : i32
        %dma_wait3A_399 = tpu.memref_slice %arg3[%add3A_14, %dma_wait3A] : memref<128x3600xf32, #tpu.memory_space<hbm>> -> memref<1x3600xf32, #tpu.memory_space<hbm>>
        %dma_wait3A_400 = tpu.memref_squeeze %dma_wait3A_399 : memref<1x3600xf32, #tpu.memory_space<hbm>> -> memref<3600xf32, #tpu.memory_space<hbm>>
        %dma_wait3A_401 = arith.constant 0 : i32
        %dma_wait3A_402 = tpu.memref_slice %arg3[%add3A_14, %dma_wait3A_401] : memref<128x3600xf32, #tpu.memory_space<hbm>> -> memref<1x3600xf32, #tpu.memory_space<hbm>>
        %dma_wait3A_403 = tpu.memref_squeeze %dma_wait3A_402 : memref<1x3600xf32, #tpu.memory_space<hbm>> -> memref<3600xf32, #tpu.memory_space<hbm>>
        tpu.wait_dma2 semaphore(%run_scoped3A : memref<!tpu.dma_semaphore, #tpu.memory_space<semaphore_mem>>) src(%dma_wait3A_403 : memref<3600xf32, #tpu.memory_space<hbm>>) dst(%arg21 : memref<3600xf32, #tpu.memory_space<vmem>>)
        tpu.yield
      }) : () -> ()
      "tpu.region"() ({
        %run_scoped3A = tpu.sem_alloc : memref<!tpu.dma_semaphore, #tpu.memory_space<semaphore_mem>>
        %dma_start3A = arith.constant 0 : i32
        %dma_start3A_394 = tpu.memref_slice %arg4[%add3A_14, %dma_start3A] : memref<128x32xf32, #tpu.memory_space<hbm>> -> memref<1x32xf32, #tpu.memory_space<hbm>>
        %dma_start3A_395 = tpu.memref_squeeze %dma_start3A_394 : memref<1x32xf32, #tpu.memory_space<hbm>> -> memref<32xf32, #tpu.memory_space<hbm>>
        %dma_start3A_396 = arith.constant 0 : i32
        %dma_start3A_397 = tpu.memref_slice %arg4[%add3A_14, %dma_start3A_396] : memref<128x32xf32, #tpu.memory_space<hbm>> -> memref<1x32xf32, #tpu.memory_space<hbm>>
        %dma_start3A_398 = tpu.memref_squeeze %dma_start3A_397 : memref<1x32xf32, #tpu.memory_space<hbm>> -> memref<32xf32, #tpu.memory_space<hbm>>
        tpu.enqueue_dma source(%dma_start3A_398 : memref<32xf32, #tpu.memory_space<hbm>>) target(%arg22 : memref<32xf32, #tpu.memory_space<vmem>>) target_semaphore(%run_scoped3A : memref<!tpu.dma_semaphore, #tpu.memory_space<semaphore_mem>>)
        %dma_wait3A = arith.constant 0 : i32
        %dma_wait3A_399 = tpu.memref_slice %arg4[%add3A_14, %dma_wait3A] : memref<128x32xf32, #tpu.memory_space<hbm>> -> memref<1x32xf32, #tpu.memory_space<hbm>>
        %dma_wait3A_400 = tpu.memref_squeeze %dma_wait3A_399 : memref<1x32xf32, #tpu.memory_space<hbm>> -> memref<32xf32, #tpu.memory_space<hbm>>
        %dma_wait3A_401 = arith.constant 0 : i32
        %dma_wait3A_402 = tpu.memref_slice %arg4[%add3A_14, %dma_wait3A_401] : memref<128x32xf32, #tpu.memory_space<hbm>> -> memref<1x32xf32, #tpu.memory_space<hbm>>
        %dma_wait3A_403 = tpu.memref_squeeze %dma_wait3A_402 : memref<1x32xf32, #tpu.memory_space<hbm>> -> memref<32xf32, #tpu.memory_space<hbm>>
        tpu.wait_dma2 semaphore(%run_scoped3A : memref<!tpu.dma_semaphore, #tpu.memory_space<semaphore_mem>>) src(%dma_wait3A_403 : memref<32xf32, #tpu.memory_space<hbm>>) dst(%arg22 : memref<32xf32, #tpu.memory_space<vmem>>)
        tpu.yield
      }) : () -> ()
      %parallel_loop3A = arith.constant 0 : i32
      %parallel_loop3A_20 = arith.constant 1024 : i32
      %parallel_loop3A_21 = arith.constant 1 : i32
      scf.for %parallel_loop3A_394 = %parallel_loop3A to %parallel_loop3A_20 step %parallel_loop3A_21  : i32 {
        %parallel_loop3A_395 = arith.constant 16 : i32
        %parallel_loop3A_396 = arith.muli %parallel_loop3A_394, %parallel_loop3A_395 : i32
        %parallel_loop3A_397 = arith.index_cast %parallel_loop3A_396 : i32 to index
        %parallel_loop3A_398 = tpu.vector_load %arg10[%parallel_loop3A_397] {strides = array<i32>} : memref<16384xi32, #tpu.memory_space<vmem>>, vector<16xi32>,
        tpu.vector_store %arg10[%parallel_loop3A_397], %broadcast_in_dim3A_3 {strides = array<i32>} : memref<16384xi32, #tpu.memory_space<vmem>>, vector<16xi32>,
      } {sc.loop_unroll_factor = 4 : i64, sc.parallel_access}
      %ge3A = vector.broadcast %mul3A_17 : i32 to vector<16xi32>
      %ge3A_22 = arith.cmpi sge, %iota3A, %ge3A : vector<16xi32>
      %mul3A_23 = arith.constant 0 : i32
      %mul3A_24 = arith.constant 16 : i32
      %mul3A_25 = arith.muli %mul3A_23, %mul3A_24 : i32
      %get3A = arith.index_cast %mul3A_25 : i32 to index
      %get3A_26 = tpu.vector_load %arg9[%get3A] {strides = array<i32>} : memref<81920xi32, #tpu.memory_space<vmem>>, vector<16xi32>,
      %bitcast3A = vector.bitcast %get3A_26 : vector<16xi32> to vector<16xi32>
      %shift_right_arithmetic3A = arith.constant 31 : i32
      %shift_right_arithmetic3A_27 = vector.broadcast %shift_right_arithmetic3A : i32 to vector<16xi32>
      %shift_right_arithmetic3A_28 = arith.shrsi %bitcast3A, %shift_right_arithmetic3A_27 : vector<16xi32>
      %bitcast3A_29 = vector.bitcast %shift_right_arithmetic3A_28 : vector<16xi32> to vector<16xi32>
      %or3A = arith.constant -2147483648 : i32
      %or3A_30 = vector.broadcast %or3A : i32 to vector<16xi32>
      %or3A_31 = arith.ori %bitcast3A_29, %or3A_30 : vector<16xi32>
      %xor3A = arith.xori %get3A_26, %or3A_31 : vector<16xi32>
      %jit3A = arith.constant 0 : i32
      %broadcast_in_dim3A_32 = vector.broadcast %jit3A : i32 to vector<16xi32>
      %select_n3A = arith.select %ge3A_22, %xor3A, %broadcast_in_dim3A_32 : vector<16xi1>, vector<16xi32>
      %mul3A_33 = arith.constant 0 : i32
      %mul3A_34 = arith.constant 16 : i32
      %mul3A_35 = arith.muli %mul3A_33, %mul3A_34 : i32
      %swap3A = arith.index_cast %mul3A_35 : i32 to index
      %swap3A_36 = tpu.vector_load %arg9[%swap3A] {strides = array<i32>} : memref<81920xi32, #tpu.memory_space<vmem>>, vector<16xi32>,
      tpu.vector_store %arg9[%swap3A], %select_n3A {strides = array<i32>} : memref<81920xi32, #tpu.memory_space<vmem>>, vector<16xi32>,
      %shift_right_logical3A = arith.constant 24 : i32
      %shift_right_logical3A_37 = vector.broadcast %shift_right_logical3A : i32 to vector<16xi32>
      %shift_right_logical3A_38 = arith.shrui %select_n3A, %shift_right_logical3A_37 : vector<16xi32>
      %bitcast3A_39 = vector.bitcast %shift_right_logical3A_38 : vector<16xi32> to vector<16xi32>
      %shift_left3A = arith.constant 4 : i32
      %shift_left3A_40 = vector.broadcast %shift_left3A : i32 to vector<16xi32>
      %shift_left3A_41 = arith.shli %bitcast3A_39, %shift_left3A_40 : vector<16xi32>
      %or3A_42 = arith.ori %shift_left3A_41, %iota3A : vector<16xi32>
      %and3A_43 = arith.constant 0 : i32
      %and3A_44 = arith.constant 3 : i32
      %and3A_45 = arith.andi %and3A_43, %and3A_44 : i32
      %shift_left3A_46 = arith.constant 12 : i32
      %shift_left3A_47 = arith.shli %and3A_45, %shift_left3A_46 : i32
      %or3A_48 = vector.broadcast %shift_left3A_47 : i32 to vector<16xi32>
      %or3A_49 = arith.ori %or3A_42, %or3A_48 : vector<16xi32>
      tpu.vector_store_idx %arg10[%or3A_49], %broadcast_in_dim3A_1 masked %ge3A_22 {add = true} : memref<16384xi32, #tpu.memory_space<vmem>>[vector<16xi32>], vector<16xi32>, vector<16xi1>
      %add3A_50 = arith.constant 12 : i32
      %add3A_51 = arith.addi %add3A_50, %mul3A_17 : i32
      %lt3A = vector.broadcast %add3A_51 : i32 to vector<16xi32>
      %lt3A_52 = arith.cmpi slt, %iota3A, %lt3A : vector<16xi32>
      %mul3A_53 = arith.constant 5118 : i32
      %mul3A_54 = arith.constant 16 : i32
      %mul3A_55 = arith.muli %mul3A_53, %mul3A_54 : i32
      %get3A_56 = arith.index_cast %mul3A_55 : i32 to index
      %get3A_57 = tpu.vector_load %arg9[%get3A_56] {strides = array<i32>} : memref<81920xi32, #tpu.memory_space<vmem>>, vector<16xi32>,
      %bitcast3A_58 = vector.bitcast %get3A_57 : vector<16xi32> to vector<16xi32>
      %shift_right_arithmetic3A_59 = arith.constant 31 : i32
      %shift_right_arithmetic3A_60 = vector.broadcast %shift_right_arithmetic3A_59 : i32 to vector<16xi32>
      %shift_right_arithmetic3A_61 = arith.shrsi %bitcast3A_58, %shift_right_arithmetic3A_60 : vector<16xi32>
      %bitcast3A_62 = vector.bitcast %shift_right_arithmetic3A_61 : vector<16xi32> to vector<16xi32>
      %or3A_63 = arith.constant -2147483648 : i32
      %or3A_64 = vector.broadcast %or3A_63 : i32 to vector<16xi32>
      %or3A_65 = arith.ori %bitcast3A_62, %or3A_64 : vector<16xi32>
      %xor3A_66 = arith.xori %get3A_57, %or3A_65 : vector<16xi32>
      %jit3A_67 = arith.constant 0 : i32
      %broadcast_in_dim3A_68 = vector.broadcast %jit3A_67 : i32 to vector<16xi32>
      %select_n3A_69 = arith.select %lt3A_52, %xor3A_66, %broadcast_in_dim3A_68 : vector<16xi1>, vector<16xi32>
      %mul3A_70 = arith.constant 5118 : i32
      %mul3A_71 = arith.constant 16 : i32
      %mul3A_72 = arith.muli %mul3A_70, %mul3A_71 : i32
      %swap3A_73 = arith.index_cast %mul3A_72 : i32 to index
      %swap3A_74 = tpu.vector_load %arg9[%swap3A_73] {strides = array<i32>} : memref<81920xi32, #tpu.memory_space<vmem>>, vector<16xi32>,
      tpu.vector_store %arg9[%swap3A_73], %select_n3A_69 {strides = array<i32>} : memref<81920xi32, #tpu.memory_space<vmem>>, vector<16xi32>,
      %shift_right_logical3A_75 = arith.constant 24 : i32
      %shift_right_logical3A_76 = vector.broadcast %shift_right_logical3A_75 : i32 to vector<16xi32>
      %shift_right_logical3A_77 = arith.shrui %select_n3A_69, %shift_right_logical3A_76 : vector<16xi32>
      %bitcast3A_78 = vector.bitcast %shift_right_logical3A_77 : vector<16xi32> to vector<16xi32>
      %shift_left3A_79 = arith.constant 4 : i32
      %shift_left3A_80 = vector.broadcast %shift_left3A_79 : i32 to vector<16xi32>
      %shift_left3A_81 = arith.shli %bitcast3A_78, %shift_left3A_80 : vector<16xi32>
      %or3A_82 = arith.ori %shift_left3A_81, %iota3A : vector<16xi32>
      %and3A_83 = arith.constant 5118 : i32
      %and3A_84 = arith.constant 3 : i32
      %and3A_85 = arith.andi %and3A_83, %and3A_84 : i32
      %shift_left3A_86 = arith.constant 12 : i32
      %shift_left3A_87 = arith.shli %and3A_85, %shift_left3A_86 : i32
      %or3A_88 = vector.broadcast %shift_left3A_87 : i32 to vector<16xi32>
      %or3A_89 = arith.ori %or3A_82, %or3A_88 : vector<16xi32>
      tpu.vector_store_idx %arg10[%or3A_89], %broadcast_in_dim3A_1 masked %lt3A_52 {add = true} : memref<16384xi32, #tpu.memory_space<vmem>>[vector<16xi32>], vector<16xi32>, vector<16xi1>
      %mul3A_90 = arith.constant 5117 : i32
      %mul3A_91 = arith.constant 16 : i32
      %mul3A_92 = arith.muli %mul3A_90, %mul3A_91 : i32
      %get3A_93 = arith.index_cast %mul3A_92 : i32 to index
      %get3A_94 = tpu.vector_load %arg9[%get3A_93] {strides = array<i32>} : memref<81920xi32, #tpu.memory_space<vmem>>, vector<16xi32>,
      %bitcast3A_95 = vector.bitcast %get3A_94 : vector<16xi32> to vector<16xi32>
      %shift_right_arithmetic3A_96 = arith.constant 31 : i32
      %shift_right_arithmetic3A_97 = vector.broadcast %shift_right_arithmetic3A_96 : i32 to vector<16xi32>
      %shift_right_arithmetic3A_98 = arith.shrsi %bitcast3A_95, %shift_right_arithmetic3A_97 : vector<16xi32>
      %bitcast3A_99 = vector.bitcast %shift_right_arithmetic3A_98 : vector<16xi32> to vector<16xi32>
      %or3A_100 = arith.constant -2147483648 : i32
      %or3A_101 = vector.broadcast %or3A_100 : i32 to vector<16xi32>
      %or3A_102 = arith.ori %bitcast3A_99, %or3A_101 : vector<16xi32>
      %xor3A_103 = arith.xori %get3A_94, %or3A_102 : vector<16xi32>
      %mul3A_104 = arith.constant 5117 : i32
      %mul3A_105 = arith.constant 16 : i32
      %mul3A_106 = arith.muli %mul3A_104, %mul3A_105 : i32
      %swap3A_107 = arith.index_cast %mul3A_106 : i32 to index
      %swap3A_108 = tpu.vector_load %arg9[%swap3A_107] {strides = array<i32>} : memref<81920xi32, #tpu.memory_space<vmem>>, vector<16xi32>,
      tpu.vector_store %arg9[%swap3A_107], %xor3A_103 {strides = array<i32>} : memref<81920xi32, #tpu.memory_space<vmem>>, vector<16xi32>,
      %shift_right_logical3A_109 = arith.constant 24 : i32
      %shift_right_logical3A_110 = vector.broadcast %shift_right_logical3A_109 : i32 to vector<16xi32>
      %shift_right_logical3A_111 = arith.shrui %xor3A_103, %shift_right_logical3A_110 : vector<16xi32>
      %bitcast3A_112 = vector.bitcast %shift_right_logical3A_111 : vector<16xi32> to vector<16xi32>
      %shift_left3A_113 = arith.constant 4 : i32
      %shift_left3A_114 = vector.broadcast %shift_left3A_113 : i32 to vector<16xi32>
      %shift_left3A_115 = arith.shli %bitcast3A_112, %shift_left3A_114 : vector<16xi32>
      %or3A_116 = arith.ori %shift_left3A_115, %iota3A : vector<16xi32>
      %and3A_117 = arith.constant 5117 : i32
      %and3A_118 = arith.constant 3 : i32
      %and3A_119 = arith.andi %and3A_117, %and3A_118 : i32
      %shift_left3A_120 = arith.constant 12 : i32
      %shift_left3A_121 = arith.shli %and3A_119, %shift_left3A_120 : i32
      %or3A_122 = vector.broadcast %shift_left3A_121 : i32 to vector<16xi32>
      %or3A_123 = arith.ori %or3A_116, %or3A_122 : vector<16xi32>
      tpu.vector_store_idx %arg10[%or3A_123], %broadcast_in_dim3A_1 {add = true} : memref<16384xi32, #tpu.memory_space<vmem>>[vector<16xi32>], vector<16xi32>,
      %broadcast_in_dim3A_124 = arith.constant 0 : i32
      %broadcast_in_dim3A_125 = vector.broadcast %broadcast_in_dim3A_124 : i32 to vector<16xi32>
      %swap3A_126 = arith.constant 81904 : index
      %swap3A_127 = tpu.vector_load %arg9[%swap3A_126] {strides = array<i32>} : memref<81920xi32, #tpu.memory_space<vmem>>, vector<16xi32>,
      tpu.vector_store %arg9[%swap3A_126], %broadcast_in_dim3A_125 {strides = array<i32>} : memref<81920xi32, #tpu.memory_space<vmem>>, vector<16xi32>,
      %parallel_loop3A_128 = arith.constant 1 : i32
      %parallel_loop3A_129 = arith.constant 5117 : i32
      %parallel_loop3A_130 = arith.constant 1 : i32
      scf.for %parallel_loop3A_394 = %parallel_loop3A_128 to %parallel_loop3A_129 step %parallel_loop3A_130  : i32 {
        %parallel_loop3A_395 = arith.constant 16 : i32
        %parallel_loop3A_396 = arith.muli %parallel_loop3A_394, %parallel_loop3A_395 : i32
        %parallel_loop3A_397 = arith.index_cast %parallel_loop3A_396 : i32 to index
        %parallel_loop3A_398 = tpu.vector_load %arg9[%parallel_loop3A_397] {strides = array<i32>} : memref<81920xi32, #tpu.memory_space<vmem>>, vector<16xi32>,
        %parallel_loop3A_399 = vector.bitcast %parallel_loop3A_398 : vector<16xi32> to vector<16xi32>
        %parallel_loop3A_400 = arith.constant 31 : i32
        %parallel_loop3A_401 = vector.broadcast %parallel_loop3A_400 : i32 to vector<16xi32>
        %parallel_loop3A_402 = arith.shrsi %parallel_loop3A_399, %parallel_loop3A_401 : vector<16xi32>
        %parallel_loop3A_403 = vector.bitcast %parallel_loop3A_402 : vector<16xi32> to vector<16xi32>
        %parallel_loop3A_404 = arith.constant -2147483648 : i32
        %parallel_loop3A_405 = vector.broadcast %parallel_loop3A_404 : i32 to vector<16xi32>
        %parallel_loop3A_406 = arith.ori %parallel_loop3A_403, %parallel_loop3A_405 : vector<16xi32>
        %parallel_loop3A_407 = arith.xori %parallel_loop3A_398, %parallel_loop3A_406 : vector<16xi32>
        %parallel_loop3A_408 = arith.constant 16 : i32
        %parallel_loop3A_409 = arith.muli %parallel_loop3A_394, %parallel_loop3A_408 : i32
        %parallel_loop3A_410 = arith.index_cast %parallel_loop3A_409 : i32 to index
        %parallel_loop3A_411 = tpu.vector_load %arg9[%parallel_loop3A_410] {strides = array<i32>} : memref<81920xi32, #tpu.memory_space<vmem>>, vector<16xi32>,
        tpu.vector_store %arg9[%parallel_loop3A_410], %parallel_loop3A_407 {strides = array<i32>} : memref<81920xi32, #tpu.memory_space<vmem>>, vector<16xi32>,
        %parallel_loop3A_412 = arith.constant 24 : i32
        %parallel_loop3A_413 = vector.broadcast %parallel_loop3A_412 : i32 to vector<16xi32>
        %parallel_loop3A_414 = arith.shrui %parallel_loop3A_407, %parallel_loop3A_413 : vector<16xi32>
        %parallel_loop3A_415 = vector.bitcast %parallel_loop3A_414 : vector<16xi32> to vector<16xi32>
        %parallel_loop3A_416 = arith.constant 4 : i32
        %parallel_loop3A_417 = vector.broadcast %parallel_loop3A_416 : i32 to vector<16xi32>
        %parallel_loop3A_418 = arith.shli %parallel_loop3A_415, %parallel_loop3A_417 : vector<16xi32>
        %parallel_loop3A_419 = arith.ori %parallel_loop3A_418, %iota3A : vector<16xi32>
        %parallel_loop3A_420 = arith.constant 3 : i32
        %parallel_loop3A_421 = arith.andi %parallel_loop3A_394, %parallel_loop3A_420 : i32
        %parallel_loop3A_422 = arith.constant 12 : i32
        %parallel_loop3A_423 = arith.shli %parallel_loop3A_421, %parallel_loop3A_422 : i32
        %parallel_loop3A_424 = vector.broadcast %parallel_loop3A_423 : i32 to vector<16xi32>
        %parallel_loop3A_425 = arith.ori %parallel_loop3A_419, %parallel_loop3A_424 : vector<16xi32>
        tpu.vector_store_idx %arg10[%parallel_loop3A_425], %broadcast_in_dim3A_1 {add = true} : memref<16384xi32, #tpu.memory_space<vmem>>[vector<16xi32>], vector<16xi32>,
      } {sc.loop_unroll_factor = 4 : i64, sc.parallel_access}
      %mul3A_131 = arith.constant 255 : i32
      %mul3A_132 = arith.constant 16 : i32
      %mul3A_133 = arith.muli %mul3A_131, %mul3A_132 : i32
      %get3A_134 = arith.index_cast %mul3A_133 : i32 to index
      %get3A_135 = tpu.vector_load %arg10[%get3A_134] {strides = array<i32>} : memref<16384xi32, #tpu.memory_space<vmem>>, vector<16xi32>,
      %mul3A_136 = arith.constant 255 : i32
      %mul3A_137 = arith.constant 16 : i32
      %mul3A_138 = arith.muli %mul3A_136, %mul3A_137 : i32
      %add3A_139 = arith.constant 4096 : i32
      %add3A_140 = arith.addi %add3A_139, %mul3A_138 : i32
      %get3A_141 = arith.index_cast %add3A_140 : i32 to index
      %get3A_142 = tpu.vector_load %arg10[%get3A_141] {strides = array<i32>} : memref<16384xi32, #tpu.memory_space<vmem>>, vector<16xi32>,
      %add3A_143 = arith.addi %get3A_135, %get3A_142 : vector<16xi32>
      %mul3A_144 = arith.constant 255 : i32
      %mul3A_145 = arith.constant 16 : i32
      %mul3A_146 = arith.muli %mul3A_144, %mul3A_145 : i32
      %add3A_147 = arith.constant 8192 : i32
      %add3A_148 = arith.addi %add3A_147, %mul3A_146 : i32
      %get3A_149 = arith.index_cast %add3A_148 : i32 to index
      %get3A_150 = tpu.vector_load %arg10[%get3A_149] {strides = array<i32>} : memref<16384xi32, #tpu.memory_space<vmem>>, vector<16xi32>,
      %add3A_151 = arith.addi %add3A_143, %get3A_150 : vector<16xi32>
      %mul3A_152 = arith.constant 255 : i32
      %mul3A_153 = arith.constant 16 : i32
      %mul3A_154 = arith.muli %mul3A_152, %mul3A_153 : i32
      %add3A_155 = arith.constant 12288 : i32
      %add3A_156 = arith.addi %add3A_155, %mul3A_154 : i32
      %get3A_157 = arith.index_cast %add3A_156 : i32 to index
      %get3A_158 = tpu.vector_load %arg10[%get3A_157] {strides = array<i32>} : memref<16384xi32, #tpu.memory_space<vmem>>, vector<16xi32>,
      %add3A_159 = arith.addi %add3A_151, %get3A_158 : vector<16xi32>
      %reduce_sum3A = arith.constant true
      %reduce_sum3A_160 = vector.broadcast %reduce_sum3A : i1 to vector<16xi1>
      %reduce_sum3A_161 = tpu.scan <sum>, %add3A_159 masked %reduce_sum3A_160 : vector<16xi32>, vector<16xi1> -> vector<16xi32>
      %reduce_sum3A_162 = vector.extract %reduce_sum3A_161[15] : i32 from vector<16xi32>
      %while3A = arith.constant 255 : i32
      %while3A_163 = arith.constant 0 : i32
      %while3A_164:3 = scf.while (%while3A_394 = %while3A, %while3A_395 = %while3A_163, %while3A_396 = %reduce_sum3A_162) : (i32, i32, i32) -> (i32, i32, i32) {
        %add3A_397 = arith.addi %while3A_395, %while3A_396 : i32
        %lt3A_398 = arith.constant 300 : i32
        %lt3A_399 = arith.cmpi slt, %add3A_397, %lt3A_398 : i32
        scf.condition(%lt3A_399) %while3A_394, %while3A_395, %while3A_396 : i32, i32, i32
      } do {
      ^bb0(%while3A_394: i32, %while3A_395: i32, %while3A_396: i32):
        %sub3A_397 = arith.constant 1 : i32
        %sub3A_398 = arith.subi %while3A_394, %sub3A_397 : i32
        %add3A_399 = arith.addi %while3A_395, %while3A_396 : i32
        %mul3A_400 = arith.constant 16 : i32
        %mul3A_401 = arith.muli %sub3A_398, %mul3A_400 : i32
        %get3A_402 = arith.index_cast %mul3A_401 : i32 to index
        %get3A_403 = tpu.vector_load %arg10[%get3A_402] {strides = array<i32>} : memref<16384xi32, #tpu.memory_space<vmem>>, vector<16xi32>,
        %mul3A_404 = arith.constant 16 : i32
        %mul3A_405 = arith.muli %sub3A_398, %mul3A_404 : i32
        %add3A_406 = arith.constant 4096 : i32
        %add3A_407 = arith.addi %add3A_406, %mul3A_405 : i32
        %get3A_408 = arith.index_cast %add3A_407 : i32 to index
        %get3A_409 = tpu.vector_load %arg10[%get3A_408] {strides = array<i32>} : memref<16384xi32, #tpu.memory_space<vmem>>, vector<16xi32>,
        %add3A_410 = arith.addi %get3A_403, %get3A_409 : vector<16xi32>
        %mul3A_411 = arith.constant 16 : i32
        %mul3A_412 = arith.muli %sub3A_398, %mul3A_411 : i32
        %add3A_413 = arith.constant 8192 : i32
        %add3A_414 = arith.addi %add3A_413, %mul3A_412 : i32
        %get3A_415 = arith.index_cast %add3A_414 : i32 to index
        %get3A_416 = tpu.vector_load %arg10[%get3A_415] {strides = array<i32>} : memref<16384xi32, #tpu.memory_space<vmem>>, vector<16xi32>,
        %add3A_417 = arith.addi %add3A_410, %get3A_416 : vector<16xi32>
        %mul3A_418 = arith.constant 16 : i32
        %mul3A_419 = arith.muli %sub3A_398, %mul3A_418 : i32
        %add3A_420 = arith.constant 12288 : i32
        %add3A_421 = arith.addi %add3A_420, %mul3A_419 : i32
        %get3A_422 = arith.index_cast %add3A_421 : i32 to index
        %get3A_423 = tpu.vector_load %arg10[%get3A_422] {strides = array<i32>} : memref<16384xi32, #tpu.memory_space<vmem>>, vector<16xi32>,
        %add3A_424 = arith.addi %add3A_417, %get3A_423 : vector<16xi32>
        %reduce_sum3A_425 = arith.constant true
        %reduce_sum3A_426 = vector.broadcast %reduce_sum3A_425 : i1 to vector<16xi1>
        %reduce_sum3A_427 = tpu.scan <sum>, %add3A_424 masked %reduce_sum3A_426 : vector<16xi32>, vector<16xi1> -> vector<16xi32>
        %reduce_sum3A_428 = vector.extract %reduce_sum3A_427[15] : i32 from vector<16xi32>
        scf.yield %sub3A_398, %add3A_399, %reduce_sum3A_428 : i32, i32, i32
      }
      %shift_left3A_165 = arith.constant 24 : i32
      %shift_left3A_166 = arith.shli %while3A_164#0, %shift_left3A_165 : i32
      %add3A_167 = arith.addi %while3A_164#1, %while3A_164#2 : i32
      %while3A_168 = arith.constant 0 : i32
      %while3A_169:4 = scf.while (%while3A_394 = %while3A_168, %while3A_395 = %shift_left3A_166, %while3A_396 = %while3A_164#1, %while3A_397 = %add3A_167) : (i32, i32, i32, i32) -> (i32, i32, i32, i32) {
        %gt3A_398 = arith.constant 4096 : i32
        %gt3A_399 = arith.cmpi sgt, %while3A_397, %gt3A_398 : i32
        %lt3A_400 = arith.constant 3 : i32
        %lt3A_401 = arith.cmpi slt, %while3A_394, %lt3A_400 : i32
        %and3A_402 = arith.andi %gt3A_399, %lt3A_401 : i1
        scf.condition(%and3A_402) %while3A_394, %while3A_395, %while3A_396, %while3A_397 : i32, i32, i32, i32
      } do {
      ^bb0(%while3A_394: i32, %while3A_395: i32, %while3A_396: i32, %while3A_397: i32):
        %add3A_398 = arith.constant 1 : i32
        %add3A_399 = arith.addi %while3A_394, %add3A_398 : i32
        %mul3A_400 = arith.constant 8 : i32
        %mul3A_401 = arith.muli %mul3A_400, %add3A_399 : i32
        %sub3A_402 = arith.constant 24 : i32
        %sub3A_403 = arith.subi %sub3A_402, %mul3A_401 : i32
        %add3A_404 = arith.constant 8 : i32
        %add3A_405 = arith.addi %sub3A_403, %add3A_404 : i32
        %parallel_loop3A_406 = arith.constant 0 : i32
        %parallel_loop3A_407 = arith.constant 1024 : i32
        %parallel_loop3A_408 = arith.constant 1 : i32
        scf.for %parallel_loop3A_454 = %parallel_loop3A_406 to %parallel_loop3A_407 step %parallel_loop3A_408  : i32 {
          %parallel_loop3A_455 = arith.constant 16 : i32
          %parallel_loop3A_456 = arith.muli %parallel_loop3A_454, %parallel_loop3A_455 : i32
          %parallel_loop3A_457 = arith.index_cast %parallel_loop3A_456 : i32 to index
          %parallel_loop3A_458 = tpu.vector_load %arg10[%parallel_loop3A_457] {strides = array<i32>} : memref<16384xi32, #tpu.memory_space<vmem>>, vector<16xi32>,
          tpu.vector_store %arg10[%parallel_loop3A_457], %broadcast_in_dim3A_3 {strides = array<i32>} : memref<16384xi32, #tpu.memory_space<vmem>>, vector<16xi32>,
        } {sc.loop_unroll_factor = 4 : i64, sc.parallel_access}
        %scan3A_409 = arith.constant 0 : i32
        %scan3A_410 = arith.constant 0 : i32
        %scan3A_411 = arith.constant 5120 : i32
        %scan3A_412 = arith.addi %scan3A_410, %scan3A_411 : i32
        %scan3A_413 = arith.constant 1 : i32
        %scan3A_414 = scf.for %scan3A_454 = %scan3A_410 to %scan3A_412 step %scan3A_413 iter_args(%scan3A_455 = %scan3A_409) -> (i32)  : i32 {
          %mul3A_456 = arith.constant 16 : i32
          %mul3A_457 = arith.muli %scan3A_454, %mul3A_456 : i32
          %get3A_458 = arith.index_cast %mul3A_457 : i32 to index
          %get3A_459 = tpu.vector_load %arg9[%get3A_458] {strides = array<i32>} : memref<81920xi32, #tpu.memory_space<vmem>>, vector<16xi32>,
          %shift_right_logical3A_460 = vector.broadcast %add3A_405 : i32 to vector<16xi32>
          %shift_right_logical3A_461 = arith.shrui %get3A_459, %shift_right_logical3A_460 : vector<16xi32>
          %shift_right_logical3A_462 = arith.shrui %while3A_395, %add3A_405 : i32
          %eq3A = vector.broadcast %shift_right_logical3A_462 : i32 to vector<16xi32>
          %eq3A_463 = arith.cmpi eq, %shift_right_logical3A_461, %eq3A : vector<16xi32>
          %shift_right_logical3A_464 = vector.broadcast %sub3A_403 : i32 to vector<16xi32>
          %shift_right_logical3A_465 = arith.shrui %get3A_459, %shift_right_logical3A_464 : vector<16xi32>
          %and3A_466 = arith.constant 255 : i32
          %and3A_467 = vector.broadcast %and3A_466 : i32 to vector<16xi32>
          %and3A_468 = arith.andi %shift_right_logical3A_465, %and3A_467 : vector<16xi32>
          %bitcast3A_469 = vector.bitcast %and3A_468 : vector<16xi32> to vector<16xi32>
          %shift_left3A_470 = arith.constant 4 : i32
          %shift_left3A_471 = vector.broadcast %shift_left3A_470 : i32 to vector<16xi32>
          %shift_left3A_472 = arith.shli %bitcast3A_469, %shift_left3A_471 : vector<16xi32>
          %or3A_473 = arith.ori %shift_left3A_472, %iota3A : vector<16xi32>
          tpu.vector_store_idx %arg10[%or3A_473], %broadcast_in_dim3A_1 masked %eq3A_463 {add = true} : memref<16384xi32, #tpu.memory_space<vmem>>[vector<16xi32>], vector<16xi32>, vector<16xi1>
          %scan3A_474 = arith.constant 0 : i32
          scf.yield %scan3A_474 : i32
        }
        %scan3A_415 = arith.constant 5120 : i32
        %mul3A_416 = arith.constant 255 : i32
        %mul3A_417 = arith.constant 16 : i32
        %mul3A_418 = arith.muli %mul3A_416, %mul3A_417 : i32
        %get3A_419 = arith.index_cast %mul3A_418 : i32 to index
        %get3A_420 = tpu.vector_load %arg10[%get3A_419] {strides = array<i32>} : memref<16384xi32, #tpu.memory_space<vmem>>, vector<16xi32>,
        %mul3A_421 = arith.constant 255 : i32
        %mul3A_422 = arith.constant 16 : i32
        %mul3A_423 = arith.muli %mul3A_421, %mul3A_422 : i32
        %add3A_424 = arith.constant 4096 : i32
        %add3A_425 = arith.addi %add3A_424, %mul3A_423 : i32
        %get3A_426 = arith.index_cast %add3A_425 : i32 to index
        %get3A_427 = tpu.vector_load %arg10[%get3A_426] {strides = array<i32>} : memref<16384xi32, #tpu.memory_space<vmem>>, vector<16xi32>,
        %add3A_428 = arith.addi %get3A_420, %get3A_427 : vector<16xi32>
        %mul3A_429 = arith.constant 255 : i32
        %mul3A_430 = arith.constant 16 : i32
        %mul3A_431 = arith.muli %mul3A_429, %mul3A_430 : i32
        %add3A_432 = arith.constant 8192 : i32
        %add3A_433 = arith.addi %add3A_432, %mul3A_431 : i32
        %get3A_434 = arith.index_cast %add3A_433 : i32 to index
        %get3A_435 = tpu.vector_load %arg10[%get3A_434] {strides = array<i32>} : memref<16384xi32, #tpu.memory_space<vmem>>, vector<16xi32>,
        %add3A_436 = arith.addi %add3A_428, %get3A_435 : vector<16xi32>
        %mul3A_437 = arith.constant 255 : i32
        %mul3A_438 = arith.constant 16 : i32
        %mul3A_439 = arith.muli %mul3A_437, %mul3A_438 : i32
        %add3A_440 = arith.constant 12288 : i32
        %add3A_441 = arith.addi %add3A_440, %mul3A_439 : i32
        %get3A_442 = arith.index_cast %add3A_441 : i32 to index
        %get3A_443 = tpu.vector_load %arg10[%get3A_442] {strides = array<i32>} : memref<16384xi32, #tpu.memory_space<vmem>>, vector<16xi32>,
        %add3A_444 = arith.addi %add3A_436, %get3A_443 : vector<16xi32>
        %reduce_sum3A_445 = arith.constant true
        %reduce_sum3A_446 = vector.broadcast %reduce_sum3A_445 : i1 to vector<16xi1>
        %reduce_sum3A_447 = tpu.scan <sum>, %add3A_444 masked %reduce_sum3A_446 : vector<16xi32>, vector<16xi1> -> vector<16xi32>
        %reduce_sum3A_448 = vector.extract %reduce_sum3A_447[15] : i32 from vector<16xi32>
        %while3A_449 = arith.constant 255 : i32
        %while3A_450:3 = scf.while (%while3A_454 = %while3A_449, %while3A_455 = %while3A_396, %while3A_456 = %reduce_sum3A_448) : (i32, i32, i32) -> (i32, i32, i32) {
          %add3A_457 = arith.addi %while3A_455, %while3A_456 : i32
          %lt3A_458 = arith.constant 300 : i32
          %lt3A_459 = arith.cmpi slt, %add3A_457, %lt3A_458 : i32
          scf.condition(%lt3A_459) %while3A_454, %while3A_455, %while3A_456 : i32, i32, i32
        } do {
        ^bb0(%while3A_454: i32, %while3A_455: i32, %while3A_456: i32):
          %sub3A_457 = arith.constant 1 : i32
          %sub3A_458 = arith.subi %while3A_454, %sub3A_457 : i32
          %add3A_459 = arith.addi %while3A_455, %while3A_456 : i32
          %mul3A_460 = arith.constant 16 : i32
          %mul3A_461 = arith.muli %sub3A_458, %mul3A_460 : i32
          %get3A_462 = arith.index_cast %mul3A_461 : i32 to index
          %get3A_463 = tpu.vector_load %arg10[%get3A_462] {strides = array<i32>} : memref<16384xi32, #tpu.memory_space<vmem>>, vector<16xi32>,
          %mul3A_464 = arith.constant 16 : i32
          %mul3A_465 = arith.muli %sub3A_458, %mul3A_464 : i32
          %add3A_466 = arith.constant 4096 : i32
          %add3A_467 = arith.addi %add3A_466, %mul3A_465 : i32
          %get3A_468 = arith.index_cast %add3A_467 : i32 to index
          %get3A_469 = tpu.vector_load %arg10[%get3A_468] {strides = array<i32>} : memref<16384xi32, #tpu.memory_space<vmem>>, vector<16xi32>,
          %add3A_470 = arith.addi %get3A_463, %get3A_469 : vector<16xi32>
          %mul3A_471 = arith.constant 16 : i32
          %mul3A_472 = arith.muli %sub3A_458, %mul3A_471 : i32
          %add3A_473 = arith.constant 8192 : i32
          %add3A_474 = arith.addi %add3A_473, %mul3A_472 : i32
          %get3A_475 = arith.index_cast %add3A_474 : i32 to index
          %get3A_476 = tpu.vector_load %arg10[%get3A_475] {strides = array<i32>} : memref<16384xi32, #tpu.memory_space<vmem>>, vector<16xi32>,
          %add3A_477 = arith.addi %add3A_470, %get3A_476 : vector<16xi32>
          %mul3A_478 = arith.constant 16 : i32
          %mul3A_479 = arith.muli %sub3A_458, %mul3A_478 : i32
          %add3A_480 = arith.constant 12288 : i32
          %add3A_481 = arith.addi %add3A_480, %mul3A_479 : i32
          %get3A_482 = arith.index_cast %add3A_481 : i32 to index
          %get3A_483 = tpu.vector_load %arg10[%get3A_482] {strides = array<i32>} : memref<16384xi32, #tpu.memory_space<vmem>>, vector<16xi32>,
          %add3A_484 = arith.addi %add3A_477, %get3A_483 : vector<16xi32>
          %reduce_sum3A_485 = arith.constant true
          %reduce_sum3A_486 = vector.broadcast %reduce_sum3A_485 : i1 to vector<16xi1>
          %reduce_sum3A_487 = tpu.scan <sum>, %add3A_484 masked %reduce_sum3A_486 : vector<16xi32>, vector<16xi1> -> vector<16xi32>
          %reduce_sum3A_488 = vector.extract %reduce_sum3A_487[15] : i32 from vector<16xi32>
          scf.yield %sub3A_458, %add3A_459, %reduce_sum3A_488 : i32, i32, i32
        }
        %shift_left3A_451 = arith.shli %while3A_450#0, %sub3A_403 : i32
        %or3A_452 = arith.ori %while3A_395, %shift_left3A_451 : i32
        %add3A_453 = arith.addi %while3A_450#1, %while3A_450#2 : i32
        scf.yield %add3A_399, %or3A_452, %while3A_450#1, %add3A_453 : i32, i32, i32, i32
      }
      %gt3A = arith.constant 4096 : i32
      %gt3A_170 = arith.cmpi sgt, %while3A_169#3, %gt3A : i32
      %convert_element_type3A = arith.extui %gt3A_170 : i1 to i32
      %cond3A = arith.constant 0 : i32
      %cond3A_171 = arith.constant 0 : i32
      %cond3A_172 = arith.cmpi ne, %convert_element_type3A, %cond3A_171 : i32
      %cond3A_173 = scf.if %cond3A_172 -> (i32) {
        %sub3A_394 = arith.constant 300 : i32
        %sub3A_395 = arith.subi %sub3A_394, %while3A_169#2 : i32
        %parallel_loop3A_396 = arith.constant 0 : i32
        %parallel_loop3A_397 = arith.constant 5120 : i32
        %parallel_loop3A_398 = arith.constant 1 : i32
        %parallel_loop3A_399 = arith.constant 0 : i32
        %parallel_loop3A_400 = arith.constant 0 : i32
        %parallel_loop3A_401:2 = scf.for %parallel_loop3A_403 = %parallel_loop3A_396 to %parallel_loop3A_397 step %parallel_loop3A_398 iter_args(%parallel_loop3A_404 = %parallel_loop3A_399, %parallel_loop3A_405 = %parallel_loop3A_400) -> (i32, i32)  : i32 {
          %parallel_loop3A_406 = arith.constant 16 : i32
          %parallel_loop3A_407 = arith.muli %parallel_loop3A_403, %parallel_loop3A_406 : i32
          %parallel_loop3A_408 = arith.index_cast %parallel_loop3A_407 : i32 to index
          %parallel_loop3A_409 = tpu.vector_load %arg9[%parallel_loop3A_408] {strides = array<i32>} : memref<81920xi32, #tpu.memory_space<vmem>>, vector<16xi32>,
          %parallel_loop3A_410 = arith.constant 16 : i32
          %parallel_loop3A_411 = arith.muli %parallel_loop3A_403, %parallel_loop3A_410 : i32
          %parallel_loop3A_412 = vector.broadcast %parallel_loop3A_411 : i32 to vector<16xi32>
          %parallel_loop3A_413 = arith.addi %iota3A, %parallel_loop3A_412 : vector<16xi32>
          %parallel_loop3A_414 = vector.broadcast %mul3A_17 : i32 to vector<16xi32>
          %parallel_loop3A_415 = arith.subi %parallel_loop3A_413, %parallel_loop3A_414 : vector<16xi32>
          %parallel_loop3A_416 = vector.broadcast %while3A_169#1 : i32 to vector<16xi32>
          %parallel_loop3A_417 = arith.cmpi ugt, %parallel_loop3A_409, %parallel_loop3A_416 : vector<16xi32>
          %parallel_loop3A_418 = vector.broadcast %while3A_169#1 : i32 to vector<16xi32>
          %parallel_loop3A_419 = arith.cmpi eq, %parallel_loop3A_409, %parallel_loop3A_418 : vector<16xi32>
          %parallel_loop3A_420 = arith.extui %parallel_loop3A_419 : vector<16xi1> to vector<16xi32>
          %parallel_loop3A_421 = arith.constant true
          %parallel_loop3A_422 = vector.broadcast %parallel_loop3A_421 : i1 to vector<16xi1>
          %parallel_loop3A_423 = tpu.scan <sum>, %parallel_loop3A_420 masked %parallel_loop3A_422 : vector<16xi32>, vector<16xi1> -> vector<16xi32>
          %parallel_loop3A_424 = vector.broadcast %parallel_loop3A_405 : i32 to vector<16xi32>
          %parallel_loop3A_425 = arith.addi %parallel_loop3A_424, %parallel_loop3A_423 : vector<16xi32>
          %parallel_loop3A_426 = vector.broadcast %sub3A_395 : i32 to vector<16xi32>
          %parallel_loop3A_427 = arith.cmpi sle, %parallel_loop3A_425, %parallel_loop3A_426 : vector<16xi32>
          %parallel_loop3A_428 = arith.andi %parallel_loop3A_419, %parallel_loop3A_427 : vector<16xi1>
          %parallel_loop3A_429 = arith.ori %parallel_loop3A_417, %parallel_loop3A_428 : vector<16xi1>
          %parallel_loop3A_430 = vector.bitcast %parallel_loop3A_409 : vector<16xi32> to vector<16xi32>
          %parallel_loop3A_431 = arith.index_cast %parallel_loop3A_404 : i32 to index
          %parallel_loop3A_432 = tpu.vector_load %arg13[%parallel_loop3A_431] masked %parallel_loop3A_429 {strides = array<i32>} : memref<304xi32, #tpu.memory_space<vmem>>, vector<16xi32>, vector<16xi1>
          tpu.vector_store %arg13[%parallel_loop3A_431], %parallel_loop3A_430 masked %parallel_loop3A_429 {strides = array<i32>} : memref<304xi32, #tpu.memory_space<vmem>>, vector<16xi32>, vector<16xi1>
          %parallel_loop3A_433 = arith.index_cast %parallel_loop3A_404 : i32 to index
          %parallel_loop3A_434 = tpu.vector_load %arg14[%parallel_loop3A_433] masked %parallel_loop3A_429 {strides = array<i32>} : memref<304xi32, #tpu.memory_space<vmem>>, vector<16xi32>, vector<16xi1>
          tpu.vector_store %arg14[%parallel_loop3A_433], %parallel_loop3A_415 masked %parallel_loop3A_429 {strides = array<i32>} : memref<304xi32, #tpu.memory_space<vmem>>, vector<16xi32>, vector<16xi1>
          %parallel_loop3A_435 = tpu.all_reduce %parallel_loop3A_429 {dim = 0 : i64, kind = #tpu.reduction_kind<sum>} : vector<16xi1> -> vector<16xi32>
          %parallel_loop3A_436 = vector.extract_strided_slice %parallel_loop3A_435 {offsets = [0], sizes = [1], strides = [1]} : vector<16xi32> to vector<1xi32>
          %parallel_loop3A_437 = vector.extract %parallel_loop3A_436[0] : i32 from vector<1xi32>
          %parallel_loop3A_438 = arith.addi %parallel_loop3A_404, %parallel_loop3A_437 : i32
          %parallel_loop3A_439 = tpu.all_reduce %parallel_loop3A_428 {dim = 0 : i64, kind = #tpu.reduction_kind<sum>} : vector<16xi1> -> vector<16xi32>
          %parallel_loop3A_440 = vector.extract_strided_slice %parallel_loop3A_439 {offsets = [0], sizes = [1], strides = [1]} : vector<16xi32> to vector<1xi32>
          %parallel_loop3A_441 = vector.extract %parallel_loop3A_440[0] : i32 from vector<1xi32>
          %parallel_loop3A_442 = arith.addi %parallel_loop3A_405, %parallel_loop3A_441 : i32
          scf.yield %parallel_loop3A_438, %parallel_loop3A_442 : i32, i32
        } {sc.loop_unroll_factor = 2 : i64, sc.parallel_access}
        %cond3A_402 = arith.constant 0 : i32
        scf.yield %cond3A_402 : i32
      } else {
        %parallel_loop3A_394 = arith.constant 0 : i32
        %parallel_loop3A_395 = arith.constant 5120 : i32
        %parallel_loop3A_396 = arith.constant 1 : i32
        %parallel_loop3A_397 = arith.constant 0 : i32
        %parallel_loop3A_398 = scf.for %parallel_loop3A_576 = %parallel_loop3A_394 to %parallel_loop3A_395 step %parallel_loop3A_396 iter_args(%parallel_loop3A_577 = %parallel_loop3A_397) -> (i32)  : i32 {
          %parallel_loop3A_578 = arith.constant 16 : i32
          %parallel_loop3A_579 = arith.muli %parallel_loop3A_576, %parallel_loop3A_578 : i32
          %parallel_loop3A_580 = arith.index_cast %parallel_loop3A_579 : i32 to index
          %parallel_loop3A_581 = tpu.vector_load %arg9[%parallel_loop3A_580] {strides = array<i32>} : memref<81920xi32, #tpu.memory_space<vmem>>, vector<16xi32>,
          %parallel_loop3A_582 = vector.broadcast %while3A_169#1 : i32 to vector<16xi32>
          %parallel_loop3A_583 = arith.cmpi uge, %parallel_loop3A_581, %parallel_loop3A_582 : vector<16xi32>
          %parallel_loop3A_584 = arith.index_cast %parallel_loop3A_577 : i32 to index
          %parallel_loop3A_585 = tpu.vector_load %arg11[%parallel_loop3A_584] masked %parallel_loop3A_583 {strides = array<i32>} : memref<4112xi32, #tpu.memory_space<vmem>>, vector<16xi32>, vector<16xi1>
          tpu.vector_store %arg11[%parallel_loop3A_584], %parallel_loop3A_581 masked %parallel_loop3A_583 {strides = array<i32>} : memref<4112xi32, #tpu.memory_space<vmem>>, vector<16xi32>, vector<16xi1>
          %parallel_loop3A_586 = arith.constant 16 : i32
          %parallel_loop3A_587 = arith.muli %parallel_loop3A_576, %parallel_loop3A_586 : i32
          %parallel_loop3A_588 = vector.broadcast %parallel_loop3A_587 : i32 to vector<16xi32>
          %parallel_loop3A_589 = arith.addi %iota3A, %parallel_loop3A_588 : vector<16xi32>
          %parallel_loop3A_590 = vector.broadcast %mul3A_17 : i32 to vector<16xi32>
          %parallel_loop3A_591 = arith.subi %parallel_loop3A_589, %parallel_loop3A_590 : vector<16xi32>
          %parallel_loop3A_592 = arith.index_cast %parallel_loop3A_577 : i32 to index
          %parallel_loop3A_593 = tpu.vector_load %arg12[%parallel_loop3A_592] masked %parallel_loop3A_583 {strides = array<i32>} : memref<4112xi32, #tpu.memory_space<vmem>>, vector<16xi32>, vector<16xi1>
          tpu.vector_store %arg12[%parallel_loop3A_592], %parallel_loop3A_591 masked %parallel_loop3A_583 {strides = array<i32>} : memref<4112xi32, #tpu.memory_space<vmem>>, vector<16xi32>, vector<16xi1>
          %parallel_loop3A_594 = tpu.all_reduce %parallel_loop3A_583 {dim = 0 : i64, kind = #tpu.reduction_kind<sum>} : vector<16xi1> -> vector<16xi32>
          %parallel_loop3A_595 = vector.extract_strided_slice %parallel_loop3A_594 {offsets = [0], sizes = [1], strides = [1]} : vector<16xi32> to vector<1xi32>
          %parallel_loop3A_596 = vector.extract %parallel_loop3A_595[0] : i32 from vector<1xi32>
          %parallel_loop3A_597 = arith.addi %parallel_loop3A_577, %parallel_loop3A_596 : i32
          scf.yield %parallel_loop3A_597 : i32
        } {sc.loop_unroll_factor = 4 : i64, sc.parallel_access}
        %add3A_399 = arith.constant 15 : i32
        %add3A_400 = arith.addi %parallel_loop3A_398, %add3A_399 : i32
        %shift_right_arithmetic3A_401 = arith.constant 4 : i32
        %shift_right_arithmetic3A_402 = arith.shrsi %add3A_400, %shift_right_arithmetic3A_401 : i32
        %parallel_loop3A_403 = arith.constant 0 : i32
        %parallel_loop3A_404 = arith.constant 1024 : i32
        %parallel_loop3A_405 = arith.constant 1 : i32
        scf.for %parallel_loop3A_576 = %parallel_loop3A_403 to %parallel_loop3A_404 step %parallel_loop3A_405  : i32 {
          %parallel_loop3A_577 = arith.constant 16 : i32
          %parallel_loop3A_578 = arith.muli %parallel_loop3A_576, %parallel_loop3A_577 : i32
          %parallel_loop3A_579 = arith.index_cast %parallel_loop3A_578 : i32 to index
          %parallel_loop3A_580 = tpu.vector_load %arg10[%parallel_loop3A_579] {strides = array<i32>} : memref<16384xi32, #tpu.memory_space<vmem>>, vector<16xi32>,
          tpu.vector_store %arg10[%parallel_loop3A_579], %broadcast_in_dim3A_3 {strides = array<i32>} : memref<16384xi32, #tpu.memory_space<vmem>>, vector<16xi32>,
        } {sc.loop_unroll_factor = 4 : i64, sc.parallel_access}
        %while3A_406 = arith.constant 24 : i32
        %while3A_407 = arith.constant 16 : i32
        %while3A_408 = arith.constant 0 : i32
        %while3A_409 = arith.constant 0 : i32
        %while3A_410 = arith.subi %shift_right_arithmetic3A_402, %while3A_408 : i32
        %while3A_411 = arith.addi %while3A_408, %while3A_410 : i32
        %while3A_412 = arith.constant 1 : i32
        %while3A_413 = arith.divsi %while3A_410, %while3A_412 : i32
        %while3A_414 = arith.muli %while3A_413, %while3A_412 : i32
        %while3A_415 = arith.addi %while3A_408, %while3A_414 : i32
        %while3A_416 = arith.constant 1 : i32
        %while3A_417 = scf.for %while3A_576 = %while3A_408 to %while3A_415 step %while3A_416 iter_args(%while3A_577 = %while3A_409) -> (i32)  : i32 {
          %mul3A_578 = arith.constant 16 : i32
          %mul3A_579 = arith.muli %while3A_576, %mul3A_578 : i32
          %get3A_580 = arith.index_cast %mul3A_579 : i32 to index
          %get3A_581 = tpu.vector_load %arg11[%get3A_580] {strides = array<i32>} : memref<4112xi32, #tpu.memory_space<vmem>>, vector<16xi32>,
          %mul3A_582 = arith.constant 16 : i32
          %mul3A_583 = arith.muli %while3A_576, %mul3A_582 : i32
          %add3A_584 = vector.broadcast %mul3A_583 : i32 to vector<16xi32>
          %add3A_585 = arith.addi %iota3A, %add3A_584 : vector<16xi32>
          %lt3A_586 = vector.broadcast %parallel_loop3A_398 : i32 to vector<16xi32>
          %lt3A_587 = arith.cmpi slt, %add3A_585, %lt3A_586 : vector<16xi32>
          %shift_right_logical3A_588 = vector.broadcast %while3A_406 : i32 to vector<16xi32>
          %shift_right_logical3A_589 = arith.shrui %get3A_581, %shift_right_logical3A_588 : vector<16xi32>
          %shift_right_logical3A_590 = arith.shrui %while3A_169#1, %while3A_406 : i32
          %eq3A = vector.broadcast %shift_right_logical3A_590 : i32 to vector<16xi32>
          %eq3A_591 = arith.cmpi eq, %shift_right_logical3A_589, %eq3A : vector<16xi32>
          %and3A_592 = arith.andi %lt3A_587, %eq3A_591 : vector<16xi1>
          %shift_right_logical3A_593 = vector.broadcast %while3A_407 : i32 to vector<16xi32>
          %shift_right_logical3A_594 = arith.shrui %get3A_581, %shift_right_logical3A_593 : vector<16xi32>
          %and3A_595 = arith.constant 255 : i32
          %and3A_596 = vector.broadcast %and3A_595 : i32 to vector<16xi32>
          %and3A_597 = arith.andi %shift_right_logical3A_594, %and3A_596 : vector<16xi32>
          %bitcast3A_598 = vector.bitcast %and3A_597 : vector<16xi32> to vector<16xi32>
          %shift_left3A_599 = arith.constant 4 : i32
          %shift_left3A_600 = vector.broadcast %shift_left3A_599 : i32 to vector<16xi32>
          %shift_left3A_601 = arith.shli %bitcast3A_598, %shift_left3A_600 : vector<16xi32>
          %or3A_602 = arith.ori %shift_left3A_601, %iota3A : vector<16xi32>
          %and3A_603 = arith.constant 3 : i32
          %and3A_604 = arith.andi %while3A_576, %and3A_603 : i32
          %shift_left3A_605 = arith.constant 12 : i32
          %shift_left3A_606 = arith.shli %and3A_604, %shift_left3A_605 : i32
          %or3A_607 = vector.broadcast %shift_left3A_606 : i32 to vector<16xi32>
          %or3A_608 = arith.ori %or3A_602, %or3A_607 : vector<16xi32>
          tpu.vector_store_idx %arg10[%or3A_608], %broadcast_in_dim3A_1 masked %and3A_592 {add = true} : memref<16384xi32, #tpu.memory_space<vmem>>[vector<16xi32>], vector<16xi32>, vector<16xi1>
          %while3A_609 = arith.constant 0 : i32
          scf.yield %while3A_609 : i32
        }
        %while3A_418 = arith.constant 1 : i32
        %while3A_419 = scf.for %while3A_576 = %while3A_415 to %while3A_411 step %while3A_418 iter_args(%while3A_577 = %while3A_417) -> (i32)  : i32 {
          %mul3A_578 = arith.constant 16 : i32
          %mul3A_579 = arith.muli %while3A_576, %mul3A_578 : i32
          %get3A_580 = arith.index_cast %mul3A_579 : i32 to index
          %get3A_581 = tpu.vector_load %arg11[%get3A_580] {strides = array<i32>} : memref<4112xi32, #tpu.memory_space<vmem>>, vector<16xi32>,
          %mul3A_582 = arith.constant 16 : i32
          %mul3A_583 = arith.muli %while3A_576, %mul3A_582 : i32
          %add3A_584 = vector.broadcast %mul3A_583 : i32 to vector<16xi32>
          %add3A_585 = arith.addi %iota3A, %add3A_584 : vector<16xi32>
          %lt3A_586 = vector.broadcast %parallel_loop3A_398 : i32 to vector<16xi32>
          %lt3A_587 = arith.cmpi slt, %add3A_585, %lt3A_586 : vector<16xi32>
          %shift_right_logical3A_588 = vector.broadcast %while3A_406 : i32 to vector<16xi32>
          %shift_right_logical3A_589 = arith.shrui %get3A_581, %shift_right_logical3A_588 : vector<16xi32>
          %shift_right_logical3A_590 = arith.shrui %while3A_169#1, %while3A_406 : i32
          %eq3A = vector.broadcast %shift_right_logical3A_590 : i32 to vector<16xi32>
          %eq3A_591 = arith.cmpi eq, %shift_right_logical3A_589, %eq3A : vector<16xi32>
          %and3A_592 = arith.andi %lt3A_587, %eq3A_591 : vector<16xi1>
          %shift_right_logical3A_593 = vector.broadcast %while3A_407 : i32 to vector<16xi32>
          %shift_right_logical3A_594 = arith.shrui %get3A_581, %shift_right_logical3A_593 : vector<16xi32>
          %and3A_595 = arith.constant 255 : i32
          %and3A_596 = vector.broadcast %and3A_595 : i32 to vector<16xi32>
          %and3A_597 = arith.andi %shift_right_logical3A_594, %and3A_596 : vector<16xi32>
          %bitcast3A_598 = vector.bitcast %and3A_597 : vector<16xi32> to vector<16xi32>
          %shift_left3A_599 = arith.constant 4 : i32
          %shift_left3A_600 = vector.broadcast %shift_left3A_599 : i32 to vector<16xi32>
          %shift_left3A_601 = arith.shli %bitcast3A_598, %shift_left3A_600 : vector<16xi32>
          %or3A_602 = arith.ori %shift_left3A_601, %iota3A : vector<16xi32>
          %and3A_603 = arith.constant 3 : i32
          %and3A_604 = arith.andi %while3A_576, %and3A_603 : i32
          %shift_left3A_605 = arith.constant 12 : i32
          %shift_left3A_606 = arith.shli %and3A_604, %shift_left3A_605 : i32
          %or3A_607 = vector.broadcast %shift_left3A_606 : i32 to vector<16xi32>
          %or3A_608 = arith.ori %or3A_602, %or3A_607 : vector<16xi32>
          tpu.vector_store_idx %arg10[%or3A_608], %broadcast_in_dim3A_1 masked %and3A_592 {add = true} : memref<16384xi32, #tpu.memory_space<vmem>>[vector<16xi32>], vector<16xi32>, vector<16xi1>
          %while3A_609 = arith.constant 0 : i32
          scf.yield %while3A_609 : i32
        }
        %mul3A_420 = arith.constant 255 : i32
        %mul3A_421 = arith.constant 16 : i32
        %mul3A_422 = arith.muli %mul3A_420, %mul3A_421 : i32
        %get3A_423 = arith.index_cast %mul3A_422 : i32 to index
        %get3A_424 = tpu.vector_load %arg10[%get3A_423] {strides = array<i32>} : memref<16384xi32, #tpu.memory_space<vmem>>, vector<16xi32>,
        %mul3A_425 = arith.constant 255 : i32
        %mul3A_426 = arith.constant 16 : i32
        %mul3A_427 = arith.muli %mul3A_425, %mul3A_426 : i32
        %add3A_428 = arith.constant 4096 : i32
        %add3A_429 = arith.addi %add3A_428, %mul3A_427 : i32
        %get3A_430 = arith.index_cast %add3A_429 : i32 to index
        %get3A_431 = tpu.vector_load %arg10[%get3A_430] {strides = array<i32>} : memref<16384xi32, #tpu.memory_space<vmem>>, vector<16xi32>,
        %add3A_432 = arith.addi %get3A_424, %get3A_431 : vector<16xi32>
        %mul3A_433 = arith.constant 255 : i32
        %mul3A_434 = arith.constant 16 : i32
        %mul3A_435 = arith.muli %mul3A_433, %mul3A_434 : i32
        %add3A_436 = arith.constant 8192 : i32
        %add3A_437 = arith.addi %add3A_436, %mul3A_435 : i32
        %get3A_438 = arith.index_cast %add3A_437 : i32 to index
        %get3A_439 = tpu.vector_load %arg10[%get3A_438] {strides = array<i32>} : memref<16384xi32, #tpu.memory_space<vmem>>, vector<16xi32>,
        %add3A_440 = arith.addi %add3A_432, %get3A_439 : vector<16xi32>
        %mul3A_441 = arith.constant 255 : i32
        %mul3A_442 = arith.constant 16 : i32
        %mul3A_443 = arith.muli %mul3A_441, %mul3A_442 : i32
        %add3A_444 = arith.constant 12288 : i32
        %add3A_445 = arith.addi %add3A_444, %mul3A_443 : i32
        %get3A_446 = arith.index_cast %add3A_445 : i32 to index
        %get3A_447 = tpu.vector_load %arg10[%get3A_446] {strides = array<i32>} : memref<16384xi32, #tpu.memory_space<vmem>>, vector<16xi32>,
        %add3A_448 = arith.addi %add3A_440, %get3A_447 : vector<16xi32>
        %reduce_sum3A_449 = arith.constant true
        %reduce_sum3A_450 = vector.broadcast %reduce_sum3A_449 : i1 to vector<16xi1>
        %reduce_sum3A_451 = tpu.scan <sum>, %add3A_448 masked %reduce_sum3A_450 : vector<16xi32>, vector<16xi1> -> vector<16xi32>
        %reduce_sum3A_452 = vector.extract %reduce_sum3A_451[15] : i32 from vector<16xi32>
        %while3A_453 = arith.constant 255 : i32
        %while3A_454:3 = scf.while (%while3A_576 = %while3A_453, %while3A_577 = %while3A_169#2, %while3A_578 = %reduce_sum3A_452) : (i32, i32, i32) -> (i32, i32, i32) {
          %add3A_579 = arith.addi %while3A_577, %while3A_578 : i32
          %lt3A_580 = arith.constant 300 : i32
          %lt3A_581 = arith.cmpi slt, %add3A_579, %lt3A_580 : i32
          scf.condition(%lt3A_581) %while3A_576, %while3A_577, %while3A_578 : i32, i32, i32
        } do {
        ^bb0(%while3A_576: i32, %while3A_577: i32, %while3A_578: i32):
          %sub3A_579 = arith.constant 1 : i32
          %sub3A_580 = arith.subi %while3A_576, %sub3A_579 : i32
          %add3A_581 = arith.addi %while3A_577, %while3A_578 : i32
          %mul3A_582 = arith.constant 16 : i32
          %mul3A_583 = arith.muli %sub3A_580, %mul3A_582 : i32
          %get3A_584 = arith.index_cast %mul3A_583 : i32 to index
          %get3A_585 = tpu.vector_load %arg10[%get3A_584] {strides = array<i32>} : memref<16384xi32, #tpu.memory_space<vmem>>, vector<16xi32>,
          %mul3A_586 = arith.constant 16 : i32
          %mul3A_587 = arith.muli %sub3A_580, %mul3A_586 : i32
          %add3A_588 = arith.constant 4096 : i32
          %add3A_589 = arith.addi %add3A_588, %mul3A_587 : i32
          %get3A_590 = arith.index_cast %add3A_589 : i32 to index
          %get3A_591 = tpu.vector_load %arg10[%get3A_590] {strides = array<i32>} : memref<16384xi32, #tpu.memory_space<vmem>>, vector<16xi32>,
          %add3A_592 = arith.addi %get3A_585, %get3A_591 : vector<16xi32>
          %mul3A_593 = arith.constant 16 : i32
          %mul3A_594 = arith.muli %sub3A_580, %mul3A_593 : i32
          %add3A_595 = arith.constant 8192 : i32
          %add3A_596 = arith.addi %add3A_595, %mul3A_594 : i32
          %get3A_597 = arith.index_cast %add3A_596 : i32 to index
          %get3A_598 = tpu.vector_load %arg10[%get3A_597] {strides = array<i32>} : memref<16384xi32, #tpu.memory_space<vmem>>, vector<16xi32>,
          %add3A_599 = arith.addi %add3A_592, %get3A_598 : vector<16xi32>
          %mul3A_600 = arith.constant 16 : i32
          %mul3A_601 = arith.muli %sub3A_580, %mul3A_600 : i32
          %add3A_602 = arith.constant 12288 : i32
          %add3A_603 = arith.addi %add3A_602, %mul3A_601 : i32
          %get3A_604 = arith.index_cast %add3A_603 : i32 to index
          %get3A_605 = tpu.vector_load %arg10[%get3A_604] {strides = array<i32>} : memref<16384xi32, #tpu.memory_space<vmem>>, vector<16xi32>,
          %add3A_606 = arith.addi %add3A_599, %get3A_605 : vector<16xi32>
          %reduce_sum3A_607 = arith.constant true
          %reduce_sum3A_608 = vector.broadcast %reduce_sum3A_607 : i1 to vector<16xi1>
          %reduce_sum3A_609 = tpu.scan <sum>, %add3A_606 masked %reduce_sum3A_608 : vector<16xi32>, vector<16xi1> -> vector<16xi32>
          %reduce_sum3A_610 = vector.extract %reduce_sum3A_609[15] : i32 from vector<16xi32>
          scf.yield %sub3A_580, %add3A_581, %reduce_sum3A_610 : i32, i32, i32
        }
        %shift_left3A_455 = arith.constant 16 : i32
        %shift_left3A_456 = arith.shli %while3A_454#0, %shift_left3A_455 : i32
        %or3A_457 = arith.ori %while3A_169#1, %shift_left3A_456 : i32
        %parallel_loop3A_458 = arith.constant 0 : i32
        %parallel_loop3A_459 = arith.constant 1024 : i32
        %parallel_loop3A_460 = arith.constant 1 : i32
        scf.for %parallel_loop3A_576 = %parallel_loop3A_458 to %parallel_loop3A_459 step %parallel_loop3A_460  : i32 {
          %parallel_loop3A_577 = arith.constant 16 : i32
          %parallel_loop3A_578 = arith.muli %parallel_loop3A_576, %parallel_loop3A_577 : i32
          %parallel_loop3A_579 = arith.index_cast %parallel_loop3A_578 : i32 to index
          %parallel_loop3A_580 = tpu.vector_load %arg10[%parallel_loop3A_579] {strides = array<i32>} : memref<16384xi32, #tpu.memory_space<vmem>>, vector<16xi32>,
          tpu.vector_store %arg10[%parallel_loop3A_579], %broadcast_in_dim3A_3 {strides = array<i32>} : memref<16384xi32, #tpu.memory_space<vmem>>, vector<16xi32>,
        } {sc.loop_unroll_factor = 4 : i64, sc.parallel_access}
        %while3A_461 = arith.constant 16 : i32
        %while3A_462 = arith.constant 8 : i32
        %while3A_463 = arith.constant 0 : i32
        %while3A_464 = arith.constant 0 : i32
        %while3A_465 = arith.subi %shift_right_arithmetic3A_402, %while3A_463 : i32
        %while3A_466 = arith.addi %while3A_463, %while3A_465 : i32
        %while3A_467 = arith.constant 1 : i32
        %while3A_468 = arith.divsi %while3A_465, %while3A_467 : i32
        %while3A_469 = arith.muli %while3A_468, %while3A_467 : i32
        %while3A_470 = arith.addi %while3A_463, %while3A_469 : i32
        %while3A_471 = arith.constant 1 : i32
        %while3A_472 = scf.for %while3A_576 = %while3A_463 to %while3A_470 step %while3A_471 iter_args(%while3A_577 = %while3A_464) -> (i32)  : i32 {
          %mul3A_578 = arith.constant 16 : i32
          %mul3A_579 = arith.muli %while3A_576, %mul3A_578 : i32
          %get3A_580 = arith.index_cast %mul3A_579 : i32 to index
          %get3A_581 = tpu.vector_load %arg11[%get3A_580] {strides = array<i32>} : memref<4112xi32, #tpu.memory_space<vmem>>, vector<16xi32>,
          %mul3A_582 = arith.constant 16 : i32
          %mul3A_583 = arith.muli %while3A_576, %mul3A_582 : i32
          %add3A_584 = vector.broadcast %mul3A_583 : i32 to vector<16xi32>
          %add3A_585 = arith.addi %iota3A, %add3A_584 : vector<16xi32>
          %lt3A_586 = vector.broadcast %parallel_loop3A_398 : i32 to vector<16xi32>
          %lt3A_587 = arith.cmpi slt, %add3A_585, %lt3A_586 : vector<16xi32>
          %shift_right_logical3A_588 = vector.broadcast %while3A_461 : i32 to vector<16xi32>
          %shift_right_logical3A_589 = arith.shrui %get3A_581, %shift_right_logical3A_588 : vector<16xi32>
          %shift_right_logical3A_590 = arith.shrui %or3A_457, %while3A_461 : i32
          %eq3A = vector.broadcast %shift_right_logical3A_590 : i32 to vector<16xi32>
          %eq3A_591 = arith.cmpi eq, %shift_right_logical3A_589, %eq3A : vector<16xi32>
          %and3A_592 = arith.andi %lt3A_587, %eq3A_591 : vector<16xi1>
          %shift_right_logical3A_593 = vector.broadcast %while3A_462 : i32 to vector<16xi32>
          %shift_right_logical3A_594 = arith.shrui %get3A_581, %shift_right_logical3A_593 : vector<16xi32>
          %and3A_595 = arith.constant 255 : i32
          %and3A_596 = vector.broadcast %and3A_595 : i32 to vector<16xi32>
          %and3A_597 = arith.andi %shift_right_logical3A_594, %and3A_596 : vector<16xi32>
          %bitcast3A_598 = vector.bitcast %and3A_597 : vector<16xi32> to vector<16xi32>
          %shift_left3A_599 = arith.constant 4 : i32
          %shift_left3A_600 = vector.broadcast %shift_left3A_599 : i32 to vector<16xi32>
          %shift_left3A_601 = arith.shli %bitcast3A_598, %shift_left3A_600 : vector<16xi32>
          %or3A_602 = arith.ori %shift_left3A_601, %iota3A : vector<16xi32>
          %and3A_603 = arith.constant 3 : i32
          %and3A_604 = arith.andi %while3A_576, %and3A_603 : i32
          %shift_left3A_605 = arith.constant 12 : i32
          %shift_left3A_606 = arith.shli %and3A_604, %shift_left3A_605 : i32
          %or3A_607 = vector.broadcast %shift_left3A_606 : i32 to vector<16xi32>
          %or3A_608 = arith.ori %or3A_602, %or3A_607 : vector<16xi32>
          tpu.vector_store_idx %arg10[%or3A_608], %broadcast_in_dim3A_1 masked %and3A_592 {add = true} : memref<16384xi32, #tpu.memory_space<vmem>>[vector<16xi32>], vector<16xi32>, vector<16xi1>
          %while3A_609 = arith.constant 0 : i32
          scf.yield %while3A_609 : i32
        }
        %while3A_473 = arith.constant 1 : i32
        %while3A_474 = scf.for %while3A_576 = %while3A_470 to %while3A_466 step %while3A_473 iter_args(%while3A_577 = %while3A_472) -> (i32)  : i32 {
          %mul3A_578 = arith.constant 16 : i32
          %mul3A_579 = arith.muli %while3A_576, %mul3A_578 : i32
          %get3A_580 = arith.index_cast %mul3A_579 : i32 to index
          %get3A_581 = tpu.vector_load %arg11[%get3A_580] {strides = array<i32>} : memref<4112xi32, #tpu.memory_space<vmem>>, vector<16xi32>,
          %mul3A_582 = arith.constant 16 : i32
          %mul3A_583 = arith.muli %while3A_576, %mul3A_582 : i32
          %add3A_584 = vector.broadcast %mul3A_583 : i32 to vector<16xi32>
          %add3A_585 = arith.addi %iota3A, %add3A_584 : vector<16xi32>
          %lt3A_586 = vector.broadcast %parallel_loop3A_398 : i32 to vector<16xi32>
          %lt3A_587 = arith.cmpi slt, %add3A_585, %lt3A_586 : vector<16xi32>
          %shift_right_logical3A_588 = vector.broadcast %while3A_461 : i32 to vector<16xi32>
          %shift_right_logical3A_589 = arith.shrui %get3A_581, %shift_right_logical3A_588 : vector<16xi32>
          %shift_right_logical3A_590 = arith.shrui %or3A_457, %while3A_461 : i32
          %eq3A = vector.broadcast %shift_right_logical3A_590 : i32 to vector<16xi32>
          %eq3A_591 = arith.cmpi eq, %shift_right_logical3A_589, %eq3A : vector<16xi32>
          %and3A_592 = arith.andi %lt3A_587, %eq3A_591 : vector<16xi1>
          %shift_right_logical3A_593 = vector.broadcast %while3A_462 : i32 to vector<16xi32>
          %shift_right_logical3A_594 = arith.shrui %get3A_581, %shift_right_logical3A_593 : vector<16xi32>
          %and3A_595 = arith.constant 255 : i32
          %and3A_596 = vector.broadcast %and3A_595 : i32 to vector<16xi32>
          %and3A_597 = arith.andi %shift_right_logical3A_594, %and3A_596 : vector<16xi32>
          %bitcast3A_598 = vector.bitcast %and3A_597 : vector<16xi32> to vector<16xi32>
          %shift_left3A_599 = arith.constant 4 : i32
          %shift_left3A_600 = vector.broadcast %shift_left3A_599 : i32 to vector<16xi32>
          %shift_left3A_601 = arith.shli %bitcast3A_598, %shift_left3A_600 : vector<16xi32>
          %or3A_602 = arith.ori %shift_left3A_601, %iota3A : vector<16xi32>
          %and3A_603 = arith.constant 3 : i32
          %and3A_604 = arith.andi %while3A_576, %and3A_603 : i32
          %shift_left3A_605 = arith.constant 12 : i32
          %shift_left3A_606 = arith.shli %and3A_604, %shift_left3A_605 : i32
          %or3A_607 = vector.broadcast %shift_left3A_606 : i32 to vector<16xi32>
          %or3A_608 = arith.ori %or3A_602, %or3A_607 : vector<16xi32>
          tpu.vector_store_idx %arg10[%or3A_608], %broadcast_in_dim3A_1 masked %and3A_592 {add = true} : memref<16384xi32, #tpu.memory_space<vmem>>[vector<16xi32>], vector<16xi32>, vector<16xi1>
          %while3A_609 = arith.constant 0 : i32
          scf.yield %while3A_609 : i32
        }
        %mul3A_475 = arith.constant 255 : i32
        %mul3A_476 = arith.constant 16 : i32
        %mul3A_477 = arith.muli %mul3A_475, %mul3A_476 : i32
        %get3A_478 = arith.index_cast %mul3A_477 : i32 to index
        %get3A_479 = tpu.vector_load %arg10[%get3A_478] {strides = array<i32>} : memref<16384xi32, #tpu.memory_space<vmem>>, vector<16xi32>,
        %mul3A_480 = arith.constant 255 : i32
        %mul3A_481 = arith.constant 16 : i32
        %mul3A_482 = arith.muli %mul3A_480, %mul3A_481 : i32
        %add3A_483 = arith.constant 4096 : i32
        %add3A_484 = arith.addi %add3A_483, %mul3A_482 : i32
        %get3A_485 = arith.index_cast %add3A_484 : i32 to index
        %get3A_486 = tpu.vector_load %arg10[%get3A_485] {strides = array<i32>} : memref<16384xi32, #tpu.memory_space<vmem>>, vector<16xi32>,
        %add3A_487 = arith.addi %get3A_479, %get3A_486 : vector<16xi32>
        %mul3A_488 = arith.constant 255 : i32
        %mul3A_489 = arith.constant 16 : i32
        %mul3A_490 = arith.muli %mul3A_488, %mul3A_489 : i32
        %add3A_491 = arith.constant 8192 : i32
        %add3A_492 = arith.addi %add3A_491, %mul3A_490 : i32
        %get3A_493 = arith.index_cast %add3A_492 : i32 to index
        %get3A_494 = tpu.vector_load %arg10[%get3A_493] {strides = array<i32>} : memref<16384xi32, #tpu.memory_space<vmem>>, vector<16xi32>,
        %add3A_495 = arith.addi %add3A_487, %get3A_494 : vector<16xi32>
        %mul3A_496 = arith.constant 255 : i32
        %mul3A_497 = arith.constant 16 : i32
        %mul3A_498 = arith.muli %mul3A_496, %mul3A_497 : i32
        %add3A_499 = arith.constant 12288 : i32
        %add3A_500 = arith.addi %add3A_499, %mul3A_498 : i32
        %get3A_501 = arith.index_cast %add3A_500 : i32 to index
        %get3A_502 = tpu.vector_load %arg10[%get3A_501] {strides = array<i32>} : memref<16384xi32, #tpu.memory_space<vmem>>, vector<16xi32>,
        %add3A_503 = arith.addi %add3A_495, %get3A_502 : vector<16xi32>
        %reduce_sum3A_504 = arith.constant true
        %reduce_sum3A_505 = vector.broadcast %reduce_sum3A_504 : i1 to vector<16xi1>
        %reduce_sum3A_506 = tpu.scan <sum>, %add3A_503 masked %reduce_sum3A_505 : vector<16xi32>, vector<16xi1> -> vector<16xi32>
        %reduce_sum3A_507 = vector.extract %reduce_sum3A_506[15] : i32 from vector<16xi32>
        %while3A_508 = arith.constant 255 : i32
        %while3A_509:3 = scf.while (%while3A_576 = %while3A_508, %while3A_577 = %while3A_454#1, %while3A_578 = %reduce_sum3A_507) : (i32, i32, i32) -> (i32, i32, i32) {
          %add3A_579 = arith.addi %while3A_577, %while3A_578 : i32
          %lt3A_580 = arith.constant 300 : i32
          %lt3A_581 = arith.cmpi slt, %add3A_579, %lt3A_580 : i32
          scf.condition(%lt3A_581) %while3A_576, %while3A_577, %while3A_578 : i32, i32, i32
        } do {
        ^bb0(%while3A_576: i32, %while3A_577: i32, %while3A_578: i32):
          %sub3A_579 = arith.constant 1 : i32
          %sub3A_580 = arith.subi %while3A_576, %sub3A_579 : i32
          %add3A_581 = arith.addi %while3A_577, %while3A_578 : i32
          %mul3A_582 = arith.constant 16 : i32
          %mul3A_583 = arith.muli %sub3A_580, %mul3A_582 : i32
          %get3A_584 = arith.index_cast %mul3A_583 : i32 to index
          %get3A_585 = tpu.vector_load %arg10[%get3A_584] {strides = array<i32>} : memref<16384xi32, #tpu.memory_space<vmem>>, vector<16xi32>,
          %mul3A_586 = arith.constant 16 : i32
          %mul3A_587 = arith.muli %sub3A_580, %mul3A_586 : i32
          %add3A_588 = arith.constant 4096 : i32
          %add3A_589 = arith.addi %add3A_588, %mul3A_587 : i32
          %get3A_590 = arith.index_cast %add3A_589 : i32 to index
          %get3A_591 = tpu.vector_load %arg10[%get3A_590] {strides = array<i32>} : memref<16384xi32, #tpu.memory_space<vmem>>, vector<16xi32>,
          %add3A_592 = arith.addi %get3A_585, %get3A_591 : vector<16xi32>
          %mul3A_593 = arith.constant 16 : i32
          %mul3A_594 = arith.muli %sub3A_580, %mul3A_593 : i32
          %add3A_595 = arith.constant 8192 : i32
          %add3A_596 = arith.addi %add3A_595, %mul3A_594 : i32
          %get3A_597 = arith.index_cast %add3A_596 : i32 to index
          %get3A_598 = tpu.vector_load %arg10[%get3A_597] {strides = array<i32>} : memref<16384xi32, #tpu.memory_space<vmem>>, vector<16xi32>,
          %add3A_599 = arith.addi %add3A_592, %get3A_598 : vector<16xi32>
          %mul3A_600 = arith.constant 16 : i32
          %mul3A_601 = arith.muli %sub3A_580, %mul3A_600 : i32
          %add3A_602 = arith.constant 12288 : i32
          %add3A_603 = arith.addi %add3A_602, %mul3A_601 : i32
          %get3A_604 = arith.index_cast %add3A_603 : i32 to index
          %get3A_605 = tpu.vector_load %arg10[%get3A_604] {strides = array<i32>} : memref<16384xi32, #tpu.memory_space<vmem>>, vector<16xi32>,
          %add3A_606 = arith.addi %add3A_599, %get3A_605 : vector<16xi32>
          %reduce_sum3A_607 = arith.constant true
          %reduce_sum3A_608 = vector.broadcast %reduce_sum3A_607 : i1 to vector<16xi1>
          %reduce_sum3A_609 = tpu.scan <sum>, %add3A_606 masked %reduce_sum3A_608 : vector<16xi32>, vector<16xi1> -> vector<16xi32>
          %reduce_sum3A_610 = vector.extract %reduce_sum3A_609[15] : i32 from vector<16xi32>
          scf.yield %sub3A_580, %add3A_581, %reduce_sum3A_610 : i32, i32, i32
        }
        %shift_left3A_510 = arith.constant 8 : i32
        %shift_left3A_511 = arith.shli %while3A_509#0, %shift_left3A_510 : i32
        %or3A_512 = arith.ori %or3A_457, %shift_left3A_511 : i32
        %parallel_loop3A_513 = arith.constant 0 : i32
        %parallel_loop3A_514 = arith.constant 1024 : i32
        %parallel_loop3A_515 = arith.constant 1 : i32
        scf.for %parallel_loop3A_576 = %parallel_loop3A_513 to %parallel_loop3A_514 step %parallel_loop3A_515  : i32 {
          %parallel_loop3A_577 = arith.constant 16 : i32
          %parallel_loop3A_578 = arith.muli %parallel_loop3A_576, %parallel_loop3A_577 : i32
          %parallel_loop3A_579 = arith.index_cast %parallel_loop3A_578 : i32 to index
          %parallel_loop3A_580 = tpu.vector_load %arg10[%parallel_loop3A_579] {strides = array<i32>} : memref<16384xi32, #tpu.memory_space<vmem>>, vector<16xi32>,
          tpu.vector_store %arg10[%parallel_loop3A_579], %broadcast_in_dim3A_3 {strides = array<i32>} : memref<16384xi32, #tpu.memory_space<vmem>>, vector<16xi32>,
        } {sc.loop_unroll_factor = 4 : i64, sc.parallel_access}
        %while3A_516 = arith.constant 8 : i32
        %while3A_517 = arith.constant 0 : i32
        %while3A_518 = arith.constant 0 : i32
        %while3A_519 = arith.constant 0 : i32
        %while3A_520 = arith.subi %shift_right_arithmetic3A_402, %while3A_518 : i32
        %while3A_521 = arith.addi %while3A_518, %while3A_520 : i32
        %while3A_522 = arith.constant 1 : i32
        %while3A_523 = arith.divsi %while3A_520, %while3A_522 : i32
        %while3A_524 = arith.muli %while3A_523, %while3A_522 : i32
        %while3A_525 = arith.addi %while3A_518, %while3A_524 : i32
        %while3A_526 = arith.constant 1 : i32
        %while3A_527 = scf.for %while3A_576 = %while3A_518 to %while3A_525 step %while3A_526 iter_args(%while3A_577 = %while3A_519) -> (i32)  : i32 {
          %mul3A_578 = arith.constant 16 : i32
          %mul3A_579 = arith.muli %while3A_576, %mul3A_578 : i32
          %get3A_580 = arith.index_cast %mul3A_579 : i32 to index
          %get3A_581 = tpu.vector_load %arg11[%get3A_580] {strides = array<i32>} : memref<4112xi32, #tpu.memory_space<vmem>>, vector<16xi32>,
          %mul3A_582 = arith.constant 16 : i32
          %mul3A_583 = arith.muli %while3A_576, %mul3A_582 : i32
          %add3A_584 = vector.broadcast %mul3A_583 : i32 to vector<16xi32>
          %add3A_585 = arith.addi %iota3A, %add3A_584 : vector<16xi32>
          %lt3A_586 = vector.broadcast %parallel_loop3A_398 : i32 to vector<16xi32>
          %lt3A_587 = arith.cmpi slt, %add3A_585, %lt3A_586 : vector<16xi32>
          %shift_right_logical3A_588 = vector.broadcast %while3A_516 : i32 to vector<16xi32>
          %shift_right_logical3A_589 = arith.shrui %get3A_581, %shift_right_logical3A_588 : vector<16xi32>
          %shift_right_logical3A_590 = arith.shrui %or3A_512, %while3A_516 : i32
          %eq3A = vector.broadcast %shift_right_logical3A_590 : i32 to vector<16xi32>
          %eq3A_591 = arith.cmpi eq, %shift_right_logical3A_589, %eq3A : vector<16xi32>
          %and3A_592 = arith.andi %lt3A_587, %eq3A_591 : vector<16xi1>
          %shift_right_logical3A_593 = vector.broadcast %while3A_517 : i32 to vector<16xi32>
          %shift_right_logical3A_594 = arith.shrui %get3A_581, %shift_right_logical3A_593 : vector<16xi32>
          %and3A_595 = arith.constant 255 : i32
          %and3A_596 = vector.broadcast %and3A_595 : i32 to vector<16xi32>
          %and3A_597 = arith.andi %shift_right_logical3A_594, %and3A_596 : vector<16xi32>
          %bitcast3A_598 = vector.bitcast %and3A_597 : vector<16xi32> to vector<16xi32>
          %shift_left3A_599 = arith.constant 4 : i32
          %shift_left3A_600 = vector.broadcast %shift_left3A_599 : i32 to vector<16xi32>
          %shift_left3A_601 = arith.shli %bitcast3A_598, %shift_left3A_600 : vector<16xi32>
          %or3A_602 = arith.ori %shift_left3A_601, %iota3A : vector<16xi32>
          %and3A_603 = arith.constant 3 : i32
          %and3A_604 = arith.andi %while3A_576, %and3A_603 : i32
          %shift_left3A_605 = arith.constant 12 : i32
          %shift_left3A_606 = arith.shli %and3A_604, %shift_left3A_605 : i32
          %or3A_607 = vector.broadcast %shift_left3A_606 : i32 to vector<16xi32>
          %or3A_608 = arith.ori %or3A_602, %or3A_607 : vector<16xi32>
          tpu.vector_store_idx %arg10[%or3A_608], %broadcast_in_dim3A_1 masked %and3A_592 {add = true} : memref<16384xi32, #tpu.memory_space<vmem>>[vector<16xi32>], vector<16xi32>, vector<16xi1>
          %while3A_609 = arith.constant 0 : i32
          scf.yield %while3A_609 : i32
        }
        %while3A_528 = arith.constant 1 : i32
        %while3A_529 = scf.for %while3A_576 = %while3A_525 to %while3A_521 step %while3A_528 iter_args(%while3A_577 = %while3A_527) -> (i32)  : i32 {
          %mul3A_578 = arith.constant 16 : i32
          %mul3A_579 = arith.muli %while3A_576, %mul3A_578 : i32
          %get3A_580 = arith.index_cast %mul3A_579 : i32 to index
          %get3A_581 = tpu.vector_load %arg11[%get3A_580] {strides = array<i32>} : memref<4112xi32, #tpu.memory_space<vmem>>, vector<16xi32>,
          %mul3A_582 = arith.constant 16 : i32
          %mul3A_583 = arith.muli %while3A_576, %mul3A_582 : i32
          %add3A_584 = vector.broadcast %mul3A_583 : i32 to vector<16xi32>
          %add3A_585 = arith.addi %iota3A, %add3A_584 : vector<16xi32>
          %lt3A_586 = vector.broadcast %parallel_loop3A_398 : i32 to vector<16xi32>
          %lt3A_587 = arith.cmpi slt, %add3A_585, %lt3A_586 : vector<16xi32>
          %shift_right_logical3A_588 = vector.broadcast %while3A_516 : i32 to vector<16xi32>
          %shift_right_logical3A_589 = arith.shrui %get3A_581, %shift_right_logical3A_588 : vector<16xi32>
          %shift_right_logical3A_590 = arith.shrui %or3A_512, %while3A_516 : i32
          %eq3A = vector.broadcast %shift_right_logical3A_590 : i32 to vector<16xi32>
          %eq3A_591 = arith.cmpi eq, %shift_right_logical3A_589, %eq3A : vector<16xi32>
          %and3A_592 = arith.andi %lt3A_587, %eq3A_591 : vector<16xi1>
          %shift_right_logical3A_593 = vector.broadcast %while3A_517 : i32 to vector<16xi32>
          %shift_right_logical3A_594 = arith.shrui %get3A_581, %shift_right_logical3A_593 : vector<16xi32>
          %and3A_595 = arith.constant 255 : i32
          %and3A_596 = vector.broadcast %and3A_595 : i32 to vector<16xi32>
          %and3A_597 = arith.andi %shift_right_logical3A_594, %and3A_596 : vector<16xi32>
          %bitcast3A_598 = vector.bitcast %and3A_597 : vector<16xi32> to vector<16xi32>
          %shift_left3A_599 = arith.constant 4 : i32
          %shift_left3A_600 = vector.broadcast %shift_left3A_599 : i32 to vector<16xi32>
          %shift_left3A_601 = arith.shli %bitcast3A_598, %shift_left3A_600 : vector<16xi32>
          %or3A_602 = arith.ori %shift_left3A_601, %iota3A : vector<16xi32>
          %and3A_603 = arith.constant 3 : i32
          %and3A_604 = arith.andi %while3A_576, %and3A_603 : i32
          %shift_left3A_605 = arith.constant 12 : i32
          %shift_left3A_606 = arith.shli %and3A_604, %shift_left3A_605 : i32
          %or3A_607 = vector.broadcast %shift_left3A_606 : i32 to vector<16xi32>
          %or3A_608 = arith.ori %or3A_602, %or3A_607 : vector<16xi32>
          tpu.vector_store_idx %arg10[%or3A_608], %broadcast_in_dim3A_1 masked %and3A_592 {add = true} : memref<16384xi32, #tpu.memory_space<vmem>>[vector<16xi32>], vector<16xi32>, vector<16xi1>
          %while3A_609 = arith.constant 0 : i32
          scf.yield %while3A_609 : i32
        }
        %mul3A_530 = arith.constant 255 : i32
        %mul3A_531 = arith.constant 16 : i32
        %mul3A_532 = arith.muli %mul3A_530, %mul3A_531 : i32
        %get3A_533 = arith.index_cast %mul3A_532 : i32 to index
        %get3A_534 = tpu.vector_load %arg10[%get3A_533] {strides = array<i32>} : memref<16384xi32, #tpu.memory_space<vmem>>, vector<16xi32>,
        %mul3A_535 = arith.constant 255 : i32
        %mul3A_536 = arith.constant 16 : i32
        %mul3A_537 = arith.muli %mul3A_535, %mul3A_536 : i32
        %add3A_538 = arith.constant 4096 : i32
        %add3A_539 = arith.addi %add3A_538, %mul3A_537 : i32
        %get3A_540 = arith.index_cast %add3A_539 : i32 to index
        %get3A_541 = tpu.vector_load %arg10[%get3A_540] {strides = array<i32>} : memref<16384xi32, #tpu.memory_space<vmem>>, vector<16xi32>,
        %add3A_542 = arith.addi %get3A_534, %get3A_541 : vector<16xi32>
        %mul3A_543 = arith.constant 255 : i32
        %mul3A_544 = arith.constant 16 : i32
        %mul3A_545 = arith.muli %mul3A_543, %mul3A_544 : i32
        %add3A_546 = arith.constant 8192 : i32
        %add3A_547 = arith.addi %add3A_546, %mul3A_545 : i32
        %get3A_548 = arith.index_cast %add3A_547 : i32 to index
        %get3A_549 = tpu.vector_load %arg10[%get3A_548] {strides = array<i32>} : memref<16384xi32, #tpu.memory_space<vmem>>, vector<16xi32>,
        %add3A_550 = arith.addi %add3A_542, %get3A_549 : vector<16xi32>
        %mul3A_551 = arith.constant 255 : i32
        %mul3A_552 = arith.constant 16 : i32
        %mul3A_553 = arith.muli %mul3A_551, %mul3A_552 : i32
        %add3A_554 = arith.constant 12288 : i32
        %add3A_555 = arith.addi %add3A_554, %mul3A_553 : i32
        %get3A_556 = arith.index_cast %add3A_555 : i32 to index
        %get3A_557 = tpu.vector_load %arg10[%get3A_556] {strides = array<i32>} : memref<16384xi32, #tpu.memory_space<vmem>>, vector<16xi32>,
        %add3A_558 = arith.addi %add3A_550, %get3A_557 : vector<16xi32>
        %reduce_sum3A_559 = arith.constant true
        %reduce_sum3A_560 = vector.broadcast %reduce_sum3A_559 : i1 to vector<16xi1>
        %reduce_sum3A_561 = tpu.scan <sum>, %add3A_558 masked %reduce_sum3A_560 : vector<16xi32>, vector<16xi1> -> vector<16xi32>
        %reduce_sum3A_562 = vector.extract %reduce_sum3A_561[15] : i32 from vector<16xi32>
        %while3A_563 = arith.constant 255 : i32
        %while3A_564:3 = scf.while (%while3A_576 = %while3A_563, %while3A_577 = %while3A_509#1, %while3A_578 = %reduce_sum3A_562) : (i32, i32, i32) -> (i32, i32, i32) {
          %add3A_579 = arith.addi %while3A_577, %while3A_578 : i32
          %lt3A_580 = arith.constant 300 : i32
          %lt3A_581 = arith.cmpi slt, %add3A_579, %lt3A_580 : i32
          scf.condition(%lt3A_581) %while3A_576, %while3A_577, %while3A_578 : i32, i32, i32
        } do {
        ^bb0(%while3A_576: i32, %while3A_577: i32, %while3A_578: i32):
          %sub3A_579 = arith.constant 1 : i32
          %sub3A_580 = arith.subi %while3A_576, %sub3A_579 : i32
          %add3A_581 = arith.addi %while3A_577, %while3A_578 : i32
          %mul3A_582 = arith.constant 16 : i32
          %mul3A_583 = arith.muli %sub3A_580, %mul3A_582 : i32
          %get3A_584 = arith.index_cast %mul3A_583 : i32 to index
          %get3A_585 = tpu.vector_load %arg10[%get3A_584] {strides = array<i32>} : memref<16384xi32, #tpu.memory_space<vmem>>, vector<16xi32>,
          %mul3A_586 = arith.constant 16 : i32
          %mul3A_587 = arith.muli %sub3A_580, %mul3A_586 : i32
          %add3A_588 = arith.constant 4096 : i32
          %add3A_589 = arith.addi %add3A_588, %mul3A_587 : i32
          %get3A_590 = arith.index_cast %add3A_589 : i32 to index
          %get3A_591 = tpu.vector_load %arg10[%get3A_590] {strides = array<i32>} : memref<16384xi32, #tpu.memory_space<vmem>>, vector<16xi32>,
          %add3A_592 = arith.addi %get3A_585, %get3A_591 : vector<16xi32>
          %mul3A_593 = arith.constant 16 : i32
          %mul3A_594 = arith.muli %sub3A_580, %mul3A_593 : i32
          %add3A_595 = arith.constant 8192 : i32
          %add3A_596 = arith.addi %add3A_595, %mul3A_594 : i32
          %get3A_597 = arith.index_cast %add3A_596 : i32 to index
          %get3A_598 = tpu.vector_load %arg10[%get3A_597] {strides = array<i32>} : memref<16384xi32, #tpu.memory_space<vmem>>, vector<16xi32>,
          %add3A_599 = arith.addi %add3A_592, %get3A_598 : vector<16xi32>
          %mul3A_600 = arith.constant 16 : i32
          %mul3A_601 = arith.muli %sub3A_580, %mul3A_600 : i32
          %add3A_602 = arith.constant 12288 : i32
          %add3A_603 = arith.addi %add3A_602, %mul3A_601 : i32
          %get3A_604 = arith.index_cast %add3A_603 : i32 to index
          %get3A_605 = tpu.vector_load %arg10[%get3A_604] {strides = array<i32>} : memref<16384xi32, #tpu.memory_space<vmem>>, vector<16xi32>,
          %add3A_606 = arith.addi %add3A_599, %get3A_605 : vector<16xi32>
          %reduce_sum3A_607 = arith.constant true
          %reduce_sum3A_608 = vector.broadcast %reduce_sum3A_607 : i1 to vector<16xi1>
          %reduce_sum3A_609 = tpu.scan <sum>, %add3A_606 masked %reduce_sum3A_608 : vector<16xi32>, vector<16xi1> -> vector<16xi32>
          %reduce_sum3A_610 = vector.extract %reduce_sum3A_609[15] : i32 from vector<16xi32>
          scf.yield %sub3A_580, %add3A_581, %reduce_sum3A_610 : i32, i32, i32
        }
        %shift_left3A_565 = arith.constant 0 : i32
        %shift_left3A_566 = arith.shli %while3A_564#0, %shift_left3A_565 : i32
        %or3A_567 = arith.ori %or3A_512, %shift_left3A_566 : i32
        %sub3A_568 = arith.constant 300 : i32
        %sub3A_569 = arith.subi %sub3A_568, %while3A_564#1 : i32
        %parallel_loop3A_570 = arith.constant 0 : i32
        %parallel_loop3A_571 = arith.constant 1 : i32
        %parallel_loop3A_572 = arith.constant 0 : i32
        %parallel_loop3A_573 = arith.constant 0 : i32
        %parallel_loop3A_574:2 = scf.for %parallel_loop3A_576 = %parallel_loop3A_570 to %shift_right_arithmetic3A_402 step %parallel_loop3A_571 iter_args(%parallel_loop3A_577 = %parallel_loop3A_572, %parallel_loop3A_578 = %parallel_loop3A_573) -> (i32, i32)  : i32 {
          %parallel_loop3A_579 = arith.constant 16 : i32
          %parallel_loop3A_580 = arith.muli %parallel_loop3A_576, %parallel_loop3A_579 : i32
          %parallel_loop3A_581 = arith.index_cast %parallel_loop3A_580 : i32 to index
          %parallel_loop3A_582 = tpu.vector_load %arg11[%parallel_loop3A_581] {strides = array<i32>} : memref<4112xi32, #tpu.memory_space<vmem>>, vector<16xi32>,
          %parallel_loop3A_583 = arith.constant 16 : i32
          %parallel_loop3A_584 = arith.muli %parallel_loop3A_576, %parallel_loop3A_583 : i32
          %parallel_loop3A_585 = arith.index_cast %parallel_loop3A_584 : i32 to index
          %parallel_loop3A_586 = tpu.vector_load %arg12[%parallel_loop3A_585] {strides = array<i32>} : memref<4112xi32, #tpu.memory_space<vmem>>, vector<16xi32>,
          %parallel_loop3A_587 = arith.constant 16 : i32
          %parallel_loop3A_588 = arith.muli %parallel_loop3A_576, %parallel_loop3A_587 : i32
          %parallel_loop3A_589 = vector.broadcast %parallel_loop3A_588 : i32 to vector<16xi32>
          %parallel_loop3A_590 = arith.addi %iota3A, %parallel_loop3A_589 : vector<16xi32>
          %parallel_loop3A_591 = vector.broadcast %parallel_loop3A_398 : i32 to vector<16xi32>
          %parallel_loop3A_592 = arith.cmpi slt, %parallel_loop3A_590, %parallel_loop3A_591 : vector<16xi32>
          %parallel_loop3A_593 = vector.broadcast %or3A_567 : i32 to vector<16xi32>
          %parallel_loop3A_594 = arith.cmpi ugt, %parallel_loop3A_582, %parallel_loop3A_593 : vector<16xi32>
          %parallel_loop3A_595 = arith.andi %parallel_loop3A_594, %parallel_loop3A_592 : vector<16xi1>
          %parallel_loop3A_596 = vector.broadcast %or3A_567 : i32 to vector<16xi32>
          %parallel_loop3A_597 = arith.cmpi eq, %parallel_loop3A_582, %parallel_loop3A_596 : vector<16xi32>
          %parallel_loop3A_598 = arith.andi %parallel_loop3A_597, %parallel_loop3A_592 : vector<16xi1>
          %parallel_loop3A_599 = arith.extui %parallel_loop3A_598 : vector<16xi1> to vector<16xi32>
          %parallel_loop3A_600 = arith.constant true
          %parallel_loop3A_601 = vector.broadcast %parallel_loop3A_600 : i1 to vector<16xi1>
          %parallel_loop3A_602 = tpu.scan <sum>, %parallel_loop3A_599 masked %parallel_loop3A_601 : vector<16xi32>, vector<16xi1> -> vector<16xi32>
          %parallel_loop3A_603 = vector.broadcast %parallel_loop3A_578 : i32 to vector<16xi32>
          %parallel_loop3A_604 = arith.addi %parallel_loop3A_603, %parallel_loop3A_602 : vector<16xi32>
          %parallel_loop3A_605 = vector.broadcast %sub3A_569 : i32 to vector<16xi32>
          %parallel_loop3A_606 = arith.cmpi sle, %parallel_loop3A_604, %parallel_loop3A_605 : vector<16xi32>
          %parallel_loop3A_607 = arith.andi %parallel_loop3A_598, %parallel_loop3A_606 : vector<16xi1>
          %parallel_loop3A_608 = arith.ori %parallel_loop3A_595, %parallel_loop3A_607 : vector<16xi1>
          %parallel_loop3A_609 = vector.bitcast %parallel_loop3A_582 : vector<16xi32> to vector<16xi32>
          %parallel_loop3A_610 = arith.index_cast %parallel_loop3A_577 : i32 to index
          %parallel_loop3A_611 = tpu.vector_load %arg13[%parallel_loop3A_610] masked %parallel_loop3A_608 {strides = array<i32>} : memref<304xi32, #tpu.memory_space<vmem>>, vector<16xi32>, vector<16xi1>
          tpu.vector_store %arg13[%parallel_loop3A_610], %parallel_loop3A_609 masked %parallel_loop3A_608 {strides = array<i32>} : memref<304xi32, #tpu.memory_space<vmem>>, vector<16xi32>, vector<16xi1>
          %parallel_loop3A_612 = arith.index_cast %parallel_loop3A_577 : i32 to index
          %parallel_loop3A_613 = tpu.vector_load %arg14[%parallel_loop3A_612] masked %parallel_loop3A_608 {strides = array<i32>} : memref<304xi32, #tpu.memory_space<vmem>>, vector<16xi32>, vector<16xi1>
          tpu.vector_store %arg14[%parallel_loop3A_612], %parallel_loop3A_586 masked %parallel_loop3A_608 {strides = array<i32>} : memref<304xi32, #tpu.memory_space<vmem>>, vector<16xi32>, vector<16xi1>
          %parallel_loop3A_614 = tpu.all_reduce %parallel_loop3A_608 {dim = 0 : i64, kind = #tpu.reduction_kind<sum>} : vector<16xi1> -> vector<16xi32>
          %parallel_loop3A_615 = vector.extract_strided_slice %parallel_loop3A_614 {offsets = [0], sizes = [1], strides = [1]} : vector<16xi32> to vector<1xi32>
          %parallel_loop3A_616 = vector.extract %parallel_loop3A_615[0] : i32 from vector<1xi32>
          %parallel_loop3A_617 = arith.addi %parallel_loop3A_577, %parallel_loop3A_616 : i32
          %parallel_loop3A_618 = tpu.all_reduce %parallel_loop3A_607 {dim = 0 : i64, kind = #tpu.reduction_kind<sum>} : vector<16xi1> -> vector<16xi32>
          %parallel_loop3A_619 = vector.extract_strided_slice %parallel_loop3A_618 {offsets = [0], sizes = [1], strides = [1]} : vector<16xi32> to vector<1xi32>
          %parallel_loop3A_620 = vector.extract %parallel_loop3A_619[0] : i32 from vector<1xi32>
          %parallel_loop3A_621 = arith.addi %parallel_loop3A_578, %parallel_loop3A_620 : i32
          scf.yield %parallel_loop3A_617, %parallel_loop3A_621 : i32, i32
        } {sc.loop_unroll_factor = 2 : i64, sc.parallel_access}
        %cond3A_575 = arith.constant 0 : i32
        scf.yield %cond3A_575 : i32
      }
      %and3A_174 = arith.constant 3 : i32
      %and3A_175 = vector.broadcast %and3A_174 : i32 to vector<16xi32>
      %and3A_176 = arith.andi %iota3A, %and3A_175 : vector<16xi32>
      %add3A_177 = arith.constant 300 : i32
      %add3A_178 = vector.broadcast %add3A_177 : i32 to vector<16xi32>
      %add3A_179 = arith.addi %and3A_176, %add3A_178 : vector<16xi32>
      %lt3A_180 = arith.constant 4 : i32
      %lt3A_181 = vector.broadcast %lt3A_180 : i32 to vector<16xi32>
      %lt3A_182 = arith.cmpi slt, %iota3A, %lt3A_181 : vector<16xi32>
      tpu.vector_store_idx %arg13[%add3A_179], %broadcast_in_dim3A_3 masked %lt3A_182 : memref<304xi32, #tpu.memory_space<vmem>>[vector<16xi32>], vector<16xi32>, vector<16xi1>
      %broadcast_in_dim3A_183 = arith.constant 2147483647 : i32
      %broadcast_in_dim3A_184 = vector.broadcast %broadcast_in_dim3A_183 : i32 to vector<16xi32>
      tpu.vector_store_idx %arg14[%add3A_179], %broadcast_in_dim3A_184 masked %lt3A_182 : memref<304xi32, #tpu.memory_space<vmem>>[vector<16xi32>], vector<16xi32>, vector<16xi1>
      %swap3A_185 = arith.constant 288 : index
      %swap3A_186 = tpu.vector_load %arg15[%swap3A_185] {strides = array<i32>} : memref<304xi32, #tpu.memory_space<vmem>>, vector<16xi32>,
      tpu.vector_store %arg15[%swap3A_185], %broadcast_in_dim3A_3 {strides = array<i32>} : memref<304xi32, #tpu.memory_space<vmem>>, vector<16xi32>,
      %swap3A_187 = arith.constant 288 : index
      %swap3A_188 = tpu.vector_load %arg16[%swap3A_187] {strides = array<i32>} : memref<304xi32, #tpu.memory_space<vmem>>, vector<16xi32>,
      tpu.vector_store %arg16[%swap3A_187], %broadcast_in_dim3A_3 {strides = array<i32>} : memref<304xi32, #tpu.memory_space<vmem>>, vector<16xi32>,
      %parallel_loop3A_189 = arith.constant 0 : i32
      %parallel_loop3A_190 = arith.constant 300 : i32
      %parallel_loop3A_191 = arith.constant 1 : i32
      %parallel_loop3A_192:19 = scf.for %parallel_loop3A_394 = %parallel_loop3A_189 to %parallel_loop3A_190 step %parallel_loop3A_191 iter_args(%parallel_loop3A_395 = %broadcast_in_dim3A_3, %parallel_loop3A_396 = %broadcast_in_dim3A_3, %parallel_loop3A_397 = %broadcast_in_dim3A_3, %parallel_loop3A_398 = %broadcast_in_dim3A_3, %parallel_loop3A_399 = %broadcast_in_dim3A_3, %parallel_loop3A_400 = %broadcast_in_dim3A_3, %parallel_loop3A_401 = %broadcast_in_dim3A_3, %parallel_loop3A_402 = %broadcast_in_dim3A_3, %parallel_loop3A_403 = %broadcast_in_dim3A_3, %parallel_loop3A_404 = %broadcast_in_dim3A_3, %parallel_loop3A_405 = %broadcast_in_dim3A_3, %parallel_loop3A_406 = %broadcast_in_dim3A_3, %parallel_loop3A_407 = %broadcast_in_dim3A_3, %parallel_loop3A_408 = %broadcast_in_dim3A_3, %parallel_loop3A_409 = %broadcast_in_dim3A_3, %parallel_loop3A_410 = %broadcast_in_dim3A_3, %parallel_loop3A_411 = %broadcast_in_dim3A_3, %parallel_loop3A_412 = %broadcast_in_dim3A_3, %parallel_loop3A_413 = %broadcast_in_dim3A_3) -> (vector<16xi32>, vector<16xi32>, vector<16xi32>, vector<16xi32>, vector<16xi32>, vector<16xi32>, vector<16xi32>, vector<16xi32>, vector<16xi32>, vector<16xi32>, vector<16xi32>, vector<16xi32>, vector<16xi32>, vector<16xi32>, vector<16xi32>, vector<16xi32>, vector<16xi32>, vector<16xi32>, vector<16xi32>)  : i32 {
        %parallel_loop3A_414 = vector.broadcast %parallel_loop3A_394 : i32 to vector<16xi32>
        %parallel_loop3A_415 = arith.addi %broadcast_in_dim3A_3, %parallel_loop3A_414 : vector<16xi32>
        %parallel_loop3A_416 = tpu.vector_load_idx %arg13[%parallel_loop3A_415] : memref<304xi32, #tpu.memory_space<vmem>>[vector<16xi32>], vector<16xi32>,
        %parallel_loop3A_417 = vector.bitcast %parallel_loop3A_416 : vector<16xi32> to vector<16xi32>
        %parallel_loop3A_418 = tpu.vector_load_idx %arg14[%parallel_loop3A_415] : memref<304xi32, #tpu.memory_space<vmem>>[vector<16xi32>], vector<16xi32>,
        %parallel_loop3A_419 = arith.constant 0 : index
        %parallel_loop3A_420 = tpu.vector_load %arg13[%parallel_loop3A_419] {strides = array<i32>} : memref<304xi32, #tpu.memory_space<vmem>>, vector<16xi32>,
        %parallel_loop3A_421 = vector.bitcast %parallel_loop3A_420 : vector<16xi32> to vector<16xi32>
        %parallel_loop3A_422 = arith.constant 0 : index
        %parallel_loop3A_423 = tpu.vector_load %arg14[%parallel_loop3A_422] {strides = array<i32>} : memref<304xi32, #tpu.memory_space<vmem>>, vector<16xi32>,
        %parallel_loop3A_424 = arith.cmpi ugt, %parallel_loop3A_417, %parallel_loop3A_421 : vector<16xi32>
        %parallel_loop3A_425 = arith.cmpi eq, %parallel_loop3A_417, %parallel_loop3A_421 : vector<16xi32>
        %parallel_loop3A_426 = arith.cmpi slt, %parallel_loop3A_418, %parallel_loop3A_423 : vector<16xi32>
        %parallel_loop3A_427 = arith.andi %parallel_loop3A_425, %parallel_loop3A_426 : vector<16xi1>
        %parallel_loop3A_428 = arith.ori %parallel_loop3A_424, %parallel_loop3A_427 : vector<16xi1>
        %parallel_loop3A_429 = arith.extui %parallel_loop3A_428 : vector<16xi1> to vector<16xi32>
        %parallel_loop3A_430 = arith.addi %parallel_loop3A_395, %parallel_loop3A_429 : vector<16xi32>
        %parallel_loop3A_431 = arith.constant 16 : index
        %parallel_loop3A_432 = tpu.vector_load %arg13[%parallel_loop3A_431] {strides = array<i32>} : memref<304xi32, #tpu.memory_space<vmem>>, vector<16xi32>,
        %parallel_loop3A_433 = vector.bitcast %parallel_loop3A_432 : vector<16xi32> to vector<16xi32>
        %parallel_loop3A_434 = arith.constant 16 : index
        %parallel_loop3A_435 = tpu.vector_load %arg14[%parallel_loop3A_434] {strides = array<i32>} : memref<304xi32, #tpu.memory_space<vmem>>, vector<16xi32>,
        %parallel_loop3A_436 = arith.cmpi ugt, %parallel_loop3A_417, %parallel_loop3A_433 : vector<16xi32>
        %parallel_loop3A_437 = arith.cmpi eq, %parallel_loop3A_417, %parallel_loop3A_433 : vector<16xi32>
        %parallel_loop3A_438 = arith.cmpi slt, %parallel_loop3A_418, %parallel_loop3A_435 : vector<16xi32>
        %parallel_loop3A_439 = arith.andi %parallel_loop3A_437, %parallel_loop3A_438 : vector<16xi1>
        %parallel_loop3A_440 = arith.ori %parallel_loop3A_436, %parallel_loop3A_439 : vector<16xi1>
        %parallel_loop3A_441 = arith.extui %parallel_loop3A_440 : vector<16xi1> to vector<16xi32>
        %parallel_loop3A_442 = arith.addi %parallel_loop3A_396, %parallel_loop3A_441 : vector<16xi32>
        %parallel_loop3A_443 = arith.constant 32 : index
        %parallel_loop3A_444 = tpu.vector_load %arg13[%parallel_loop3A_443] {strides = array<i32>} : memref<304xi32, #tpu.memory_space<vmem>>, vector<16xi32>,
        %parallel_loop3A_445 = vector.bitcast %parallel_loop3A_444 : vector<16xi32> to vector<16xi32>
        %parallel_loop3A_446 = arith.constant 32 : index
        %parallel_loop3A_447 = tpu.vector_load %arg14[%parallel_loop3A_446] {strides = array<i32>} : memref<304xi32, #tpu.memory_space<vmem>>, vector<16xi32>,
        %parallel_loop3A_448 = arith.cmpi ugt, %parallel_loop3A_417, %parallel_loop3A_445 : vector<16xi32>
        %parallel_loop3A_449 = arith.cmpi eq, %parallel_loop3A_417, %parallel_loop3A_445 : vector<16xi32>
        %parallel_loop3A_450 = arith.cmpi slt, %parallel_loop3A_418, %parallel_loop3A_447 : vector<16xi32>
        %parallel_loop3A_451 = arith.andi %parallel_loop3A_449, %parallel_loop3A_450 : vector<16xi1>
        %parallel_loop3A_452 = arith.ori %parallel_loop3A_448, %parallel_loop3A_451 : vector<16xi1>
        %parallel_loop3A_453 = arith.extui %parallel_loop3A_452 : vector<16xi1> to vector<16xi32>
        %parallel_loop3A_454 = arith.addi %parallel_loop3A_397, %parallel_loop3A_453 : vector<16xi32>
        %parallel_loop3A_455 = arith.constant 48 : index
        %parallel_loop3A_456 = tpu.vector_load %arg13[%parallel_loop3A_455] {strides = array<i32>} : memref<304xi32, #tpu.memory_space<vmem>>, vector<16xi32>,
        %parallel_loop3A_457 = vector.bitcast %parallel_loop3A_456 : vector<16xi32> to vector<16xi32>
        %parallel_loop3A_458 = arith.constant 48 : index
        %parallel_loop3A_459 = tpu.vector_load %arg14[%parallel_loop3A_458] {strides = array<i32>} : memref<304xi32, #tpu.memory_space<vmem>>, vector<16xi32>,
        %parallel_loop3A_460 = arith.cmpi ugt, %parallel_loop3A_417, %parallel_loop3A_457 : vector<16xi32>
        %parallel_loop3A_461 = arith.cmpi eq, %parallel_loop3A_417, %parallel_loop3A_457 : vector<16xi32>
        %parallel_loop3A_462 = arith.cmpi slt, %parallel_loop3A_418, %parallel_loop3A_459 : vector<16xi32>
        %parallel_loop3A_463 = arith.andi %parallel_loop3A_461, %parallel_loop3A_462 : vector<16xi1>
        %parallel_loop3A_464 = arith.ori %parallel_loop3A_460, %parallel_loop3A_463 : vector<16xi1>
        %parallel_loop3A_465 = arith.extui %parallel_loop3A_464 : vector<16xi1> to vector<16xi32>
        %parallel_loop3A_466 = arith.addi %parallel_loop3A_398, %parallel_loop3A_465 : vector<16xi32>
        %parallel_loop3A_467 = arith.constant 64 : index
        %parallel_loop3A_468 = tpu.vector_load %arg13[%parallel_loop3A_467] {strides = array<i32>} : memref<304xi32, #tpu.memory_space<vmem>>, vector<16xi32>,
        %parallel_loop3A_469 = vector.bitcast %parallel_loop3A_468 : vector<16xi32> to vector<16xi32>
        %parallel_loop3A_470 = arith.constant 64 : index
        %parallel_loop3A_471 = tpu.vector_load %arg14[%parallel_loop3A_470] {strides = array<i32>} : memref<304xi32, #tpu.memory_space<vmem>>, vector<16xi32>,
        %parallel_loop3A_472 = arith.cmpi ugt, %parallel_loop3A_417, %parallel_loop3A_469 : vector<16xi32>
        %parallel_loop3A_473 = arith.cmpi eq, %parallel_loop3A_417, %parallel_loop3A_469 : vector<16xi32>
        %parallel_loop3A_474 = arith.cmpi slt, %parallel_loop3A_418, %parallel_loop3A_471 : vector<16xi32>
        %parallel_loop3A_475 = arith.andi %parallel_loop3A_473, %parallel_loop3A_474 : vector<16xi1>
        %parallel_loop3A_476 = arith.ori %parallel_loop3A_472, %parallel_loop3A_475 : vector<16xi1>
        %parallel_loop3A_477 = arith.extui %parallel_loop3A_476 : vector<16xi1> to vector<16xi32>
        %parallel_loop3A_478 = arith.addi %parallel_loop3A_399, %parallel_loop3A_477 : vector<16xi32>
        %parallel_loop3A_479 = arith.constant 80 : index
        %parallel_loop3A_480 = tpu.vector_load %arg13[%parallel_loop3A_479] {strides = array<i32>} : memref<304xi32, #tpu.memory_space<vmem>>, vector<16xi32>,
        %parallel_loop3A_481 = vector.bitcast %parallel_loop3A_480 : vector<16xi32> to vector<16xi32>
        %parallel_loop3A_482 = arith.constant 80 : index
        %parallel_loop3A_483 = tpu.vector_load %arg14[%parallel_loop3A_482] {strides = array<i32>} : memref<304xi32, #tpu.memory_space<vmem>>, vector<16xi32>,
        %parallel_loop3A_484 = arith.cmpi ugt, %parallel_loop3A_417, %parallel_loop3A_481 : vector<16xi32>
        %parallel_loop3A_485 = arith.cmpi eq, %parallel_loop3A_417, %parallel_loop3A_481 : vector<16xi32>
        %parallel_loop3A_486 = arith.cmpi slt, %parallel_loop3A_418, %parallel_loop3A_483 : vector<16xi32>
        %parallel_loop3A_487 = arith.andi %parallel_loop3A_485, %parallel_loop3A_486 : vector<16xi1>
        %parallel_loop3A_488 = arith.ori %parallel_loop3A_484, %parallel_loop3A_487 : vector<16xi1>
        %parallel_loop3A_489 = arith.extui %parallel_loop3A_488 : vector<16xi1> to vector<16xi32>
        %parallel_loop3A_490 = arith.addi %parallel_loop3A_400, %parallel_loop3A_489 : vector<16xi32>
        %parallel_loop3A_491 = arith.constant 96 : index
        %parallel_loop3A_492 = tpu.vector_load %arg13[%parallel_loop3A_491] {strides = array<i32>} : memref<304xi32, #tpu.memory_space<vmem>>, vector<16xi32>,
        %parallel_loop3A_493 = vector.bitcast %parallel_loop3A_492 : vector<16xi32> to vector<16xi32>
        %parallel_loop3A_494 = arith.constant 96 : index
        %parallel_loop3A_495 = tpu.vector_load %arg14[%parallel_loop3A_494] {strides = array<i32>} : memref<304xi32, #tpu.memory_space<vmem>>, vector<16xi32>,
        %parallel_loop3A_496 = arith.cmpi ugt, %parallel_loop3A_417, %parallel_loop3A_493 : vector<16xi32>
        %parallel_loop3A_497 = arith.cmpi eq, %parallel_loop3A_417, %parallel_loop3A_493 : vector<16xi32>
        %parallel_loop3A_498 = arith.cmpi slt, %parallel_loop3A_418, %parallel_loop3A_495 : vector<16xi32>
        %parallel_loop3A_499 = arith.andi %parallel_loop3A_497, %parallel_loop3A_498 : vector<16xi1>
        %parallel_loop3A_500 = arith.ori %parallel_loop3A_496, %parallel_loop3A_499 : vector<16xi1>
        %parallel_loop3A_501 = arith.extui %parallel_loop3A_500 : vector<16xi1> to vector<16xi32>
        %parallel_loop3A_502 = arith.addi %parallel_loop3A_401, %parallel_loop3A_501 : vector<16xi32>
        %parallel_loop3A_503 = arith.constant 112 : index
        %parallel_loop3A_504 = tpu.vector_load %arg13[%parallel_loop3A_503] {strides = array<i32>} : memref<304xi32, #tpu.memory_space<vmem>>, vector<16xi32>,
        %parallel_loop3A_505 = vector.bitcast %parallel_loop3A_504 : vector<16xi32> to vector<16xi32>
        %parallel_loop3A_506 = arith.constant 112 : index
        %parallel_loop3A_507 = tpu.vector_load %arg14[%parallel_loop3A_506] {strides = array<i32>} : memref<304xi32, #tpu.memory_space<vmem>>, vector<16xi32>,
        %parallel_loop3A_508 = arith.cmpi ugt, %parallel_loop3A_417, %parallel_loop3A_505 : vector<16xi32>
        %parallel_loop3A_509 = arith.cmpi eq, %parallel_loop3A_417, %parallel_loop3A_505 : vector<16xi32>
        %parallel_loop3A_510 = arith.cmpi slt, %parallel_loop3A_418, %parallel_loop3A_507 : vector<16xi32>
        %parallel_loop3A_511 = arith.andi %parallel_loop3A_509, %parallel_loop3A_510 : vector<16xi1>
        %parallel_loop3A_512 = arith.ori %parallel_loop3A_508, %parallel_loop3A_511 : vector<16xi1>
        %parallel_loop3A_513 = arith.extui %parallel_loop3A_512 : vector<16xi1> to vector<16xi32>
        %parallel_loop3A_514 = arith.addi %parallel_loop3A_402, %parallel_loop3A_513 : vector<16xi32>
        %parallel_loop3A_515 = arith.constant 128 : index
        %parallel_loop3A_516 = tpu.vector_load %arg13[%parallel_loop3A_515] {strides = array<i32>} : memref<304xi32, #tpu.memory_space<vmem>>, vector<16xi32>,
        %parallel_loop3A_517 = vector.bitcast %parallel_loop3A_516 : vector<16xi32> to vector<16xi32>
        %parallel_loop3A_518 = arith.constant 128 : index
        %parallel_loop3A_519 = tpu.vector_load %arg14[%parallel_loop3A_518] {strides = array<i32>} : memref<304xi32, #tpu.memory_space<vmem>>, vector<16xi32>,
        %parallel_loop3A_520 = arith.cmpi ugt, %parallel_loop3A_417, %parallel_loop3A_517 : vector<16xi32>
        %parallel_loop3A_521 = arith.cmpi eq, %parallel_loop3A_417, %parallel_loop3A_517 : vector<16xi32>
        %parallel_loop3A_522 = arith.cmpi slt, %parallel_loop3A_418, %parallel_loop3A_519 : vector<16xi32>
        %parallel_loop3A_523 = arith.andi %parallel_loop3A_521, %parallel_loop3A_522 : vector<16xi1>
        %parallel_loop3A_524 = arith.ori %parallel_loop3A_520, %parallel_loop3A_523 : vector<16xi1>
        %parallel_loop3A_525 = arith.extui %parallel_loop3A_524 : vector<16xi1> to vector<16xi32>
        %parallel_loop3A_526 = arith.addi %parallel_loop3A_403, %parallel_loop3A_525 : vector<16xi32>
        %parallel_loop3A_527 = arith.constant 144 : index
        %parallel_loop3A_528 = tpu.vector_load %arg13[%parallel_loop3A_527] {strides = array<i32>} : memref<304xi32, #tpu.memory_space<vmem>>, vector<16xi32>,
        %parallel_loop3A_529 = vector.bitcast %parallel_loop3A_528 : vector<16xi32> to vector<16xi32>
        %parallel_loop3A_530 = arith.constant 144 : index
        %parallel_loop3A_531 = tpu.vector_load %arg14[%parallel_loop3A_530] {strides = array<i32>} : memref<304xi32, #tpu.memory_space<vmem>>, vector<16xi32>,
        %parallel_loop3A_532 = arith.cmpi ugt, %parallel_loop3A_417, %parallel_loop3A_529 : vector<16xi32>
        %parallel_loop3A_533 = arith.cmpi eq, %parallel_loop3A_417, %parallel_loop3A_529 : vector<16xi32>
        %parallel_loop3A_534 = arith.cmpi slt, %parallel_loop3A_418, %parallel_loop3A_531 : vector<16xi32>
        %parallel_loop3A_535 = arith.andi %parallel_loop3A_533, %parallel_loop3A_534 : vector<16xi1>
        %parallel_loop3A_536 = arith.ori %parallel_loop3A_532, %parallel_loop3A_535 : vector<16xi1>
        %parallel_loop3A_537 = arith.extui %parallel_loop3A_536 : vector<16xi1> to vector<16xi32>
        %parallel_loop3A_538 = arith.addi %parallel_loop3A_404, %parallel_loop3A_537 : vector<16xi32>
        %parallel_loop3A_539 = arith.constant 160 : index
        %parallel_loop3A_540 = tpu.vector_load %arg13[%parallel_loop3A_539] {strides = array<i32>} : memref<304xi32, #tpu.memory_space<vmem>>, vector<16xi32>,
        %parallel_loop3A_541 = vector.bitcast %parallel_loop3A_540 : vector<16xi32> to vector<16xi32>
        %parallel_loop3A_542 = arith.constant 160 : index
        %parallel_loop3A_543 = tpu.vector_load %arg14[%parallel_loop3A_542] {strides = array<i32>} : memref<304xi32, #tpu.memory_space<vmem>>, vector<16xi32>,
        %parallel_loop3A_544 = arith.cmpi ugt, %parallel_loop3A_417, %parallel_loop3A_541 : vector<16xi32>
        %parallel_loop3A_545 = arith.cmpi eq, %parallel_loop3A_417, %parallel_loop3A_541 : vector<16xi32>
        %parallel_loop3A_546 = arith.cmpi slt, %parallel_loop3A_418, %parallel_loop3A_543 : vector<16xi32>
        %parallel_loop3A_547 = arith.andi %parallel_loop3A_545, %parallel_loop3A_546 : vector<16xi1>
        %parallel_loop3A_548 = arith.ori %parallel_loop3A_544, %parallel_loop3A_547 : vector<16xi1>
        %parallel_loop3A_549 = arith.extui %parallel_loop3A_548 : vector<16xi1> to vector<16xi32>
        %parallel_loop3A_550 = arith.addi %parallel_loop3A_405, %parallel_loop3A_549 : vector<16xi32>
        %parallel_loop3A_551 = arith.constant 176 : index
        %parallel_loop3A_552 = tpu.vector_load %arg13[%parallel_loop3A_551] {strides = array<i32>} : memref<304xi32, #tpu.memory_space<vmem>>, vector<16xi32>,
        %parallel_loop3A_553 = vector.bitcast %parallel_loop3A_552 : vector<16xi32> to vector<16xi32>
        %parallel_loop3A_554 = arith.constant 176 : index
        %parallel_loop3A_555 = tpu.vector_load %arg14[%parallel_loop3A_554] {strides = array<i32>} : memref<304xi32, #tpu.memory_space<vmem>>, vector<16xi32>,
        %parallel_loop3A_556 = arith.cmpi ugt, %parallel_loop3A_417, %parallel_loop3A_553 : vector<16xi32>
        %parallel_loop3A_557 = arith.cmpi eq, %parallel_loop3A_417, %parallel_loop3A_553 : vector<16xi32>
        %parallel_loop3A_558 = arith.cmpi slt, %parallel_loop3A_418, %parallel_loop3A_555 : vector<16xi32>
        %parallel_loop3A_559 = arith.andi %parallel_loop3A_557, %parallel_loop3A_558 : vector<16xi1>
        %parallel_loop3A_560 = arith.ori %parallel_loop3A_556, %parallel_loop3A_559 : vector<16xi1>
        %parallel_loop3A_561 = arith.extui %parallel_loop3A_560 : vector<16xi1> to vector<16xi32>
        %parallel_loop3A_562 = arith.addi %parallel_loop3A_406, %parallel_loop3A_561 : vector<16xi32>
        %parallel_loop3A_563 = arith.constant 192 : index
        %parallel_loop3A_564 = tpu.vector_load %arg13[%parallel_loop3A_563] {strides = array<i32>} : memref<304xi32, #tpu.memory_space<vmem>>, vector<16xi32>,
        %parallel_loop3A_565 = vector.bitcast %parallel_loop3A_564 : vector<16xi32> to vector<16xi32>
        %parallel_loop3A_566 = arith.constant 192 : index
        %parallel_loop3A_567 = tpu.vector_load %arg14[%parallel_loop3A_566] {strides = array<i32>} : memref<304xi32, #tpu.memory_space<vmem>>, vector<16xi32>,
        %parallel_loop3A_568 = arith.cmpi ugt, %parallel_loop3A_417, %parallel_loop3A_565 : vector<16xi32>
        %parallel_loop3A_569 = arith.cmpi eq, %parallel_loop3A_417, %parallel_loop3A_565 : vector<16xi32>
        %parallel_loop3A_570 = arith.cmpi slt, %parallel_loop3A_418, %parallel_loop3A_567 : vector<16xi32>
        %parallel_loop3A_571 = arith.andi %parallel_loop3A_569, %parallel_loop3A_570 : vector<16xi1>
        %parallel_loop3A_572 = arith.ori %parallel_loop3A_568, %parallel_loop3A_571 : vector<16xi1>
        %parallel_loop3A_573 = arith.extui %parallel_loop3A_572 : vector<16xi1> to vector<16xi32>
        %parallel_loop3A_574 = arith.addi %parallel_loop3A_407, %parallel_loop3A_573 : vector<16xi32>
        %parallel_loop3A_575 = arith.constant 208 : index
        %parallel_loop3A_576 = tpu.vector_load %arg13[%parallel_loop3A_575] {strides = array<i32>} : memref<304xi32, #tpu.memory_space<vmem>>, vector<16xi32>,
        %parallel_loop3A_577 = vector.bitcast %parallel_loop3A_576 : vector<16xi32> to vector<16xi32>
        %parallel_loop3A_578 = arith.constant 208 : index
        %parallel_loop3A_579 = tpu.vector_load %arg14[%parallel_loop3A_578] {strides = array<i32>} : memref<304xi32, #tpu.memory_space<vmem>>, vector<16xi32>,
        %parallel_loop3A_580 = arith.cmpi ugt, %parallel_loop3A_417, %parallel_loop3A_577 : vector<16xi32>
        %parallel_loop3A_581 = arith.cmpi eq, %parallel_loop3A_417, %parallel_loop3A_577 : vector<16xi32>
        %parallel_loop3A_582 = arith.cmpi slt, %parallel_loop3A_418, %parallel_loop3A_579 : vector<16xi32>
        %parallel_loop3A_583 = arith.andi %parallel_loop3A_581, %parallel_loop3A_582 : vector<16xi1>
        %parallel_loop3A_584 = arith.ori %parallel_loop3A_580, %parallel_loop3A_583 : vector<16xi1>
        %parallel_loop3A_585 = arith.extui %parallel_loop3A_584 : vector<16xi1> to vector<16xi32>
        %parallel_loop3A_586 = arith.addi %parallel_loop3A_408, %parallel_loop3A_585 : vector<16xi32>
        %parallel_loop3A_587 = arith.constant 224 : index
        %parallel_loop3A_588 = tpu.vector_load %arg13[%parallel_loop3A_587] {strides = array<i32>} : memref<304xi32, #tpu.memory_space<vmem>>, vector<16xi32>,
        %parallel_loop3A_589 = vector.bitcast %parallel_loop3A_588 : vector<16xi32> to vector<16xi32>
        %parallel_loop3A_590 = arith.constant 224 : index
        %parallel_loop3A_591 = tpu.vector_load %arg14[%parallel_loop3A_590] {strides = array<i32>} : memref<304xi32, #tpu.memory_space<vmem>>, vector<16xi32>,
        %parallel_loop3A_592 = arith.cmpi ugt, %parallel_loop3A_417, %parallel_loop3A_589 : vector<16xi32>
        %parallel_loop3A_593 = arith.cmpi eq, %parallel_loop3A_417, %parallel_loop3A_589 : vector<16xi32>
        %parallel_loop3A_594 = arith.cmpi slt, %parallel_loop3A_418, %parallel_loop3A_591 : vector<16xi32>
        %parallel_loop3A_595 = arith.andi %parallel_loop3A_593, %parallel_loop3A_594 : vector<16xi1>
        %parallel_loop3A_596 = arith.ori %parallel_loop3A_592, %parallel_loop3A_595 : vector<16xi1>
        %parallel_loop3A_597 = arith.extui %parallel_loop3A_596 : vector<16xi1> to vector<16xi32>
        %parallel_loop3A_598 = arith.addi %parallel_loop3A_409, %parallel_loop3A_597 : vector<16xi32>
        %parallel_loop3A_599 = arith.constant 240 : index
        %parallel_loop3A_600 = tpu.vector_load %arg13[%parallel_loop3A_599] {strides = array<i32>} : memref<304xi32, #tpu.memory_space<vmem>>, vector<16xi32>,
        %parallel_loop3A_601 = vector.bitcast %parallel_loop3A_600 : vector<16xi32> to vector<16xi32>
        %parallel_loop3A_602 = arith.constant 240 : index
        %parallel_loop3A_603 = tpu.vector_load %arg14[%parallel_loop3A_602] {strides = array<i32>} : memref<304xi32, #tpu.memory_space<vmem>>, vector<16xi32>,
        %parallel_loop3A_604 = arith.cmpi ugt, %parallel_loop3A_417, %parallel_loop3A_601 : vector<16xi32>
        %parallel_loop3A_605 = arith.cmpi eq, %parallel_loop3A_417, %parallel_loop3A_601 : vector<16xi32>
        %parallel_loop3A_606 = arith.cmpi slt, %parallel_loop3A_418, %parallel_loop3A_603 : vector<16xi32>
        %parallel_loop3A_607 = arith.andi %parallel_loop3A_605, %parallel_loop3A_606 : vector<16xi1>
        %parallel_loop3A_608 = arith.ori %parallel_loop3A_604, %parallel_loop3A_607 : vector<16xi1>
        %parallel_loop3A_609 = arith.extui %parallel_loop3A_608 : vector<16xi1> to vector<16xi32>
        %parallel_loop3A_610 = arith.addi %parallel_loop3A_410, %parallel_loop3A_609 : vector<16xi32>
        %parallel_loop3A_611 = arith.constant 256 : index
        %parallel_loop3A_612 = tpu.vector_load %arg13[%parallel_loop3A_611] {strides = array<i32>} : memref<304xi32, #tpu.memory_space<vmem>>, vector<16xi32>,
        %parallel_loop3A_613 = vector.bitcast %parallel_loop3A_612 : vector<16xi32> to vector<16xi32>
        %parallel_loop3A_614 = arith.constant 256 : index
        %parallel_loop3A_615 = tpu.vector_load %arg14[%parallel_loop3A_614] {strides = array<i32>} : memref<304xi32, #tpu.memory_space<vmem>>, vector<16xi32>,
        %parallel_loop3A_616 = arith.cmpi ugt, %parallel_loop3A_417, %parallel_loop3A_613 : vector<16xi32>
        %parallel_loop3A_617 = arith.cmpi eq, %parallel_loop3A_417, %parallel_loop3A_613 : vector<16xi32>
        %parallel_loop3A_618 = arith.cmpi slt, %parallel_loop3A_418, %parallel_loop3A_615 : vector<16xi32>
        %parallel_loop3A_619 = arith.andi %parallel_loop3A_617, %parallel_loop3A_618 : vector<16xi1>
        %parallel_loop3A_620 = arith.ori %parallel_loop3A_616, %parallel_loop3A_619 : vector<16xi1>
        %parallel_loop3A_621 = arith.extui %parallel_loop3A_620 : vector<16xi1> to vector<16xi32>
        %parallel_loop3A_622 = arith.addi %parallel_loop3A_411, %parallel_loop3A_621 : vector<16xi32>
        %parallel_loop3A_623 = arith.constant 272 : index
        %parallel_loop3A_624 = tpu.vector_load %arg13[%parallel_loop3A_623] {strides = array<i32>} : memref<304xi32, #tpu.memory_space<vmem>>, vector<16xi32>,
        %parallel_loop3A_625 = vector.bitcast %parallel_loop3A_624 : vector<16xi32> to vector<16xi32>
        %parallel_loop3A_626 = arith.constant 272 : index
        %parallel_loop3A_627 = tpu.vector_load %arg14[%parallel_loop3A_626] {strides = array<i32>} : memref<304xi32, #tpu.memory_space<vmem>>, vector<16xi32>,
        %parallel_loop3A_628 = arith.cmpi ugt, %parallel_loop3A_417, %parallel_loop3A_625 : vector<16xi32>
        %parallel_loop3A_629 = arith.cmpi eq, %parallel_loop3A_417, %parallel_loop3A_625 : vector<16xi32>
        %parallel_loop3A_630 = arith.cmpi slt, %parallel_loop3A_418, %parallel_loop3A_627 : vector<16xi32>
        %parallel_loop3A_631 = arith.andi %parallel_loop3A_629, %parallel_loop3A_630 : vector<16xi1>
        %parallel_loop3A_632 = arith.ori %parallel_loop3A_628, %parallel_loop3A_631 : vector<16xi1>
        %parallel_loop3A_633 = arith.extui %parallel_loop3A_632 : vector<16xi1> to vector<16xi32>
        %parallel_loop3A_634 = arith.addi %parallel_loop3A_412, %parallel_loop3A_633 : vector<16xi32>
        %parallel_loop3A_635 = arith.constant 288 : index
        %parallel_loop3A_636 = tpu.vector_load %arg13[%parallel_loop3A_635] {strides = array<i32>} : memref<304xi32, #tpu.memory_space<vmem>>, vector<16xi32>,
        %parallel_loop3A_637 = vector.bitcast %parallel_loop3A_636 : vector<16xi32> to vector<16xi32>
        %parallel_loop3A_638 = arith.constant 288 : index
        %parallel_loop3A_639 = tpu.vector_load %arg14[%parallel_loop3A_638] {strides = array<i32>} : memref<304xi32, #tpu.memory_space<vmem>>, vector<16xi32>,
        %parallel_loop3A_640 = arith.cmpi ugt, %parallel_loop3A_417, %parallel_loop3A_637 : vector<16xi32>
        %parallel_loop3A_641 = arith.cmpi eq, %parallel_loop3A_417, %parallel_loop3A_637 : vector<16xi32>
        %parallel_loop3A_642 = arith.cmpi slt, %parallel_loop3A_418, %parallel_loop3A_639 : vector<16xi32>
        %parallel_loop3A_643 = arith.andi %parallel_loop3A_641, %parallel_loop3A_642 : vector<16xi1>
        %parallel_loop3A_644 = arith.ori %parallel_loop3A_640, %parallel_loop3A_643 : vector<16xi1>
        %parallel_loop3A_645 = arith.extui %parallel_loop3A_644 : vector<16xi1> to vector<16xi32>
        %parallel_loop3A_646 = arith.addi %parallel_loop3A_413, %parallel_loop3A_645 : vector<16xi32>
        scf.yield %parallel_loop3A_430, %parallel_loop3A_442, %parallel_loop3A_454, %parallel_loop3A_466, %parallel_loop3A_478, %parallel_loop3A_490, %parallel_loop3A_502, %parallel_loop3A_514, %parallel_loop3A_526, %parallel_loop3A_538, %parallel_loop3A_550, %parallel_loop3A_562, %parallel_loop3A_574, %parallel_loop3A_586, %parallel_loop3A_598, %parallel_loop3A_610, %parallel_loop3A_622, %parallel_loop3A_634, %parallel_loop3A_646 : vector<16xi32>, vector<16xi32>, vector<16xi32>, vector<16xi32>, vector<16xi32>, vector<16xi32>, vector<16xi32>, vector<16xi32>, vector<16xi32>, vector<16xi32>, vector<16xi32>, vector<16xi32>, vector<16xi32>, vector<16xi32>, vector<16xi32>, vector<16xi32>, vector<16xi32>, vector<16xi32>, vector<16xi32>
      } {sc.loop_unroll_factor = 2 : i64, sc.parallel_access}
      %add3A_193 = arith.constant 0 : i32
      %add3A_194 = vector.broadcast %add3A_193 : i32 to vector<16xi32>
      %add3A_195 = arith.addi %iota3A, %add3A_194 : vector<16xi32>
      %lt3A_196 = arith.constant 300 : i32
      %lt3A_197 = vector.broadcast %lt3A_196 : i32 to vector<16xi32>
      %lt3A_198 = arith.cmpi slt, %add3A_195, %lt3A_197 : vector<16xi32>
      %get3A_199 = arith.constant 0 : index
      %get3A_200 = tpu.vector_load %arg13[%get3A_199] {strides = array<i32>} : memref<304xi32, #tpu.memory_space<vmem>>, vector<16xi32>,
      tpu.vector_store_idx %arg15[%parallel_loop3A_192#0], %get3A_200 masked %lt3A_198 : memref<304xi32, #tpu.memory_space<vmem>>[vector<16xi32>], vector<16xi32>, vector<16xi1>
      %get3A_201 = arith.constant 0 : index
      %get3A_202 = tpu.vector_load %arg14[%get3A_201] {strides = array<i32>} : memref<304xi32, #tpu.memory_space<vmem>>, vector<16xi32>,
      tpu.vector_store_idx %arg16[%parallel_loop3A_192#0], %get3A_202 masked %lt3A_198 : memref<304xi32, #tpu.memory_space<vmem>>[vector<16xi32>], vector<16xi32>, vector<16xi1>
      %add3A_203 = arith.constant 16 : i32
      %add3A_204 = vector.broadcast %add3A_203 : i32 to vector<16xi32>
      %add3A_205 = arith.addi %iota3A, %add3A_204 : vector<16xi32>
      %lt3A_206 = arith.constant 300 : i32
      %lt3A_207 = vector.broadcast %lt3A_206 : i32 to vector<16xi32>
      %lt3A_208 = arith.cmpi slt, %add3A_205, %lt3A_207 : vector<16xi32>
      %get3A_209 = arith.constant 16 : index
      %get3A_210 = tpu.vector_load %arg13[%get3A_209] {strides = array<i32>} : memref<304xi32, #tpu.memory_space<vmem>>, vector<16xi32>,
      tpu.vector_store_idx %arg15[%parallel_loop3A_192#1], %get3A_210 masked %lt3A_208 : memref<304xi32, #tpu.memory_space<vmem>>[vector<16xi32>], vector<16xi32>, vector<16xi1>
      %get3A_211 = arith.constant 16 : index
      %get3A_212 = tpu.vector_load %arg14[%get3A_211] {strides = array<i32>} : memref<304xi32, #tpu.memory_space<vmem>>, vector<16xi32>,
      tpu.vector_store_idx %arg16[%parallel_loop3A_192#1], %get3A_212 masked %lt3A_208 : memref<304xi32, #tpu.memory_space<vmem>>[vector<16xi32>], vector<16xi32>, vector<16xi1>
      %add3A_213 = arith.constant 32 : i32
      %add3A_214 = vector.broadcast %add3A_213 : i32 to vector<16xi32>
      %add3A_215 = arith.addi %iota3A, %add3A_214 : vector<16xi32>
      %lt3A_216 = arith.constant 300 : i32
      %lt3A_217 = vector.broadcast %lt3A_216 : i32 to vector<16xi32>
      %lt3A_218 = arith.cmpi slt, %add3A_215, %lt3A_217 : vector<16xi32>
      %get3A_219 = arith.constant 32 : index
      %get3A_220 = tpu.vector_load %arg13[%get3A_219] {strides = array<i32>} : memref<304xi32, #tpu.memory_space<vmem>>, vector<16xi32>,
      tpu.vector_store_idx %arg15[%parallel_loop3A_192#2], %get3A_220 masked %lt3A_218 : memref<304xi32, #tpu.memory_space<vmem>>[vector<16xi32>], vector<16xi32>, vector<16xi1>
      %get3A_221 = arith.constant 32 : index
      %get3A_222 = tpu.vector_load %arg14[%get3A_221] {strides = array<i32>} : memref<304xi32, #tpu.memory_space<vmem>>, vector<16xi32>,
      tpu.vector_store_idx %arg16[%parallel_loop3A_192#2], %get3A_222 masked %lt3A_218 : memref<304xi32, #tpu.memory_space<vmem>>[vector<16xi32>], vector<16xi32>, vector<16xi1>
      %add3A_223 = arith.constant 48 : i32
      %add3A_224 = vector.broadcast %add3A_223 : i32 to vector<16xi32>
      %add3A_225 = arith.addi %iota3A, %add3A_224 : vector<16xi32>
      %lt3A_226 = arith.constant 300 : i32
      %lt3A_227 = vector.broadcast %lt3A_226 : i32 to vector<16xi32>
      %lt3A_228 = arith.cmpi slt, %add3A_225, %lt3A_227 : vector<16xi32>
      %get3A_229 = arith.constant 48 : index
      %get3A_230 = tpu.vector_load %arg13[%get3A_229] {strides = array<i32>} : memref<304xi32, #tpu.memory_space<vmem>>, vector<16xi32>,
      tpu.vector_store_idx %arg15[%parallel_loop3A_192#3], %get3A_230 masked %lt3A_228 : memref<304xi32, #tpu.memory_space<vmem>>[vector<16xi32>], vector<16xi32>, vector<16xi1>
      %get3A_231 = arith.constant 48 : index
      %get3A_232 = tpu.vector_load %arg14[%get3A_231] {strides = array<i32>} : memref<304xi32, #tpu.memory_space<vmem>>, vector<16xi32>,
      tpu.vector_store_idx %arg16[%parallel_loop3A_192#3], %get3A_232 masked %lt3A_228 : memref<304xi32, #tpu.memory_space<vmem>>[vector<16xi32>], vector<16xi32>, vector<16xi1>
      %add3A_233 = arith.constant 64 : i32
      %add3A_234 = vector.broadcast %add3A_233 : i32 to vector<16xi32>
      %add3A_235 = arith.addi %iota3A, %add3A_234 : vector<16xi32>
      %lt3A_236 = arith.constant 300 : i32
      %lt3A_237 = vector.broadcast %lt3A_236 : i32 to vector<16xi32>
      %lt3A_238 = arith.cmpi slt, %add3A_235, %lt3A_237 : vector<16xi32>
      %get3A_239 = arith.constant 64 : index
      %get3A_240 = tpu.vector_load %arg13[%get3A_239] {strides = array<i32>} : memref<304xi32, #tpu.memory_space<vmem>>, vector<16xi32>,
      tpu.vector_store_idx %arg15[%parallel_loop3A_192#4], %get3A_240 masked %lt3A_238 : memref<304xi32, #tpu.memory_space<vmem>>[vector<16xi32>], vector<16xi32>, vector<16xi1>
      %get3A_241 = arith.constant 64 : index
      %get3A_242 = tpu.vector_load %arg14[%get3A_241] {strides = array<i32>} : memref<304xi32, #tpu.memory_space<vmem>>, vector<16xi32>,
      tpu.vector_store_idx %arg16[%parallel_loop3A_192#4], %get3A_242 masked %lt3A_238 : memref<304xi32, #tpu.memory_space<vmem>>[vector<16xi32>], vector<16xi32>, vector<16xi1>
      %add3A_243 = arith.constant 80 : i32
      %add3A_244 = vector.broadcast %add3A_243 : i32 to vector<16xi32>
      %add3A_245 = arith.addi %iota3A, %add3A_244 : vector<16xi32>
      %lt3A_246 = arith.constant 300 : i32
      %lt3A_247 = vector.broadcast %lt3A_246 : i32 to vector<16xi32>
      %lt3A_248 = arith.cmpi slt, %add3A_245, %lt3A_247 : vector<16xi32>
      %get3A_249 = arith.constant 80 : index
      %get3A_250 = tpu.vector_load %arg13[%get3A_249] {strides = array<i32>} : memref<304xi32, #tpu.memory_space<vmem>>, vector<16xi32>,
      tpu.vector_store_idx %arg15[%parallel_loop3A_192#5], %get3A_250 masked %lt3A_248 : memref<304xi32, #tpu.memory_space<vmem>>[vector<16xi32>], vector<16xi32>, vector<16xi1>
      %get3A_251 = arith.constant 80 : index
      %get3A_252 = tpu.vector_load %arg14[%get3A_251] {strides = array<i32>} : memref<304xi32, #tpu.memory_space<vmem>>, vector<16xi32>,
      tpu.vector_store_idx %arg16[%parallel_loop3A_192#5], %get3A_252 masked %lt3A_248 : memref<304xi32, #tpu.memory_space<vmem>>[vector<16xi32>], vector<16xi32>, vector<16xi1>
      %add3A_253 = arith.constant 96 : i32
      %add3A_254 = vector.broadcast %add3A_253 : i32 to vector<16xi32>
      %add3A_255 = arith.addi %iota3A, %add3A_254 : vector<16xi32>
      %lt3A_256 = arith.constant 300 : i32
      %lt3A_257 = vector.broadcast %lt3A_256 : i32 to vector<16xi32>
      %lt3A_258 = arith.cmpi slt, %add3A_255, %lt3A_257 : vector<16xi32>
      %get3A_259 = arith.constant 96 : index
      %get3A_260 = tpu.vector_load %arg13[%get3A_259] {strides = array<i32>} : memref<304xi32, #tpu.memory_space<vmem>>, vector<16xi32>,
      tpu.vector_store_idx %arg15[%parallel_loop3A_192#6], %get3A_260 masked %lt3A_258 : memref<304xi32, #tpu.memory_space<vmem>>[vector<16xi32>], vector<16xi32>, vector<16xi1>
      %get3A_261 = arith.constant 96 : index
      %get3A_262 = tpu.vector_load %arg14[%get3A_261] {strides = array<i32>} : memref<304xi32, #tpu.memory_space<vmem>>, vector<16xi32>,
      tpu.vector_store_idx %arg16[%parallel_loop3A_192#6], %get3A_262 masked %lt3A_258 : memref<304xi32, #tpu.memory_space<vmem>>[vector<16xi32>], vector<16xi32>, vector<16xi1>
      %add3A_263 = arith.constant 112 : i32
      %add3A_264 = vector.broadcast %add3A_263 : i32 to vector<16xi32>
      %add3A_265 = arith.addi %iota3A, %add3A_264 : vector<16xi32>
      %lt3A_266 = arith.constant 300 : i32
      %lt3A_267 = vector.broadcast %lt3A_266 : i32 to vector<16xi32>
      %lt3A_268 = arith.cmpi slt, %add3A_265, %lt3A_267 : vector<16xi32>
      %get3A_269 = arith.constant 112 : index
      %get3A_270 = tpu.vector_load %arg13[%get3A_269] {strides = array<i32>} : memref<304xi32, #tpu.memory_space<vmem>>, vector<16xi32>,
      tpu.vector_store_idx %arg15[%parallel_loop3A_192#7], %get3A_270 masked %lt3A_268 : memref<304xi32, #tpu.memory_space<vmem>>[vector<16xi32>], vector<16xi32>, vector<16xi1>
      %get3A_271 = arith.constant 112 : index
      %get3A_272 = tpu.vector_load %arg14[%get3A_271] {strides = array<i32>} : memref<304xi32, #tpu.memory_space<vmem>>, vector<16xi32>,
      tpu.vector_store_idx %arg16[%parallel_loop3A_192#7], %get3A_272 masked %lt3A_268 : memref<304xi32, #tpu.memory_space<vmem>>[vector<16xi32>], vector<16xi32>, vector<16xi1>
      %add3A_273 = arith.constant 128 : i32
      %add3A_274 = vector.broadcast %add3A_273 : i32 to vector<16xi32>
      %add3A_275 = arith.addi %iota3A, %add3A_274 : vector<16xi32>
      %lt3A_276 = arith.constant 300 : i32
      %lt3A_277 = vector.broadcast %lt3A_276 : i32 to vector<16xi32>
      %lt3A_278 = arith.cmpi slt, %add3A_275, %lt3A_277 : vector<16xi32>
      %get3A_279 = arith.constant 128 : index
      %get3A_280 = tpu.vector_load %arg13[%get3A_279] {strides = array<i32>} : memref<304xi32, #tpu.memory_space<vmem>>, vector<16xi32>,
      tpu.vector_store_idx %arg15[%parallel_loop3A_192#8], %get3A_280 masked %lt3A_278 : memref<304xi32, #tpu.memory_space<vmem>>[vector<16xi32>], vector<16xi32>, vector<16xi1>
      %get3A_281 = arith.constant 128 : index
      %get3A_282 = tpu.vector_load %arg14[%get3A_281] {strides = array<i32>} : memref<304xi32, #tpu.memory_space<vmem>>, vector<16xi32>,
      tpu.vector_store_idx %arg16[%parallel_loop3A_192#8], %get3A_282 masked %lt3A_278 : memref<304xi32, #tpu.memory_space<vmem>>[vector<16xi32>], vector<16xi32>, vector<16xi1>
      %add3A_283 = arith.constant 144 : i32
      %add3A_284 = vector.broadcast %add3A_283 : i32 to vector<16xi32>
      %add3A_285 = arith.addi %iota3A, %add3A_284 : vector<16xi32>
      %lt3A_286 = arith.constant 300 : i32
      %lt3A_287 = vector.broadcast %lt3A_286 : i32 to vector<16xi32>
      %lt3A_288 = arith.cmpi slt, %add3A_285, %lt3A_287 : vector<16xi32>
      %get3A_289 = arith.constant 144 : index
      %get3A_290 = tpu.vector_load %arg13[%get3A_289] {strides = array<i32>} : memref<304xi32, #tpu.memory_space<vmem>>, vector<16xi32>,
      tpu.vector_store_idx %arg15[%parallel_loop3A_192#9], %get3A_290 masked %lt3A_288 : memref<304xi32, #tpu.memory_space<vmem>>[vector<16xi32>], vector<16xi32>, vector<16xi1>
      %get3A_291 = arith.constant 144 : index
      %get3A_292 = tpu.vector_load %arg14[%get3A_291] {strides = array<i32>} : memref<304xi32, #tpu.memory_space<vmem>>, vector<16xi32>,
      tpu.vector_store_idx %arg16[%parallel_loop3A_192#9], %get3A_292 masked %lt3A_288 : memref<304xi32, #tpu.memory_space<vmem>>[vector<16xi32>], vector<16xi32>, vector<16xi1>
      %add3A_293 = arith.constant 160 : i32
      %add3A_294 = vector.broadcast %add3A_293 : i32 to vector<16xi32>
      %add3A_295 = arith.addi %iota3A, %add3A_294 : vector<16xi32>
      %lt3A_296 = arith.constant 300 : i32
      %lt3A_297 = vector.broadcast %lt3A_296 : i32 to vector<16xi32>
      %lt3A_298 = arith.cmpi slt, %add3A_295, %lt3A_297 : vector<16xi32>
      %get3A_299 = arith.constant 160 : index
      %get3A_300 = tpu.vector_load %arg13[%get3A_299] {strides = array<i32>} : memref<304xi32, #tpu.memory_space<vmem>>, vector<16xi32>,
      tpu.vector_store_idx %arg15[%parallel_loop3A_192#10], %get3A_300 masked %lt3A_298 : memref<304xi32, #tpu.memory_space<vmem>>[vector<16xi32>], vector<16xi32>, vector<16xi1>
      %get3A_301 = arith.constant 160 : index
      %get3A_302 = tpu.vector_load %arg14[%get3A_301] {strides = array<i32>} : memref<304xi32, #tpu.memory_space<vmem>>, vector<16xi32>,
      tpu.vector_store_idx %arg16[%parallel_loop3A_192#10], %get3A_302 masked %lt3A_298 : memref<304xi32, #tpu.memory_space<vmem>>[vector<16xi32>], vector<16xi32>, vector<16xi1>
      %add3A_303 = arith.constant 176 : i32
      %add3A_304 = vector.broadcast %add3A_303 : i32 to vector<16xi32>
      %add3A_305 = arith.addi %iota3A, %add3A_304 : vector<16xi32>
      %lt3A_306 = arith.constant 300 : i32
      %lt3A_307 = vector.broadcast %lt3A_306 : i32 to vector<16xi32>
      %lt3A_308 = arith.cmpi slt, %add3A_305, %lt3A_307 : vector<16xi32>
      %get3A_309 = arith.constant 176 : index
      %get3A_310 = tpu.vector_load %arg13[%get3A_309] {strides = array<i32>} : memref<304xi32, #tpu.memory_space<vmem>>, vector<16xi32>,
      tpu.vector_store_idx %arg15[%parallel_loop3A_192#11], %get3A_310 masked %lt3A_308 : memref<304xi32, #tpu.memory_space<vmem>>[vector<16xi32>], vector<16xi32>, vector<16xi1>
      %get3A_311 = arith.constant 176 : index
      %get3A_312 = tpu.vector_load %arg14[%get3A_311] {strides = array<i32>} : memref<304xi32, #tpu.memory_space<vmem>>, vector<16xi32>,
      tpu.vector_store_idx %arg16[%parallel_loop3A_192#11], %get3A_312 masked %lt3A_308 : memref<304xi32, #tpu.memory_space<vmem>>[vector<16xi32>], vector<16xi32>, vector<16xi1>
      %add3A_313 = arith.constant 192 : i32
      %add3A_314 = vector.broadcast %add3A_313 : i32 to vector<16xi32>
      %add3A_315 = arith.addi %iota3A, %add3A_314 : vector<16xi32>
      %lt3A_316 = arith.constant 300 : i32
      %lt3A_317 = vector.broadcast %lt3A_316 : i32 to vector<16xi32>
      %lt3A_318 = arith.cmpi slt, %add3A_315, %lt3A_317 : vector<16xi32>
      %get3A_319 = arith.constant 192 : index
      %get3A_320 = tpu.vector_load %arg13[%get3A_319] {strides = array<i32>} : memref<304xi32, #tpu.memory_space<vmem>>, vector<16xi32>,
      tpu.vector_store_idx %arg15[%parallel_loop3A_192#12], %get3A_320 masked %lt3A_318 : memref<304xi32, #tpu.memory_space<vmem>>[vector<16xi32>], vector<16xi32>, vector<16xi1>
      %get3A_321 = arith.constant 192 : index
      %get3A_322 = tpu.vector_load %arg14[%get3A_321] {strides = array<i32>} : memref<304xi32, #tpu.memory_space<vmem>>, vector<16xi32>,
      tpu.vector_store_idx %arg16[%parallel_loop3A_192#12], %get3A_322 masked %lt3A_318 : memref<304xi32, #tpu.memory_space<vmem>>[vector<16xi32>], vector<16xi32>, vector<16xi1>
      %add3A_323 = arith.constant 208 : i32
      %add3A_324 = vector.broadcast %add3A_323 : i32 to vector<16xi32>
      %add3A_325 = arith.addi %iota3A, %add3A_324 : vector<16xi32>
      %lt3A_326 = arith.constant 300 : i32
      %lt3A_327 = vector.broadcast %lt3A_326 : i32 to vector<16xi32>
      %lt3A_328 = arith.cmpi slt, %add3A_325, %lt3A_327 : vector<16xi32>
      %get3A_329 = arith.constant 208 : index
      %get3A_330 = tpu.vector_load %arg13[%get3A_329] {strides = array<i32>} : memref<304xi32, #tpu.memory_space<vmem>>, vector<16xi32>,
      tpu.vector_store_idx %arg15[%parallel_loop3A_192#13], %get3A_330 masked %lt3A_328 : memref<304xi32, #tpu.memory_space<vmem>>[vector<16xi32>], vector<16xi32>, vector<16xi1>
      %get3A_331 = arith.constant 208 : index
      %get3A_332 = tpu.vector_load %arg14[%get3A_331] {strides = array<i32>} : memref<304xi32, #tpu.memory_space<vmem>>, vector<16xi32>,
      tpu.vector_store_idx %arg16[%parallel_loop3A_192#13], %get3A_332 masked %lt3A_328 : memref<304xi32, #tpu.memory_space<vmem>>[vector<16xi32>], vector<16xi32>, vector<16xi1>
      %add3A_333 = arith.constant 224 : i32
      %add3A_334 = vector.broadcast %add3A_333 : i32 to vector<16xi32>
      %add3A_335 = arith.addi %iota3A, %add3A_334 : vector<16xi32>
      %lt3A_336 = arith.constant 300 : i32
      %lt3A_337 = vector.broadcast %lt3A_336 : i32 to vector<16xi32>
      %lt3A_338 = arith.cmpi slt, %add3A_335, %lt3A_337 : vector<16xi32>
      %get3A_339 = arith.constant 224 : index
      %get3A_340 = tpu.vector_load %arg13[%get3A_339] {strides = array<i32>} : memref<304xi32, #tpu.memory_space<vmem>>, vector<16xi32>,
      tpu.vector_store_idx %arg15[%parallel_loop3A_192#14], %get3A_340 masked %lt3A_338 : memref<304xi32, #tpu.memory_space<vmem>>[vector<16xi32>], vector<16xi32>, vector<16xi1>
      %get3A_341 = arith.constant 224 : index
      %get3A_342 = tpu.vector_load %arg14[%get3A_341] {strides = array<i32>} : memref<304xi32, #tpu.memory_space<vmem>>, vector<16xi32>,
      tpu.vector_store_idx %arg16[%parallel_loop3A_192#14], %get3A_342 masked %lt3A_338 : memref<304xi32, #tpu.memory_space<vmem>>[vector<16xi32>], vector<16xi32>, vector<16xi1>
      %add3A_343 = arith.constant 240 : i32
      %add3A_344 = vector.broadcast %add3A_343 : i32 to vector<16xi32>
      %add3A_345 = arith.addi %iota3A, %add3A_344 : vector<16xi32>
      %lt3A_346 = arith.constant 300 : i32
      %lt3A_347 = vector.broadcast %lt3A_346 : i32 to vector<16xi32>
      %lt3A_348 = arith.cmpi slt, %add3A_345, %lt3A_347 : vector<16xi32>
      %get3A_349 = arith.constant 240 : index
      %get3A_350 = tpu.vector_load %arg13[%get3A_349] {strides = array<i32>} : memref<304xi32, #tpu.memory_space<vmem>>, vector<16xi32>,
      tpu.vector_store_idx %arg15[%parallel_loop3A_192#15], %get3A_350 masked %lt3A_348 : memref<304xi32, #tpu.memory_space<vmem>>[vector<16xi32>], vector<16xi32>, vector<16xi1>
      %get3A_351 = arith.constant 240 : index
      %get3A_352 = tpu.vector_load %arg14[%get3A_351] {strides = array<i32>} : memref<304xi32, #tpu.memory_space<vmem>>, vector<16xi32>,
      tpu.vector_store_idx %arg16[%parallel_loop3A_192#15], %get3A_352 masked %lt3A_348 : memref<304xi32, #tpu.memory_space<vmem>>[vector<16xi32>], vector<16xi32>, vector<16xi1>
      %add3A_353 = arith.constant 256 : i32
      %add3A_354 = vector.broadcast %add3A_353 : i32 to vector<16xi32>
      %add3A_355 = arith.addi %iota3A, %add3A_354 : vector<16xi32>
      %lt3A_356 = arith.constant 300 : i32
      %lt3A_357 = vector.broadcast %lt3A_356 : i32 to vector<16xi32>
      %lt3A_358 = arith.cmpi slt, %add3A_355, %lt3A_357 : vector<16xi32>
      %get3A_359 = arith.constant 256 : index
      %get3A_360 = tpu.vector_load %arg13[%get3A_359] {strides = array<i32>} : memref<304xi32, #tpu.memory_space<vmem>>, vector<16xi32>,
      tpu.vector_store_idx %arg15[%parallel_loop3A_192#16], %get3A_360 masked %lt3A_358 : memref<304xi32, #tpu.memory_space<vmem>>[vector<16xi32>], vector<16xi32>, vector<16xi1>
      %get3A_361 = arith.constant 256 : index
      %get3A_362 = tpu.vector_load %arg14[%get3A_361] {strides = array<i32>} : memref<304xi32, #tpu.memory_space<vmem>>, vector<16xi32>,
      tpu.vector_store_idx %arg16[%parallel_loop3A_192#16], %get3A_362 masked %lt3A_358 : memref<304xi32, #tpu.memory_space<vmem>>[vector<16xi32>], vector<16xi32>, vector<16xi1>
      %add3A_363 = arith.constant 272 : i32
      %add3A_364 = vector.broadcast %add3A_363 : i32 to vector<16xi32>
      %add3A_365 = arith.addi %iota3A, %add3A_364 : vector<16xi32>
      %lt3A_366 = arith.constant 300 : i32
      %lt3A_367 = vector.broadcast %lt3A_366 : i32 to vector<16xi32>
      %lt3A_368 = arith.cmpi slt, %add3A_365, %lt3A_367 : vector<16xi32>
      %get3A_369 = arith.constant 272 : index
      %get3A_370 = tpu.vector_load %arg13[%get3A_369] {strides = array<i32>} : memref<304xi32, #tpu.memory_space<vmem>>, vector<16xi32>,
      tpu.vector_store_idx %arg15[%parallel_loop3A_192#17], %get3A_370 masked %lt3A_368 : memref<304xi32, #tpu.memory_space<vmem>>[vector<16xi32>], vector<16xi32>, vector<16xi1>
      %get3A_371 = arith.constant 272 : index
      %get3A_372 = tpu.vector_load %arg14[%get3A_371] {strides = array<i32>} : memref<304xi32, #tpu.memory_space<vmem>>, vector<16xi32>,
      tpu.vector_store_idx %arg16[%parallel_loop3A_192#17], %get3A_372 masked %lt3A_368 : memref<304xi32, #tpu.memory_space<vmem>>[vector<16xi32>], vector<16xi32>, vector<16xi1>
      %add3A_373 = arith.constant 288 : i32
      %add3A_374 = vector.broadcast %add3A_373 : i32 to vector<16xi32>
      %add3A_375 = arith.addi %iota3A, %add3A_374 : vector<16xi32>
      %lt3A_376 = arith.constant 300 : i32
      %lt3A_377 = vector.broadcast %lt3A_376 : i32 to vector<16xi32>
      %lt3A_378 = arith.cmpi slt, %add3A_375, %lt3A_377 : vector<16xi32>
      %get3A_379 = arith.constant 288 : index
      %get3A_380 = tpu.vector_load %arg13[%get3A_379] {strides = array<i32>} : memref<304xi32, #tpu.memory_space<vmem>>, vector<16xi32>,
      tpu.vector_store_idx %arg15[%parallel_loop3A_192#18], %get3A_380 masked %lt3A_378 : memref<304xi32, #tpu.memory_space<vmem>>[vector<16xi32>], vector<16xi32>, vector<16xi1>
      %get3A_381 = arith.constant 288 : index
      %get3A_382 = tpu.vector_load %arg14[%get3A_381] {strides = array<i32>} : memref<304xi32, #tpu.memory_space<vmem>>, vector<16xi32>,
      tpu.vector_store_idx %arg16[%parallel_loop3A_192#18], %get3A_382 masked %lt3A_378 : memref<304xi32, #tpu.memory_space<vmem>>[vector<16xi32>], vector<16xi32>, vector<16xi1>
      %get3A_383 = arith.constant 0 : index
      %get3A_384 = tpu.vector_load %arg22[%get3A_383] {strides = array<i32>} : memref<32xf32, #tpu.memory_space<vmem>>, vector<16xf32>,
      %get3A_385 = arith.constant 16 : index
      %get3A_386 = tpu.vector_load %arg22[%get3A_385] {strides = array<i32>} : memref<32xf32, #tpu.memory_space<vmem>>, vector<16xf32>,
      %mul3A_387 = arith.constant 4 : i32
      %mul3A_388 = vector.broadcast %mul3A_387 : i32 to vector<16xi32>
      %mul3A_389 = arith.muli %iota3A, %mul3A_388 : vector<16xi32>
      %parallel_loop3A_390 = arith.constant 0 : i32
      %parallel_loop3A_391 = arith.constant 19 : i32
      %parallel_loop3A_392 = arith.constant 1 : i32
      scf.for %parallel_loop3A_394 = %parallel_loop3A_390 to %parallel_loop3A_391 step %parallel_loop3A_392  : i32 {
        %parallel_loop3A_395 = arith.constant 16 : i32
        %parallel_loop3A_396 = arith.muli %parallel_loop3A_394, %parallel_loop3A_395 : i32
        %parallel_loop3A_397 = arith.index_cast %parallel_loop3A_396 : i32 to index
        %parallel_loop3A_398 = tpu.vector_load %arg15[%parallel_loop3A_397] {strides = array<i32>} : memref<304xi32, #tpu.memory_space<vmem>>, vector<16xi32>,
        %parallel_loop3A_399 = vector.bitcast %parallel_loop3A_398 : vector<16xi32> to vector<16xi32>
        %parallel_loop3A_400 = arith.constant -2147483648 : i32
        %parallel_loop3A_401 = vector.broadcast %parallel_loop3A_400 : i32 to vector<16xi32>
        %parallel_loop3A_402 = arith.cmpi uge, %parallel_loop3A_399, %parallel_loop3A_401 : vector<16xi32>
        %parallel_loop3A_403 = arith.constant -2147483648 : i32
        %parallel_loop3A_404 = vector.broadcast %parallel_loop3A_403 : i32 to vector<16xi32>
        %parallel_loop3A_405 = arith.xori %parallel_loop3A_399, %parallel_loop3A_404 : vector<16xi32>
        %parallel_loop3A_406 = arith.constant dense<-1> : vector<16xi32>
        %parallel_loop3A_407 = arith.xori %parallel_loop3A_399, %parallel_loop3A_406 : vector<16xi32>
        %parallel_loop3A_408 = arith.select %parallel_loop3A_402, %parallel_loop3A_405, %parallel_loop3A_407 : vector<16xi1>, vector<16xi32>
        %parallel_loop3A_409 = vector.bitcast %parallel_loop3A_408 : vector<16xi32> to vector<16xf32>
        %parallel_loop3A_410 = arith.constant 0.000000e+00 : f32
        %parallel_loop3A_411 = vector.broadcast %parallel_loop3A_410 : f32 to vector<16xf32>
        %parallel_loop3A_412 = arith.subf %parallel_loop3A_411, %parallel_loop3A_409 : vector<16xf32>
        %parallel_loop3A_413 = math.exp %parallel_loop3A_412 : vector<16xf32>
        %parallel_loop3A_414 = arith.constant 1.000000e+00 : f32
        %parallel_loop3A_415 = vector.broadcast %parallel_loop3A_414 : f32 to vector<16xf32>
        %parallel_loop3A_416 = arith.addf %parallel_loop3A_415, %parallel_loop3A_413 : vector<16xf32>
        %parallel_loop3A_417 = arith.constant 1.000000e+00 : f32
        %parallel_loop3A_418 = vector.broadcast %parallel_loop3A_417 : f32 to vector<16xf32>
        %parallel_loop3A_419 = arith.divf %parallel_loop3A_418, %parallel_loop3A_416 : vector<16xf32>
        %parallel_loop3A_420 = arith.constant 16 : i32
        %parallel_loop3A_421 = arith.muli %parallel_loop3A_394, %parallel_loop3A_420 : i32
        %parallel_loop3A_422 = arith.index_cast %parallel_loop3A_421 : i32 to index
        %parallel_loop3A_423 = tpu.vector_load %arg16[%parallel_loop3A_422] {strides = array<i32>} : memref<304xi32, #tpu.memory_space<vmem>>, vector<16xi32>,
        %parallel_loop3A_424 = arith.constant 91 : i32
        %parallel_loop3A_425 = vector.broadcast %parallel_loop3A_424 : i32 to vector<16xi32>
        %parallel_loop3A_426 = arith.divsi %parallel_loop3A_423, %parallel_loop3A_425 : vector<16xi32>
        %parallel_loop3A_427 = arith.constant 91 : i32
        %parallel_loop3A_428 = vector.broadcast %parallel_loop3A_427 : i32 to vector<16xi32>
        %parallel_loop3A_429 = arith.muli %parallel_loop3A_426, %parallel_loop3A_428 : vector<16xi32>
        %parallel_loop3A_430 = arith.subi %parallel_loop3A_423, %parallel_loop3A_429 : vector<16xi32>
        %parallel_loop3A_431 = arith.constant 4 : i32
        %parallel_loop3A_432 = vector.broadcast %parallel_loop3A_431 : i32 to vector<16xi32>
        %parallel_loop3A_433 = arith.muli %parallel_loop3A_426, %parallel_loop3A_432 : vector<16xi32>
        %parallel_loop3A_434 = tpu.vector_load_idx %arg21[%parallel_loop3A_433] : memref<3600xf32, #tpu.memory_space<vmem>>[vector<16xi32>], vector<16xf32>,
        %parallel_loop3A_435 = arith.constant 1 : i32
        %parallel_loop3A_436 = vector.broadcast %parallel_loop3A_435 : i32 to vector<16xi32>
        %parallel_loop3A_437 = arith.addi %parallel_loop3A_433, %parallel_loop3A_436 : vector<16xi32>
        %parallel_loop3A_438 = tpu.vector_load_idx %arg21[%parallel_loop3A_437] : memref<3600xf32, #tpu.memory_space<vmem>>[vector<16xi32>], vector<16xf32>,
        %parallel_loop3A_439 = arith.constant 2 : i32
        %parallel_loop3A_440 = vector.broadcast %parallel_loop3A_439 : i32 to vector<16xi32>
        %parallel_loop3A_441 = arith.addi %parallel_loop3A_433, %parallel_loop3A_440 : vector<16xi32>
        %parallel_loop3A_442 = tpu.vector_load_idx %arg21[%parallel_loop3A_441] : memref<3600xf32, #tpu.memory_space<vmem>>[vector<16xi32>], vector<16xf32>,
        %parallel_loop3A_443 = arith.constant 3 : i32
        %parallel_loop3A_444 = vector.broadcast %parallel_loop3A_443 : i32 to vector<16xi32>
        %parallel_loop3A_445 = arith.addi %parallel_loop3A_433, %parallel_loop3A_444 : vector<16xi32>
        %parallel_loop3A_446 = tpu.vector_load_idx %arg21[%parallel_loop3A_445] : memref<3600xf32, #tpu.memory_space<vmem>>[vector<16xi32>], vector<16xf32>,
        %parallel_loop3A_447 = arith.constant 5.000000e-01 : f32
        %parallel_loop3A_448 = vector.broadcast %parallel_loop3A_447 : f32 to vector<16xf32>
        %parallel_loop3A_449 = arith.mulf %parallel_loop3A_448, %parallel_loop3A_442 : vector<16xf32>
        %parallel_loop3A_450 = arith.constant 5.000000e-01 : f32
        %parallel_loop3A_451 = vector.broadcast %parallel_loop3A_450 : f32 to vector<16xf32>
        %parallel_loop3A_452 = arith.mulf %parallel_loop3A_451, %parallel_loop3A_446 : vector<16xf32>
        %parallel_loop3A_453 = arith.constant 16 : i32
        %parallel_loop3A_454 = arith.muli %parallel_loop3A_394, %parallel_loop3A_453 : i32
        %parallel_loop3A_455 = arith.index_cast %parallel_loop3A_454 : i32 to index
        %parallel_loop3A_456 = tpu.vector_load %arg17[%parallel_loop3A_455] {strides = array<i32>} : memref<304xf32, #tpu.memory_space<vmem>>, vector<16xf32>,
        tpu.vector_store %arg17[%parallel_loop3A_455], %parallel_loop3A_419 {strides = array<i32>} : memref<304xf32, #tpu.memory_space<vmem>>, vector<16xf32>,
        %parallel_loop3A_457 = arith.constant 16 : i32
        %parallel_loop3A_458 = arith.muli %parallel_loop3A_394, %parallel_loop3A_457 : i32
        %parallel_loop3A_459 = arith.index_cast %parallel_loop3A_458 : i32 to index
        %parallel_loop3A_460 = tpu.vector_load %arg18[%parallel_loop3A_459] {strides = array<i32>} : memref<304xi32, #tpu.memory_space<vmem>>, vector<16xi32>,
        tpu.vector_store %arg18[%parallel_loop3A_459], %parallel_loop3A_430 {strides = array<i32>} : memref<304xi32, #tpu.memory_space<vmem>>, vector<16xi32>,
        %parallel_loop3A_461 = arith.constant 16 : i32
        %parallel_loop3A_462 = arith.muli %parallel_loop3A_394, %parallel_loop3A_461 : i32
        %parallel_loop3A_463 = arith.index_cast %parallel_loop3A_462 : i32 to index
        %parallel_loop3A_464 = tpu.vector_load %arg19[%parallel_loop3A_463] {strides = array<i32>} : memref<304xi32, #tpu.memory_space<vmem>>, vector<16xi32>,
        tpu.vector_store %arg19[%parallel_loop3A_463], %parallel_loop3A_426 {strides = array<i32>} : memref<304xi32, #tpu.memory_space<vmem>>, vector<16xi32>,
        %parallel_loop3A_465 = arith.constant 64 : i32
        %parallel_loop3A_466 = arith.muli %parallel_loop3A_394, %parallel_loop3A_465 : i32
        %parallel_loop3A_467 = vector.broadcast %parallel_loop3A_466 : i32 to vector<16xi32>
        %parallel_loop3A_468 = arith.addi %mul3A_389, %parallel_loop3A_467 : vector<16xi32>
        %parallel_loop3A_469 = arith.subf %parallel_loop3A_434, %parallel_loop3A_449 : vector<16xf32>
        %parallel_loop3A_470 = arith.mulf %parallel_loop3A_469, %get3A_384 : vector<16xf32>
        tpu.vector_store_idx %arg20[%parallel_loop3A_468], %parallel_loop3A_470 : memref<1216xf32, #tpu.memory_space<vmem>>[vector<16xi32>], vector<16xf32>,
        %parallel_loop3A_471 = vector.broadcast %parallel_loop3A_466 : i32 to vector<16xi32>
        %parallel_loop3A_472 = arith.addi %mul3A_389, %parallel_loop3A_471 : vector<16xi32>
        %parallel_loop3A_473 = arith.constant 1 : i32
        %parallel_loop3A_474 = vector.broadcast %parallel_loop3A_473 : i32 to vector<16xi32>
        %parallel_loop3A_475 = arith.addi %parallel_loop3A_472, %parallel_loop3A_474 : vector<16xi32>
        %parallel_loop3A_476 = arith.subf %parallel_loop3A_438, %parallel_loop3A_452 : vector<16xf32>
        %parallel_loop3A_477 = arith.mulf %parallel_loop3A_476, %get3A_386 : vector<16xf32>
        tpu.vector_store_idx %arg20[%parallel_loop3A_475], %parallel_loop3A_477 : memref<1216xf32, #tpu.memory_space<vmem>>[vector<16xi32>], vector<16xf32>,
        %parallel_loop3A_478 = vector.broadcast %parallel_loop3A_466 : i32 to vector<16xi32>
        %parallel_loop3A_479 = arith.addi %mul3A_389, %parallel_loop3A_478 : vector<16xi32>
        %parallel_loop3A_480 = arith.constant 2 : i32
        %parallel_loop3A_481 = vector.broadcast %parallel_loop3A_480 : i32 to vector<16xi32>
        %parallel_loop3A_482 = arith.addi %parallel_loop3A_479, %parallel_loop3A_481 : vector<16xi32>
        %parallel_loop3A_483 = arith.addf %parallel_loop3A_434, %parallel_loop3A_449 : vector<16xf32>
        %parallel_loop3A_484 = arith.mulf %parallel_loop3A_483, %get3A_384 : vector<16xf32>
        tpu.vector_store_idx %arg20[%parallel_loop3A_482], %parallel_loop3A_484 : memref<1216xf32, #tpu.memory_space<vmem>>[vector<16xi32>], vector<16xf32>,
        %parallel_loop3A_485 = vector.broadcast %parallel_loop3A_466 : i32 to vector<16xi32>
        %parallel_loop3A_486 = arith.addi %mul3A_389, %parallel_loop3A_485 : vector<16xi32>
        %parallel_loop3A_487 = arith.constant 3 : i32
        %parallel_loop3A_488 = vector.broadcast %parallel_loop3A_487 : i32 to vector<16xi32>
        %parallel_loop3A_489 = arith.addi %parallel_loop3A_486, %parallel_loop3A_488 : vector<16xi32>
        %parallel_loop3A_490 = arith.addf %parallel_loop3A_438, %parallel_loop3A_452 : vector<16xf32>
        %parallel_loop3A_491 = arith.mulf %parallel_loop3A_490, %get3A_386 : vector<16xf32>
        tpu.vector_store_idx %arg20[%parallel_loop3A_489], %parallel_loop3A_491 : memref<1216xf32, #tpu.memory_space<vmem>>[vector<16xi32>], vector<16xf32>,
      } {sc.loop_unroll_factor = 2 : i64, sc.parallel_access}
      "tpu.region"() ({
        %run_scoped3A = tpu.sem_alloc : memref<!tpu.dma_semaphore, #tpu.memory_space<semaphore_mem>>
        %dma_start3A = arith.constant 0 : i32
        %dma_start3A_394 = tpu.memref_slice %arg5[%add3A_14, %dma_start3A] : memref<128x304xf32, #tpu.memory_space<hbm>> -> memref<1x304xf32, #tpu.memory_space<hbm>>
        %dma_start3A_395 = tpu.memref_squeeze %dma_start3A_394 : memref<1x304xf32, #tpu.memory_space<hbm>> -> memref<304xf32, #tpu.memory_space<hbm>>
        %dma_start3A_396 = arith.constant 0 : i32
        %dma_start3A_397 = tpu.memref_slice %arg5[%add3A_14, %dma_start3A_396] : memref<128x304xf32, #tpu.memory_space<hbm>> -> memref<1x304xf32, #tpu.memory_space<hbm>>
        %dma_start3A_398 = tpu.memref_squeeze %dma_start3A_397 : memref<1x304xf32, #tpu.memory_space<hbm>> -> memref<304xf32, #tpu.memory_space<hbm>>
        tpu.enqueue_dma source(%arg17 : memref<304xf32, #tpu.memory_space<vmem>>) target(%dma_start3A_398 : memref<304xf32, #tpu.memory_space<hbm>>) target_semaphore(%run_scoped3A : memref<!tpu.dma_semaphore, #tpu.memory_space<semaphore_mem>>)
        %dma_wait3A = arith.constant 0 : i32
        %dma_wait3A_399 = tpu.memref_slice %arg5[%add3A_14, %dma_wait3A] : memref<128x304xf32, #tpu.memory_space<hbm>> -> memref<1x304xf32, #tpu.memory_space<hbm>>
        %dma_wait3A_400 = tpu.memref_squeeze %dma_wait3A_399 : memref<1x304xf32, #tpu.memory_space<hbm>> -> memref<304xf32, #tpu.memory_space<hbm>>
        %dma_wait3A_401 = arith.constant 0 : i32
        %dma_wait3A_402 = tpu.memref_slice %arg5[%add3A_14, %dma_wait3A_401] : memref<128x304xf32, #tpu.memory_space<hbm>> -> memref<1x304xf32, #tpu.memory_space<hbm>>
        %dma_wait3A_403 = tpu.memref_squeeze %dma_wait3A_402 : memref<1x304xf32, #tpu.memory_space<hbm>> -> memref<304xf32, #tpu.memory_space<hbm>>
        tpu.wait_dma2 semaphore(%run_scoped3A : memref<!tpu.dma_semaphore, #tpu.memory_space<semaphore_mem>>) src(%arg17 : memref<304xf32, #tpu.memory_space<vmem>>) dst(%dma_wait3A_403 : memref<304xf32, #tpu.memory_space<hbm>>)
        tpu.yield
      }) : () -> ()
      "tpu.region"() ({
        %run_scoped3A = tpu.sem_alloc : memref<!tpu.dma_semaphore, #tpu.memory_space<semaphore_mem>>
        %dma_start3A = arith.constant 0 : i32
        %dma_start3A_394 = tpu.memref_slice %arg6[%add3A_14, %dma_start3A] : memref<128x304xi32, #tpu.memory_space<hbm>> -> memref<1x304xi32, #tpu.memory_space<hbm>>
        %dma_start3A_395 = tpu.memref_squeeze %dma_start3A_394 : memref<1x304xi32, #tpu.memory_space<hbm>> -> memref<304xi32, #tpu.memory_space<hbm>>
        %dma_start3A_396 = arith.constant 0 : i32
        %dma_start3A_397 = tpu.memref_slice %arg6[%add3A_14, %dma_start3A_396] : memref<128x304xi32, #tpu.memory_space<hbm>> -> memref<1x304xi32, #tpu.memory_space<hbm>>
        %dma_start3A_398 = tpu.memref_squeeze %dma_start3A_397 : memref<1x304xi32, #tpu.memory_space<hbm>> -> memref<304xi32, #tpu.memory_space<hbm>>
        tpu.enqueue_dma source(%arg18 : memref<304xi32, #tpu.memory_space<vmem>>) target(%dma_start3A_398 : memref<304xi32, #tpu.memory_space<hbm>>) target_semaphore(%run_scoped3A : memref<!tpu.dma_semaphore, #tpu.memory_space<semaphore_mem>>)
        %dma_wait3A = arith.constant 0 : i32
        %dma_wait3A_399 = tpu.memref_slice %arg6[%add3A_14, %dma_wait3A] : memref<128x304xi32, #tpu.memory_space<hbm>> -> memref<1x304xi32, #tpu.memory_space<hbm>>
        %dma_wait3A_400 = tpu.memref_squeeze %dma_wait3A_399 : memref<1x304xi32, #tpu.memory_space<hbm>> -> memref<304xi32, #tpu.memory_space<hbm>>
        %dma_wait3A_401 = arith.constant 0 : i32
        %dma_wait3A_402 = tpu.memref_slice %arg6[%add3A_14, %dma_wait3A_401] : memref<128x304xi32, #tpu.memory_space<hbm>> -> memref<1x304xi32, #tpu.memory_space<hbm>>
        %dma_wait3A_403 = tpu.memref_squeeze %dma_wait3A_402 : memref<1x304xi32, #tpu.memory_space<hbm>> -> memref<304xi32, #tpu.memory_space<hbm>>
        tpu.wait_dma2 semaphore(%run_scoped3A : memref<!tpu.dma_semaphore, #tpu.memory_space<semaphore_mem>>) src(%arg18 : memref<304xi32, #tpu.memory_space<vmem>>) dst(%dma_wait3A_403 : memref<304xi32, #tpu.memory_space<hbm>>)
        tpu.yield
      }) : () -> ()
      "tpu.region"() ({
        %run_scoped3A = tpu.sem_alloc : memref<!tpu.dma_semaphore, #tpu.memory_space<semaphore_mem>>
        %dma_start3A = arith.constant 0 : i32
        %dma_start3A_394 = tpu.memref_slice %arg8[%add3A_14, %dma_start3A] : memref<128x304xi32, #tpu.memory_space<hbm>> -> memref<1x304xi32, #tpu.memory_space<hbm>>
        %dma_start3A_395 = tpu.memref_squeeze %dma_start3A_394 : memref<1x304xi32, #tpu.memory_space<hbm>> -> memref<304xi32, #tpu.memory_space<hbm>>
        %dma_start3A_396 = arith.constant 0 : i32
        %dma_start3A_397 = tpu.memref_slice %arg8[%add3A_14, %dma_start3A_396] : memref<128x304xi32, #tpu.memory_space<hbm>> -> memref<1x304xi32, #tpu.memory_space<hbm>>
        %dma_start3A_398 = tpu.memref_squeeze %dma_start3A_397 : memref<1x304xi32, #tpu.memory_space<hbm>> -> memref<304xi32, #tpu.memory_space<hbm>>
        tpu.enqueue_dma source(%arg19 : memref<304xi32, #tpu.memory_space<vmem>>) target(%dma_start3A_398 : memref<304xi32, #tpu.memory_space<hbm>>) target_semaphore(%run_scoped3A : memref<!tpu.dma_semaphore, #tpu.memory_space<semaphore_mem>>)
        %dma_wait3A = arith.constant 0 : i32
        %dma_wait3A_399 = tpu.memref_slice %arg8[%add3A_14, %dma_wait3A] : memref<128x304xi32, #tpu.memory_space<hbm>> -> memref<1x304xi32, #tpu.memory_space<hbm>>
        %dma_wait3A_400 = tpu.memref_squeeze %dma_wait3A_399 : memref<1x304xi32, #tpu.memory_space<hbm>> -> memref<304xi32, #tpu.memory_space<hbm>>
        %dma_wait3A_401 = arith.constant 0 : i32
        %dma_wait3A_402 = tpu.memref_slice %arg8[%add3A_14, %dma_wait3A_401] : memref<128x304xi32, #tpu.memory_space<hbm>> -> memref<1x304xi32, #tpu.memory_space<hbm>>
        %dma_wait3A_403 = tpu.memref_squeeze %dma_wait3A_402 : memref<1x304xi32, #tpu.memory_space<hbm>> -> memref<304xi32, #tpu.memory_space<hbm>>
        tpu.wait_dma2 semaphore(%run_scoped3A : memref<!tpu.dma_semaphore, #tpu.memory_space<semaphore_mem>>) src(%arg19 : memref<304xi32, #tpu.memory_space<vmem>>) dst(%dma_wait3A_403 : memref<304xi32, #tpu.memory_space<hbm>>)
        tpu.yield
      }) : () -> ()
      "tpu.region"() ({
        %run_scoped3A = tpu.sem_alloc : memref<!tpu.dma_semaphore, #tpu.memory_space<semaphore_mem>>
        %dma_start3A = arith.constant 0 : i32
        %dma_start3A_394 = tpu.memref_slice %arg7[%add3A_14, %dma_start3A] : memref<128x1216xf32, #tpu.memory_space<hbm>> -> memref<1x1216xf32, #tpu.memory_space<hbm>>
        %dma_start3A_395 = tpu.memref_squeeze %dma_start3A_394 : memref<1x1216xf32, #tpu.memory_space<hbm>> -> memref<1216xf32, #tpu.memory_space<hbm>>
        %dma_start3A_396 = arith.constant 0 : i32
        %dma_start3A_397 = tpu.memref_slice %arg7[%add3A_14, %dma_start3A_396] : memref<128x1216xf32, #tpu.memory_space<hbm>> -> memref<1x1216xf32, #tpu.memory_space<hbm>>
        %dma_start3A_398 = tpu.memref_squeeze %dma_start3A_397 : memref<1x1216xf32, #tpu.memory_space<hbm>> -> memref<1216xf32, #tpu.memory_space<hbm>>
        tpu.enqueue_dma source(%arg20 : memref<1216xf32, #tpu.memory_space<vmem>>) target(%dma_start3A_398 : memref<1216xf32, #tpu.memory_space<hbm>>) target_semaphore(%run_scoped3A : memref<!tpu.dma_semaphore, #tpu.memory_space<semaphore_mem>>)
        %dma_wait3A = arith.constant 0 : i32
        %dma_wait3A_399 = tpu.memref_slice %arg7[%add3A_14, %dma_wait3A] : memref<128x1216xf32, #tpu.memory_space<hbm>> -> memref<1x1216xf32, #tpu.memory_space<hbm>>
        %dma_wait3A_400 = tpu.memref_squeeze %dma_wait3A_399 : memref<1x1216xf32, #tpu.memory_space<hbm>> -> memref<1216xf32, #tpu.memory_space<hbm>>
        %dma_wait3A_401 = arith.constant 0 : i32
        %dma_wait3A_402 = tpu.memref_slice %arg7[%add3A_14, %dma_wait3A_401] : memref<128x1216xf32, #tpu.memory_space<hbm>> -> memref<1x1216xf32, #tpu.memory_space<hbm>>
        %dma_wait3A_403 = tpu.memref_squeeze %dma_wait3A_402 : memref<1x1216xf32, #tpu.memory_space<hbm>> -> memref<1216xf32, #tpu.memory_space<hbm>>
        tpu.wait_dma2 semaphore(%run_scoped3A : memref<!tpu.dma_semaphore, #tpu.memory_space<semaphore_mem>>) src(%arg20 : memref<1216xf32, #tpu.memory_space<vmem>>) dst(%dma_wait3A_403 : memref<1216xf32, #tpu.memory_space<hbm>>)
        tpu.yield
      }) : () -> ()
      %scan3A_393 = arith.constant 0 : i32
      scf.yield %scan3A_393 : i32
    }
    %scan3A_9 = arith.constant 4 : i32
    return
  }
}

</mosaic_0001>

<sc_bundles>
// kernel: _topk_sc.3.cloned.1.call-start
scs
__scs_entry_jumppad:
0x0: {  	(pc) =	sbr.rel $0x88, $3  }
0x1: {  	(tag) =	ssettag $0x0;
	lr =	simm.s32 $0x1  }
0x2: {  	[smem:$0x3F9E] =	sst lr;
	_ =	strace $0xD0000000  }
0x3: {  	_ = 	snop  }
0x4: {  	_ = 	snop  }
0x5: {  	_ = 	snop  }
0x6: {  	_ = 	snop  }
0x7: {  	_ = 	snop  }
__scs_overlays_trampoline_lowered:
0x8: {  	[smem:$0x3FAD] =	sst s0  }
0x9: {  	[smem:$0x3FAE] =	sst s1  }
0xa: {  	[smem:$0x3FAF] =	sst s2  }
0xb: {  	[smem:$0x3FB0] =	sst s3  }
0xc: {  	[smem:$0x3FB1] =	sst s4  }
0xd: {  	[smem:$0x3FB2] =	sst s5  }
0xe: {  	[smem:$0x3FB3] =	sst s6  }
0xf: {  	[smem:$0x3FB4] =	sst s7  }
0x10: {  	[smem:$0x3FB5] =	sst s8  }
0x11: {  	[smem:$0x3FB6] =	sst s9;
	s0 =	simm.s32 @!p0 $0x0  }
0x12: {  	s1 =	sld [smem:$0x3F9C];
	s0 =	simm.s32 @p0 $0x1  }
0x13: {  	[smem:$0x3FB7] =	sst s0;
	s0 =	simm.s32 @!p1 $0x0  }
0x14: {  	s2 =	sld [smem:$0x3F9B];
	s0 =	simm.s32 @p1 $0x1  }
0x15: {  	[smem:$0x3FB8] =	sst s0;
	s0 =	simm.s32 @!p2 $0x0  }
0x16: {  	s3 =	sld [smem:$0x3FDB];
	s0 =	simm.s32 @p2 $0x1  }
0x17: {  	s4 =	simm.s32 $0x1BF5;
	[smem:$0x3FBA] =	sst s0  }
0x18: {  	s0 =	sld [smem:$0x3F9D];
	_ =	swait.ge [sflag:s4], $0x0  }
0x19: {  	s7 =	sld [smem:$0x3F9E]  }
0x1a: {  	s8 =	sadd.s32 $0xFFFFE003, lr  }
0x1b: {  	s9 =	sadd.s32 $0xFFFFFEF7, lr;
	s5 =	simm.s32 $0xFFFFFFFF;
	p2 =	slt.u32 s8, $0xFFFFF086  }
0x1c: {  	p1 =	slt.u32 s9, $0xF7A;
	s5 =	simm.s32 @!p2 $0x0  }
0x1d: {  	s5 =	simm.s32 @p1 $0x1;
	p0 =	seq.s32 s7, s2  }
0x1e: {  	s7 =	smul.u32 @!p0 $0xF7A, s2;
	p2 =	seq.s32 @!p0 s5, $0x0  }
0x1f: {  	s9 =	smul.u32 $0xF7A, s1;
	s8 =	simm.s32 @!p0 $0x1BF5;
	p2 =	por !p2, p0  }
0x20: {  	[sflag:s8] =	ssyncset.s32 @!p0 $0xFFFFF086;
	s6 =	sadd.s32 @!p0 s3, s7;
	s7 =	simm.s32 @!p0 $0x108  }
0x21: {  	s3 =	sadd.s32 s3, s9;
	s6 =	sadd.s32 @!p0 $0x88, s6;
	s7 =	simm.s32 @p2 $0x1082  }
0x22: {  	[simem:s7], [sflag:s8] =	dma.local @!p0 [hbm:s6], $0xF7A  }
0x23: {  	s9 =	sor.u32 $0xD0000000, s2;
	s6 =	simm.s32 $0x108;
	_ =	swait.ge @!p0 [sflag:s8], $0x0  }
0x24: {  	s3 =	sadd.s32 $0x88, s3;
	s6 =	simm.s32 @!p1 $0x1082;
	[sflag:s4] =	ssyncset.s32 $0xFFFFF086  }
0x25: {  	[simem:s6], [sflag:s4] =	dma.local [hbm:s3], $0xF7A  }
0x26: {  	[smem:$0x3F9E] =	sst s1;
	(tag) =	ssettag s2;
	_ =	strace s9  }
0x27: {  	s1 =	sld [smem:$0x3FAE]  }
0x28: {  	s2 =	sld [smem:$0x3FAF]  }
0x29: {  	s4 =	sld [smem:$0x3FB1]  }
0x2a: {  	p0 =	seq.s32 s5, $0x0;
	s5 =	sld [smem:$0x3FB2]  }
0x2b: {  	s6 =	sld [smem:$0x3FB3]  }
0x2c: {  	s7 =	sld [smem:$0x3FB4]  }
0x2d: {  	s3 =	simm.s32 $0x108;
	s8 =	sld [smem:$0x3FB5]  }
0x2e: {  	s3 =	simm.s32 @!p0 $0x1082;
	s9 =	sld [smem:$0x3FB6]  }
0x2f: {  	lr =	sadd.s32 s0, s3;
	s0 =	sld [smem:$0x3FAD]  }
0x30: {  	s3 =	sld [smem:$0x3FB0]  }
0x31: {  	[smem:$0x3FB9] =	sst s10  }
0x32: {  	s10 =	sld [smem:$0x3FB7];
	_ =	sdelay $0x3  }
0x33: {  	p0 =	seq.s32 s10, $0x1;
	s10 =	sld [smem:$0x3FB9];
	_ =	sdelay $0x3  }
0x34: {  	[smem:$0x3FB9] =	sst s10  }
0x35: {  	s10 =	sld [smem:$0x3FB8];
	_ =	sdelay $0x3  }
0x36: {  	p1 =	seq.s32 s10, $0x1;
	s10 =	sld [smem:$0x3FB9];
	_ =	sdelay $0x3  }
0x37: {  	[smem:$0x3FB9] =	sst s10  }
0x38: {  	s10 =	sld [smem:$0x3FBA]  }
0x39: {  	_ = 	snop;
	(pc) =	sbr.ind lr, $3  }
0x3a: {  	_ = 	snop  }
0x3b: {  	_ = 	snop  }
0x3c: {  	p2 =	seq.s32 s10, $0x1;
	s10 =	sld [smem:$0x3FB9]  }
0x3d: {  	_ =	shalt  }
0x3e: {  	_ =	shalt  }
0x3f: {  	_ =	shalt  }
0x40: {  	_ =	shalt  }
0x41: {  	_ =	shalt  }
0x42: {  	_ =	shalt  }
0x43: {  	_ =	shalt  }
0x44: {  	_ =	shalt  }
0x45: {  	_ =	shalt  }
0x46: {  	_ =	shalt  }
0x47: {  	_ =	shalt  }
0x48: {  	_ =	shalt  }
0x49: {  	_ =	shalt  }
0x4a: {  	_ =	shalt  }
0x4b: {  	_ =	shalt  }
0x4c: {  	_ =	shalt  }
0x4d: {  	_ =	shalt  }
0x4e: {  	_ =	shalt  }
0x4f: {  	_ =	shalt  }
0x50: {  	_ =	shalt  }
0x51: {  	_ =	shalt  }
0x52: {  	_ =	shalt  }
0x53: {  	_ =	shalt  }
0x54: {  	_ =	shalt  }
0x55: {  	_ =	shalt  }
0x56: {  	_ =	shalt  }
0x57: {  	_ =	shalt  }
0x58: {  	_ =	shalt  }
0x59: {  	_ =	shalt  }
0x5a: {  	_ =	shalt  }
0x5b: {  	_ =	shalt  }
0x5c: {  	_ =	shalt  }
0x5d: {  	_ =	shalt  }
0x5e: {  	_ =	shalt  }
0x5f: {  	_ =	shalt  }
0x60: {  	_ =	shalt  }
0x61: {  	_ =	shalt  }
0x62: {  	_ =	shalt  }
0x63: {  	_ =	shalt  }
0x64: {  	_ =	shalt  }
0x65: {  	_ =	shalt  }
0x66: {  	_ =	shalt  }
0x67: {  	_ =	shalt  }
0x68: {  	_ =	shalt  }
0x69: {  	_ =	shalt  }
0x6a: {  	_ =	shalt  }
0x6b: {  	_ =	shalt  }
0x6c: {  	_ =	shalt  }
0x6d: {  	_ =	shalt  }
0x6e: {  	_ =	shalt  }
0x6f: {  	_ =	shalt  }
0x70: {  	_ =	shalt  }
0x71: {  	_ =	shalt  }
0x72: {  	_ =	shalt  }
0x73: {  	_ =	shalt  }
0x74: {  	_ =	shalt  }
0x75: {  	_ =	shalt  }
0x76: {  	_ =	shalt  }
0x77: {  	_ =	shalt  }
0x78: {  	_ =	shalt  }
0x79: {  	_ =	shalt  }
0x7a: {  	_ =	shalt  }
0x7b: {  	_ =	shalt  }
0x7c: {  	_ =	shalt  }
0x7d: {  	_ =	shalt  }
0x7e: {  	_ =	shalt  }
0x7f: {  	_ =	shalt  }
0x80: {  	_ =	shalt  }
0x81: {  	_ =	shalt  }
0x82: {  	_ =	shalt  }
0x83: {  	_ =	shalt  }
0x84: {  	_ =	shalt  }
0x85: {  	_ =	shalt  }
0x86: {  	_ =	shalt  }
0x87: {  	_ =	shalt  }
.Lfunc_end0:
.L_simem_size_0:
called_computation_lowered:
.L_overlay_start_0:
0x88: {  	s2 =	sld [smem:$0x3FD9]  }
0x89: {  	s3 =	sld [smem:$0x3FFE];
	_ =	sdelay $0x1  }
0x8a: {  	s1 =	srdreg.scid  }
0x8b: {  	s0 =	sand.u32 $0x1, s1  }
0x8c: {  	s14 =	sshll.u32 s0, $0xA;
	s2 =	sadd.s32 s3, s2  }
0x8d: {  	s2 =	sadd.s32 s2, s14  }
0x8e: {  	[smem:$0x3FC5] =	sst s2  }
0x8f: {  	_ = 	snop  }
0x90: {  	s2 =	sld [smem:$0x3FD0];
	_ =	sdelay $0x2  }
0x91: {  	s4 =	simm.s32 $0xA;
	s5 =	simm.s32 $0x10;
	s15 =	sld [smem:$0x3FC9]  }
0x92: {  	[smem:s5], [sflag:s4] =	dma.local [hbm:s2], $0x1  }
0x93: {  	_ =	swait.eq [sflag:s4], $0x1  }
0x94: {  	[sflag:s4] =	ssyncset.done $0x0  }
0x95: {  	s16 =	sld [smem:$0x12];
	[sflag:s4] =	ssyncadd.s32 $0xFFFFFFFF  }
0x96: {  	s17 =	sld [smem:$0x13];
	(tm) =	ssettm $0x1  }
0x97: {  	s18 =	sld [smem:$0x3FFB];
	_ =	sdelay $0x3  }
0x98: {  	_ =	strace s18  }
0x99: {  	s5 =	sld [smem:$0x3FFC];
	_ =	sdelay $0x3  }
0x9a: {  	_ =	strace s5  }
0x9b: {  	s5 =	sld [smem:$0x3FFD];
	_ =	sdelay $0x3  }
0x9c: {  	_ =	strace s5  }
0x9d: {  	_ =	strace $0x8FFFFFFF  }
0x9e: {  	s19 =	sld [smem:$0x3FDB];
	_ =	sdelay $0x1  }
0x9f: {  	s6 =	simm.s32 $_scs_section_size  }
0xa0: {  	s7 =	simm.s32 $_size__tile_overlayer_lowered;
	s8 =	simm.s32 $_tile_overlayer_lowered  }
0xa1: {  	s22 =	simm.s32 $0x1BFF;
	s21 =	sshll.u32 s8, $0x1;
	s5 =	sadd.s32 s6, s19  }
0xa2: {  	s9 =	simm.s32 $0x0;
	s20 =	sshll.u32 s7, $0x1;
	s7 =	sadd.s32 s21, s5  }
0xa3: {  	[timem:s9], [sflag:s22] =	dma.local [hbm:s7], s20  }
0xa4: {  	_ =	swait.ge [sflag:s22], s20  }
0xa5: {  	s6 =	ssub.s32 $0x0, s20;
	[sflag:s22] =	ssyncset.done $0x0  }
0xa6: {  	[sflag:s22] =	ssyncadd.s32 s6;
	_ =	sdelay $0x1  }
0xa7: {  	s23 =	simm.s32 $0x1B8B  }
0xa8: {  	_ =	swait.ge [sflag:s23], $0x1  }
0xa9: {  	[sflag:s23] =	ssyncset.done $0x0  }
0xaa: {  	s25 =	simm.s32 $0x1B8E;
	s24 =	sld [smem:$0x3FFE];
	[sflag:s23] =	ssyncadd.s32 $0xFFFFFFFF  }
0xab: {  	s26 =	simm.s32 $execute0_lowered;
	[smem:$0x3FD2] =	sst s25  }
0xac: {  	s7 =	sshll.u32 s26, $0x1;
	_ =	strace $0x80000046;
	[dreg:$0x1] =	wrdreg $0xFFFFFFFF  }
0xad: {  	s28 =	simm.s32 $_size_execute0_lowered;
	s5 =	sadd.s32 s5, s7;
	[dreg:$0x0] =	wrdreg $0x0  }
0xae: {  	s7 =	sshll.u32 s28, $0x1;
	[dreg:$0x2] =	wrdreg s5  }
0xaf: {  	[dreg:$0x3] =	wrdreg s7  }
0xb0: {  	[dreg:$0x4] =	wrdreg $0xC0  }
0xb1: {  	_ =	task [dreg:s9], $0x5FFFF  }
0xb2: {  	[dreg:$0x1] =	wrdreg $0xFFFFFFFF  }
0xb3: {  	[dreg:$0x0] =	wrdreg $0x60  }
0xb4: {  	[dreg:$0x2] =	wrdreg s15  }
0xb5: {  	[dreg:$0x3] =	wrdreg s24  }
0xb6: {  	[dreg:$0x4] =	wrdreg s17  }
0xb7: {  	[dreg:$0x5] =	wrdreg s16  }
0xb8: {  	[dreg:$0x6] =	wrdreg $0x9  }
0xb9: {  	_ =	task.clear_ibuf [dreg:s9], $0x7FFFF;
	_ =	strace $0x90000046  }
0xba: {  	s29 =	simm.s32 $0x9;
	_ =	strace $0x80000048  }
0xbb: {  	_ =	swait.ge [sflag:s29], $0x1  }
0xbc: {  	[sflag:s29] =	ssyncadd.s32 $0xFFFFFFFF  }
0xbd: {  	_ =	strace $0x90000048  }
0xbe: {  	_ =	sfence  }
0xbf: {  	s30 =	sld [smem:$0x0];
	_ =	sdelay $0x2  }
0xc0: {  	s31 =	sshll.u32 s1, $0xD;
	s1 =	sshrl.u32 s1, $0x2  }
0xc1: {  	s3 =	sand.u32 $0x4000, s31;
	s1 =	sadd.s32 s1, s30  }
0xc2: {  	s0 =	sor.u32 s3, s0;
	s1 =	sshll.u32 s1, $0x11  }
0xc3: {  	s0 =	sor.u32 s1, s0  }
0xc4: {  	s0 =	sadd.s32 $0x8F2B, s0  }
0xc5: {  	[sflag:s0] =	ssyncadd.remote.s32 $0x1  }
0xc6: {  	_ =	sfence.sel $0xFFFF  }
0xc7: {  	[dreg:$0x0] =	wrdreg $0xFFFFFFFF;
	(pc) =	sbr.abs _section_cstart, $3  }
0xc8: {  	[dreg:$0x1] =	wrdreg $0xFFFFFFFF  }
0xc9: {  	_ =	task.clear_ibuf [dreg:s9], $0x2FFFF;
	_ =	strace $0x9FFFFFFF  }
0xca: {  	(tm) =	ssettm $0x7FFFFFFF  }
0xcb: {  	_ =	shalt  }
tec
execute0_lowered:
.L_overlay_start_1:
0x0: {  	(tag) =	ssettag $0x1  }
0x1: {  	s0 =	rddreg [dreg:$0x1];
	s1 =	simm.s32 $0x0  }
0x2: {  	s23 =	srdreg.scid;
	s4 =	stileid.u32;
	s7 =	simm.s32 $0x1B080  }
0x3: {  	s13 =	simm.s32 $0x14000;
	s14 =	simm.s32 $0x1A100;
	s16 =	simm.s32 $0x1A280  }
0x4: {  	[smem:$0x7FF] =	sst s1;
	s2 =	sadd.s32 $0x800, s0;
	s1 =	sand.u32 $0x1, s23  }
0x5: {  	s24 =	sadd.s32 $0xF000, s0;
	_ =	strace $0x80000047;
	[smem:$0x7F4] =	sst s2  }
0x6: {  	s25 =	sadd.s32 $0x12000, s0;
	s0 =	sadd.s32 $0x10800, s0;
	[smem:$0x7F5] =	sst s24  }
0x7: {  	v29 =	vlaneseq.u32;
	s3 =	sshll.u32 s4, $0x3;
	s5 =	smul.u32 $0x7400, s4;
	[smem:$0x7F6] =	sst s25  }
0x8: {  	v2 =	vimm.s32 $0xECA86420;
	s29 =	smul.u32 $0xC00, s4;
	v0 =	vadd.s32 $0x1, v29;
	s30 =	sshll.u32 s4, $0xA;
	[smem:$0x7F7] =	sst s0  }
0x9: {  	s31 =	smul.u32 $0x2800, s4;
	v19 =	vor.u32 $0x2000, v29;
	s4 =	simm.s32 $0x400;
	[tilespmem:$0x1FFA0] =	vst v0;
	[smem:$0x7FB] =	sst s30  }
.Ltmp0:
0xa: {  	v20 =	vor.u32 $0x1000, v29;
	v2 =	vunpack.c.l.s4.s8 v2;
	s26 =	ssub.s32 $0x2, s1;
	[tilespmem:$0x1FFD0] =	vst v19;
	[smem:$0x7F8] =	sst s5;
	(pc) =	sbr.rel .LBB2_1-.Ltmp0, $4  }
0xb: {  	s1 =	sshll.u32 s1, $0x2;
	v0 =	vor.u32 $0x12C, v29;
	[tilespmem:$0x1FFE0] =	vst v20;
	s28 =	sshrl.u32 s26, $0x1;
	[smem:$0x7FA] =	sst s29  }
0xc: {  	v21 =	vor.u32 $0x3000, v29;
	s1 =	sor.u32 s1, s3;
	[smem:$0x7FC] =	sst s31;
	[tilespmem:$0x1FFB0] =	vst v0;
	v0 =	vunpack.c.0.s8.s32 v2;
	s0 =	ssub.s32 s26, s28  }
0xd: {  	[tilespmem:$0x1FFF0] =	vst v21;
	s3 =	simm.s32 $0x1;
	[smem:$0x7F9] =	sst s1;
	s0 =	smax.u32 s0, $0x1  }
0xe: {  	v1 =	vimm.s32 $0x0;
	v3 =	vimm.s32 $0x1;
	s5 =	simm.s32 $0x80;
	s1 =	simm.s32 $0x0;
	[tilespmem:$0x1FFC0] =	vst v0;
	[smem:$0x7FD] =	sst s0  }
.LBB2_69:
0xf: {  	s1 =	sld [smem:$0x7F3]  }
0x10: {  	s0 =	sld [smem:$0x7FD];
	_ =	sdelay $0x1  }
0x11: {  	s1 =	sadd.s32 $0x1, s1  }
0x12: {  	p0 =	sne.s32 s1, s0  }
.Ltmp1:
0x13: {  	_ = 	snop;
	(pc) =	sbr.rel @!p0 .LBB2_70-.Ltmp1, $1  }
0x14: {  	_ =	sdelay $0x3  }
.LBB2_1:
0x15: {  	[smem:$0x7F3] =	sst s1;
	s1 =	simm.s32 $0x0  }
.LBB2_2:
0x16: {  	s0 =	sld [smem:$0x7F9];
	_ =	sdelay $0x2  }
0x17: {  	s0 =	sadd.s32 s0, s1  }
0x18: {  	s22 =	sshll.u32 s1, $0x2;
	s2 =	smul.u32 $0x13FEC, s0  }
0x19: {  	s31 =	sand.u32 $0x4, s22  }
0x1a: {  	[smem:$0x7F1] =	sst s1;
	s1 =	ssub.s32 s2, s31  }
0x1b: {  	s23 =	rddreg [dreg:$0x0];
	s1 =	sshrl.u32 s1, $0x3  }
0x1c: {  	s24 =	simm.s32 $0x0;
	s1 =	sadd.s32 s23, s1  }
0x1d: {  	[tilespmem:s24], [sflag:$0x1] =	stream.linear.gather [hbm4b:s1+s24], $0x13FF0, $0x38;
	[tilespmem:$0x1BF80] =	vst v63  }
0x1e: {  	_ =	swait.ge [sflag:s3], $0x13FF0  }
0x1f: {  	s25 =	sld [smem:$0x7F8]  }
0x20: {  	s0 =	sshll.u32 s0, $0x7  }
0x21: {  	s6 =	sand.u32 $0x380, s0;
	s26 =	sld [smem:$0x7F4]  }
0x22: {  	s0 =	sor.u32 s25, s6  }
0x23: {  	[sflag:s3] =	ssyncset.done $0x0;
	s0 =	sshrl.u32 s0, $0x3  }
0x24: {  	[sflag:s3] =	ssyncadd.s32 $0xFFFEC010;
	s0 =	sadd.s32 s26, s0  }
0x25: {  	[tilespmem:s7], [sflag:$0x1] =	stream.strided.gather [hbm4b:s0+s5], $0xE80, s4, s5, $0x38;
	[tilespmem:$0x1BF80] =	vst v63  }
0x26: {  	_ =	swait.ge [sflag:s3], $0xE80  }
0x27: {  	s28 =	sld [smem:$0x7FB];
	_ =	sdelay $0x1  }
0x28: {  	[sflag:s3] =	ssyncset.done $0x0  }
0x29: {  	[sflag:s3] =	ssyncadd.s32 $0xFFFFF180;
	s0 =	sor.u32 s28, s6  }
0x2a: {  	s29 =	rddreg [dreg:$0x2];
	s0 =	sshrl.u32 s0, $0x3  }
0x2b: {  	s30 =	simm.s32 $0x1BF00;
	[smem:$0x7F2] =	sst s6;
	s0 =	sadd.s32 s29, s0  }
0x2c: {  	[tilespmem:s30], [sflag:$0x1] =	stream.linear.gather [hbm4b:s0+s24], $0x80, $0x38;
	[tilespmem:$0x1BF80] =	vst v63  }
0x2d: {  	_ =	swait.ge [sflag:s3], $0x80  }
0x2e: {  	[sflag:s3] =	ssyncset.done $0x0  }
0x2f: {  	s0 =	simm.s32 $0x14020;
	[sflag:s3] =	ssyncadd.s32 $0xFFFFFF80  }
0x30: {  	[tilespmem:s0+$0xFFFFFFE0] =	vst v1  }
0x31: {  	[tilespmem:s0+$0x10] =	vst v1  }
0x32: {  	s1 =	simm.s32 $0x0;
	[tilespmem:s0+$0x0] =	vst v1  }
.LBB2_3:
0x33: {  	s1 =	sadd.s32 $0x4, s1  }
0x34: {  	[tilespmem:s0+$0xFFFFFFF0] =	vst v1;
	s0 =	sadd.s32 $0x40, s0;
	p0 =	slt.u32 s1, $0x3FC  }
.Ltmp2:
0x35: {  	[tilespmem:s0+$0xFFFFFFE0] =	vst v1;
	(pc) =	sbr.rel @p0 .LBB2_3-.Ltmp2, $3  }
0x36: {  	_ =	sdelay $0x1  }
0x37: {  	[tilespmem:s0+$0x10] =	vst v1  }
0x38: {  	[tilespmem:s0+$0x0] =	vst v1  }
0x39: {  	[tilespmem:s0+$0xFFFFFFF0] =	vst v1  }
0x3a: {  	v2 =	vld [tilespmem:$0x0];
	_ =	sdelay $0x1  }
0x3b: {  	v0 =	vld [tilespmem:$0x1FFA0];
	_ =	sdelay $0x2  }
0x3c: {  	v4 =	vshra.s32 v2, $0x1F  }
0x3d: {  	v5 =	vmov s31;
	v4 =	vor.u32 $0x80000000, v4  }
0x3e: {  	vm0 =	vlt.u32 v5, v0;
	v2 =	vxor.u32 v2, v4  }
0x3f: {  	v2 =	vnsel vm0, $0x0, v2  }
0x40: {  	v4 =	vshrl.u32 v2, $0x14  }
0x41: {  	v4 =	vand.u32 $0xFF0, v4  }
0x42: {  	v4 =	vor.u32 v29, v4;
	_ =	sdelay $0x3  }
0x43: {  	[tilespmem:$0x0] =	vst v2  }
0x44: {  	[tilespmem:v4+s13+$0x0] =	vst.idx.add.s32.msk vm0, v3  }
0x45: {  	v2 =	vld [tilespmem:$0x13FE0];
	_ =	sdelay $0x4  }
0x46: {  	s30 =	sadd.s32 $0xC, s31;
	v4 =	vshra.s32 v2, $0x1F  }
0x47: {  	v5 =	vmov s30;
	v4 =	vor.u32 $0x80000000, v4  }
0x48: {  	vm15 =	vgt.u32 v5, v29;
	v2 =	vxor.u32 v2, v4  }
0x49: {  	v2 =	vnsel vm15, $0x0, v2  }
0x4a: {  	v4 =	vshrl.u32 v2, $0x14  }
0x4b: {  	v4 =	vand.u32 $0xFF0, v4  }
0x4c: {  	v4 =	vor.u32 v19, v4;
	_ =	sdelay $0x3  }
0x4d: {  	[tilespmem:$0x13FE0] =	vst v2  }
0x4e: {  	[tilespmem:v4+s13+$0x0] =	vst.idx.add.s32.msk vm15, v3  }
0x4f: {  	v2 =	vld [tilespmem:$0x13FD0];
	_ =	sdelay $0x4  }
0x50: {  	v4 =	vshra.s32 v2, $0x1F  }
0x51: {  	v4 =	vor.u32 $0x80000000, v4  }
0x52: {  	v2 =	vxor.u32 v2, v4  }
0x53: {  	v4 =	vshrl.u32 v2, $0x14  }
0x54: {  	v4 =	vand.u32 $0xFF0, v4  }
0x55: {  	v4 =	vor.u32 v20, v4;
	_ =	sdelay $0x3  }
0x56: {  	[tilespmem:$0x13FD0] =	vst v2  }
0x57: {  	[tilespmem:v4+s13+$0x0] =	vst.idx.add.s32.msk $0xffff, v3  }
0x58: {  	s1 =	simm.s32 $0x40;
	[tilespmem:$0x13FF0] =	vst v1  }
0x59: {  	v2 =	vld [tilespmem:s1+$0xFFFFFFF0]  }
0x5a: {  	v4 =	vld [tilespmem:s1+$0x0]  }
0x5b: {  	v9 =	vld [tilespmem:s1+$0xFFFFFFD0]  }
0x5c: {  	v5 =	vld [tilespmem:s1+$0xFFFFFFE0];
	_ =	sdelay $0x2  }
0x5d: {  	v6 =	vshra.s32 v2, $0x1F  }
0x5e: {  	v7 =	vshra.s32 v4, $0x1F;
	v12 =	vshra.s32 v9, $0x1F;
	v6 =	vor.u32 $0x80000000, v6  }
0x5f: {  	s0 =	simm.s32 $0x80;
	v10 =	vxor.u32 v2, v6;
	v2 =	vor.u32 $0x80000000, v7;
	v6 =	vshra.s32 v5, $0x1F  }
0x60: {  	v7 =	vld [tilespmem:s0+$0xFFFFFFF0];
	v11 =	vshrl.u32 v10, $0x14;
	v6 =	vor.u32 $0x80000000, v6;
	v4 =	vxor.u32 v4, v2  }
0x61: {  	v8 =	vld [tilespmem:s0+$0x0];
	v2 =	vor.u32 $0x80000000, v12;
	v11 =	vand.u32 $0xFF0, v11;
	v6 =	vxor.u32 v5, v6  }
0x62: {  	v12 =	vxor.u32 v9, v2;
	v9 =	vld [tilespmem:s0+$0xFFFFFFD0];
	v11 =	vor.u32 v21, v11;
	v5 =	vshrl.u32 v6, $0x14  }
0x63: {  	v13 =	vshrl.u32 v4, $0x14;
	v2 =	vand.u32 $0xFF0, v5;
	v5 =	vld [tilespmem:s0+$0xFFFFFFE0]  }
0x64: {  	v16 =	vand.u32 $0xFF0, v13  }
0x65: {  	[tilespmem:s1+$0xFFFFFFF0] =	vst v10;
	v13 =	vshrl.u32 v12, $0x14;
	v10 =	vor.u32 v29, v16;
	v14 =	vshra.s32 v7, $0x1F  }
0x66: {  	s2 =	simm.s32 $0x5;
	s3 =	simm.s32 $0xC0;
	v2 =	vor.u32 v19, v2;
	v15 =	vor.u32 $0x80000000, v14;
	v14 =	vshra.s32 v8, $0x1F  }
.LBB2_5:
0x67: {  	s2 =	sadd.s32 $0x4, s2;
	v15 =	vxor.u32 v7, v15;
	v14 =	vor.u32 $0x80000000, v14;
	v13 =	vand.u32 $0xFF0, v13;
	[tilespmem:v11+s13+$0x0] =	vst.idx.add.s32.msk $0xffff, v3  }
0x68: {  	v11 =	vshra.s32 v5, $0x1F;
	v7 =	vld [tilespmem:s3+$0xFFFFFFF0];
	p0 =	slt.u32 s2, $0x13F9;
	v16 =	vshra.s32 v9, $0x1F;
	v17 =	vshrl.u32 v15, $0x14;
	[tilespmem:s1+$0xFFFFFFD0] =	vst v12;
	v12 =	vmovc v9  }
0x69: {  	v9 =	vor.u32 $0x80000000, v11;
	v18 =	vld [tilespmem:s3+$0x0];
	v11 =	vand.u32 $0xFF0, v17;
	v17 =	vor.u32 v20, v13;
	[tilespmem:s1+$0xFFFFFFE0] =	vst v6  }
.Ltmp3:
0x6a: {  	v6 =	vxor.u32 v5, v9;
	v5 =	vld [tilespmem:s3+$0xFFFFFFE0];
	v11 =	vor.u32 v21, v11;
	[tilespmem:s1+$0x0] =	vst v4;
	v4 =	vxor.u32 v8, v14;
	s1 =	smov.u32 s0;
	s0 =	smov.u32 s3;
	(pc) =	sbr.rel @p0 .LBB2_5-.Ltmp3, $4  }
0x6b: {  	v8 =	vor.u32 $0x80000000, v16;
	v13 =	vshrl.u32 v6, $0x14;
	v9 =	vld [tilespmem:s3+$0xFFFFFFD0];
	[tilespmem:s1+$0xFFFFFFF0] =	vst v15;
	v14 =	vshrl.u32 v4, $0x14  }
0x6c: {  	v12 =	vxor.u32 v12, v8;
	v0 =	vand.u32 $0xFF0, v13;
	v16 =	vand.u32 $0xFF0, v14;
	[tilespmem:v10+s13+$0x0] =	vst.idx.add.s32.msk $0xffff, v3  }
0x6d: {  	v13 =	vshrl.u32 v12, $0x14;
	v10 =	vshra.s32 v7, $0x1F;
	[tilespmem:v2+s13+$0x0] =	vst.idx.add.s32.msk $0xffff, v3;
	v2 =	vor.u32 v19, v0  }
0x6e: {  	s3 =	sadd.s32 $0x40, s3;
	v15 =	vor.u32 $0x80000000, v10;
	v14 =	vshra.s32 v18, $0x1F;
	v10 =	vor.u32 v29, v16;
	[tilespmem:v17+s13+$0x0] =	vst.idx.add.s32.msk $0xffff, v3;
	v8 =	vmovc v18  }
0x6f: {  	_ =	sdelay $0x3  }
0x70: {  	[tilespmem:v11+s13+$0x0] =	vst.idx.add.s32.msk $0xffff, v3  }
0x71: {  	v7 =	vxor.u32 v7, v15;
	v56 =	vand.u32 $0xFF0, v13;
	[tilespmem:s1+$0xFFFFFFD0] =	vst v12  }
0x72: {  	[tilespmem:s1+$0xFFFFFFE0] =	vst v6;
	v59 =	vor.u32 $0x80000000, v14;
	v60 =	vshra.s32 v5, $0x1F;
	v57 =	vshrl.u32 v7, $0x14  }
0x73: {  	[tilespmem:s1+$0x0] =	vst v4;
	v11 =	vor.u32 v20, v56;
	v4 =	vshra.s32 v9, $0x1F;
	v13 =	vor.u32 $0x80000000, v60  }
0x74: {  	v6 =	vxor.u32 v8, v59;
	[tilespmem:s0+$0xFFFFFFF0] =	vst v7;
	v58 =	vand.u32 $0xFF0, v57;
	v5 =	vxor.u32 v5, v13  }
0x75: {  	[tilespmem:v10+s13+$0x0] =	vst.idx.add.s32.msk $0xffff, v3;
	v4 =	vor.u32 $0x80000000, v4;
	v61 =	vshrl.u32 v6, $0x14;
	v12 =	vor.u32 v21, v58  }
0x76: {  	[tilespmem:v2+s13+$0x0] =	vst.idx.add.s32.msk $0xffff, v3;
	v62 =	vshrl.u32 v5, $0x14;
	v4 =	vxor.u32 v9, v4;
	v7 =	vand.u32 $0xFF0, v61  }
0x77: {  	[tilespmem:s0+$0x0] =	vst v6;
	v2 =	vand.u32 $0xFF0, v62;
	v63 =	vshrl.u32 v4, $0x14;
	v7 =	vor.u32 v29, v7  }
0x78: {  	[tilespmem:s0+$0xFFFFFFE0] =	vst v5;
	v2 =	vor.u32 v19, v2;
	v8 =	vand.u32 $0xFF0, v63  }
0x79: {  	[tilespmem:s0+$0xFFFFFFD0] =	vst v4;
	v4 =	vor.u32 v20, v8  }
0x7a: {  	[tilespmem:v11+s13+$0x0] =	vst.idx.add.s32.msk $0xffff, v3  }
0x7b: {  	[tilespmem:v12+s13+$0x0] =	vst.idx.add.s32.msk $0xffff, v3  }
0x7c: {  	[tilespmem:v7+s13+$0x0] =	vst.idx.add.s32.msk $0xffff, v3  }
0x7d: {  	[tilespmem:v2+s13+$0x0] =	vst.idx.add.s32.msk $0xffff, v3  }
0x7e: {  	[tilespmem:v4+s13+$0x0] =	vst.idx.add.s32.msk $0xffff, v3  }
0x7f: {  	v2 =	vld [tilespmem:$0x14FF0]  }
0x80: {  	v4 =	vld [tilespmem:$0x15FF0]  }
0x81: {  	v5 =	vld [tilespmem:$0x16FF0]  }
0x82: {  	v6 =	vld [tilespmem:$0x17FF0];
	_ =	sdelay $0x2  }
0x83: {  	v2 =	vadd.s32 v2, v4  }
0x84: {  	v2 =	vadd.s32 v5, v2  }
0x85: {  	v2 =	vadd.s32 v6, v2  }
0x86: {  	(xrf0) =	vadd.scan.msk.s32 $0xffff, v2;
	_ =	sdelay $0x5  }
0x87: {  	v2, _, _ =	vpop (xrf0)  }
0x88: {  	(v2sf) =	vpush v2, $0xF;
	_ =	sdelay $0xe  }
0x89: {  	s2 =	spop (v2sf)  }
0x8a: {  	p0 =	sgt.s32 s2, $0x12B  }
.Ltmp4:
0x8b: {  	_ = 	snop;
	(pc) =	sbr.rel @p0 .LBB2_7-.Ltmp4, $2  }
0x8c: {  	_ =	sdelay $0x2  }
0x8d: {  	s1 =	simm.s32 $0xFF000000;
	s0 =	simm.s32 $0x0  }
0x8e: {  	s3 =	simm.s32 $0xFE0;
	s4 =	simm.s32 $0x14FE0  }
.LBB2_9:
0x8f: {  	v2 =	vld [tilespmem:s4+$0x0];
	s5 =	sand.u32 $0xFFFFFFF0, s3  }
0x90: {  	v4 =	vld [tilespmem:s5+$0x15000]  }
0x91: {  	v5 =	vld [tilespmem:s5+$0x16000]  }
0x92: {  	v6 =	vld [tilespmem:s5+$0x17000];
	_ =	sdelay $0x2  }
0x93: {  	v2 =	vadd.s32 v2, v4  }
0x94: {  	v2 =	vadd.s32 v5, v2  }
0x95: {  	v2 =	vadd.s32 v6, v2  }
0x96: {  	(xrf0) =	vadd.scan.msk.s32 $0xffff, v2;
	_ =	sdelay $0x5  }
0x97: {  	v2, _, _ =	vpop (xrf0)  }
0x98: {  	(v2sf) =	vpush v2, $0xF;
	_ =	sdelay $0xe  }
0x99: {  	s15 =	smov.u32 s2;
	s30 =	spop (v2sf)  }
0x9a: {  	s2 =	sadd.s32 s15, s30  }
0x9b: {  	p0 =	slt.s32 s2, $0x12C  }
.Ltmp5:
0x9c: {  	_ = 	snop;
	(pc) =	sbr.rel @p0 .LBB2_9-.Ltmp5, $2  }
0x9d: {  	_ =	sdelay $0x2  }
0x9e: {  	s1 =	sadd.s32 $0xFF000000, s1;
	s3 =	sadd.s32 $0xFFFFFFF0, s3;
	s4 =	sadd.s32 $0xFFFFFFF0, s4  }
.Ltmp6:
0x9f: {  	_ = 	snop;
	(pc) =	sbr.rel .LBB2_10-.Ltmp6, $1  }
0xa0: {  	_ =	sdelay $0x3  }
.LBB2_7:
0xa1: {  	s15 =	simm.s32 $0x0  }
.LBB2_10:
0xa2: {  	p0 =	slt.u32 s2, $0x1001  }
.Ltmp7:
0xa3: {  	_ = 	snop;
	(pc) =	sbr.rel @p0 .LBB2_20-.Ltmp7, $4  }
.Ltmp8:
0xa4: {  	_ = 	snop;
	(pc) =	sbr.rel @!p0 .LBB2_11-.Ltmp8, $4  }
0xa5: {  	_ = 	snop  }
0xa6: {  	_ = 	snop  }
0xa7: {  	_ = 	snop  }
0xa8: {  	_ = 	snop  }
.LBB2_18:
0xa9: {  	p0 =	sgt.u32 s2, $0x1  }
0xaa: {  	p1 =	sgt.u32 @!p0 s4, $0x1000  }
0xab: {  	p0 =	por p0, !p1  }
.Ltmp9:
0xac: {  	_ = 	snop;
	(pc) =	sbr.rel @p0 .LBB2_19-.Ltmp9, $3  }
0xad: {  	_ =	sdelay $0x1  }
0xae: {  	s30 =	sshll.u32 s5, s3  }
0xaf: {  	s1 =	sor.u32 s1, s30  }
.LBB2_11:
0xb0: {  	s2 =	smov.u32 s0;
	s0 =	simm.s32 $0x14020  }
0xb1: {  	[tilespmem:s0+$0xFFFFFFE0] =	vst v1  }
0xb2: {  	[tilespmem:s0+$0x10] =	vst v1  }
0xb3: {  	s3 =	simm.s32 $0x0;
	[tilespmem:s0+$0x0] =	vst v1  }
.LBB2_12:
0xb4: {  	s3 =	sadd.s32 $0x4, s3  }
0xb5: {  	[tilespmem:s0+$0xFFFFFFF0] =	vst v1;
	s0 =	sadd.s32 $0x40, s0;
	p0 =	slt.u32 s3, $0x3FC  }
.Ltmp10:
0xb6: {  	[tilespmem:s0+$0xFFFFFFE0] =	vst v1;
	(pc) =	sbr.rel @p0 .LBB2_12-.Ltmp10, $3  }
0xb7: {  	_ =	sdelay $0x1  }
0xb8: {  	[tilespmem:s0+$0x10] =	vst v1  }
0xb9: {  	[tilespmem:s0+$0x0] =	vst v1  }
0xba: {  	[tilespmem:s0+$0xFFFFFFF0] =	vst v1;
	s0 =	sadd.s32 $0x1, s2  }
0xbb: {  	s3 =	sshll.u32 s0, $0x3  }
0xbc: {  	s4 =	ssub.s32 $0x20, s3  }
0xbd: {  	s3 =	ssub.s32 $0x18, s3;
	s5 =	sshrl.u32 s1, s4  }
0xbe: {  	v4 =	vmov s4;
	v5 =	vmov s3;
	s4 =	simm.s32 $0x40;
	v2 =	vmov s5;
	s5 =	simm.s32 $0x0  }
.LBB2_14:
0xbf: {  	p0 =	sne.s32 s4, $0x4FFC0;
	v6 =	vld [tilespmem:s5+$0x0];
	_ =	sdelay $0x4  }
0xc0: {  	v7 =	vshrl.u32 v6, v5  }
0xc1: {  	v6 =	vshrl.u32 v6, v4;
	v7 =	vshll.u32 v7, $0x4  }
0xc2: {  	vm0 =	veq.s32 v6, v2;
	v6 =	vor.u32 v29, v7  }
0xc3: {  	v6 =	vand.u32 $0xFFF, v6  }
.Ltmp11:
0xc4: {  	(pc) =	sbr.rel @p0 .LBB2_14-.Ltmp11, $2  }
0xc5: {  	_ =	sdelay $0x2  }
0xc6: {  	s5 =	sshra.s32 s4, $0x2;
	s4 =	sadd.s32 $0x40, s4;
	[tilespmem:v6+s13+$0x0] =	vst.idx.add.s32.msk vm0, v3  }
0xc7: {  	v6 =	vld [tilespmem:s5+$0x0];
	_ =	sdelay $0x4  }
0xc8: {  	v5 =	vshrl.u32 v6, v5  }
0xc9: {  	v4 =	vshrl.u32 v6, v4;
	v5 =	vshll.u32 v5, $0x4  }
0xca: {  	vm0 =	veq.s32 v4, v2;
	v2 =	vor.u32 v29, v5  }
0xcb: {  	v2 =	vand.u32 $0xFFF, v2;
	_ =	sdelay $0x4  }
0xcc: {  	[tilespmem:v2+s13+$0x0] =	vst.idx.add.s32.msk vm0, v3  }
0xcd: {  	v2 =	vld [tilespmem:$0x14FF0]  }
0xce: {  	v4 =	vld [tilespmem:$0x15FF0]  }
0xcf: {  	v5 =	vld [tilespmem:$0x16FF0]  }
0xd0: {  	v63 =	vld [tilespmem:$0x17FF0];
	_ =	sdelay $0x2  }
0xd1: {  	v2 =	vadd.s32 v2, v4  }
0xd2: {  	v2 =	vadd.s32 v5, v2  }
0xd3: {  	v2 =	vadd.s32 v63, v2  }
0xd4: {  	(xrf0) =	vadd.scan.msk.s32 $0xffff, v2;
	_ =	sdelay $0x5  }
0xd5: {  	v2, _, _ =	vpop (xrf0)  }
0xd6: {  	(v2sf) =	vpush v2, $0xF;
	_ =	sdelay $0xe  }
0xd7: {  	s4 =	spop (v2sf)  }
0xd8: {  	s4 =	sadd.s32 s15, s4  }
0xd9: {  	p0 =	sgt.s32 s4, $0x12B  }
.Ltmp12:
0xda: {  	_ = 	snop;
	(pc) =	sbr.rel @p0 .LBB2_18-.Ltmp12, $2  }
0xdb: {  	_ =	sdelay $0x2  }
0xdc: {  	s5 =	simm.s32 $0xFF  }
0xdd: {  	s6 =	simm.s32 $0xFE0;
	s7 =	simm.s32 $0x14FE0  }
.LBB2_17:
0xde: {  	v2 =	vld [tilespmem:s7+$0x0];
	s8 =	sand.u32 $0xFFFFFFF0, s6  }
0xdf: {  	v4 =	vld [tilespmem:s8+$0x15000]  }
0xe0: {  	v5 =	vld [tilespmem:s8+$0x16000]  }
0xe1: {  	v6 =	vld [tilespmem:s8+$0x17000];
	_ =	sdelay $0x2  }
0xe2: {  	v2 =	vadd.s32 v2, v4  }
0xe3: {  	v2 =	vadd.s32 v5, v2  }
0xe4: {  	v2 =	vadd.s32 v6, v2  }
0xe5: {  	(xrf0) =	vadd.scan.msk.s32 $0xffff, v2;
	_ =	sdelay $0x5  }
0xe6: {  	v2, _, _ =	vpop (xrf0)  }
0xe7: {  	(v2sf) =	vpush v2, $0xF;
	_ =	sdelay $0xe  }
0xe8: {  	s15 =	smov.u32 s4;
	s30 =	spop (v2sf)  }
0xe9: {  	s4 =	sadd.s32 s15, s30  }
0xea: {  	p0 =	slt.s32 s4, $0x12C  }
.Ltmp13:
0xeb: {  	_ = 	snop;
	(pc) =	sbr.rel @p0 .LBB2_17-.Ltmp13, $2  }
0xec: {  	_ =	sdelay $0x2  }
0xed: {  	s5 =	sadd.s32 $0xFFFFFFFF, s5;
	s6 =	sadd.s32 $0xFFFFFFF0, s6;
	s7 =	sadd.s32 $0xFFFFFFF0, s7  }
.Ltmp14:
0xee: {  	_ = 	snop;
	(pc) =	sbr.rel .LBB2_18-.Ltmp14, $1  }
0xef: {  	_ =	sdelay $0x3  }
.LBB2_19:
0xf0: {  	p0 =	sgt.u32 s4, $0x1000  }
.Ltmp15:
0xf1: {  	_ = 	snop;
	(pc) =	sbr.rel @!p0 .LBB2_20-.Ltmp15, $1  }
0xf2: {  	_ =	sdelay $0x3  }
0xf3: {  	s0 =	simm.s32 $0x10  }
0xf4: {  	v5 =	vld [tilespmem:s0+$0xFFFFFFF0];
	_ =	sdelay $0x3  }
0xf5: {  	v2 =	vmov s1  }
0xf6: {  	vm0 =	veq.s32 v5, v2  }
0xf7: {  	v4 =	vsel vm0, $0x1, v1  }
0xf8: {  	(xrf0) =	vadd.scan.msk.s32 $0xffff, v4;
	_ =	sdelay $0x5  }
0xf9: {  	s26 =	ssub.s32 $0x12C, s15;
	s2 =	simm.s32 $0x0;
	v6, _, _ =	vpop (xrf0)  }
0xfa: {  	v4 =	vmov s26;
	v6 =	vadd.s32 s2, v6  }
0xfb: {  	vm1 =	vle.s32 v6, v4  }
0xfc: {  	vm0 =	vmand vm0, vm1  }
0xfd: {  	v6 =	vmpcnt.ones.xlane vm0;
	_ =	sdelay $0x1  }
0xfe: {  	(v2sf) =	vpush v6, $0x0  }
0xff: {  	vm13 =	vgt.u32 v5, v2  }
0x100: {  	vm0 =	vmor vm13, vm0  }
0x101: {  	v7 =	vld [tilespmem:s0+$0x0];
	v6 =	vmpcnt.ones.xlane vm0;
	_ =	sdelay $0x1  }
0x102: {  	(v2sf) =	vpush v6, $0x0;
	_ =	sdelay $0x2  }
0x103: {  	vm14 =	veq.s32 v7, v2  }
0x104: {  	v6 =	vsel vm14, $0x1, v1  }
0x105: {  	(xrf0) =	vadd.scan.msk.s32 $0xffff, v6;
	_ =	sdelay $0x4  }
0x106: {  	s28 =	spop (v2sf)  }
0x107: {  	v6, _, _ =	vpop (xrf0);
	s3 =	sadd.s32 $0x0, s28  }
0x108: {  	v6 =	vadd.s32 s3, v6  }
0x109: {  	s29 =	ssub.s32 $0x10, s31;
	vm2 =	vle.s32 v6, v4  }
0x10a: {  	s4 =	sadd.s32 $0xFFFFFFF0, s29;
	vm15 =	vgt.u32 v7, v2;
	vm1 =	vmand vm14, vm2  }
0x10b: {  	[tilespmem:s2+$0x1A100] =	vst.msk vm0, v5;
	v5 =	vadd.s32 s4, v29;
	s30 =	spop (v2sf);
	vm2 =	vmor vm15, vm1;
	v6 =	vmpcnt.ones.xlane vm1  }
0x10c: {  	[tilespmem:s2+$0x1A280] =	vst.msk vm0, v5;
	s4 =	sadd.s32 $0x0, s30;
	v5 =	vmpcnt.ones.xlane vm2  }
0x10d: {  	[tilespmem:s4+$0x1A100] =	vst.msk vm2, v7;
	v7 =	vadd.s32 s29, v29;
	(v2sf) =	vpush v6, $0x0  }
0x10e: {  	s1 =	simm.s32 $0x0;
	s2 =	simm.s32 $0x10;
	[tilespmem:s4+$0x1A280] =	vst.msk vm2, v7;
	(v2sf) =	vpush v5, $0x0  }
.LBB2_28:
0x10f: {  	s1 =	sadd.s32 $0x2, s1;
	s0 =	sadd.s32 $0x20, s0  }
0x110: {  	v5 =	vld [tilespmem:s0+$0xFFFFFFF0];
	p0 =	slt.u32 s1, $0x13FE;
	_ =	sdelay $0x4  }
0x111: {  	vm0 =	veq.s32 v5, v2  }
0x112: {  	v6 =	vsel vm0, $0x1, v1  }
0x113: {  	(xrf0) =	vadd.scan.msk.s32 $0xffff, v6;
	_ =	sdelay $0x4  }
0x114: {  	s5 =	spop (v2sf)  }
0x115: {  	v6, _, _ =	vpop (xrf0);
	s3 =	sadd.s32 s3, s5;
	s5 =	spop (v2sf)  }
0x116: {  	v6 =	vadd.s32 s3, v6;
	s4 =	sadd.s32 s4, s5  }
0x117: {  	s2 =	sadd.s32 $0x20, s2;
	vm1 =	vle.s32 v6, v4  }
0x118: {  	vm2 =	vgt.u32 v5, v2;
	s5 =	ssub.s32 s2, s31;
	vm0 =	vmand vm0, vm1  }
0x119: {  	s6 =	sadd.s32 $0xFFFFFFF0, s5;
	vm1 =	vmor vm2, vm0;
	v6 =	vmpcnt.ones.xlane vm0  }
0x11a: {  	v7 =	vadd.s32 s6, v29;
	[tilespmem:s4+$0x1A100] =	vst.msk vm1, v5;
	v5 =	vmpcnt.ones.xlane vm1  }
0x11b: {  	[tilespmem:s4+$0x1A280] =	vst.msk vm1, v7;
	(v2sf) =	vpush v6, $0x0  }
0x11c: {  	(v2sf) =	vpush v5, $0x0;
	_ =	sdelay $0x1  }
0x11d: {  	v5 =	vld [tilespmem:s0+$0x0];
	_ =	sdelay $0x4  }
0x11e: {  	vm0 =	veq.s32 v5, v2  }
0x11f: {  	v6 =	vsel vm0, $0x1, v1  }
0x120: {  	(xrf0) =	vadd.scan.msk.s32 $0xffff, v6;
	_ =	sdelay $0x4  }
0x121: {  	s6 =	spop (v2sf)  }
0x122: {  	s3 =	sadd.s32 s3, s6;
	s6 =	spop (v2sf);
	v6, _, _ =	vpop (xrf0)  }
0x123: {  	s4 =	sadd.s32 s4, s6;
	v6 =	vadd.s32 s3, v6  }
0x124: {  	vm1 =	vle.s32 v6, v4  }
.Ltmp16:
0x125: {  	vm2 =	vgt.u32 v5, v2;
	vm0 =	vmand vm0, vm1;
	(pc) =	sbr.rel @p0 .LBB2_28-.Ltmp16, $4  }
0x126: {  	vm1 =	vmor vm2, vm0;
	v6 =	vmpcnt.ones.xlane vm0  }
0x127: {  	v7 =	vadd.s32 s5, v29;
	[tilespmem:s4+$0x1A100] =	vst.msk vm1, v5;
	v5 =	vmpcnt.ones.xlane vm1  }
0x128: {  	[tilespmem:s4+$0x1A280] =	vst.msk vm1, v7;
	(v2sf) =	vpush v6, $0x0  }
0x129: {  	(v2sf) =	vpush v5, $0x0  }
0x12a: {  	_ =	sdelay $0x9  }
.Ltmp17:
0x12b: {  	_ = 	snop;
	(pc) =	sbr.rel .LBB2_64-.Ltmp17, $3  }
0x12c: {  	_ =	sdelay $0x1  }
0x12d: {  	s0 =	spop (v2sf)  }
0x12e: {  	s0 =	spop (v2sf)  }
.LBB2_20:
0x12f: {  	s0 =	simm.s32 $0x20  }
0x130: {  	v4 =	vld [tilespmem:s0+$0xFFFFFFE0]  }
0x131: {  	v8 =	vld [tilespmem:s0+$0xFFFFFFF0]  }
0x132: {  	v14 =	vld [tilespmem:s0+$0x0];
	_ =	sdelay $0x1  }
0x133: {  	v2 =	vmov s1  }
0x134: {  	vm0 =	vge.u32 v4, v2  }
0x135: {  	s25 =	simm.s32 $0x60;
	v15 =	vld [tilespmem:s0+$0x10];
	vm1 =	vge.u32 v8, v2;
	v5 =	vmpcnt.ones.xlane vm0  }
0x136: {  	v17 =	vld [tilespmem:s25+$0xFFFFFFE0];
	vm2 =	vge.u32 v14, v2;
	v6 =	vmpcnt.ones.xlane vm1  }
0x137: {  	v12 =	vld [tilespmem:s25+$0xFFFFFFF0];
	v7 =	vmpcnt.ones.xlane vm2;
	(v2sf) =	vpush v5, $0x0  }
0x138: {  	v13 =	vld [tilespmem:s25+$0x0];
	(v2sf) =	vpush v6, $0x0  }
0x139: {  	s26 =	simm.s32 $0xA0;
	v11 =	vld [tilespmem:s25+$0x10];
	(v2sf) =	vpush v7, $0x0  }
0x13a: {  	v10 =	vld [tilespmem:s26+$0xFFFFFFE0]  }
0x13b: {  	vm3 =	vge.u32 v15, v2  }
0x13c: {  	v5 =	vmpcnt.ones.xlane vm3  }
0x13d: {  	vm4 =	vge.u32 v17, v2  }
0x13e: {  	vm5 =	vge.u32 v12, v2;
	(v2sf) =	vpush v5, $0x0;
	v5 =	vmpcnt.ones.xlane vm4  }
0x13f: {  	vm6 =	vge.u32 v13, v2;
	vm7 =	vge.u32 v11, v2;
	vm11 =	vge.u32 v10, v2  }
0x140: {  	vm0 =	vmmov vm0;
	v7 =	vmpcnt.ones.xlane vm5;
	(v2sf) =	vpush v5, $0x0;
	v5 =	vld [tilespmem:s26+$0xFFFFFFF0]  }
0x141: {  	vm1 =	vmmov vm1;
	vm2 =	vmmov vm2;
	v9 =	vmpcnt.ones.xlane vm6;
	v6 =	vld [tilespmem:s26+$0x0]  }
0x142: {  	vm9 =	vmmov vm4;
	v16 =	vmpcnt.ones.xlane vm7;
	(v2sf) =	vpush v7, $0x0;
	v7 =	vld [tilespmem:s26+$0x10]  }
0x143: {  	vm8 =	vmmov vm0;
	vm10 =	vmmov vm1;
	vm0 =	vmmov vm5  }
0x144: {  	vm2 =	vmmov vm2;
	vm5 =	vmmov vm6;
	(v2sf) =	vpush v9, $0x0  }
0x145: {  	(v2sf) =	vpush v16, $0x0;
	v16 =	vmpcnt.ones.xlane vm11;
	vm12 =	vge.u32 v5, v2  }
0x146: {  	s3 =	simm.s32 $0x0;
	s28 =	simm.s32 $0xE0;
	vm6 =	vmmov vm7;
	vm7 =	vge.u32 v6, v2;
	v18 =	vmpcnt.ones.xlane vm12;
	s2 =	spop (v2sf)  }
0x147: {  	[tilespmem:s3+$0x18000] =	vst.msk vm8, v4;
	v4 =	vld [tilespmem:s28+$0xFFFFFFF0];
	v19 =	vmpcnt.ones.xlane vm7;
	vm4 =	vge.u32 v7, v2;
	(v2sf) =	vpush v16, $0x0;
	s6 =	sadd.s32 $0x0, s2;
	s29 =	spop (v2sf)  }
0x148: {  	s8 =	ssub.s32 $0x0, s31;
	vm3 =	vmmov vm3;
	v16 =	vmpcnt.ones.xlane vm4;
	(v2sf) =	vpush v18, $0x0;
	[tilespmem:s6+$0x18000] =	vst.msk vm10, v8;
	s2 =	sadd.s32 s6, s29;
	s4 =	spop (v2sf)  }
0x149: {  	s5 =	sadd.s32 $0x20, s8;
	vm1 =	vmmov vm3;
	v9 =	vld [tilespmem:s28+$0xFFFFFFE0];
	(v2sf) =	vpush v19, $0x0;
	[tilespmem:s2+$0x18000] =	vst.msk vm2, v14;
	s4 =	sadd.s32 s2, s4  }
0x14a: {  	s30 =	sadd.s32 $0x30, s8;
	(v2sf) =	vpush v16, $0x0;
	v14 =	vadd.s32 s5, v29;
	[tilespmem:s4+$0x18000] =	vst.msk vm1, v15  }
0x14b: {  	vm0 =	vmmov vm0;
	vm3 =	vmmov vm8;
	v8 =	vld [tilespmem:s28+$0x0];
	[tilespmem:s2+$0x19080] =	vst.msk vm2, v14;
	v14 =	vadd.s32 s30, v29  }
0x14c: {  	vm8 =	vmmov vm9;
	vm9 =	vmmov vm11;
	vm13 =	vge.u32 v4, v2;
	[tilespmem:s4+$0x19080] =	vst.msk vm1, v14;
	v14 =	vld [tilespmem:s28+$0x10]  }
0x14d: {  	s7 =	sadd.s32 $0x10, s8;
	vm11 =	vmmov vm10;
	vm4 =	vmmov vm4;
	vm10 =	vmmov vm12  }
0x14e: {  	s9 =	spop (v2sf);
	vm2 =	vmmov vm5;
	vm5 =	vge.u32 v9, v2;
	v15 =	vadd.s32 s7, v29  }
0x14f: {  	s0 =	simm.s32 $0x40;
	vm12 =	vmmov vm7;
	s5 =	simm.s32 $0xC;
	vm1 =	vmmov vm6;
	s4 =	sadd.s32 s4, s9;
	v16 =	vmpcnt.ones.xlane vm5;
	[tilespmem:s6+$0x19080] =	vst.msk vm11, v15  }
0x150: {  	s2 =	simm.s32 $0x0;
	v15 =	vmpcnt.ones.xlane vm13;
	s6 =	simm.s32 $0x120;
	s7 =	spop (v2sf);
	[tilespmem:s4+$0x18000] =	vst.msk vm8, v17;
	v17 =	vadd.s32 s8, v29;
	vm11 =	vge.u32 v8, v2  }
.LBB2_21:
0x151: {  	s5 =	sadd.s32 $0x4, s5;
	v19 =	vmpcnt.ones.xlane vm11;
	vm6 =	vge.u32 v14, v2;
	(v2sf) =	vpush v16, $0x0;
	s7 =	sadd.s32 s4, s7  }
0x152: {  	v18 =	vld [tilespmem:s6+$0xFFFFFFE0];
	s8 =	spop (v2sf);
	[tilespmem:s3+$0x19080] =	vst.msk vm3, v17;
	vm3 =	vmmov vm8;
	vm8 =	vmmov vm9;
	vm9 =	vmmov vm5;
	s3 =	smov.u32 s4;
	s9 =	ssub.s32 s0, s31  }
0x153: {  	vm7 =	vmmov vm0;
	v16 =	vmpcnt.ones.xlane vm6;
	(v2sf) =	vpush v15, $0x0;
	[tilespmem:s7+$0x18000] =	vst.msk vm0, v12;
	s8 =	sadd.s32 s7, s8;
	s4 =	spop (v2sf);
	v12 =	vmovc v5;
	v5 =	vmovc v4;
	v4 =	vld [tilespmem:s6+$0xFFFFFFF0];
	s10 =	sadd.s32 $0x20, s9  }
0x154: {  	vm0 =	vmmov vm10;
	vm10 =	vmmov vm13;
	p0 =	slt.u32 s5, $0x13FC;
	(v2sf) =	vpush v19, $0x0;
	[tilespmem:s8+$0x18000] =	vst.msk vm2, v13;
	s11 =	sadd.s32 s8, s4;
	s4 =	spop (v2sf);
	v13 =	vmovc v6;
	v6 =	vmovc v8;
	v8 =	vld [tilespmem:s6+$0x0]  }
.Ltmp18:
0x155: {  	v15 =	vadd.s32 s10, v29;
	s10 =	sadd.s32 $0x30, s9;
	(v2sf) =	vpush v16, $0x0;
	[tilespmem:s11+$0x18000] =	vst.msk vm1, v11;
	s4 =	sadd.s32 s11, s4;
	v11 =	vmovc v7;
	v7 =	vmov v14;
	v14 =	vld [tilespmem:s6+$0x10];
	(pc) =	sbr.rel @p0 .LBB2_21-.Ltmp18, $4  }
0x156: {  	s12 =	sadd.s32 $0x10, s9;
	[tilespmem:s8+$0x19080] =	vst.msk vm2, v15;
	v15 =	vadd.s32 s10, v29;
	vm2 =	vmmov vm12;
	vm12 =	vmmov vm11  }
0x157: {  	v17 =	vadd.s32 s12, v29;
	vm5 =	vge.u32 v18, v2;
	[tilespmem:s11+$0x19080] =	vst.msk vm1, v15;
	vm1 =	vmmov vm4  }
0x158: {  	vm4 =	vmmov vm6;
	v16 =	vmpcnt.ones.xlane vm5;
	vm13 =	vge.u32 v4, v2;
	[tilespmem:s7+$0x19080] =	vst.msk vm7, v17  }
0x159: {  	s0 =	sadd.s32 $0x40, s0;
	s6 =	sadd.s32 $0x40, s6;
	v17 =	vadd.s32 s9, v29;
	v15 =	vmpcnt.ones.xlane vm13;
	vm11 =	vge.u32 v8, v2;
	[tilespmem:s4+$0x18000] =	vst.msk vm8, v10;
	s7 =	spop (v2sf);
	v10 =	vmovc v9;
	v9 =	vmovc v18  }
0x15a: {  	(v2sf) =	vpush v16, $0x0;
	s5 =	sadd.s32 s4, s7;
	s6 =	spop (v2sf);
	[tilespmem:s3+$0x19080] =	vst.msk vm3, v17  }
0x15b: {  	v18 =	vmpcnt.ones.xlane vm11;
	s28 =	ssub.s32 s0, s31;
	(v2sf) =	vpush v15, $0x0;
	[tilespmem:s5+$0x18000] =	vst.msk vm0, v12;
	s6 =	sadd.s32 s5, s6;
	s29 =	spop (v2sf)  }
0x15c: {  	s8 =	sadd.s32 $0x20, s28;
	[tilespmem:s6+$0x18000] =	vst.msk vm2, v13;
	s7 =	sadd.s32 s6, s29  }
0x15d: {  	s9 =	sadd.s32 $0x10, s28;
	(v2sf) =	vpush v18, $0x0;
	v61 =	vadd.s32 s8, v29;
	[tilespmem:s7+$0x18000] =	vst.msk vm1, v11  }
0x15e: {  	vm7 =	vmmov vm0;
	s30 =	sadd.s32 $0x30, s28;
	v63 =	vadd.s32 s9, v29;
	[tilespmem:s6+$0x19080] =	vst.msk vm2, v61  }
0x15f: {  	vm3 =	vge.u32 v14, v2;
	v2 =	vadd.s32 s30, v29;
	s8 =	spop (v2sf);
	[tilespmem:s5+$0x19080] =	vst.msk vm7, v63  }
0x160: {  	s10 =	sadd.s32 $0x40, s0;
	vm0 =	vmmov vm9;
	s6 =	sadd.s32 s7, s8;
	[tilespmem:s7+$0x19080] =	vst.msk vm1, v2  }
0x161: {  	vm14 =	vmmov vm8;
	s17 =	ssub.s32 s10, s31;
	[tilespmem:s6+$0x18000] =	vst.msk vm0, v10;
	v2 =	vadd.s32 s28, v29;
	s9 =	spop (v2sf)  }
0x162: {  	vm15 =	vmmov vm10;
	v62 =	vmpcnt.ones.xlane vm3;
	s21 =	sadd.s32 $0x10, s17;
	[tilespmem:s4+$0x19080] =	vst.msk vm14, v2;
	s11 =	sadd.s32 s6, s9  }
0x163: {  	vm2 =	vmmov vm15;
	s12 =	spop (v2sf);
	[tilespmem:s11+$0x18000] =	vst.msk vm15, v5;
	v5 =	vadd.s32 s21, v29  }
0x164: {  	vm8 =	vmmov vm12;
	(v2sf) =	vpush v62, $0x0;
	s5 =	sadd.s32 s11, s12;
	s18 =	spop (v2sf);
	[tilespmem:s11+$0x19080] =	vst.msk vm2, v5  }
0x165: {  	vm4 =	vmmov vm4;
	s19 =	sadd.s32 $0x20, s17;
	[tilespmem:s5+$0x18000] =	vst.msk vm8, v6;
	s7 =	sadd.s32 s5, s18  }
0x166: {  	s20 =	sadd.s32 $0x30, s17;
	v2 =	vadd.s32 s19, v29;
	[tilespmem:s7+$0x18000] =	vst.msk vm4, v7  }
0x167: {  	vm9 =	vmmov vm5;
	s22 =	spop (v2sf);
	[tilespmem:s5+$0x19080] =	vst.msk vm8, v2;
	v2 =	vadd.s32 s20, v29  }
0x168: {  	vm1 =	vmmov vm9;
	s5 =	sadd.s32 s7, s22;
	[tilespmem:s7+$0x19080] =	vst.msk vm4, v2  }
0x169: {  	vm10 =	vmmov vm13;
	s0 =	sadd.s32 $0x40, s10;
	vm0 =	vmmov vm0;
	[tilespmem:s5+$0x18000] =	vst.msk vm1, v9;
	v2 =	vadd.s32 s17, v29;
	s23 =	spop (v2sf)  }
0x16a: {  	vm12 =	vmmov vm11;
	s0 =	ssub.s32 s0, s31;
	vm2 =	vmmov vm10;
	[tilespmem:s6+$0x19080] =	vst.msk vm0, v2;
	s3 =	sadd.s32 s5, s23;
	s24 =	spop (v2sf)  }
0x16b: {  	s29 =	sadd.s32 $0x10, s0;
	vm14 =	vmmov vm12;
	[tilespmem:s3+$0x18000] =	vst.msk vm2, v4;
	s4 =	sadd.s32 s3, s24  }
0x16c: {  	vm13 =	vmmov vm3;
	s25 =	spop (v2sf);
	vm2 =	vmmov vm2;
	v4 =	vadd.s32 s29, v29;
	[tilespmem:s4+$0x18000] =	vst.msk vm14, v8  }
0x16d: {  	s26 =	sadd.s32 $0x20, s0;
	vm0 =	vmmov vm13;
	s6 =	sadd.s32 s4, s25;
	[tilespmem:s3+$0x19080] =	vst.msk vm2, v4  }
0x16e: {  	s28 =	sadd.s32 $0x30, s0;
	v2 =	vadd.s32 s26, v29;
	[tilespmem:s6+$0x18000] =	vst.msk vm0, v14  }
0x16f: {  	[tilespmem:s4+$0x19080] =	vst.msk vm14, v2;
	v2 =	vadd.s32 s28, v29  }
0x170: {  	vm15 =	vmmov vm1;
	[tilespmem:s6+$0x19080] =	vst.msk vm0, v2;
	v2 =	vadd.s32 s0, v29  }
0x171: {  	s0 =	simm.s32 $0x14020;
	[tilespmem:s5+$0x19080] =	vst.msk vm15, v2  }
0x172: {  	[tilespmem:s0+$0xFFFFFFE0] =	vst v1  }
0x173: {  	s30 =	spop (v2sf);
	[tilespmem:s0+$0x10] =	vst v1  }
0x174: {  	s31 =	sadd.s32 s6, s30;
	[tilespmem:s0+$0x0] =	vst v1  }
.LBB2_23:
0x175: {  	s2 =	sadd.s32 $0x4, s2  }
0x176: {  	[tilespmem:s0+$0xFFFFFFF0] =	vst v1;
	s0 =	sadd.s32 $0x40, s0;
	p0 =	slt.u32 s2, $0x3FC  }
.Ltmp19:
0x177: {  	[tilespmem:s0+$0xFFFFFFE0] =	vst v1;
	(pc) =	sbr.rel @p0 .LBB2_23-.Ltmp19, $3  }
0x178: {  	_ =	sdelay $0x1  }
0x179: {  	[tilespmem:s0+$0x10] =	vst v1  }
0x17a: {  	[tilespmem:s0+$0x0] =	vst v1  }
0x17b: {  	s30 =	sadd.s32 $0xF, s31  }
0x17c: {  	s2 =	sshra.s32 s30, $0x4  }
0x17d: {  	p0 =	slt.s32 s2, $0x1  }
.Ltmp20:
0x17e: {  	_ = 	snop;
	(pc) =	sbr.rel @p0 .LBB2_34-.Ltmp20, $2  }
0x17f: {  	_ =	sdelay $0x2  }
0x180: {  	[tilespmem:s0+$0xFFFFFFF0] =	vst v1;
	v11 =	vmov s31  }
0x181: {  	p2 =	sne.s32 s2, $0x1  }
.Ltmp21:
0x182: {  	_ = 	snop;
	(pc) =	sbr.rel @!p2 .LBB2_26-.Ltmp21, $3  }
0x183: {  	_ =	sdelay $0x1  }
0x184: {  	s0 =	sshrl.u32 s1, $0x18;
	s3 =	simm.s32 $0x18000  }
0x185: {  	p1 =	por $0x0, $0x0;
	v2 =	vmov s0;
	s0 =	simm.s32 $0x0;
	v4 =	vld [tilespmem:s3+$0x0];
	s3 =	sadd.s32 $0xFFFFFFFF, s2  }
0x186: {  	_ =	sdelay $0x3  }
0x187: {  	v5 =	vor.u32 s0, v29;
	v6 =	vshrl.u32 v4, $0x18;
	v4 =	vshrl.u32 v4, $0xC  }
0x188: {  	s4 =	sand.u32 $0x3000, s0;
	vm0 =	vlt.s32 v5, v11;
	vm1 =	veq.s32 v6, v2;
	v4 =	vand.u32 $0xFF0, v4  }
0x189: {  	vm0 =	vmand vm0, vm1;
	v4 =	vor.u32 s4, v4  }
0x18a: {  	v4 =	vor.u32 v29, v4  }
0x18b: {  	p2 =	sne.s32 s3, $0x1  }
.Ltmp22:
0x18c: {  	_ = 	snop;
	(pc) =	sbr.rel @!p2 .LBB2_31-.Ltmp22, $3  }
0x18d: {  	_ =	sdelay $0x1  }
0x18e: {  	s5 =	simm.s32 $0x18010;
	s6 =	sadd.s32 $0xFFFFFFFF, s3;
	[tilespmem:v4+s13+$0x0] =	vst.idx.add.s32.msk vm0, v3  }
0x18f: {  	p1 =	por $0x1, $0x1;
	s3 =	simm.s32 $0x0;
	s4 =	simm.s32 $0x0;
	v4 =	vld [tilespmem:s5+$0x0]  }
.LBB2_32:
0x190: {  	p2 =	sne.s32 s6, $0x1;
	_ =	sdelay $0x2  }
0x191: {  	s3 =	sadd.s32 $0x10, s3  }
0x192: {  	s4 =	sadd.s32 $0x1000, s4;
	v5 =	vor.u32 s3, v29;
	v6 =	vshrl.u32 v4, $0x18;
	v4 =	vshrl.u32 v4, $0xC  }
0x193: {  	s7 =	sand.u32 $0x3000, s4;
	vm0 =	vlt.s32 v5, v11;
	vm1 =	veq.s32 v6, v2;
	v4 =	vand.u32 $0xFF0, v4  }
0x194: {  	vm0 =	vmand vm0, vm1;
	v4 =	vor.u32 s7, v4  }
0x195: {  	v4 =	vor.u32 v29, v4;
	_ =	sdelay $0x1  }
.Ltmp23:
0x196: {  	(pc) =	sbr.rel @p2 .LBB2_32-.Ltmp23, $3  }
0x197: {  	_ =	sdelay $0x1  }
0x198: {  	s5 =	sadd.s32 $0x10, s5;
	[tilespmem:v4+s13+$0x0] =	vst.idx.add.s32.msk vm0, v3  }
0x199: {  	s6 =	sadd.s32 $0xFFFFFFFF, s6;
	v4 =	vld [tilespmem:s5+$0x0]  }
.LBB2_33:
0x19a: {  	_ =	sdelay $0x1  }
0x19b: {  	s3 =	sadd.s32 @p1 $0x10, s3;
	s5 =	simm.s32 $0x0  }
0x19c: {  	s5 =	smov.u32 @p1 s3;
	s3 =	sadd.s32 @p1 $0x1000, s4  }
0x19d: {  	v5 =	vor.u32 s5, v29;
	s0 =	smov.u32 @p1 s3;
	v6 =	vshrl.u32 v4, $0x18;
	v4 =	vshrl.u32 v4, $0xC  }
0x19e: {  	vm0 =	vlt.s32 v5, v11;
	s0 =	sand.u32 $0x3000, s0;
	vm1 =	veq.s32 v6, v2;
	v2 =	vand.u32 $0xFF0, v4  }
0x19f: {  	vm0 =	vmand vm0, vm1;
	v2 =	vor.u32 s0, v2  }
0x1a0: {  	v2 =	vor.u32 v29, v2;
	_ =	sdelay $0x4  }
0x1a1: {  	[tilespmem:v2+s13+$0x0] =	vst.idx.add.s32.msk vm0, v3  }
.LBB2_34:
0x1a2: {  	v2 =	vld [tilespmem:$0x14FF0]  }
0x1a3: {  	v4 =	vld [tilespmem:$0x15FF0]  }
0x1a4: {  	v5 =	vld [tilespmem:$0x16FF0]  }
0x1a5: {  	v6 =	vld [tilespmem:$0x17FF0];
	_ =	sdelay $0x2  }
0x1a6: {  	v2 =	vadd.s32 v2, v4  }
0x1a7: {  	v2 =	vadd.s32 v5, v2  }
0x1a8: {  	v2 =	vadd.s32 v6, v2  }
0x1a9: {  	(xrf0) =	vadd.scan.msk.s32 $0xffff, v2;
	_ =	sdelay $0x5  }
0x1aa: {  	v2, _, _ =	vpop (xrf0)  }
0x1ab: {  	(v2sf) =	vpush v2, $0xF;
	_ =	sdelay $0xe  }
0x1ac: {  	s0 =	spop (v2sf)  }
0x1ad: {  	s3 =	sadd.s32 s15, s0  }
0x1ae: {  	p1 =	sgt.s32 s3, $0x12B  }
.Ltmp24:
0x1af: {  	_ = 	snop;
	(pc) =	sbr.rel @p1 .LBB2_37-.Ltmp24, $2  }
0x1b0: {  	_ =	sdelay $0x2  }
0x1b1: {  	s0 =	simm.s32 $0xFF0000  }
0x1b2: {  	s4 =	simm.s32 $0xFE0;
	s5 =	simm.s32 $0x14FE0  }
.LBB2_36:
0x1b3: {  	v2 =	vld [tilespmem:s5+$0x0];
	s6 =	sand.u32 $0xFFFFFFF0, s4  }
0x1b4: {  	v4 =	vld [tilespmem:s6+$0x15000]  }
0x1b5: {  	v5 =	vld [tilespmem:s6+$0x16000]  }
0x1b6: {  	v6 =	vld [tilespmem:s6+$0x17000];
	_ =	sdelay $0x2  }
0x1b7: {  	v2 =	vadd.s32 v2, v4  }
0x1b8: {  	v2 =	vadd.s32 v5, v2  }
0x1b9: {  	v2 =	vadd.s32 v6, v2  }
0x1ba: {  	(xrf0) =	vadd.scan.msk.s32 $0xffff, v2;
	_ =	sdelay $0x5  }
0x1bb: {  	v2, _, _ =	vpop (xrf0)  }
0x1bc: {  	(v2sf) =	vpush v2, $0xF;
	_ =	sdelay $0xe  }
0x1bd: {  	s15 =	smov.u32 s3;
	s30 =	spop (v2sf)  }
0x1be: {  	s3 =	sadd.s32 s15, s30  }
0x1bf: {  	p1 =	slt.s32 s3, $0x12C  }
.Ltmp25:
0x1c0: {  	_ = 	snop;
	(pc) =	sbr.rel @p1 .LBB2_36-.Ltmp25, $2  }
0x1c1: {  	_ =	sdelay $0x2  }
0x1c2: {  	s0 =	sadd.s32 $0xFFFF0000, s0;
	s4 =	sadd.s32 $0xFFFFFFF0, s4;
	s5 =	sadd.s32 $0xFFFFFFF0, s5  }
.LBB2_37:
0x1c3: {  	s3 =	simm.s32 $0x14020  }
0x1c4: {  	[tilespmem:s3+$0xFFFFFFE0] =	vst v1  }
0x1c5: {  	[tilespmem:s3+$0x10] =	vst v1  }
0x1c6: {  	s4 =	simm.s32 $0x0;
	[tilespmem:s3+$0x0] =	vst v1  }
.LBB2_38:
0x1c7: {  	s4 =	sadd.s32 $0x4, s4  }
0x1c8: {  	[tilespmem:s3+$0xFFFFFFF0] =	vst v1;
	s3 =	sadd.s32 $0x40, s3;
	p1 =	slt.u32 s4, $0x3FC  }
.Ltmp26:
0x1c9: {  	[tilespmem:s3+$0xFFFFFFE0] =	vst v1;
	(pc) =	sbr.rel @p1 .LBB2_38-.Ltmp26, $3  }
0x1ca: {  	_ =	sdelay $0x1  }
0x1cb: {  	[tilespmem:s3+$0x10] =	vst v1  }
0x1cc: {  	[tilespmem:s3+$0x0] =	vst v1  }
.Ltmp27:
0x1cd: {  	(pc) =	sbr.rel @p0 .LBB2_46-.Ltmp27, $2  }
0x1ce: {  	_ =	sdelay $0x2  }
0x1cf: {  	[tilespmem:s3+$0xFFFFFFF0] =	vst v1;
	s0 =	sor.u32 s1, s0  }
0x1d0: {  	p2 =	sne.s32 s2, $0x1  }
.Ltmp28:
0x1d1: {  	_ = 	snop;
	(pc) =	sbr.rel @!p2 .LBB2_41-.Ltmp28, $3  }
0x1d2: {  	_ =	sdelay $0x1  }
0x1d3: {  	s1 =	sshrl.u32 s0, $0x10;
	s3 =	simm.s32 $0x18000  }
0x1d4: {  	p1 =	por $0x0, $0x0;
	v2 =	vmov s1;
	s1 =	simm.s32 $0x0;
	v4 =	vld [tilespmem:s3+$0x0];
	s3 =	sadd.s32 $0xFFFFFFFF, s2  }
0x1d5: {  	_ =	sdelay $0x3  }
0x1d6: {  	v5 =	vor.u32 s1, v29;
	v6 =	vshrl.u32 v4, $0x10;
	v4 =	vshrl.u32 v4, $0x4  }
0x1d7: {  	s4 =	sand.u32 $0x3000, s1;
	vm0 =	vlt.s32 v5, v11;
	vm1 =	veq.s32 v6, v2;
	v4 =	vand.u32 $0xFF0, v4  }
0x1d8: {  	vm0 =	vmand vm0, vm1;
	v4 =	vor.u32 s4, v4  }
0x1d9: {  	v4 =	vor.u32 v29, v4  }
0x1da: {  	p2 =	sne.s32 s3, $0x1  }
.Ltmp29:
0x1db: {  	_ = 	snop;
	(pc) =	sbr.rel @!p2 .LBB2_43-.Ltmp29, $3  }
0x1dc: {  	_ =	sdelay $0x1  }
0x1dd: {  	s5 =	simm.s32 $0x18010;
	s6 =	sadd.s32 $0xFFFFFFFF, s3;
	[tilespmem:v4+s13+$0x0] =	vst.idx.add.s32.msk vm0, v3  }
0x1de: {  	p1 =	por $0x1, $0x1;
	s3 =	simm.s32 $0x0;
	s4 =	simm.s32 $0x0;
	v4 =	vld [tilespmem:s5+$0x0]  }
.LBB2_44:
0x1df: {  	p2 =	sne.s32 s6, $0x1;
	_ =	sdelay $0x2  }
0x1e0: {  	s3 =	sadd.s32 $0x10, s3  }
0x1e1: {  	s4 =	sadd.s32 $0x1000, s4;
	v5 =	vor.u32 s3, v29;
	v6 =	vshrl.u32 v4, $0x10;
	v4 =	vshrl.u32 v4, $0x4  }
0x1e2: {  	s7 =	sand.u32 $0x3000, s4;
	vm0 =	vlt.s32 v5, v11;
	vm1 =	veq.s32 v6, v2;
	v4 =	vand.u32 $0xFF0, v4  }
0x1e3: {  	vm0 =	vmand vm0, vm1;
	v4 =	vor.u32 s7, v4  }
0x1e4: {  	v4 =	vor.u32 v29, v4;
	_ =	sdelay $0x1  }
.Ltmp30:
0x1e5: {  	(pc) =	sbr.rel @p2 .LBB2_44-.Ltmp30, $3  }
0x1e6: {  	_ =	sdelay $0x1  }
0x1e7: {  	s5 =	sadd.s32 $0x10, s5;
	[tilespmem:v4+s13+$0x0] =	vst.idx.add.s32.msk vm0, v3  }
0x1e8: {  	s6 =	sadd.s32 $0xFFFFFFFF, s6;
	v4 =	vld [tilespmem:s5+$0x0]  }
.LBB2_45:
0x1e9: {  	_ =	sdelay $0x1  }
0x1ea: {  	s3 =	sadd.s32 @p1 $0x10, s3;
	s5 =	simm.s32 $0x0  }
0x1eb: {  	s5 =	smov.u32 @p1 s3;
	s3 =	sadd.s32 @p1 $0x1000, s4  }
0x1ec: {  	v5 =	vor.u32 s5, v29;
	s1 =	smov.u32 @p1 s3;
	v6 =	vshrl.u32 v4, $0x10;
	v4 =	vshrl.u32 v4, $0x4  }
0x1ed: {  	vm0 =	vlt.s32 v5, v11;
	s1 =	sand.u32 $0x3000, s1;
	vm1 =	veq.s32 v6, v2;
	v2 =	vand.u32 $0xFF0, v4  }
0x1ee: {  	vm0 =	vmand vm0, vm1;
	v2 =	vor.u32 s1, v2  }
0x1ef: {  	v2 =	vor.u32 v29, v2;
	_ =	sdelay $0x4  }
0x1f0: {  	[tilespmem:v2+s13+$0x0] =	vst.idx.add.s32.msk vm0, v3  }
.LBB2_46:
0x1f1: {  	v2 =	vld [tilespmem:$0x14FF0]  }
0x1f2: {  	v4 =	vld [tilespmem:$0x15FF0]  }
0x1f3: {  	v5 =	vld [tilespmem:$0x16FF0]  }
0x1f4: {  	v6 =	vld [tilespmem:$0x17FF0];
	_ =	sdelay $0x2  }
0x1f5: {  	v2 =	vadd.s32 v2, v4  }
0x1f6: {  	v2 =	vadd.s32 v5, v2  }
0x1f7: {  	v2 =	vadd.s32 v6, v2  }
0x1f8: {  	(xrf0) =	vadd.scan.msk.s32 $0xffff, v2;
	_ =	sdelay $0x5  }
0x1f9: {  	v2, _, _ =	vpop (xrf0)  }
0x1fa: {  	(v2sf) =	vpush v2, $0xF;
	_ =	sdelay $0xe  }
0x1fb: {  	s1 =	spop (v2sf)  }
0x1fc: {  	s3 =	sadd.s32 s15, s1  }
0x1fd: {  	p1 =	sgt.s32 s3, $0x12B  }
.Ltmp31:
0x1fe: {  	_ = 	snop;
	(pc) =	sbr.rel @p1 .LBB2_49-.Ltmp31, $2  }
0x1ff: {  	_ =	sdelay $0x2  }
0x200: {  	s1 =	simm.s32 $0xFF00  }
0x201: {  	s4 =	simm.s32 $0xFE0;
	s5 =	simm.s32 $0x14FE0  }
.LBB2_48:
0x202: {  	v2 =	vld [tilespmem:s5+$0x0];
	s6 =	sand.u32 $0xFFFFFFF0, s4  }
0x203: {  	v4 =	vld [tilespmem:s6+$0x15000]  }
0x204: {  	v5 =	vld [tilespmem:s6+$0x16000]  }
0x205: {  	v6 =	vld [tilespmem:s6+$0x17000];
	_ =	sdelay $0x2  }
0x206: {  	v2 =	vadd.s32 v2, v4  }
0x207: {  	v2 =	vadd.s32 v5, v2  }
0x208: {  	v2 =	vadd.s32 v6, v2  }
0x209: {  	(xrf0) =	vadd.scan.msk.s32 $0xffff, v2;
	_ =	sdelay $0x5  }
0x20a: {  	v2, _, _ =	vpop (xrf0)  }
0x20b: {  	(v2sf) =	vpush v2, $0xF;
	_ =	sdelay $0xe  }
0x20c: {  	s15 =	smov.u32 s3;
	s30 =	spop (v2sf)  }
0x20d: {  	s3 =	sadd.s32 s15, s30  }
0x20e: {  	p1 =	slt.s32 s3, $0x12C  }
.Ltmp32:
0x20f: {  	_ = 	snop;
	(pc) =	sbr.rel @p1 .LBB2_48-.Ltmp32, $2  }
0x210: {  	_ =	sdelay $0x2  }
0x211: {  	s1 =	sadd.s32 $0xFFFFFF00, s1;
	s4 =	sadd.s32 $0xFFFFFFF0, s4;
	s5 =	sadd.s32 $0xFFFFFFF0, s5  }
.LBB2_49:
0x212: {  	s3 =	simm.s32 $0x14020  }
0x213: {  	[tilespmem:s3+$0xFFFFFFE0] =	vst v1  }
0x214: {  	[tilespmem:s3+$0x10] =	vst v1  }
0x215: {  	s4 =	simm.s32 $0x0;
	[tilespmem:s3+$0x0] =	vst v1  }
.LBB2_50:
0x216: {  	s4 =	sadd.s32 $0x4, s4  }
0x217: {  	[tilespmem:s3+$0xFFFFFFF0] =	vst v1;
	s3 =	sadd.s32 $0x40, s3;
	p1 =	slt.u32 s4, $0x3FC  }
.Ltmp33:
0x218: {  	[tilespmem:s3+$0xFFFFFFE0] =	vst v1;
	(pc) =	sbr.rel @p1 .LBB2_50-.Ltmp33, $3  }
0x219: {  	_ =	sdelay $0x1  }
0x21a: {  	[tilespmem:s3+$0x10] =	vst v1  }
0x21b: {  	[tilespmem:s3+$0x0] =	vst v1  }
.Ltmp34:
0x21c: {  	(pc) =	sbr.rel @p0 .LBB2_58-.Ltmp34, $2  }
0x21d: {  	_ =	sdelay $0x2  }
0x21e: {  	[tilespmem:s3+$0xFFFFFFF0] =	vst v1;
	s0 =	sor.u32 s0, s1  }
0x21f: {  	p1 =	sne.s32 s2, $0x1  }
.Ltmp35:
0x220: {  	_ = 	snop;
	(pc) =	sbr.rel @!p1 .LBB2_53-.Ltmp35, $3  }
0x221: {  	_ =	sdelay $0x1  }
0x222: {  	s1 =	sshrl.u32 s0, $0x8;
	s3 =	simm.s32 $0x18000  }
0x223: {  	p0 =	por $0x0, $0x0;
	v2 =	vmov s1;
	s1 =	simm.s32 $0x0;
	v4 =	vld [tilespmem:s3+$0x0];
	s3 =	sadd.s32 $0xFFFFFFFF, s2  }
0x224: {  	_ =	sdelay $0x2  }
0x225: {  	v5 =	vor.u32 s1, v29  }
0x226: {  	vm0 =	vlt.s32 v5, v11;
	v5 =	vshrl.u32 v4, $0x8;
	v4 =	vshll.u32 v4, $0x4  }
0x227: {  	s4 =	sand.u32 $0x3000, s1;
	vm1 =	veq.s32 v5, v2;
	v5 =	vand.u32 $0xF80, v4;
	v4 =	vor.u32 v29, v4  }
0x228: {  	vm0 =	vmand vm0, vm1;
	v5 =	vor.u32 s4, v5;
	v4 =	vand.u32 $0x7F, v4  }
0x229: {  	v4 =	vor.u32 v4, v5  }
0x22a: {  	p1 =	sne.s32 s3, $0x1  }
.Ltmp36:
0x22b: {  	_ = 	snop;
	(pc) =	sbr.rel @!p1 .LBB2_55-.Ltmp36, $3  }
0x22c: {  	_ =	sdelay $0x1  }
0x22d: {  	s5 =	simm.s32 $0x18010;
	s6 =	sadd.s32 $0xFFFFFFFF, s3;
	[tilespmem:v4+s13+$0x0] =	vst.idx.add.s32.msk vm0, v3  }
0x22e: {  	p0 =	por $0x1, $0x1;
	s3 =	simm.s32 $0x0;
	s4 =	simm.s32 $0x0;
	v4 =	vld [tilespmem:s5+$0x0]  }
.LBB2_56:
0x22f: {  	p1 =	sne.s32 s6, $0x1;
	_ =	sdelay $0x1  }
0x230: {  	s4 =	sadd.s32 $0x10, s4  }
0x231: {  	v5 =	vor.u32 s4, v29  }
0x232: {  	s3 =	sadd.s32 $0x1000, s3;
	vm0 =	vlt.s32 v5, v11;
	v5 =	vshrl.u32 v4, $0x8;
	v4 =	vshll.u32 v4, $0x4  }
0x233: {  	s7 =	sand.u32 $0x3000, s3;
	vm1 =	veq.s32 v5, v2;
	v5 =	vand.u32 $0xF80, v4;
	v4 =	vor.u32 v29, v4  }
0x234: {  	vm0 =	vmand vm0, vm1;
	v5 =	vor.u32 s7, v5;
	v4 =	vand.u32 $0x7F, v4  }
0x235: {  	v4 =	vor.u32 v4, v5;
	_ =	sdelay $0x1  }
.Ltmp37:
0x236: {  	(pc) =	sbr.rel @p1 .LBB2_56-.Ltmp37, $3  }
0x237: {  	_ =	sdelay $0x1  }
0x238: {  	s5 =	sadd.s32 $0x10, s5;
	[tilespmem:v4+s13+$0x0] =	vst.idx.add.s32.msk vm0, v3  }
0x239: {  	s6 =	sadd.s32 $0xFFFFFFFF, s6;
	v4 =	vld [tilespmem:s5+$0x0]  }
.LBB2_57:
0x23a: {  	_ = 	snop  }
0x23b: {  	s4 =	sadd.s32 @p0 $0x10, s4;
	s5 =	simm.s32 $0x0  }
0x23c: {  	s5 =	smov.u32 @p0 s4  }
0x23d: {  	s3 =	sadd.s32 @p0 $0x1000, s3;
	v5 =	vor.u32 s5, v29  }
0x23e: {  	s1 =	smov.u32 @p0 s3;
	vm0 =	vlt.s32 v5, v11;
	v62 =	vshrl.u32 v4, $0x8;
	v63 =	vshll.u32 v4, $0x4  }
0x23f: {  	s1 =	sand.u32 $0x3000, s1;
	vm1 =	veq.s32 v62, v2;
	v2 =	vand.u32 $0xF80, v63;
	v4 =	vor.u32 v29, v63  }
0x240: {  	vm0 =	vmand vm0, vm1;
	v2 =	vor.u32 s1, v2;
	v4 =	vand.u32 $0x7F, v4  }
0x241: {  	v2 =	vor.u32 v4, v2;
	_ =	sdelay $0x4  }
0x242: {  	[tilespmem:v2+s13+$0x0] =	vst.idx.add.s32.msk vm0, v3  }
.LBB2_58:
0x243: {  	v2 =	vld [tilespmem:$0x14FF0]  }
0x244: {  	v4 =	vld [tilespmem:$0x15FF0]  }
0x245: {  	v5 =	vld [tilespmem:$0x16FF0]  }
0x246: {  	v6 =	vld [tilespmem:$0x17FF0];
	_ =	sdelay $0x2  }
0x247: {  	v2 =	vadd.s32 v2, v4  }
0x248: {  	v2 =	vadd.s32 v5, v2  }
0x249: {  	v2 =	vadd.s32 v6, v2  }
0x24a: {  	(xrf0) =	vadd.scan.msk.s32 $0xffff, v2;
	_ =	sdelay $0x5  }
0x24b: {  	v2, _, _ =	vpop (xrf0)  }
0x24c: {  	(v2sf) =	vpush v2, $0xF;
	_ =	sdelay $0xe  }
0x24d: {  	s1 =	spop (v2sf)  }
0x24e: {  	s3 =	sadd.s32 s15, s1  }
0x24f: {  	p0 =	sgt.s32 s3, $0x12B  }
.Ltmp38:
0x250: {  	_ = 	snop;
	(pc) =	sbr.rel @p0 .LBB2_61-.Ltmp38, $2  }
0x251: {  	_ =	sdelay $0x2  }
0x252: {  	s1 =	simm.s32 $0xFF  }
0x253: {  	s4 =	simm.s32 $0xFE0;
	s5 =	simm.s32 $0x14FE0  }
.LBB2_60:
0x254: {  	v2 =	vld [tilespmem:s5+$0x0];
	s6 =	sand.u32 $0xFFFFFFF0, s4  }
0x255: {  	v4 =	vld [tilespmem:s6+$0x15000]  }
0x256: {  	v5 =	vld [tilespmem:s6+$0x16000]  }
0x257: {  	v6 =	vld [tilespmem:s6+$0x17000];
	_ =	sdelay $0x2  }
0x258: {  	v2 =	vadd.s32 v2, v4  }
0x259: {  	v2 =	vadd.s32 v5, v2  }
0x25a: {  	v2 =	vadd.s32 v6, v2  }
0x25b: {  	(xrf0) =	vadd.scan.msk.s32 $0xffff, v2;
	_ =	sdelay $0x5  }
0x25c: {  	v2, _, _ =	vpop (xrf0)  }
0x25d: {  	(v2sf) =	vpush v2, $0xF;
	_ =	sdelay $0xe  }
0x25e: {  	s15 =	smov.u32 s3;
	s30 =	spop (v2sf)  }
0x25f: {  	s3 =	sadd.s32 s15, s30  }
0x260: {  	p0 =	slt.s32 s3, $0x12C  }
.Ltmp39:
0x261: {  	_ = 	snop;
	(pc) =	sbr.rel @p0 .LBB2_60-.Ltmp39, $2  }
0x262: {  	_ =	sdelay $0x2  }
0x263: {  	s1 =	sadd.s32 $0xFFFFFFFF, s1;
	s4 =	sadd.s32 $0xFFFFFFF0, s4;
	s5 =	sadd.s32 $0xFFFFFFF0, s5  }
.LBB2_61:
0x264: {  	s3 =	sshrl.u32 s2, $0x1F  }
0x265: {  	s3 =	sadd.s32 s3, s2  }
0x266: {  	s4 =	sand.u32 $0xFFFFFFFE, s3  }
0x267: {  	p0 =	slt.s32 s4, $0x1  }
.Ltmp40:
0x268: {  	_ = 	snop;
	(pc) =	sbr.rel @p0 .LBB2_62-.Ltmp40, $2  }
0x269: {  	_ =	sdelay $0x2  }
0x26a: {  	s1 =	sor.u32 s0, s1;
	s3 =	ssub.s32 $0x12C, s15  }
0x26b: {  	s0 =	simm.s32 $0x18010  }
0x26c: {  	v5 =	vld [tilespmem:s0+$0xFFFFFFF0];
	_ =	sdelay $0x2  }
0x26d: {  	s8 =	simm.s32 $0x0  }
0x26e: {  	v2 =	vmov s1;
	v6 =	vor.u32 s8, v29  }
0x26f: {  	vm0 =	vlt.s32 v6, v11;
	vm1 =	veq.s32 v5, v2  }
0x270: {  	vm1 =	vmand vm0, vm1  }
0x271: {  	v6 =	vsel vm1, $0x1, v1  }
0x272: {  	(xrf0) =	vadd.scan.msk.s32 $0xffff, v6;
	_ =	sdelay $0x5  }
0x273: {  	s7 =	simm.s32 $0x0;
	v6, _, _ =	vpop (xrf0)  }
0x274: {  	v4 =	vmov s3;
	v6 =	vadd.s32 s7, v6  }
0x275: {  	vm2 =	vle.s32 v6, v4  }
0x276: {  	vm1 =	vmand vm1, vm2  }
0x277: {  	v6 =	vmpcnt.ones.xlane vm1  }
0x278: {  	vm12 =	vgt.u32 v5, v2  }
0x279: {  	vm0 =	vmand vm0, vm12;
	(v2sf) =	vpush v6, $0x0  }
0x27a: {  	vm0 =	vmor vm0, vm1  }
0x27b: {  	v7 =	vld [tilespmem:s0+$0x0];
	v6 =	vmpcnt.ones.xlane vm0;
	_ =	sdelay $0x1  }
0x27c: {  	(v2sf) =	vpush v6, $0x0  }
0x27d: {  	s6 =	simm.s32 $0x10  }
0x27e: {  	v6 =	vor.u32 s6, v29  }
0x27f: {  	vm14 =	veq.s32 v7, v2;
	vm13 =	vlt.s32 v6, v11  }
0x280: {  	vm2 =	vmand vm13, vm14  }
0x281: {  	v6 =	vsel vm2, $0x1, v1  }
0x282: {  	(xrf0) =	vadd.scan.msk.s32 $0xffff, v6;
	_ =	sdelay $0x3  }
0x283: {  	s5 =	simm.s32 $0x19090  }
0x284: {  	v6 =	vld [tilespmem:s5+$0xFFFFFFF0];
	s30 =	spop (v2sf)  }
0x285: {  	v8, _, _ =	vpop (xrf0);
	s8 =	sadd.s32 $0x0, s30  }
0x286: {  	p0 =	sgt.s32 s4, $0x2;
	v9 =	vld [tilespmem:s5+$0x0];
	v8 =	vadd.s32 s8, v8  }
.Ltmp41:
0x287: {  	vm4 =	vgt.u32 v7, v2;
	vm3 =	vle.s32 v8, v4;
	(pc) =	sbr.rel @!p0 .LBB2_73-.Ltmp41, $4  }
0x288: {  	vm1 =	vmand vm13, vm4;
	[tilespmem:s7+$0x1A100] =	vst.msk vm0, v5;
	s9 =	spop (v2sf);
	vm2 =	vmand vm2, vm3  }
0x289: {  	[tilespmem:s7+$0x1A280] =	vst.msk vm0, v6;
	s9 =	sadd.s32 $0x0, s9;
	vm15 =	vmor vm1, vm2;
	v6 =	vmpcnt.ones.xlane vm2  }
0x28a: {  	[tilespmem:s9+$0x1A100] =	vst.msk vm15, v7;
	v5 =	vmpcnt.ones.xlane vm15  }
0x28b: {  	s7 =	simm.s32 $0x2;
	[tilespmem:s9+$0x1A280] =	vst.msk vm15, v9;
	(v2sf) =	vpush v6, $0x0  }
.LBB2_72:
0x28c: {  	s7 =	sadd.s32 $0x2, s7;
	s0 =	sadd.s32 $0x20, s0;
	(v2sf) =	vpush v5, $0x0  }
0x28d: {  	v5 =	vld [tilespmem:s0+$0xFFFFFFF0];
	p0 =	slt.s32 s7, s4;
	_ =	sdelay $0x1  }
0x28e: {  	s6 =	sadd.s32 $0x20, s6  }
0x28f: {  	s10 =	sadd.s32 $0xFFFFFFF0, s6  }
0x290: {  	v6 =	vor.u32 s10, v29  }
0x291: {  	vm0 =	vlt.s32 v6, v11;
	vm1 =	veq.s32 v5, v2  }
0x292: {  	vm1 =	vmand vm0, vm1  }
0x293: {  	v6 =	vsel vm1, $0x1, v1  }
0x294: {  	(xrf0) =	vadd.scan.msk.s32 $0xffff, v6;
	_ =	sdelay $0x4  }
0x295: {  	s10 =	spop (v2sf)  }
0x296: {  	s5 =	sadd.s32 $0x20, s5;
	v6, _, _ =	vpop (xrf0);
	s8 =	sadd.s32 s8, s10;
	s10 =	spop (v2sf)  }
0x297: {  	v7 =	vld [tilespmem:s5+$0xFFFFFFF0];
	v6 =	vadd.s32 s8, v6;
	s9 =	sadd.s32 s9, s10  }
0x298: {  	vm2 =	vgt.u32 v5, v2;
	vm3 =	vle.s32 v6, v4  }
0x299: {  	vm0 =	vmand vm0, vm2;
	vm1 =	vmand vm1, vm3  }
0x29a: {  	vm0 =	vmor vm0, vm1;
	v6 =	vmpcnt.ones.xlane vm1  }
0x29b: {  	[tilespmem:s9+$0x1A100] =	vst.msk vm0, v5;
	v5 =	vmpcnt.ones.xlane vm0  }
0x29c: {  	[tilespmem:s9+$0x1A280] =	vst.msk vm0, v7;
	(v2sf) =	vpush v6, $0x0  }
0x29d: {  	(v2sf) =	vpush v5, $0x0  }
0x29e: {  	v5 =	vld [tilespmem:s0+$0x0];
	_ =	sdelay $0x3  }
0x29f: {  	v6 =	vor.u32 s6, v29  }
0x2a0: {  	vm0 =	vlt.s32 v6, v11;
	vm1 =	veq.s32 v5, v2  }
0x2a1: {  	vm1 =	vmand vm0, vm1  }
0x2a2: {  	v6 =	vsel vm1, $0x1, v1  }
0x2a3: {  	(xrf0) =	vadd.scan.msk.s32 $0xffff, v6;
	_ =	sdelay $0x4  }
0x2a4: {  	s10 =	spop (v2sf)  }
0x2a5: {  	s8 =	sadd.s32 s8, s10;
	s10 =	spop (v2sf);
	v6, _, _ =	vpop (xrf0)  }
0x2a6: {  	s9 =	sadd.s32 s9, s10;
	v7 =	vld [tilespmem:s5+$0x0];
	v6 =	vadd.s32 s8, v6  }
.Ltmp42:
0x2a7: {  	vm2 =	vgt.u32 v5, v2;
	vm3 =	vle.s32 v6, v4;
	(pc) =	sbr.rel @p0 .LBB2_72-.Ltmp42, $4  }
0x2a8: {  	vm0 =	vmand vm0, vm2;
	vm1 =	vmand vm1, vm3  }
0x2a9: {  	vm0 =	vmor vm0, vm1;
	v6 =	vmpcnt.ones.xlane vm1  }
0x2aa: {  	[tilespmem:s9+$0x1A100] =	vst.msk vm0, v5;
	v5 =	vmpcnt.ones.xlane vm0  }
0x2ab: {  	[tilespmem:s9+$0x1A280] =	vst.msk vm0, v7;
	(v2sf) =	vpush v6, $0x0  }
.LBB2_73:
0x2ac: {  	(v2sf) =	vpush v5, $0x0;
	_ =	sdelay $0xb  }
.Ltmp43:
0x2ad: {  	_ = 	snop;
	(pc) =	sbr.rel .LBB2_63-.Ltmp43, $4  }
0x2ae: {  	_ = 	snop  }
0x2af: {  	s0 =	spop (v2sf)  }
0x2b0: {  	s6 =	spop (v2sf)  }
0x2b1: {  	s5 =	sadd.s32 s8, s0;
	s0 =	sadd.s32 s9, s6  }
.LBB2_62:
0x2b2: {  	s0 =	simm.s32 $0x0;
	s5 =	simm.s32 $0x0  }
.LBB2_63:
0x2b3: {  	s2 =	ssub.s32 s2, s4  }
0x2b4: {  	p0 =	slt.s32 s2, $0x1  }
0x2b5: {  	s2 =	sshll.u32 @!p0 s4, $0x4  }
0x2b6: {  	v2 =	vld @!p0 [tilespmem:s2+$0x18000];
	_ =	sdelay $0x2  }
0x2b7: {  	v4 =	vlaneseq.u32 @!p0  }
0x2b8: {  	v4 =	vor.u32 @!p0 s2, v4  }
0x2b9: {  	vm0 =	vlt.s32 @!p0 v4, s31;
	vm1 =	veq.s32 @!p0 v2, s1  }
0x2ba: {  	v4 =	vimm.s32 @!p0 $0x0;
	vm1 =	vmand @!p0 vm0, vm1  }
0x2bb: {  	v4 =	vsel @!p0 vm1, $0x1, v4  }
0x2bc: {  	(xrf0) =	vadd.scan.msk.s32 @!p0 $0xffff, v4;
	_ =	sdelay $0x5  }
0x2bd: {  	v4, _, _ =	vpop @!p0 (xrf0)  }
0x2be: {  	v5 =	vld @!p0 [tilespmem:s2+$0x19080];
	v4 =	vadd.s32 @!p0 s5, v4  }
0x2bf: {  	vm2 =	vgt.u32 @!p0 v2, s1;
	vm3 =	vle.s32 @!p0 v4, s3  }
0x2c0: {  	vm0 =	vmand @!p0 vm0, vm2;
	vm1 =	vmand @!p0 vm1, vm3  }
0x2c1: {  	vm0 =	vmor @!p0 vm0, vm1  }
0x2c2: {  	[tilespmem:s0+$0x1A100] =	vst.msk @!p0 vm0, v2  }
0x2c3: {  	[tilespmem:s0+$0x1A280] =	vst.msk @!p0 vm0, v5  }
.LBB2_64:
0x2c4: {  	v0 =	vld [tilespmem:$0x1FFB0];
	_ =	sdelay $0x6  }
0x2c5: {  	v24 =	vimm.s32 $0x0  }
0x2c6: {  	v2 =	vimm.s32 $0x7FFFFFFF;
	[tilespmem:v0+s14+$0x0] =	vst.idx.msk $0xf, v24  }
0x2c7: {  	[tilespmem:v0+s16+$0x0] =	vst.idx.msk $0xf, v2  }
0x2c8: {  	v0 =	vld [tilespmem:$0x1A100]  }
0x2c9: {  	v3 =	vld [tilespmem:$0x1A280]  }
0x2ca: {  	v11 =	vld [tilespmem:$0x1A110]  }
0x2cb: {  	v5 =	vld [tilespmem:$0x1A290]  }
0x2cc: {  	v12 =	vld [tilespmem:$0x1A120]  }
0x2cd: {  	s0 =	simm.s32 $0x1;
	v6 =	vld [tilespmem:$0x1A2A0]  }
0x2ce: {  	v2 =	vmov s0;
	v14 =	vld [tilespmem:$0x1A130]  }
0x2cf: {  	v7 =	vld [tilespmem:$0x1A2B0]  }
0x2d0: {  	v16 =	vld [tilespmem:$0x1A140]  }
0x2d1: {  	v8 =	vld [tilespmem:$0x1A2C0];
	[tilespmem:$0x1A520] =	vst v24  }
0x2d2: {  	v22 =	vld [tilespmem:$0x1A160];
	[tilespmem:$0x1A6A0] =	vst v24  }
0x2d3: {  	v4 =	vld.idx.msk [tilespmem:v2+s14+$0x0], $0xffff  }
0x2d4: {  	v2 =	vld.idx.msk [tilespmem:v2+s16+$0x0], $0xffff  }
0x2d5: {  	v26 =	vld [tilespmem:$0x1A2E0]  }
0x2d6: {  	v28 =	vld [tilespmem:$0x1A170]  }
0x2d7: {  	v30 =	vld [tilespmem:$0x1A2F0]  }
0x2d8: {  	v32 =	vld [tilespmem:$0x1A180]  }
0x2d9: {  	v35 =	vld [tilespmem:$0x1A300];
	vm2 =	veq.s32 v4, v11;
	vm3 =	vlt.s32 v2, v5  }
0x2da: {  	v9 =	vimm.s32 $0x0;
	v37 =	vld [tilespmem:$0x1A190];
	vm2 =	vmand vm2, vm3  }
0x2db: {  	v39 =	vld [tilespmem:$0x1A310];
	vm4 =	veq.s32 v4, v12;
	vm5 =	vlt.s32 v2, v6;
	v9 =	vsel vm2, $0xFFFFFFFF, v9  }
0x2dc: {  	v41 =	vld [tilespmem:$0x1A1A0];
	vm0 =	veq.s32 v4, v0;
	vm2 =	vmand vm4, vm5;
	[tilespmem:$0x1FBB0] =	vst v9;
	v9 =	vimm.s32 $0x0  }
0x2dd: {  	v43 =	vld [tilespmem:$0x1A320];
	vm6 =	veq.s32 v4, v14;
	vm7 =	vlt.s32 v2, v7;
	v9 =	vsel vm2, $0xFFFFFFFF, v9  }
0x2de: {  	v36 =	vld [tilespmem:$0x1A1C0];
	vm1 =	vlt.s32 v2, v3;
	vm2 =	vmand vm6, vm7;
	[tilespmem:$0x1FBC0] =	vst v9;
	v9 =	vimm.s32 $0x0  }
0x2df: {  	v52 =	vld [tilespmem:$0x1A340];
	vm8 =	veq.s32 v4, v16;
	vm9 =	vlt.s32 v2, v8;
	v9 =	vsel vm2, $0xFFFFFFFF, v9  }
0x2e0: {  	v38 =	vld [tilespmem:$0x1A1D0];
	vm14 =	veq.s32 v4, v28;
	vm2 =	vmand vm8, vm9;
	[tilespmem:$0x1FBD0] =	vst v9;
	v9 =	vimm.s32 $0x0  }
0x2e1: {  	v53 =	vld [tilespmem:$0x1A350];
	vm15 =	vlt.s32 v2, v30;
	vm1 =	vmand vm0, vm1;
	v9 =	vsel vm2, $0xFFFFFFFF, v9  }
0x2e2: {  	v40 =	vld [tilespmem:$0x1A1E0];
	vm0 =	veq.s32 v4, v32;
	vm9 =	vmand vm14, vm15;
	[tilespmem:$0x1FBE0] =	vst v9;
	v9 =	vimm.s32 $0x0  }
0x2e3: {  	v54 =	vld [tilespmem:$0x1A360];
	vm3 =	vlt.s32 v2, v35;
	vm4 =	veq.s32 v4, v37;
	v9 =	vsel vm9, $0xFFFFFFFF, v9  }
0x2e4: {  	v42 =	vld [tilespmem:$0x1A1F0];
	vm5 =	vlt.s32 v2, v39;
	vm0 =	vmand vm0, vm3;
	[tilespmem:$0x1FBF0] =	vst v9;
	v9 =	vimm.s32 $0x0  }
0x2e5: {  	v55 =	vld [tilespmem:$0x1A370];
	vm6 =	veq.s32 v4, v41;
	vm7 =	vlt.s32 v2, v43;
	v9 =	vsel vm0, $0xFFFFFFFF, v9  }
0x2e6: {  	vm3 =	vmand vm4, vm5;
	vm5 =	vmand vm6, vm7;
	v46 =	vld [tilespmem:$0x1A210];
	[tilespmem:$0x1FC00] =	vst v9;
	v9 =	vimm.s32 $0x0  }
0x2e7: {  	v44 =	vld [tilespmem:$0x1A200];
	vm4 =	vlt.s32 v2, v52;
	vm0 =	veq.s32 v4, v36;
	v9 =	vsel vm5, $0xFFFFFFFF, v9  }
0x2e8: {  	vm12 =	veq.s32 v4, v22;
	vm0 =	vmand vm0, vm4;
	v48 =	vld [tilespmem:$0x1A390];
	[tilespmem:$0x1FC10] =	vst v9;
	v9 =	vimm.s32 $0x0  }
0x2e9: {  	v56 =	vld [tilespmem:$0x1A380];
	vm6 =	vlt.s32 v2, v53;
	vm5 =	veq.s32 v4, v38;
	v9 =	vsel vm0, $0xFFFFFFFF, v9  }
0x2ea: {  	vm13 =	vlt.s32 v2, v26;
	vm4 =	vmand vm5, vm6;
	v47 =	vld [tilespmem:$0x1A220];
	[tilespmem:$0x1FC20] =	vst v9;
	v9 =	vimm.s32 $0x0  }
0x2eb: {  	vm0 =	veq.s32 v4, v40;
	v9 =	vsel vm4, $0xFFFFFFFF, v9;
	vm4 =	vlt.s32 v2, v54  }
0x2ec: {  	vm2 =	vmand vm12, vm13;
	v49 =	vld [tilespmem:$0x1A3A0];
	[tilespmem:$0x1FC30] =	vst v9;
	vm0 =	vmand vm0, vm4;
	v9 =	vimm.s32 $0x0  }
0x2ed: {  	vm4 =	vlt.s32 v2, v55;
	v9 =	vsel vm0, $0xFFFFFFFF, v9;
	vm0 =	veq.s32 v4, v42  }
0x2ee: {  	v20 =	vld [tilespmem:$0x1A2D0];
	vm5 =	vlt.s32 v2, v56;
	vm12 =	vmand vm0, vm4;
	vm4 =	veq.s32 v4, v44  }
0x2ef: {  	[tilespmem:$0x1FC40] =	vst v9;
	v9 =	vimm.s32 $0x0;
	vm4 =	vmand vm4, vm5  }
0x2f0: {  	v45 =	vld [tilespmem:$0x1A330];
	vm0 =	vgt.u32 v4, v0;
	v9 =	vsel vm4, $0xFFFFFFFF, v9  }
0x2f1: {  	vm0 =	vmor vm0, vm1;
	[tilespmem:$0x1FC50] =	vst v9;
	v9 =	vimm.s32 $0x0  }
0x2f2: {  	vm6 =	veq.s32 v4, v46;
	vm7 =	vlt.s32 v2, v48;
	v9 =	vsel vm0, $0xFFFFFFFF, v9  }
0x2f3: {  	vm11 =	vlt.s32 v2, v20;
	vm0 =	vmand vm6, vm7;
	[tilespmem:$0x1FC80] =	vst v9;
	v9 =	vimm.s32 $0x0  }
0x2f4: {  	vm1 =	veq.s32 v4, v47;
	vm4 =	vlt.s32 v2, v49;
	v9 =	vsel vm0, $0xFFFFFFFF, v9  }
0x2f5: {  	vm9 =	vlt.s32 v2, v45;
	v2 =	vimm.s32 $0x0;
	vm1 =	vmand vm1, vm4;
	[tilespmem:$0x1FC60] =	vst v9;
	v9 =	vld [tilespmem:$0x1FBC0]  }
0x2f6: {  	v2 =	vsel vm1, $0xFFFFFFFF, v2  }
0x2f7: {  	[tilespmem:$0x1FC70] =	vst v2;
	v2 =	vld [tilespmem:$0x1FBB0];
	_ =	sdelay $0x2  }
0x2f8: {  	vm4 =	vnez.u8 v9;
	v9 =	vld [tilespmem:$0x1FBD0];
	_ =	sdelay $0x1  }
0x2f9: {  	vm0 =	vgt.u32 v4, v11;
	vm1 =	vnez.u8 v2  }
0x2fa: {  	v2 =	vimm.s32 $0x0;
	vm0 =	vmor vm0, vm1  }
0x2fb: {  	v2 =	vsel vm0, $0xFFFFFFFF, v2;
	vm0 =	vgt.u32 v4, v12  }
0x2fc: {  	vm1 =	vgt.u32 v4, v14;
	vm15 =	vmor vm0, vm4;
	vm0 =	vnez.u8 v9  }
0x2fd: {  	v9 =	vimm.s32 $0x0;
	vm0 =	vmor vm1, vm0  }
0x2fe: {  	v9 =	vsel vm0, $0xFFFFFFFF, v9  }
0x2ff: {  	[tilespmem:$0x1FCA0] =	vst v9;
	v9 =	vld [tilespmem:$0x1FBE0];
	_ =	sdelay $0x2  }
0x300: {  	v18 =	vld [tilespmem:$0x1A150]  }
0x301: {  	v34 =	vld [tilespmem:$0x1A1B0]  }
0x302: {  	vm4 =	vnez.u8 v9;
	v9 =	vld [tilespmem:$0x1FBF0];
	_ =	sdelay $0x2  }
0x303: {  	vm10 =	veq.s32 v4, v18  }
0x304: {  	vm10 =	vmand vm10, vm11;
	vm8 =	veq.s32 v4, v34;
	vm0 =	vgt.u32 v4, v16  }
0x305: {  	vm11 =	vmand vm8, vm9;
	vm8 =	vmor vm0, vm4;
	vm4 =	vnez.u8 v9;
	v9 =	vld [tilespmem:$0x1FC00];
	_ =	sdelay $0x1  }
0x306: {  	vm5 =	vgt.u32 v4, v22  }
0x307: {  	vm14 =	vmor vm5, vm2;
	vm1 =	vgt.u32 v4, v18  }
0x308: {  	vm2 =	vgt.u32 v4, v37;
	vm13 =	vmor vm1, vm10;
	vm0 =	vgt.u32 v4, v28  }
0x309: {  	vm1 =	vgt.u32 v4, v32;
	vm5 =	vmor vm0, vm4;
	vm0 =	vnez.u8 v9  }
0x30a: {  	v9 =	vimm.s32 $0x0;
	vm9 =	vmor vm1, vm0;
	vm0 =	vmor vm2, vm3  }
0x30b: {  	v9 =	vsel vm0, $0xFFFFFFFF, v9  }
0x30c: {  	[tilespmem:$0x1FCE0] =	vst v9;
	v9 =	vld [tilespmem:$0x1FC10];
	_ =	sdelay $0x4  }
0x30d: {  	s31 =	simm.s32 $0x0;
	vm2 =	vnez.u8 v9;
	v9 =	vld [tilespmem:$0x1FC20]  }
0x30e: {  	[tilespmem:$0x1FC90] =	vst v2;
	v2 =	vmov s31  }
0x30f: {  	v2 =	vand.u32 $0xFFFFFFFE, v2  }
0x310: {  	v2 =	vbroadcast v2, $0x0  }
0x311: {  	vm0 =	vgt.u32 v4, v41  }
0x312: {  	vm3 =	vgt.u32 v4, v36;
	vm6 =	vmor vm0, vm2;
	vm0 =	vnez.u8 v9  }
0x313: {  	v9 =	vimm.s32 $0x0;
	vm0 =	vmor vm3, vm0  }
0x314: {  	v9 =	vsel vm0, $0xFFFFFFFF, v9  }
0x315: {  	[tilespmem:$0x1FD00] =	vst v9;
	v9 =	vld [tilespmem:$0x1FC30]  }
0x316: {  	v50 =	vld.idx.msk [tilespmem:v2+s14+$0x0], $0xffff  }
0x317: {  	v51 =	vld.idx.msk [tilespmem:v2+s16+$0x0], $0xffff  }
0x318: {  	v2 =	vld [tilespmem:$0x1FC50];
	_ =	sdelay $0x2  }
0x319: {  	vm3 =	vnez.u8 v9;
	v9 =	vld [tilespmem:$0x1FC40];
	_ =	sdelay $0x1  }
0x31a: {  	vm4 =	vnez.u8 v2;
	v2 =	vld [tilespmem:$0x1FC60]  }
0x31b: {  	vm1 =	vgt.u32 v4, v34  }
0x31c: {  	vm11 =	vmor vm1, vm11;
	vm0 =	vgt.u32 v4, v38  }
0x31d: {  	vm1 =	vgt.u32 v4, v40;
	vm3 =	vmor vm0, vm3;
	vm0 =	vnez.u8 v9  }
0x31e: {  	vm7 =	vmor vm1, vm0;
	vm1 =	vgt.u32 v4, v44  }
0x31f: {  	vm10 =	vmor vm1, vm4;
	vm1 =	vnez.u8 v2;
	v2 =	vld [tilespmem:$0x1FC70];
	_ =	sdelay $0x2  }
0x320: {  	vm2 =	vgt.u32 v4, v42  }
0x321: {  	vm12 =	vmor vm2, vm12;
	vm2 =	vgt.u32 v4, v46  }
0x322: {  	vm0 =	vgt.u32 v4, v47;
	vm4 =	vmor vm2, vm1;
	vm1 =	vnez.u8 v2  }
0x323: {  	v2 =	vimm.s32 $0x0;
	vm0 =	vmor vm0, vm1  }
0x324: {  	v2 =	vsel vm0, $0xFFFFFFFF, v2  }
0x325: {  	[tilespmem:$0x1FD50] =	vst v2;
	v2 =	vld [tilespmem:$0x1FC80];
	_ =	sdelay $0x4  }
0x326: {  	vm0 =	vnez.u8 v2;
	v2 =	vld [tilespmem:$0x1FC90];
	_ =	sdelay $0x4  }
0x327: {  	v33 =	vsel vm0, $0x1, v1;
	vm0 =	vnez.u8 v2;
	v2 =	vld [tilespmem:$0x1FCA0];
	_ =	sdelay $0x2  }
0x328: {  	v21 =	vsel vm14, $0x1, v1  }
0x329: {  	v29 =	vsel vm15, $0x1, v1;
	v23 =	vsel vm13, $0x1, v1;
	v25 =	vsel vm8, $0x1, v1  }
0x32a: {  	v19 =	vsel vm5, $0x1, v1;
	v31 =	vsel vm0, $0x1, v1;
	vm0 =	vnez.u8 v2;
	v2 =	vld [tilespmem:$0x1FCE0]  }
0x32b: {  	v17 =	vsel vm9, $0x1, v1;
	v10 =	vsel vm11, $0x1, v1;
	v13 =	vsel vm6, $0x1, v1  }
0x32c: {  	vm15 =	veq.s32 v50, v0;
	vm8 =	veq.s32 v50, v11;
	vm14 =	vlt.s32 v51, v5  }
0x32d: {  	vm5 =	veq.s32 v50, v12;
	vm9 =	vlt.s32 v51, v6;
	vm6 =	vlt.s32 v51, v7  }
0x32e: {  	[tilespmem:$0x1FCD0] =	vst v6;
	vm11 =	veq.s32 v50, v16;
	vm13 =	vlt.s32 v51, v8;
	v6 =	vsel vm3, $0x1, v1  }
0x32f: {  	vm3 =	vlt.s32 v51, v26;
	v27 =	vsel vm0, $0x1, v1;
	vm0 =	vnez.u8 v2;
	v2 =	vld [tilespmem:$0x1FD00]  }
0x330: {  	vm5 =	vmand vm5, vm9;
	vm9 =	veq.s32 v50, v37;
	vm13 =	vmand vm11, vm13  }
0x331: {  	vm11 =	veq.s32 v50, v41;
	v4 =	vsel vm12, $0x1, v1;
	vm12 =	veq.s32 v50, v22  }
0x332: {  	[tilespmem:$0x1FCC0] =	vst v5;
	v5 =	vsel vm7, $0x1, v1;
	vm7 =	vlt.s32 v51, v20;
	vm2 =	vlt.s32 v51, v3  }
0x333: {  	[tilespmem:$0x1FCF0] =	vst v7;
	v7 =	vsel vm10, $0x1, v1;
	vm10 =	vmand vm15, vm2;
	vm2 =	vmand vm8, vm14  }
0x334: {  	[tilespmem:$0x1FCB0] =	vst v3;
	v15 =	vsel vm0, $0x1, v1;
	vm0 =	vnez.u8 v2;
	v2 =	vimm.s32 $0x0  }
0x335: {  	[tilespmem:$0x1FD10] =	vst v8;
	v3 =	vimm.s32 $0x0;
	v8 =	vsel vm4, $0x1, v1;
	v2 =	vsel vm2, $0xFFFFFFFF, v2  }
0x336: {  	vm4 =	veq.s32 v50, v28;
	vm15 =	vlt.s32 v51, v30;
	vm14 =	veq.s32 v50, v32;
	[tilespmem:$0x1FE40] =	vst v2;
	v2 =	vld [tilespmem:$0x1FD50]  }
0x337: {  	vm15 =	vmand vm4, vm15;
	vm4 =	vlt.s32 v51, v45;
	vm1 =	veq.s32 v50, v14  }
0x338: {  	vm6 =	vmand vm1, vm6;
	v9 =	vsel vm0, $0x1, v1;
	vm0 =	veq.s32 v50, v18  }
0x339: {  	vm1 =	vlt.s32 v51, v39;
	vm0 =	vmand vm0, vm7;
	vm7 =	vmand vm12, vm3  }
0x33a: {  	vm12 =	veq.s32 v50, v34;
	v3 =	vsel vm0, $0xFFFFFFFF, v3;
	vm0 =	vlt.s32 v51, v43  }
0x33b: {  	vm3 =	vmand vm12, vm4;
	vm4 =	vlt.s32 v51, v53;
	vm2 =	vnez.u8 v2  }
0x33c: {  	[tilespmem:$0x1FEA0] =	vst v3;
	v3 =	vimm.s32 $0x0;
	v2 =	vsel vm2, $0x1, v1;
	vm2 =	vlt.s32 v51, v35  }
0x33d: {  	vm0 =	vmand vm11, vm0;
	vm2 =	vmand vm14, vm2;
	vm14 =	vmand vm9, vm1  }
0x33e: {  	[tilespmem:$0x1FDF0] =	vst v0;
	vm1 =	vlt.s32 v51, v52;
	vm9 =	vgt.u32 v50, v0;
	v3 =	vsel vm2, $0xFFFFFFFF, v3  }
0x33f: {  	v0 =	vimm.s32 $0x0;
	vm2 =	veq.s32 v50, v36;
	[tilespmem:$0x1FEE0] =	vst v3;
	v3 =	vimm.s32 $0x0  }
0x340: {  	vm8 =	vmand vm2, vm1;
	vm1 =	veq.s32 v50, v40;
	v3 =	vsel vm0, $0xFFFFFFFF, v3  }
0x341: {  	vm2 =	vlt.s32 v51, v48;
	vm0 =	veq.s32 v50, v38;
	[tilespmem:$0x1FF00] =	vst v3;
	v3 =	vimm.s32 $0x0  }
0x342: {  	vm12 =	vmand vm0, vm4;
	vm0 =	vlt.s32 v51, v54;
	v3 =	vsel vm3, $0xFFFFFFFF, v3  }
0x343: {  	vm0 =	vmand vm1, vm0;
	vm1 =	vlt.s32 v51, v55;
	[tilespmem:$0x1FF10] =	vst v3;
	v3 =	vimm.s32 $0x0  }
0x344: {  	vm3 =	vmor vm9, vm10;
	v3 =	vsel vm0, $0xFFFFFFFF, v3;
	vm0 =	veq.s32 v50, v42  }
0x345: {  	v0 =	vsel vm3, $0xFFFFFFFF, v0;
	[tilespmem:$0x1FF20] =	vst v3;
	vm0 =	vmand vm0, vm1;
	v3 =	vimm.s32 $0x0  }
0x346: {  	vm1 =	vlt.s32 v51, v56;
	v3 =	vsel vm0, $0xFFFFFFFF, v3;
	vm0 =	veq.s32 v50, v44  }
0x347: {  	vm4 =	veq.s32 v50, v47;
	[tilespmem:$0x1FE00] =	vst v0;
	vm0 =	vmand vm0, vm1;
	vm1 =	veq.s32 v50, v46  }
0x348: {  	v0 =	vimm.s32 $0x0;
	[tilespmem:$0x1FF30] =	vst v3;
	v3 =	vimm.s32 $0x0;
	vm1 =	vmand vm1, vm2  }
0x349: {  	v3 =	vsel vm0, $0xFFFFFFFF, v3;
	vm0 =	vlt.s32 v51, v49;
	v0 =	vsel vm1, $0xFFFFFFFF, v0  }
0x34a: {  	vm0 =	vmand vm4, vm0;
	[tilespmem:$0x1FF50] =	vst v0;
	v0 =	vimm.s32 $0x0  }
0x34b: {  	v0 =	vsel vm0, $0xFFFFFFFF, v0  }
0x34c: {  	[tilespmem:$0x1FF70] =	vst v0;
	v0 =	vld [tilespmem:$0x1FE40];
	_ =	sdelay $0x4  }
0x34d: {  	vm0 =	vgt.u32 v50, v11;
	vm3 =	vnez.u8 v0  }
0x34e: {  	v0 =	vimm.s32 $0x0;
	vm0 =	vmor vm0, vm3  }
0x34f: {  	vm1 =	vgt.u32 v50, v12;
	v0 =	vsel vm0, $0xFFFFFFFF, v0  }
0x350: {  	vm0 =	vmor vm1, vm5;
	[tilespmem:$0x1FE50] =	vst v0;
	v0 =	vimm.s32 $0x0  }
0x351: {  	v0 =	vsel vm0, $0xFFFFFFFF, v0  }
0x352: {  	[tilespmem:$0x1FE60] =	vst v0;
	v0 =	vld [tilespmem:$0x1FEA0];
	_ =	sdelay $0x4  }
0x353: {  	vm0 =	vnez.u8 v0;
	v0 =	vld [tilespmem:$0x1FEE0];
	_ =	sdelay $0x2  }
0x354: {  	vm2 =	vgt.u32 v50, v14  }
0x355: {  	vm3 =	vgt.u32 v50, v16;
	vm1 =	vmor vm2, vm6;
	vm5 =	vgt.u32 v50, v18  }
0x356: {  	vm2 =	vmor vm3, vm13;
	vm3 =	vmor vm5, vm0;
	vm0 =	vnez.u8 v0;
	v0 =	vld [tilespmem:$0x1FF00];
	_ =	sdelay $0x3  }
0x357: {  	vm5 =	vgt.u32 v50, v32  }
0x358: {  	vm5 =	vmor vm5, vm0;
	vm0 =	vnez.u8 v0;
	v0 =	vld [tilespmem:$0x1FF10];
	_ =	sdelay $0x3  }
0x359: {  	vm9 =	vgt.u32 v50, v41;
	vm4 =	vgt.u32 v50, v22  }
0x35a: {  	vm13 =	vmor vm4, vm7;
	vm4 =	vmor vm9, vm0;
	vm0 =	vnez.u8 v0;
	v0 =	vld [tilespmem:$0x1FF20];
	_ =	sdelay $0x2  }
0x35b: {  	vm6 =	vgt.u32 v50, v28;
	vm7 =	vgt.u32 v50, v37  }
0x35c: {  	vm11 =	vmor vm6, vm15;
	vm6 =	vmor vm7, vm14;
	vm7 =	vgt.u32 v50, v34  }
0x35d: {  	vm15 =	vmor vm7, vm0;
	vm0 =	vnez.u8 v0;
	v0 =	vld [tilespmem:$0x1FF30];
	_ =	sdelay $0x1  }
0x35e: {  	vm10 =	vgt.u32 v50, v36  }
0x35f: {  	vm8 =	vmor vm10, vm8;
	vm10 =	vgt.u32 v50, v38  }
0x360: {  	vm12 =	vmor vm10, vm12;
	vm9 =	vgt.u32 v50, v40  }
0x361: {  	vm7 =	vgt.u32 v50, v42;
	vm9 =	vmor vm9, vm0;
	vm0 =	vnez.u8 v0  }
0x362: {  	v0 =	vimm.s32 $0x0;
	vm10 =	vmor vm7, vm0;
	vm0 =	vgt.u32 v50, v47  }
0x363: {  	[tilespmem:$0x1FF40] =	vst v3;
	v0 =	vsel vm0, $0xFFFFFFFF, v0  }
0x364: {  	[tilespmem:$0x1FF80] =	vst v0;
	v0 =	vld [tilespmem:$0x1FF40];
	_ =	sdelay $0x2  }
0x365: {  	[tilespmem:$0x1FD20] =	vst v20  }
0x366: {  	[tilespmem:$0x1FD30] =	vst v26  }
0x367: {  	[tilespmem:$0x1FD40] =	vst v30;
	vm0 =	vnez.u8 v0;
	v0 =	vld [tilespmem:$0x1FF50]  }
0x368: {  	[tilespmem:$0x1FD60] =	vst v35  }
0x369: {  	[tilespmem:$0x1FD70] =	vst v39  }
0x36a: {  	[tilespmem:$0x1FD80] =	vst v43  }
0x36b: {  	[tilespmem:$0x1FD90] =	vst v45;
	vm7 =	vgt.u32 v50, v44  }
0x36c: {  	[tilespmem:$0x1FDA0] =	vst v52;
	vm14 =	vgt.u32 v50, v46;
	vm7 =	vmor vm7, vm0;
	vm0 =	vnez.u8 v0  }
0x36d: {  	[tilespmem:$0x1FDB0] =	vst v53;
	v0 =	vimm.s32 $0x0;
	vm0 =	vmor vm14, vm0  }
0x36e: {  	[tilespmem:$0x1FDC0] =	vst v54;
	v0 =	vsel vm0, $0xFFFFFFFF, v0  }
0x36f: {  	[tilespmem:$0x1FF60] =	vst v0;
	v0 =	vld [tilespmem:$0x1FF70]  }
0x370: {  	[tilespmem:$0x1FDD0] =	vst v55  }
0x371: {  	[tilespmem:$0x1FDE0] =	vst v56  }
0x372: {  	[tilespmem:$0x1FE10] =	vst v11  }
0x373: {  	[tilespmem:$0x1FE20] =	vst v12  }
0x374: {  	[tilespmem:$0x1FE30] =	vst v14;
	vm0 =	vnez.u8 v0;
	v0 =	vld [tilespmem:$0x1FF80]  }
0x375: {  	v63 =	vimm.s32 $0x0;
	[tilespmem:$0x1FE70] =	vst v16  }
0x376: {  	v62 =	vimm.s32 $0x0;
	v61 =	vimm.s32 $0x0;
	v60 =	vimm.s32 $0x0;
	[tilespmem:$0x1FE80] =	vst v18  }
0x377: {  	v59 =	vimm.s32 $0x0;
	v58 =	vimm.s32 $0x0;
	v57 =	vimm.s32 $0x0;
	[tilespmem:$0x1FE90] =	vst v22  }
0x378: {  	[tilespmem:$0x1FEB0] =	vst v28;
	v53 =	vimm.s32 $0x0;
	v52 =	vimm.s32 $0x0;
	v48 =	vimm.s32 $0x0  }
0x379: {  	[tilespmem:$0x1FEC0] =	vst v32;
	v54 =	vimm.s32 $0x0;
	v55 =	vimm.s32 $0x0;
	vm14 =	vnez.u8 v0  }
0x37a: {  	[tilespmem:$0x1FED0] =	vst v37;
	v56 =	vimm.s32 $0x0;
	v0 =	vimm.s32 $0x0;
	vm0 =	vmor vm14, vm0  }
0x37b: {  	[tilespmem:$0x1FEF0] =	vst v41;
	v51 =	vimm.s32 $0x0;
	v49 =	vimm.s32 $0x0;
	v0 =	vsel vm0, $0xFFFFFFFF, v0  }
0x37c: {  	s1 =	simm.s32 $0x2;
	v46 =	vimm.s32 $0x0;
	v50 =	vimm.s32 $0x0;
	v47 =	vimm.s32 $0x0;
	[tilespmem:$0x1FF90] =	vst v0  }
.LBB2_65:
0x37d: {  	v0 =	vld [tilespmem:$0x1FE00];
	_ =	sdelay $0x4  }
0x37e: {  	vm0 =	vnez.u8 v0;
	v0 =	vld [tilespmem:$0x1FE50];
	_ =	sdelay $0x4  }
0x37f: {  	v35 =	vsel vm0, $0x1, v1;
	vm0 =	vnez.u8 v0;
	v0 =	vld [tilespmem:$0x1FE60];
	_ =	sdelay $0x2  }
0x380: {  	v3 =	vsel vm13, $0x1, v1;
	v11 =	vsel vm11, $0x1, v1;
	v16 =	vsel vm4, $0x1, v1  }
0x381: {  	v22 =	vsel vm9, $0x1, v1;
	v3 =	vadd.s32 v3, v58;
	v35 =	vadd.s32 v35, v24;
	v24 =	vld [tilespmem:$0x1FF60]  }
0x382: {  	v37 =	vsel vm0, $0x1, v1;
	vm0 =	vnez.u8 v0;
	v0 =	vsel vm12, $0x1, v1  }
0x383: {  	v26 =	vsel vm7, $0x1, v1;
	v58 =	vadd.s32 v21, v3;
	v0 =	vadd.s32 v0, v51  }
0x384: {  	s0 =	sadd.s32 $0x1, s1;
	v3 =	vadd.s32 v11, v57;
	v51 =	vadd.s32 v6, v0;
	v0 =	vadd.s32 v26, v48  }
0x385: {  	v57 =	vadd.s32 v19, v3;
	v48 =	vadd.s32 v7, v0;
	v0 =	vmov s0  }
0x386: {  	v3 =	vadd.s32 v16, v54;
	v39 =	vsel vm0, $0x1, v1;
	vm0 =	vnez.u8 v24  }
0x387: {  	v54 =	vadd.s32 v13, v3;
	v3 =	vadd.s32 v22, v50;
	v28 =	vsel vm0, $0x1, v1  }
0x388: {  	v50 =	vadd.s32 v5, v3;
	v24 =	vld [tilespmem:$0x1FF90];
	v3 =	vadd.s32 v28, v47  }
0x389: {  	v12 =	vsel vm5, $0x1, v1;
	v47 =	vadd.s32 v8, v3;
	v8 =	vld [tilespmem:$0x1FDF0]  }
0x38a: {  	v18 =	vsel vm15, $0x1, v1;
	v11 =	vadd.s32 v12, v56;
	v3 =	vld.idx.msk [tilespmem:v0+s14+$0x0], $0xffff  }
0x38b: {  	v14 =	vsel vm6, $0x1, v1;
	v56 =	vadd.s32 v17, v11;
	v11 =	vadd.s32 v18, v53  }
0x38c: {  	v20 =	vsel vm8, $0x1, v1;
	v12 =	vadd.s32 v14, v55;
	v53 =	vadd.s32 v10, v11;
	v10 =	vld [tilespmem:$0x1FE10]  }
0x38d: {  	v55 =	vadd.s32 v15, v12;
	v12 =	vadd.s32 v20, v52  }
0x38e: {  	v52 =	vadd.s32 v9, v12;
	v12 =	vld [tilespmem:$0x1FE20];
	vm0 =	vnez.u8 v24  }
0x38f: {  	v5 =	vimm.s32 $0x0;
	v30 =	vsel vm0, $0x1, v1;
	vm0 =	vgt.u32 v3, v8  }
0x390: {  	v14 =	vld [tilespmem:$0x1FE30];
	v5 =	vsel vm0, $0xFFFFFFFF, v5  }
0x391: {  	vm0 =	vgt.u32 v3, v10;
	[tilespmem:$0x1F5C0] =	vst v5;
	v5 =	vimm.s32 $0x0  }
0x392: {  	v16 =	vld [tilespmem:$0x1FE70];
	v5 =	vsel vm0, $0xFFFFFFFF, v5  }
0x393: {  	vm0 =	vgt.u32 v3, v12;
	[tilespmem:$0x1F600] =	vst v5;
	v5 =	vimm.s32 $0x0  }
0x394: {  	v18 =	vld [tilespmem:$0x1FE80];
	v5 =	vsel vm0, $0xFFFFFFFF, v5  }
0x395: {  	vm0 =	vgt.u32 v3, v14;
	[tilespmem:$0x1F620] =	vst v5;
	v5 =	vimm.s32 $0x0  }
0x396: {  	v41 =	vsel vm1, $0x1, v1;
	v20 =	vld [tilespmem:$0x1FE90];
	v5 =	vsel vm0, $0xFFFFFFFF, v5  }
0x397: {  	v41 =	vadd.s32 v41, v61;
	vm0 =	vgt.u32 v3, v16;
	[tilespmem:$0x1F630] =	vst v5;
	v5 =	vimm.s32 $0x0  }
0x398: {  	v43 =	vsel vm2, $0x1, v1;
	v61 =	vadd.s32 v27, v41;
	v22 =	vld [tilespmem:$0x1FEB0];
	v5 =	vsel vm0, $0xFFFFFFFF, v5  }
0x399: {  	v27 =	vadd.s32 v43, v60;
	vm0 =	vgt.u32 v3, v18;
	[tilespmem:$0x1F640] =	vst v5;
	v5 =	vimm.s32 $0x0  }
0x39a: {  	v60 =	vadd.s32 v25, v27;
	v25 =	vld [tilespmem:$0x1FEC0];
	v24 =	vadd.s32 v33, v35;
	v5 =	vsel vm0, $0xFFFFFFFF, v5  }
0x39b: {  	v35 =	vadd.s32 v39, v62;
	vm0 =	vgt.u32 v3, v20;
	[tilespmem:$0x1F650] =	vst v5;
	v5 =	vimm.s32 $0x0  }
0x39c: {  	v45 =	vsel vm3, $0x1, v1;
	v27 =	vld [tilespmem:$0x1FED0];
	v62 =	vadd.s32 v29, v35;
	v5 =	vsel vm0, $0xFFFFFFFF, v5  }
0x39d: {  	v29 =	vadd.s32 v45, v59;
	vm0 =	vgt.u32 v3, v22;
	[tilespmem:$0x1F660] =	vst v5;
	v5 =	vimm.s32 $0x0  }
0x39e: {  	v59 =	vadd.s32 v23, v29;
	v29 =	vld [tilespmem:$0x1FEF0];
	v5 =	vsel vm0, $0xFFFFFFFF, v5  }
0x39f: {  	vm0 =	vgt.u32 v3, v25;
	[tilespmem:$0x1F670] =	vst v5;
	v5 =	vimm.s32 $0x0  }
0x3a0: {  	v5 =	vsel vm0, $0xFFFFFFFF, v5  }
0x3a1: {  	vm0 =	vgt.u32 v3, v27;
	[tilespmem:$0x1F690] =	vst v5;
	v5 =	vimm.s32 $0x0  }
0x3a2: {  	v5 =	vsel vm0, $0xFFFFFFFF, v5  }
0x3a3: {  	vm0 =	vgt.u32 v3, v29;
	[tilespmem:$0x1F6A0] =	vst v5;
	v5 =	vimm.s32 $0x0  }
0x3a4: {  	v5 =	vsel vm0, $0xFFFFFFFF, v5  }
0x3a5: {  	vm0 =	vgt.u32 v3, v34;
	[tilespmem:$0x1F6B0] =	vst v5;
	v5 =	vimm.s32 $0x0  }
0x3a6: {  	v32 =	vsel vm10, $0x1, v1;
	v5 =	vsel vm0, $0xFFFFFFFF, v5  }
0x3a7: {  	v9 =	vadd.s32 v32, v49;
	vm0 =	vgt.u32 v3, v36;
	[tilespmem:$0x1F6C0] =	vst v5;
	v5 =	vimm.s32 $0x0  }
0x3a8: {  	v49 =	vadd.s32 v4, v9;
	v5 =	vsel vm0, $0xFFFFFFFF, v5  }
0x3a9: {  	v4 =	vadd.s32 v30, v46;
	vm0 =	vgt.u32 v3, v38;
	[tilespmem:$0x1F6D0] =	vst v5;
	v5 =	vimm.s32 $0x0  }
0x3aa: {  	v46 =	vadd.s32 v2, v4;
	v5 =	vsel vm0, $0xFFFFFFFF, v5  }
0x3ab: {  	v2 =	vmov s1;
	vm0 =	vgt.u32 v3, v40;
	[tilespmem:$0x1F6E0] =	vst v5;
	v5 =	vimm.s32 $0x0  }
0x3ac: {  	v4 =	vand.u32 $0xFFFFFFFE, v2;
	v2 =	vld [tilespmem:$0x1A210];
	v5 =	vsel vm0, $0xFFFFFFFF, v5  }
0x3ad: {  	vm0 =	vgt.u32 v3, v42;
	[tilespmem:$0x1F700] =	vst v5;
	v5 =	vimm.s32 $0x0  }
0x3ae: {  	v7 =	vbroadcast v4, $0x0;
	v4 =	vld [tilespmem:$0x1A220];
	v5 =	vsel vm0, $0xFFFFFFFF, v5  }
0x3af: {  	vm0 =	vgt.u32 v3, v44;
	[tilespmem:$0x1F710] =	vst v5;
	v5 =	vimm.s32 $0x0  }
0x3b0: {  	v5 =	vsel vm0, $0xFFFFFFFF, v5  }
0x3b1: {  	v0 =	vld.idx.msk [tilespmem:v0+s16+$0x0], $0xffff;
	vm0 =	vgt.u32 v3, v2;
	[tilespmem:$0x1F720] =	vst v5;
	v5 =	vimm.s32 $0x0  }
0x3b2: {  	v23 =	vld [tilespmem:$0x1FD40];
	v5 =	vsel vm0, $0xFFFFFFFF, v5  }
0x3b3: {  	vm0 =	vgt.u32 v3, v4;
	[tilespmem:$0x1F740] =	vst v5;
	v5 =	vimm.s32 $0x0  }
0x3b4: {  	v5 =	vsel vm0, $0xFFFFFFFF, v5  }
0x3b5: {  	vm15 =	veq.s32 v3, v22;
	[tilespmem:$0x1F750] =	vst v5;
	v5 =	vimm.s32 $0x0  }
0x3b6: {  	v26 =	vld [tilespmem:$0x1FD60];
	v5 =	vsel vm15, $0xFFFFFFFF, v5  }
0x3b7: {  	vm15 =	vlt.s32 v0, v23;
	[tilespmem:$0x1F480] =	vst v5;
	v5 =	vimm.s32 $0x0  }
0x3b8: {  	v5 =	vsel vm15, $0xFFFFFFFF, v5  }
0x3b9: {  	v28 =	vld [tilespmem:$0x1FD70];
	vm15 =	veq.s32 v3, v25;
	[tilespmem:$0x1F490] =	vst v5;
	v5 =	vimm.s32 $0x0  }
0x3ba: {  	v5 =	vsel vm15, $0xFFFFFFFF, v5  }
0x3bb: {  	vm15 =	vlt.s32 v0, v26;
	[tilespmem:$0x1F4A0] =	vst v5;
	v5 =	vimm.s32 $0x0  }
0x3bc: {  	v5 =	vsel vm15, $0xFFFFFFFF, v5  }
0x3bd: {  	v30 =	vld [tilespmem:$0x1FD80];
	vm15 =	veq.s32 v3, v27;
	[tilespmem:$0x1F4B0] =	vst v5;
	v5 =	vimm.s32 $0x0  }
0x3be: {  	v6 =	vimm.s32 $0x0;
	v5 =	vsel vm15, $0xFFFFFFFF, v5;
	vm15 =	vlt.s32 v0, v28  }
0x3bf: {  	v6 =	vsel vm15, $0xFFFFFFFF, v6  }
0x3c0: {  	vm15 =	veq.s32 v3, v29;
	[tilespmem:$0x1F4D0] =	vst v6;
	v6 =	vimm.s32 $0x0  }
0x3c1: {  	v63 =	vadd.s32 v37, v63;
	v6 =	vsel vm15, $0xFFFFFFFF, v6  }
0x3c2: {  	v63 =	vadd.s32 v31, v63;
	vm15 =	vlt.s32 v0, v30;
	[tilespmem:$0x1F4E0] =	vst v6;
	v6 =	vimm.s32 $0x0  }
0x3c3: {  	v31 =	vimm.s32 $0x0;
	v6 =	vsel vm15, $0xFFFFFFFF, v6;
	vm15 =	veq.s32 v3, v34  }
0x3c4: {  	v31 =	vsel vm15, $0xFFFFFFFF, v31  }
0x3c5: {  	[tilespmem:$0x1F500] =	vst v31;
	v31 =	vld [tilespmem:$0x1FD90];
	_ =	sdelay $0x4  }
0x3c6: {  	v39 =	vimm.s32 $0x0;
	vm15 =	vlt.s32 v0, v31  }
0x3c7: {  	v41 =	vimm.s32 $0x0;
	v32 =	vsel vm15, $0xFFFFFFFF, v39;
	vm15 =	veq.s32 v3, v36  }
0x3c8: {  	[tilespmem:$0x1F510] =	vst v32;
	v32 =	vsel vm15, $0xFFFFFFFF, v41  }
0x3c9: {  	[tilespmem:$0x1F520] =	vst v32;
	v32 =	vld [tilespmem:$0x1FDA0];
	_ =	sdelay $0x4  }
0x3ca: {  	v43 =	vimm.s32 $0x0;
	vm15 =	vlt.s32 v0, v32  }
0x3cb: {  	v45 =	vimm.s32 $0x0;
	v33 =	vsel vm15, $0xFFFFFFFF, v43;
	vm15 =	veq.s32 v3, v38  }
0x3cc: {  	[tilespmem:$0x1F530] =	vst v33;
	v33 =	vsel vm15, $0xFFFFFFFF, v45  }
0x3cd: {  	[tilespmem:$0x1F540] =	vst v33;
	v33 =	vld [tilespmem:$0x1FDB0];
	_ =	sdelay $0x4  }
0x3ce: {  	v37 =	vimm.s32 $0x0;
	vm15 =	vlt.s32 v0, v33  }
0x3cf: {  	v39 =	vimm.s32 $0x0;
	v35 =	vsel vm15, $0xFFFFFFFF, v37;
	vm15 =	veq.s32 v3, v40  }
0x3d0: {  	[tilespmem:$0x1F550] =	vst v35;
	v35 =	vsel vm15, $0xFFFFFFFF, v39  }
0x3d1: {  	[tilespmem:$0x1F560] =	vst v35;
	v35 =	vld [tilespmem:$0x1FDC0];
	_ =	sdelay $0x4  }
0x3d2: {  	v41 =	vimm.s32 $0x0;
	vm15 =	vlt.s32 v0, v35  }
0x3d3: {  	v43 =	vimm.s32 $0x0;
	v37 =	vsel vm15, $0xFFFFFFFF, v41;
	vm15 =	veq.s32 v3, v42  }
0x3d4: {  	[tilespmem:$0x1F570] =	vst v37;
	v37 =	vsel vm15, $0xFFFFFFFF, v43  }
0x3d5: {  	[tilespmem:$0x1F580] =	vst v37;
	v37 =	vld [tilespmem:$0x1FDD0];
	_ =	sdelay $0x3  }
0x3d6: {  	v15 =	vld [tilespmem:$0x1FCF0]  }
0x3d7: {  	v11 =	vld [tilespmem:$0x1FCC0];
	v45 =	vimm.s32 $0x0;
	vm15 =	vlt.s32 v0, v37  }
0x3d8: {  	v13 =	vld [tilespmem:$0x1FCD0];
	vm12 =	veq.s32 v3, v44;
	v43 =	vimm.s32 $0x0;
	v39 =	vsel vm15, $0xFFFFFFFF, v45  }
0x3d9: {  	v17 =	vld [tilespmem:$0x1FD10];
	[tilespmem:$0x1F590] =	vst v39;
	v39 =	vsel vm12, $0xFFFFFFFF, v43  }
0x3da: {  	[tilespmem:$0x1F5A0] =	vst v39;
	v39 =	vld [tilespmem:$0x1FDE0]  }
0x3db: {  	vm1 =	veq.s32 v3, v8  }
0x3dc: {  	vm2 =	veq.s32 v3, v10;
	vm4 =	vlt.s32 v0, v11;
	vm3 =	veq.s32 v3, v12;
	[tilespmem:$0x1F4C0] =	vst v5;
	v5 =	vld [tilespmem:$0x1A390]  }
0x3dd: {  	v19 =	vld [tilespmem:$0x1FD20];
	vm5 =	vlt.s32 v0, v13;
	vm6 =	veq.s32 v3, v14;
	vm7 =	vlt.s32 v0, v15  }
0x3de: {  	v9 =	vld [tilespmem:$0x1FCB0];
	vm8 =	veq.s32 v3, v16;
	vm9 =	vlt.s32 v0, v17;
	vm10 =	veq.s32 v3, v18  }
0x3df: {  	v21 =	vld [tilespmem:$0x1FD30];
	vm13 =	veq.s32 v3, v20;
	v45 =	vimm.s32 $0x0;
	vm12 =	vlt.s32 v0, v39  }
0x3e0: {  	[tilespmem:$0x1F4F0] =	vst v6;
	v6 =	vld [tilespmem:$0x1A3A0];
	v41 =	vsel vm12, $0xFFFFFFFF, v45;
	vm12 =	veq.s32 v3, v2;
	v45 =	vimm.s32 $0x0  }
0x3e1: {  	[tilespmem:$0x1F5B0] =	vst v41;
	v41 =	vsel vm12, $0xFFFFFFFF, v45;
	vm12 =	vlt.s32 v0, v5;
	v45 =	vimm.s32 $0x0  }
0x3e2: {  	[tilespmem:$0x1F5D0] =	vst v41;
	v41 =	vsel vm12, $0xFFFFFFFF, v45;
	vm12 =	veq.s32 v3, v4;
	v3 =	vimm.s32 $0x0  }
0x3e3: {  	vm11 =	vlt.s32 v0, v19;
	vm0 =	vlt.s32 v0, v9;
	v3 =	vsel vm12, $0xFFFFFFFF, v3  }
0x3e4: {  	vm0 =	vmand vm1, vm0;
	vm1 =	vmand vm2, vm4;
	[tilespmem:$0x1F5F0] =	vst v3;
	v3 =	vimm.s32 $0x0  }
0x3e5: {  	vm14 =	vlt.s32 v0, v21;
	v3 =	vsel vm1, $0xFFFFFFFF, v3;
	vm1 =	vlt.s32 v0, v6;
	v0 =	vld [tilespmem:$0x1F480];
	_ =	sdelay $0x4  }
0x3e6: {  	vm2 =	vmand vm3, vm5;
	vm3 =	vmand vm6, vm7;
	vm6 =	vnez.u8 v0;
	v0 =	vld [tilespmem:$0x1F490];
	_ =	sdelay $0x4  }
0x3e7: {  	vm7 =	vnez.u8 v0  }
0x3e8: {  	v0 =	vimm.s32 $0x0;
	vm6 =	vmand vm6, vm7  }
0x3e9: {  	v0 =	vsel vm6, $0xFFFFFFFF, v0  }
0x3ea: {  	[tilespmem:$0x1F680] =	vst v0;
	v0 =	vld [tilespmem:$0x1F4A0];
	_ =	sdelay $0x4  }
0x3eb: {  	vm6 =	vnez.u8 v0;
	v0 =	vld [tilespmem:$0x1F4B0];
	_ =	sdelay $0x4  }
0x3ec: {  	vm7 =	vnez.u8 v0;
	v0 =	vld [tilespmem:$0x1F4C0];
	_ =	sdelay $0x4  }
0x3ed: {  	vm6 =	vmand vm6, vm7;
	vm7 =	vnez.u8 v0;
	v0 =	vld [tilespmem:$0x1F4D0];
	_ =	sdelay $0x4  }
0x3ee: {  	vm15 =	vmand vm8, vm9;
	vm8 =	vnez.u8 v0;
	v0 =	vld [tilespmem:$0x1F4E0];
	_ =	sdelay $0x4  }
0x3ef: {  	vm7 =	vmand vm7, vm8;
	vm8 =	vnez.u8 v0;
	v0 =	vld [tilespmem:$0x1F4F0];
	_ =	sdelay $0x4  }
0x3f0: {  	vm9 =	vnez.u8 v0;
	v0 =	vld [tilespmem:$0x1F500];
	_ =	sdelay $0x4  }
0x3f1: {  	vm5 =	vmand vm13, vm14;
	vm14 =	vmand vm8, vm9;
	vm8 =	vnez.u8 v0;
	v0 =	vld [tilespmem:$0x1F510];
	_ =	sdelay $0x4  }
0x3f2: {  	vm9 =	vnez.u8 v0;
	v0 =	vld [tilespmem:$0x1F520];
	_ =	sdelay $0x4  }
0x3f3: {  	vm8 =	vmand vm8, vm9;
	vm9 =	vnez.u8 v0;
	v0 =	vld [tilespmem:$0x1F530];
	_ =	sdelay $0x4  }
0x3f4: {  	vm4 =	vmand vm10, vm11;
	vm10 =	vnez.u8 v0;
	v0 =	vld [tilespmem:$0x1F540];
	_ =	sdelay $0x4  }
0x3f5: {  	vm9 =	vmand vm9, vm10;
	vm10 =	vnez.u8 v0;
	v0 =	vld [tilespmem:$0x1F550];
	_ =	sdelay $0x4  }
0x3f6: {  	vm11 =	vnez.u8 v0  }
0x3f7: {  	v0 =	vimm.s32 $0x0;
	vm10 =	vmand vm10, vm11  }
0x3f8: {  	v0 =	vsel vm10, $0xFFFFFFFF, v0  }
0x3f9: {  	[tilespmem:$0x1F6F0] =	vst v0;
	v0 =	vld [tilespmem:$0x1F560];
	_ =	sdelay $0x4  }
0x3fa: {  	vm10 =	vnez.u8 v0;
	v0 =	vld [tilespmem:$0x1F570];
	_ =	sdelay $0x4  }
0x3fb: {  	vm11 =	vnez.u8 v0;
	v0 =	vld [tilespmem:$0x1F580];
	_ =	sdelay $0x4  }
0x3fc: {  	vm10 =	vmand vm10, vm11;
	vm11 =	vnez.u8 v0;
	v0 =	vld [tilespmem:$0x1F590];
	_ =	sdelay $0x4  }
0x3fd: {  	vm12 =	vnez.u8 v0;
	v0 =	vld [tilespmem:$0x1F5A0];
	_ =	sdelay $0x4  }
0x3fe: {  	vm11 =	vmand vm11, vm12;
	vm12 =	vnez.u8 v0;
	v0 =	vld [tilespmem:$0x1F5B0];
	_ =	sdelay $0x4  }
0x3ff: {  	vm13 =	vnez.u8 v0  }
0x400: {  	v0 =	vimm.s32 $0x0;
	vm12 =	vmand vm12, vm13  }
0x401: {  	v0 =	vsel vm12, $0xFFFFFFFF, v0  }
0x402: {  	[tilespmem:$0x1F730] =	vst v0;
	v0 =	vld [tilespmem:$0x1F5C0];
	_ =	sdelay $0x4  }
0x403: {  	vm12 =	vnez.u8 v0  }
0x404: {  	v0 =	vimm.s32 $0x0;
	vm0 =	vmor vm12, vm0  }
0x405: {  	v0 =	vsel vm0, $0xFFFFFFFF, v0  }
0x406: {  	[tilespmem:$0x1F760] =	vst v0;
	v0 =	vld [tilespmem:$0x1F5D0];
	_ =	sdelay $0x3  }
0x407: {  	[tilespmem:$0x1F5E0] =	vst v41  }
0x408: {  	vm0 =	vnez.u8 v0;
	v0 =	vld [tilespmem:$0x1F5E0];
	_ =	sdelay $0x4  }
0x409: {  	vm12 =	vnez.u8 v0;
	v0 =	vld [tilespmem:$0x1F5F0]  }
0x40a: {  	[tilespmem:$0x1F610] =	vst v3;
	v3 =	vld [tilespmem:$0x1F600];
	_ =	sdelay $0x3  }
0x40b: {  	vm0 =	vmand vm0, vm12;
	vm12 =	vnez.u8 v0  }
0x40c: {  	vm1 =	vmand vm12, vm1;
	vm12 =	vnez.u8 v3;
	v3 =	vld [tilespmem:$0x1F610];
	_ =	sdelay $0x4  }
0x40d: {  	vm13 =	vnez.u8 v3  }
0x40e: {  	v3 =	vimm.s32 $0x0;
	vm12 =	vmor vm12, vm13  }
0x40f: {  	v3 =	vsel vm12, $0xFFFFFFFF, v3  }
0x410: {  	[tilespmem:$0x1F770] =	vst v3;
	v3 =	vld [tilespmem:$0x1F620];
	_ =	sdelay $0x4  }
0x411: {  	vm12 =	vnez.u8 v3;
	v3 =	vld [tilespmem:$0x1F630];
	_ =	sdelay $0x4  }
0x412: {  	vm12 =	vmor vm12, vm2;
	vm2 =	vnez.u8 v3;
	v3 =	vld [tilespmem:$0x1F640];
	_ =	sdelay $0x4  }
0x413: {  	vm3 =	vmor vm2, vm3;
	vm2 =	vnez.u8 v3;
	v3 =	vld [tilespmem:$0x1F650];
	_ =	sdelay $0x4  }
0x414: {  	vm15 =	vmor vm2, vm15;
	vm2 =	vnez.u8 v3  }
0x415: {  	v3 =	vimm.s32 $0x0;
	vm2 =	vmor vm2, vm4  }
0x416: {  	v3 =	vsel vm2, $0xFFFFFFFF, v3  }
0x417: {  	[tilespmem:$0x1F780] =	vst v3;
	v3 =	vld [tilespmem:$0x1F660];
	_ =	sdelay $0x4  }
0x418: {  	vm2 =	vnez.u8 v3;
	v3 =	vld [tilespmem:$0x1F670];
	_ =	sdelay $0x4  }
0x419: {  	vm4 =	vmor vm2, vm5;
	vm2 =	vnez.u8 v3;
	v3 =	vld [tilespmem:$0x1F680];
	_ =	sdelay $0x4  }
0x41a: {  	vm5 =	vnez.u8 v3  }
0x41b: {  	v3 =	vimm.s32 $0x0;
	vm2 =	vmor vm2, vm5  }
0x41c: {  	v3 =	vsel vm2, $0xFFFFFFFF, v3  }
0x41d: {  	[tilespmem:$0x1F790] =	vst v3;
	v3 =	vld [tilespmem:$0x1F690];
	_ =	sdelay $0x4  }
0x41e: {  	vm2 =	vnez.u8 v3  }
0x41f: {  	v3 =	vimm.s32 $0x0;
	vm2 =	vmor vm2, vm6  }
0x420: {  	v3 =	vsel vm2, $0xFFFFFFFF, v3  }
0x421: {  	[tilespmem:$0x1F7A0] =	vst v3;
	v3 =	vld [tilespmem:$0x1F6A0];
	_ =	sdelay $0x4  }
0x422: {  	vm2 =	vnez.u8 v3;
	v3 =	vld [tilespmem:$0x1F6B0];
	_ =	sdelay $0x4  }
0x423: {  	vm5 =	vmor vm2, vm7;
	vm2 =	vnez.u8 v3;
	v3 =	vld [tilespmem:$0x1F6C0];
	_ =	sdelay $0x4  }
0x424: {  	vm14 =	vmor vm2, vm14;
	vm2 =	vnez.u8 v3;
	v3 =	vld [tilespmem:$0x1F6D0];
	_ =	sdelay $0x4  }
0x425: {  	vm8 =	vmor vm2, vm8;
	vm2 =	vnez.u8 v3;
	v3 =	vld [tilespmem:$0x1F6E0];
	_ =	sdelay $0x4  }
0x426: {  	vm6 =	vmor vm2, vm9;
	vm2 =	vnez.u8 v3;
	v3 =	vld [tilespmem:$0x1F6F0];
	_ =	sdelay $0x4  }
0x427: {  	vm7 =	vnez.u8 v3;
	v3 =	vld [tilespmem:$0x1F700];
	_ =	sdelay $0x4  }
0x428: {  	vm9 =	vmor vm2, vm7;
	vm2 =	vnez.u8 v3;
	v3 =	vld [tilespmem:$0x1F710];
	_ =	sdelay $0x4  }
0x429: {  	vm10 =	vmor vm2, vm10;
	vm2 =	vnez.u8 v3;
	v3 =	vld [tilespmem:$0x1F720];
	_ =	sdelay $0x4  }
0x42a: {  	vm7 =	vmor vm2, vm11;
	vm2 =	vnez.u8 v3;
	v3 =	vld [tilespmem:$0x1F730];
	_ =	sdelay $0x4  }
0x42b: {  	vm11 =	vnez.u8 v3;
	v3 =	vld [tilespmem:$0x1F740];
	_ =	sdelay $0x4  }
0x42c: {  	vm11 =	vmor vm2, vm11;
	vm2 =	vnez.u8 v3;
	v3 =	vld [tilespmem:$0x1F750]  }
0x42d: {  	v0 =	vld.idx.msk [tilespmem:v7+s14+$0x0], $0xffff;
	_ =	sdelay $0x3  }
0x42e: {  	vm13 =	vmor vm2, vm0;
	vm0 =	vnez.u8 v3  }
0x42f: {  	v3 =	vld.idx.msk [tilespmem:v7+s16+$0x0], $0xffff;
	v7 =	vimm.s32 $0x0;
	vm2 =	vmor vm0, vm1;
	vm0 =	vgt.u32 v0, v10  }
0x430: {  	v7 =	vsel vm0, $0xFFFFFFFF, v7  }
0x431: {  	vm0 =	vgt.u32 v0, v12;
	[tilespmem:$0x1FA10] =	vst v7;
	v7 =	vimm.s32 $0x0  }
0x432: {  	v7 =	vsel vm0, $0xFFFFFFFF, v7  }
0x433: {  	vm0 =	vgt.u32 v0, v14;
	[tilespmem:$0x1FA20] =	vst v7;
	v7 =	vimm.s32 $0x0  }
0x434: {  	v7 =	vsel vm0, $0xFFFFFFFF, v7  }
0x435: {  	vm0 =	vgt.u32 v0, v16;
	[tilespmem:$0x1FA30] =	vst v7;
	v7 =	vimm.s32 $0x0  }
0x436: {  	v7 =	vsel vm0, $0xFFFFFFFF, v7  }
0x437: {  	vm0 =	vgt.u32 v0, v18;
	[tilespmem:$0x1FA40] =	vst v7;
	v7 =	vimm.s32 $0x0  }
0x438: {  	v7 =	vsel vm0, $0xFFFFFFFF, v7  }
0x439: {  	vm0 =	vgt.u32 v0, v20;
	[tilespmem:$0x1FA50] =	vst v7;
	v7 =	vimm.s32 $0x0  }
0x43a: {  	v7 =	vsel vm0, $0xFFFFFFFF, v7  }
0x43b: {  	vm0 =	vgt.u32 v0, v22;
	[tilespmem:$0x1FA60] =	vst v7;
	v7 =	vimm.s32 $0x0  }
0x43c: {  	v7 =	vsel vm0, $0xFFFFFFFF, v7  }
0x43d: {  	vm0 =	vgt.u32 v0, v25;
	[tilespmem:$0x1FA70] =	vst v7;
	v7 =	vimm.s32 $0x0  }
0x43e: {  	v7 =	vsel vm0, $0xFFFFFFFF, v7  }
0x43f: {  	vm0 =	vgt.u32 v0, v27;
	[tilespmem:$0x1FA80] =	vst v7;
	v7 =	vimm.s32 $0x0  }
0x440: {  	v7 =	vsel vm0, $0xFFFFFFFF, v7  }
0x441: {  	vm0 =	vgt.u32 v0, v29;
	[tilespmem:$0x1FA90] =	vst v7;
	v7 =	vimm.s32 $0x0  }
0x442: {  	v7 =	vsel vm0, $0xFFFFFFFF, v7  }
0x443: {  	vm0 =	vgt.u32 v0, v34;
	[tilespmem:$0x1FAA0] =	vst v7;
	v7 =	vimm.s32 $0x0  }
0x444: {  	v7 =	vsel vm0, $0xFFFFFFFF, v7  }
0x445: {  	vm0 =	vgt.u32 v0, v36;
	[tilespmem:$0x1FAC0] =	vst v7;
	v7 =	vimm.s32 $0x0  }
0x446: {  	v7 =	vsel vm0, $0xFFFFFFFF, v7  }
0x447: {  	vm0 =	vgt.u32 v0, v38;
	[tilespmem:$0x1FAE0] =	vst v7;
	v7 =	vimm.s32 $0x0  }
0x448: {  	v7 =	vsel vm0, $0xFFFFFFFF, v7  }
0x449: {  	vm0 =	vgt.u32 v0, v40;
	[tilespmem:$0x1FAF0] =	vst v7;
	v7 =	vimm.s32 $0x0  }
0x44a: {  	v7 =	vsel vm0, $0xFFFFFFFF, v7  }
0x44b: {  	vm0 =	vgt.u32 v0, v42;
	[tilespmem:$0x1FB10] =	vst v7;
	v7 =	vimm.s32 $0x0  }
0x44c: {  	v7 =	vsel vm0, $0xFFFFFFFF, v7  }
0x44d: {  	vm0 =	vgt.u32 v0, v44;
	[tilespmem:$0x1FB30] =	vst v7;
	v7 =	vimm.s32 $0x0  }
0x44e: {  	v7 =	vsel vm0, $0xFFFFFFFF, v7  }
0x44f: {  	vm0 =	vgt.u32 v0, v2;
	[tilespmem:$0x1FB50] =	vst v7;
	v7 =	vimm.s32 $0x0  }
0x450: {  	v7 =	vsel vm0, $0xFFFFFFFF, v7  }
0x451: {  	vm0 =	veq.s32 v0, v8;
	[tilespmem:$0x1FB70] =	vst v7;
	v7 =	vimm.s32 $0x0  }
0x452: {  	v7 =	vsel vm0, $0xFFFFFFFF, v7  }
0x453: {  	vm0 =	vlt.s32 v3, v9;
	[tilespmem:$0x1F7B0] =	vst v7;
	v7 =	vimm.s32 $0x0  }
0x454: {  	v7 =	vsel vm0, $0xFFFFFFFF, v7  }
0x455: {  	vm0 =	vgt.u32 v0, v4;
	[tilespmem:$0x1F7C0] =	vst v7;
	v7 =	vimm.s32 $0x0  }
0x456: {  	v7 =	vsel vm0, $0xFFFFFFFF, v7  }
0x457: {  	vm0 =	veq.s32 v0, v10;
	[tilespmem:$0x1FB80] =	vst v7;
	v7 =	vimm.s32 $0x0  }
0x458: {  	v7 =	vsel vm0, $0xFFFFFFFF, v7  }
0x459: {  	vm0 =	vlt.s32 v3, v11;
	[tilespmem:$0x1F7D0] =	vst v7;
	v7 =	vimm.s32 $0x0  }
0x45a: {  	v7 =	vsel vm0, $0xFFFFFFFF, v7  }
0x45b: {  	vm0 =	veq.s32 v0, v12;
	[tilespmem:$0x1F7E0] =	vst v7;
	v7 =	vimm.s32 $0x0  }
0x45c: {  	v7 =	vsel vm0, $0xFFFFFFFF, v7  }
0x45d: {  	vm0 =	vlt.s32 v3, v13;
	[tilespmem:$0x1F7F0] =	vst v7;
	v7 =	vimm.s32 $0x0  }
0x45e: {  	v7 =	vsel vm0, $0xFFFFFFFF, v7  }
0x45f: {  	vm0 =	veq.s32 v0, v14;
	[tilespmem:$0x1F800] =	vst v7;
	v7 =	vimm.s32 $0x0  }
0x460: {  	v7 =	vsel vm0, $0xFFFFFFFF, v7  }
0x461: {  	vm0 =	vlt.s32 v3, v15;
	[tilespmem:$0x1F810] =	vst v7;
	v7 =	vimm.s32 $0x0  }
0x462: {  	v7 =	vsel vm0, $0xFFFFFFFF, v7  }
0x463: {  	vm0 =	veq.s32 v0, v16;
	[tilespmem:$0x1F820] =	vst v7;
	v7 =	vimm.s32 $0x0  }
0x464: {  	v7 =	vsel vm0, $0xFFFFFFFF, v7  }
0x465: {  	vm0 =	vlt.s32 v3, v17;
	[tilespmem:$0x1F830] =	vst v7;
	v7 =	vimm.s32 $0x0  }
0x466: {  	v7 =	vsel vm0, $0xFFFFFFFF, v7  }
0x467: {  	vm0 =	veq.s32 v0, v18;
	[tilespmem:$0x1F840] =	vst v7;
	v7 =	vimm.s32 $0x0  }
0x468: {  	v7 =	vsel vm0, $0xFFFFFFFF, v7  }
0x469: {  	vm0 =	vlt.s32 v3, v19;
	[tilespmem:$0x1F850] =	vst v7;
	v7 =	vimm.s32 $0x0  }
0x46a: {  	v7 =	vsel vm0, $0xFFFFFFFF, v7  }
0x46b: {  	vm0 =	veq.s32 v0, v20;
	[tilespmem:$0x1F860] =	vst v7;
	v7 =	vimm.s32 $0x0  }
0x46c: {  	v7 =	vsel vm0, $0xFFFFFFFF, v7  }
0x46d: {  	vm0 =	vlt.s32 v3, v21;
	[tilespmem:$0x1F870] =	vst v7;
	v7 =	vimm.s32 $0x0  }
0x46e: {  	v7 =	vsel vm0, $0xFFFFFFFF, v7  }
0x46f: {  	vm0 =	veq.s32 v0, v22;
	[tilespmem:$0x1F880] =	vst v7;
	v7 =	vimm.s32 $0x0  }
0x470: {  	v7 =	vsel vm0, $0xFFFFFFFF, v7  }
0x471: {  	vm0 =	vlt.s32 v3, v23;
	[tilespmem:$0x1F890] =	vst v7;
	v7 =	vimm.s32 $0x0  }
0x472: {  	v7 =	vsel vm0, $0xFFFFFFFF, v7  }
0x473: {  	vm0 =	veq.s32 v0, v25;
	[tilespmem:$0x1F8A0] =	vst v7;
	v7 =	vimm.s32 $0x0  }
0x474: {  	v7 =	vsel vm0, $0xFFFFFFFF, v7  }
0x475: {  	vm0 =	vlt.s32 v3, v26;
	[tilespmem:$0x1F8B0] =	vst v7;
	v7 =	vimm.s32 $0x0  }
0x476: {  	v7 =	vsel vm0, $0xFFFFFFFF, v7  }
0x477: {  	vm0 =	veq.s32 v0, v27;
	[tilespmem:$0x1F8C0] =	vst v7;
	v7 =	vimm.s32 $0x0  }
0x478: {  	v7 =	vsel vm0, $0xFFFFFFFF, v7  }
0x479: {  	vm0 =	vlt.s32 v3, v28;
	[tilespmem:$0x1F8D0] =	vst v7;
	v7 =	vimm.s32 $0x0  }
0x47a: {  	v7 =	vsel vm0, $0xFFFFFFFF, v7  }
0x47b: {  	vm0 =	veq.s32 v0, v29;
	[tilespmem:$0x1F8E0] =	vst v7;
	v7 =	vimm.s32 $0x0  }
0x47c: {  	v7 =	vsel vm0, $0xFFFFFFFF, v7  }
0x47d: {  	vm0 =	vlt.s32 v3, v30;
	[tilespmem:$0x1F8F0] =	vst v7;
	v7 =	vimm.s32 $0x0  }
0x47e: {  	v7 =	vsel vm0, $0xFFFFFFFF, v7  }
0x47f: {  	vm0 =	veq.s32 v0, v34;
	[tilespmem:$0x1F900] =	vst v7;
	v7 =	vimm.s32 $0x0  }
0x480: {  	v7 =	vsel vm0, $0xFFFFFFFF, v7  }
0x481: {  	vm0 =	vlt.s32 v3, v31;
	[tilespmem:$0x1F910] =	vst v7;
	v7 =	vimm.s32 $0x0  }
0x482: {  	v7 =	vsel vm0, $0xFFFFFFFF, v7  }
0x483: {  	vm0 =	veq.s32 v0, v36;
	[tilespmem:$0x1F920] =	vst v7;
	v7 =	vimm.s32 $0x0  }
0x484: {  	v7 =	vsel vm0, $0xFFFFFFFF, v7  }
0x485: {  	vm0 =	vlt.s32 v3, v32;
	[tilespmem:$0x1F930] =	vst v7;
	v7 =	vimm.s32 $0x0  }
0x486: {  	v7 =	vsel vm0, $0xFFFFFFFF, v7  }
0x487: {  	vm0 =	veq.s32 v0, v38;
	[tilespmem:$0x1F940] =	vst v7;
	v7 =	vimm.s32 $0x0  }
0x488: {  	v7 =	vsel vm0, $0xFFFFFFFF, v7  }
0x489: {  	vm0 =	vlt.s32 v3, v33;
	[tilespmem:$0x1F950] =	vst v7;
	v7 =	vimm.s32 $0x0  }
0x48a: {  	v7 =	vsel vm0, $0xFFFFFFFF, v7  }
0x48b: {  	vm0 =	veq.s32 v0, v40;
	[tilespmem:$0x1F960] =	vst v7;
	v7 =	vimm.s32 $0x0  }
0x48c: {  	v7 =	vsel vm0, $0xFFFFFFFF, v7  }
0x48d: {  	vm0 =	vlt.s32 v3, v35;
	[tilespmem:$0x1F970] =	vst v7;
	v7 =	vimm.s32 $0x0  }
0x48e: {  	v7 =	vsel vm0, $0xFFFFFFFF, v7  }
0x48f: {  	vm0 =	veq.s32 v0, v42;
	[tilespmem:$0x1F980] =	vst v7;
	v7 =	vimm.s32 $0x0  }
0x490: {  	v7 =	vsel vm0, $0xFFFFFFFF, v7  }
0x491: {  	vm0 =	vlt.s32 v3, v37;
	[tilespmem:$0x1F990] =	vst v7;
	v7 =	vimm.s32 $0x0  }
0x492: {  	v7 =	vsel vm0, $0xFFFFFFFF, v7  }
0x493: {  	vm0 =	veq.s32 v0, v44;
	[tilespmem:$0x1F9A0] =	vst v7;
	v7 =	vimm.s32 $0x0  }
0x494: {  	v7 =	vsel vm0, $0xFFFFFFFF, v7  }
0x495: {  	vm0 =	vlt.s32 v3, v39;
	[tilespmem:$0x1F9B0] =	vst v7;
	v7 =	vimm.s32 $0x0  }
0x496: {  	v7 =	vsel vm0, $0xFFFFFFFF, v7;
	vm0 =	veq.s32 v0, v2;
	v2 =	vimm.s32 $0x0  }
0x497: {  	v2 =	vsel vm0, $0xFFFFFFFF, v2  }
0x498: {  	vm1 =	vgt.u32 v0, v8;
	vm0 =	vlt.s32 v3, v5;
	[tilespmem:$0x1F9D0] =	vst v2;
	v2 =	vimm.s32 $0x0  }
0x499: {  	v2 =	vsel vm0, $0xFFFFFFFF, v2;
	vm0 =	veq.s32 v0, v4;
	v0 =	vimm.s32 $0x0  }
0x49a: {  	v0 =	vsel vm0, $0xFFFFFFFF, v0  }
0x49b: {  	vm0 =	vlt.s32 v3, v6;
	[tilespmem:$0x1F9F0] =	vst v0;
	v0 =	vimm.s32 $0x0  }
0x49c: {  	v0 =	vsel vm0, $0xFFFFFFFF, v0  }
0x49d: {  	[tilespmem:$0x1FA00] =	vst v0;
	v0 =	vld [tilespmem:$0x1F760];
	_ =	sdelay $0x4  }
0x49e: {  	vm0 =	vnez.u8 v0;
	v0 =	vld [tilespmem:$0x1F770];
	_ =	sdelay $0x4  }
0x49f: {  	v33 =	vsel vm0, $0x1, v1;
	vm0 =	vnez.u8 v0;
	v0 =	vld [tilespmem:$0x1F780];
	_ =	sdelay $0x4  }
0x4a0: {  	v31 =	vsel vm0, $0x1, v1;
	vm0 =	vnez.u8 v0;
	v0 =	vld [tilespmem:$0x1F790];
	_ =	sdelay $0x4  }
0x4a1: {  	v23 =	vsel vm0, $0x1, v1;
	vm0 =	vnez.u8 v0;
	v0 =	vld [tilespmem:$0x1F7A0];
	_ =	sdelay $0x4  }
0x4a2: {  	v19 =	vsel vm0, $0x1, v1;
	vm0 =	vnez.u8 v0;
	v0 =	vld [tilespmem:$0x1F7B0];
	_ =	sdelay $0x4  }
0x4a3: {  	v17 =	vsel vm0, $0x1, v1;
	vm0 =	vnez.u8 v0;
	v0 =	vld [tilespmem:$0x1F7C0];
	_ =	sdelay $0x4  }
0x4a4: {  	v27 =	vsel vm3, $0x1, v1;
	vm3 =	vnez.u8 v0;
	v0 =	vld [tilespmem:$0x1F7D0];
	_ =	sdelay $0x4  }
0x4a5: {  	vm0 =	vmand vm0, vm3;
	vm3 =	vnez.u8 v0;
	v0 =	vld [tilespmem:$0x1F7E0];
	_ =	sdelay $0x4  }
0x4a6: {  	v21 =	vsel vm4, $0x1, v1;
	vm4 =	vnez.u8 v0;
	v0 =	vld [tilespmem:$0x1F7F0];
	_ =	sdelay $0x4  }
0x4a7: {  	[tilespmem:$0x1F9E0] =	vst v2;
	v2 =	vsel vm2, $0x1, v1;
	vm2 =	vnez.u8 v0;
	v0 =	vld [tilespmem:$0x1F800];
	_ =	sdelay $0x4  }
0x4a8: {  	v5 =	vsel vm10, $0x1, v1;
	vm10 =	vmand vm3, vm4;
	vm3 =	vnez.u8 v0;
	v0 =	vld [tilespmem:$0x1F810];
	_ =	sdelay $0x4  }
0x4a9: {  	[tilespmem:$0x1F9C0] =	vst v7;
	v7 =	vsel vm11, $0x1, v1;
	vm11 =	vmand vm2, vm3;
	vm2 =	vnez.u8 v0;
	v0 =	vld [tilespmem:$0x1F820];
	_ =	sdelay $0x4  }
0x4aa: {  	vm3 =	vnez.u8 v0;
	v0 =	vld [tilespmem:$0x1F830];
	_ =	sdelay $0x4  }
0x4ab: {  	vm2 =	vmand vm2, vm3;
	vm3 =	vnez.u8 v0;
	v0 =	vld [tilespmem:$0x1F840];
	_ =	sdelay $0x4  }
0x4ac: {  	vm4 =	vnez.u8 v0;
	v0 =	vld [tilespmem:$0x1F850];
	_ =	sdelay $0x4  }
0x4ad: {  	vm3 =	vmand vm3, vm4;
	vm4 =	vnez.u8 v0;
	v0 =	vld [tilespmem:$0x1F860];
	_ =	sdelay $0x4  }
0x4ae: {  	v15 =	vsel vm5, $0x1, v1;
	vm5 =	vnez.u8 v0;
	v0 =	vld [tilespmem:$0x1F870];
	_ =	sdelay $0x4  }
0x4af: {  	vm5 =	vmand vm4, vm5;
	vm4 =	vnez.u8 v0;
	v0 =	vld [tilespmem:$0x1F880];
	_ =	sdelay $0x4  }
0x4b0: {  	v9 =	vsel vm6, $0x1, v1;
	vm6 =	vnez.u8 v0;
	v0 =	vld [tilespmem:$0x1F890];
	_ =	sdelay $0x4  }
0x4b1: {  	v13 =	vsel vm14, $0x1, v1;
	vm14 =	vmand vm4, vm6;
	vm4 =	vnez.u8 v0;
	v0 =	vld [tilespmem:$0x1F8A0];
	_ =	sdelay $0x4  }
0x4b2: {  	vm6 =	vnez.u8 v0;
	v0 =	vld [tilespmem:$0x1F8B0];
	_ =	sdelay $0x4  }
0x4b3: {  	v25 =	vsel vm15, $0x1, v1;
	vm15 =	vmand vm4, vm6;
	vm4 =	vnez.u8 v0;
	v0 =	vld [tilespmem:$0x1F8C0];
	_ =	sdelay $0x4  }
0x4b4: {  	vm6 =	vnez.u8 v0;
	v0 =	vld [tilespmem:$0x1F8D0];
	_ =	sdelay $0x4  }
0x4b5: {  	vm4 =	vmand vm4, vm6;
	vm6 =	vnez.u8 v0;
	v0 =	vld [tilespmem:$0x1F8E0];
	_ =	sdelay $0x4  }
0x4b6: {  	v4 =	vsel vm7, $0x1, v1;
	vm7 =	vnez.u8 v0;
	v0 =	vld [tilespmem:$0x1F8F0];
	_ =	sdelay $0x4  }
0x4b7: {  	vm6 =	vmand vm6, vm7;
	vm7 =	vnez.u8 v0;
	v0 =	vld [tilespmem:$0x1F900];
	_ =	sdelay $0x4  }
0x4b8: {  	v10 =	vsel vm8, $0x1, v1;
	vm8 =	vnez.u8 v0  }
0x4b9: {  	v0 =	vimm.s32 $0x0;
	vm7 =	vmand vm7, vm8  }
0x4ba: {  	v0 =	vsel vm7, $0xFFFFFFFF, v0  }
0x4bb: {  	[tilespmem:$0x1FAB0] =	vst v0;
	v0 =	vld [tilespmem:$0x1F910];
	_ =	sdelay $0x4  }
0x4bc: {  	vm7 =	vnez.u8 v0;
	v0 =	vld [tilespmem:$0x1F920];
	_ =	sdelay $0x4  }
0x4bd: {  	vm8 =	vnez.u8 v0  }
0x4be: {  	v0 =	vimm.s32 $0x0;
	vm7 =	vmand vm7, vm8  }
0x4bf: {  	v0 =	vsel vm7, $0xFFFFFFFF, v0  }
0x4c0: {  	[tilespmem:$0x1FAD0] =	vst v0;
	v0 =	vld [tilespmem:$0x1F930];
	_ =	sdelay $0x4  }
0x4c1: {  	vm7 =	vnez.u8 v0;
	v0 =	vld [tilespmem:$0x1F940];
	_ =	sdelay $0x4  }
0x4c2: {  	vm8 =	vnez.u8 v0;
	v0 =	vld [tilespmem:$0x1F950];
	_ =	sdelay $0x4  }
0x4c3: {  	vm7 =	vmand vm7, vm8;
	vm8 =	vnez.u8 v0;
	v0 =	vld [tilespmem:$0x1F960];
	_ =	sdelay $0x4  }
0x4c4: {  	v6 =	vsel vm9, $0x1, v1;
	vm9 =	vnez.u8 v0  }
0x4c5: {  	v0 =	vimm.s32 $0x0;
	vm8 =	vmand vm8, vm9  }
0x4c6: {  	v0 =	vsel vm8, $0xFFFFFFFF, v0  }
0x4c7: {  	[tilespmem:$0x1FB00] =	vst v0;
	v0 =	vld [tilespmem:$0x1F970];
	_ =	sdelay $0x4  }
0x4c8: {  	vm8 =	vnez.u8 v0;
	v0 =	vld [tilespmem:$0x1F980];
	_ =	sdelay $0x4  }
0x4c9: {  	vm9 =	vnez.u8 v0  }
0x4ca: {  	v0 =	vimm.s32 $0x0;
	vm8 =	vmand vm8, vm9  }
0x4cb: {  	v0 =	vsel vm8, $0xFFFFFFFF, v0  }
0x4cc: {  	[tilespmem:$0x1FB20] =	vst v0;
	v0 =	vld [tilespmem:$0x1F990];
	_ =	sdelay $0x4  }
0x4cd: {  	vm8 =	vnez.u8 v0;
	v0 =	vld [tilespmem:$0x1F9A0];
	_ =	sdelay $0x4  }
0x4ce: {  	vm9 =	vnez.u8 v0  }
0x4cf: {  	v0 =	vimm.s32 $0x0;
	vm8 =	vmand vm8, vm9  }
0x4d0: {  	v0 =	vsel vm8, $0xFFFFFFFF, v0  }
0x4d1: {  	[tilespmem:$0x1FB40] =	vst v0;
	v0 =	vld [tilespmem:$0x1F9B0];
	_ =	sdelay $0x4  }
0x4d2: {  	vm8 =	vnez.u8 v0;
	v0 =	vld [tilespmem:$0x1F9C0];
	_ =	sdelay $0x4  }
0x4d3: {  	vm9 =	vnez.u8 v0  }
0x4d4: {  	v0 =	vimm.s32 $0x0;
	vm8 =	vmand vm8, vm9  }
0x4d5: {  	v0 =	vsel vm8, $0xFFFFFFFF, v0  }
0x4d6: {  	vm0 =	vmor vm1, vm0;
	[tilespmem:$0x1FB60] =	vst v0;
	v0 =	vimm.s32 $0x0  }
0x4d7: {  	v0 =	vsel vm0, $0xFFFFFFFF, v0  }
0x4d8: {  	[tilespmem:$0x1FE00] =	vst v0;
	v0 =	vld [tilespmem:$0x1F9D0];
	_ =	sdelay $0x4  }
0x4d9: {  	vm0 =	vnez.u8 v0;
	v0 =	vld [tilespmem:$0x1F9E0];
	_ =	sdelay $0x4  }
0x4da: {  	vm1 =	vnez.u8 v0;
	v0 =	vld [tilespmem:$0x1F9F0];
	_ =	sdelay $0x4  }
0x4db: {  	vm0 =	vmand vm0, vm1;
	vm1 =	vnez.u8 v0;
	v0 =	vld [tilespmem:$0x1FA00];
	_ =	sdelay $0x4  }
0x4dc: {  	vm8 =	vnez.u8 v0  }
0x4dd: {  	v0 =	vimm.s32 $0x0;
	vm1 =	vmand vm1, vm8  }
0x4de: {  	v0 =	vsel vm1, $0xFFFFFFFF, v0  }
0x4df: {  	[tilespmem:$0x1FB90] =	vst v0;
	v0 =	vld [tilespmem:$0x1FA10];
	_ =	sdelay $0x4  }
0x4e0: {  	v29 =	vsel vm12, $0x1, v1;
	vm12 =	vnez.u8 v0  }
0x4e1: {  	v0 =	vimm.s32 $0x0;
	vm1 =	vmor vm12, vm10  }
0x4e2: {  	v0 =	vsel vm1, $0xFFFFFFFF, v0  }
0x4e3: {  	[tilespmem:$0x1FE50] =	vst v0;
	v0 =	vld [tilespmem:$0x1FA20];
	_ =	sdelay $0x4  }
0x4e4: {  	vm12 =	vnez.u8 v0  }
0x4e5: {  	v0 =	vimm.s32 $0x0;
	vm1 =	vmor vm12, vm11  }
0x4e6: {  	v0 =	vsel vm1, $0xFFFFFFFF, v0  }
0x4e7: {  	[tilespmem:$0x1FE60] =	vst v0;
	v0 =	vld [tilespmem:$0x1FA30];
	_ =	sdelay $0x4  }
0x4e8: {  	vm11 =	vnez.u8 v0  }
0x4e9: {  	v0 =	vimm.s32 $0x0;
	vm1 =	vmor vm11, vm2  }
0x4ea: {  	v0 =	vsel vm1, $0xFFFFFFFF, v0  }
0x4eb: {  	[tilespmem:$0x1FBA0] =	vst v0;
	v0 =	vld [tilespmem:$0x1FA40];
	_ =	sdelay $0x4  }
0x4ec: {  	vm2 =	vnez.u8 v0;
	v0 =	vld [tilespmem:$0x1FA50];
	_ =	sdelay $0x4  }
0x4ed: {  	vm11 =	vnez.u8 v0;
	v0 =	vld [tilespmem:$0x1FA60];
	_ =	sdelay $0x4  }
0x4ee: {  	vm1 =	vmor vm2, vm3;
	vm3 =	vmor vm11, vm5;
	vm11 =	vnez.u8 v0;
	v0 =	vld [tilespmem:$0x1FA70];
	_ =	sdelay $0x4  }
0x4ef: {  	v8 =	vsel vm13, $0x1, v1;
	vm13 =	vmor vm11, vm14;
	vm11 =	vnez.u8 v0;
	v0 =	vld [tilespmem:$0x1FA80];
	_ =	sdelay $0x4  }
0x4f0: {  	vm12 =	vnez.u8 v0;
	v0 =	vld [tilespmem:$0x1FA90];
	_ =	sdelay $0x4  }
0x4f1: {  	vm5 =	vmor vm12, vm4;
	vm12 =	vnez.u8 v0;
	v0 =	vld [tilespmem:$0x1FAA0];
	_ =	sdelay $0x4  }
0x4f2: {  	vm6 =	vmor vm12, vm6;
	vm12 =	vnez.u8 v0;
	v0 =	vld [tilespmem:$0x1FAB0];
	_ =	sdelay $0x4  }
0x4f3: {  	vm4 =	vnez.u8 v0;
	v0 =	vld [tilespmem:$0x1FAC0];
	_ =	sdelay $0x4  }
0x4f4: {  	vm4 =	vmor vm12, vm4;
	vm12 =	vnez.u8 v0;
	v0 =	vld [tilespmem:$0x1FAD0];
	_ =	sdelay $0x4  }
0x4f5: {  	vm8 =	vnez.u8 v0;
	v0 =	vld [tilespmem:$0x1FAE0];
	_ =	sdelay $0x4  }
0x4f6: {  	vm11 =	vmor vm11, vm15;
	vm15 =	vmor vm12, vm8;
	vm12 =	vnez.u8 v0;
	v0 =	vld [tilespmem:$0x1FAF0];
	_ =	sdelay $0x4  }
0x4f7: {  	vm8 =	vmor vm12, vm7;
	vm12 =	vnez.u8 v0;
	v0 =	vld [tilespmem:$0x1FB00];
	_ =	sdelay $0x4  }
0x4f8: {  	vm7 =	vnez.u8 v0;
	v0 =	vld [tilespmem:$0x1FB10];
	_ =	sdelay $0x4  }
0x4f9: {  	vm14 =	vnez.u8 v0;
	v0 =	vld [tilespmem:$0x1FB20];
	_ =	sdelay $0x4  }
0x4fa: {  	vm12 =	vmor vm12, vm7;
	vm7 =	vnez.u8 v0;
	v0 =	vld [tilespmem:$0x1FB30];
	_ =	sdelay $0x4  }
0x4fb: {  	vm9 =	vmor vm14, vm7;
	vm14 =	vnez.u8 v0;
	v0 =	vld [tilespmem:$0x1FB40];
	_ =	sdelay $0x4  }
0x4fc: {  	vm7 =	vnez.u8 v0;
	v0 =	vld [tilespmem:$0x1FB50];
	_ =	sdelay $0x4  }
0x4fd: {  	vm10 =	vmor vm14, vm7;
	vm14 =	vnez.u8 v0;
	v0 =	vld [tilespmem:$0x1FB60];
	_ =	sdelay $0x4  }
0x4fe: {  	vm7 =	vnez.u8 v0;
	v0 =	vld [tilespmem:$0x1FB70];
	_ =	sdelay $0x4  }
0x4ff: {  	vm7 =	vmor vm14, vm7;
	vm14 =	vnez.u8 v0  }
0x500: {  	v0 =	vimm.s32 $0x0;
	vm0 =	vmor vm14, vm0  }
0x501: {  	v0 =	vsel vm0, $0xFFFFFFFF, v0  }
0x502: {  	[tilespmem:$0x1FF60] =	vst v0;
	v0 =	vld [tilespmem:$0x1FB80];
	_ =	sdelay $0x4  }
0x503: {  	vm0 =	vnez.u8 v0;
	v0 =	vld [tilespmem:$0x1FB90];
	_ =	sdelay $0x4  }
0x504: {  	vm14 =	vnez.u8 v0  }
0x505: {  	v0 =	vimm.s32 $0x0;
	vm0 =	vmor vm0, vm14  }
0x506: {  	v0 =	vsel vm0, $0xFFFFFFFF, v0  }
0x507: {  	p0 =	slt.u32 s1, $0x12A;
	[tilespmem:$0x1FF90] =	vst v0;
	v0 =	vld [tilespmem:$0x1FBA0]  }
.Ltmp44:
0x508: {  	_ = 	snop;
	(pc) =	sbr.rel @p0 .LBB2_65-.Ltmp44, $2  }
0x509: {  	_ =	sdelay $0x2  }
0x50a: {  	s1 =	sadd.s32 $0x2, s1;
	vm2 =	vmmov vm1;
	vm1 =	vnez.u8 v0  }
0x50b: {  	v0 =	vld [tilespmem:$0x1FE00];
	_ =	sdelay $0x4  }
0x50c: {  	vm0 =	vnez.u8 v0  }
0x50d: {  	v0 =	vsel vm0, $0x1, v1  }
0x50e: {  	v0 =	vadd.s32 v0, v24  }
0x50f: {  	v3 =	vld [tilespmem:$0x1FDF0];
	v0 =	vadd.s32 v33, v0;
	_ =	sdelay $0x3  }
0x510: {  	s0 =	simm.s32 $0x1A400;
	v11 =	vld [tilespmem:$0x1FE50]  }
0x511: {  	[tilespmem:v0+s0+$0x0] =	vst.idx.msk $0xffff, v3  }
0x512: {  	v3 =	vld [tilespmem:$0x1A280];
	_ =	sdelay $0x2  }
0x513: {  	vm0 =	vnez.u8 v11  }
0x514: {  	s1 =	simm.s32 $0x1A580;
	v11 =	vsel vm0, $0x1, v1  }
0x515: {  	v11 =	vadd.s32 v11, v63;
	[tilespmem:v0+s1+$0x0] =	vst.idx.msk $0xffff, v3  }
0x516: {  	v0 =	vadd.s32 v31, v11;
	v3 =	vld [tilespmem:$0x1A110];
	_ =	sdelay $0x3  }
0x517: {  	v11 =	vld [tilespmem:$0x1FE60]  }
0x518: {  	[tilespmem:v0+s0+$0x0] =	vst.idx.msk $0xffff, v3  }
0x519: {  	v3 =	vld [tilespmem:$0x1A290];
	_ =	sdelay $0x2  }
0x51a: {  	vm0 =	vnez.u8 v11  }
0x51b: {  	v11 =	vsel vm0, $0x1, v1  }
0x51c: {  	v11 =	vadd.s32 v11, v62;
	[tilespmem:v0+s1+$0x0] =	vst.idx.msk $0xffff, v3  }
0x51d: {  	v0 =	vadd.s32 v29, v11;
	v3 =	vld [tilespmem:$0x1A120];
	_ =	sdelay $0x4  }
0x51e: {  	[tilespmem:v0+s0+$0x0] =	vst.idx.msk $0xffff, v3  }
0x51f: {  	v3 =	vld [tilespmem:$0x1A2A0];
	_ =	sdelay $0x3  }
0x520: {  	v11 =	vsel vm1, $0x1, v1  }
0x521: {  	v11 =	vadd.s32 v11, v61;
	[tilespmem:v0+s1+$0x0] =	vst.idx.msk $0xffff, v3  }
0x522: {  	v0 =	vadd.s32 v27, v11;
	v3 =	vld [tilespmem:$0x1A130];
	_ =	sdelay $0x4  }
0x523: {  	[tilespmem:v0+s0+$0x0] =	vst.idx.msk $0xffff, v3  }
0x524: {  	v3 =	vld [tilespmem:$0x1A2B0];
	_ =	sdelay $0x3  }
0x525: {  	v11 =	vsel vm2, $0x1, v1  }
0x526: {  	v11 =	vadd.s32 v11, v60;
	[tilespmem:v0+s1+$0x0] =	vst.idx.msk $0xffff, v3  }
0x527: {  	v0 =	vadd.s32 v25, v11;
	v3 =	vld [tilespmem:$0x1A140];
	_ =	sdelay $0x4  }
0x528: {  	[tilespmem:v0+s0+$0x0] =	vst.idx.msk $0xffff, v3  }
0x529: {  	v3 =	vld [tilespmem:$0x1A2C0];
	_ =	sdelay $0x3  }
0x52a: {  	v11 =	vsel vm3, $0x1, v1  }
0x52b: {  	v11 =	vadd.s32 v11, v59;
	[tilespmem:v0+s1+$0x0] =	vst.idx.msk $0xffff, v3  }
0x52c: {  	v0 =	vadd.s32 v23, v11;
	v3 =	vld [tilespmem:$0x1A150];
	_ =	sdelay $0x4  }
0x52d: {  	[tilespmem:v0+s0+$0x0] =	vst.idx.msk $0xffff, v3  }
0x52e: {  	v3 =	vld [tilespmem:$0x1A2D0];
	_ =	sdelay $0x3  }
0x52f: {  	v11 =	vsel vm13, $0x1, v1  }
0x530: {  	v11 =	vadd.s32 v11, v58;
	[tilespmem:v0+s1+$0x0] =	vst.idx.msk $0xffff, v3  }
0x531: {  	v0 =	vadd.s32 v21, v11;
	v3 =	vld [tilespmem:$0x1A160];
	_ =	sdelay $0x4  }
0x532: {  	[tilespmem:v0+s0+$0x0] =	vst.idx.msk $0xffff, v3  }
0x533: {  	v3 =	vld [tilespmem:$0x1A2E0];
	_ =	sdelay $0x3  }
0x534: {  	v11 =	vsel vm11, $0x1, v1  }
0x535: {  	v11 =	vadd.s32 v11, v57;
	[tilespmem:v0+s1+$0x0] =	vst.idx.msk $0xffff, v3  }
0x536: {  	v0 =	vadd.s32 v19, v11;
	v3 =	vld [tilespmem:$0x1A170];
	_ =	sdelay $0x4  }
0x537: {  	[tilespmem:v0+s0+$0x0] =	vst.idx.msk $0xffff, v3  }
0x538: {  	v3 =	vld [tilespmem:$0x1A2F0];
	_ =	sdelay $0x3  }
0x539: {  	v11 =	vsel vm5, $0x1, v1  }
0x53a: {  	v11 =	vadd.s32 v11, v56;
	[tilespmem:v0+s1+$0x0] =	vst.idx.msk $0xffff, v3  }
0x53b: {  	v0 =	vadd.s32 v17, v11;
	v3 =	vld [tilespmem:$0x1A180];
	_ =	sdelay $0x4  }
0x53c: {  	[tilespmem:v0+s0+$0x0] =	vst.idx.msk $0xffff, v3  }
0x53d: {  	v3 =	vld [tilespmem:$0x1A300];
	_ =	sdelay $0x3  }
0x53e: {  	v11 =	vsel vm6, $0x1, v1  }
0x53f: {  	v11 =	vadd.s32 v11, v55;
	[tilespmem:v0+s1+$0x0] =	vst.idx.msk $0xffff, v3  }
0x540: {  	v0 =	vadd.s32 v15, v11;
	v3 =	vld [tilespmem:$0x1A190];
	_ =	sdelay $0x4  }
0x541: {  	[tilespmem:v0+s0+$0x0] =	vst.idx.msk $0xffff, v3  }
0x542: {  	v3 =	vld [tilespmem:$0x1A310];
	_ =	sdelay $0x3  }
0x543: {  	v11 =	vsel vm4, $0x1, v1  }
0x544: {  	v11 =	vadd.s32 v11, v54;
	[tilespmem:v0+s1+$0x0] =	vst.idx.msk $0xffff, v3  }
0x545: {  	v0 =	vadd.s32 v13, v11;
	v3 =	vld [tilespmem:$0x1A1A0];
	_ =	sdelay $0x4  }
0x546: {  	[tilespmem:v0+s0+$0x0] =	vst.idx.msk $0xffff, v3  }
0x547: {  	v3 =	vld [tilespmem:$0x1A320];
	_ =	sdelay $0x3  }
0x548: {  	v11 =	vsel vm15, $0x1, v1  }
0x549: {  	v11 =	vadd.s32 v11, v53;
	[tilespmem:v0+s1+$0x0] =	vst.idx.msk $0xffff, v3  }
0x54a: {  	v0 =	vadd.s32 v10, v11;
	v3 =	vld [tilespmem:$0x1A1B0];
	_ =	sdelay $0x4  }
0x54b: {  	[tilespmem:v0+s0+$0x0] =	vst.idx.msk $0xffff, v3  }
0x54c: {  	v3 =	vld [tilespmem:$0x1A330];
	_ =	sdelay $0x3  }
0x54d: {  	v10 =	vsel vm8, $0x1, v1  }
0x54e: {  	v10 =	vadd.s32 v10, v52;
	[tilespmem:v0+s1+$0x0] =	vst.idx.msk $0xffff, v3  }
0x54f: {  	v0 =	vadd.s32 v9, v10;
	v3 =	vld [tilespmem:$0x1A1C0];
	_ =	sdelay $0x4  }
0x550: {  	[tilespmem:v0+s0+$0x0] =	vst.idx.msk $0xffff, v3  }
0x551: {  	v3 =	vld [tilespmem:$0x1A340];
	_ =	sdelay $0x3  }
0x552: {  	v9 =	vsel vm12, $0x1, v1  }
0x553: {  	v9 =	vadd.s32 v9, v51;
	[tilespmem:v0+s1+$0x0] =	vst.idx.msk $0xffff, v3  }
0x554: {  	v0 =	vadd.s32 v6, v9;
	v3 =	vld [tilespmem:$0x1A1D0];
	_ =	sdelay $0x4  }
0x555: {  	[tilespmem:v0+s0+$0x0] =	vst.idx.msk $0xffff, v3  }
0x556: {  	v3 =	vld [tilespmem:$0x1A350];
	_ =	sdelay $0x3  }
0x557: {  	v6 =	vsel vm9, $0x1, v1  }
0x558: {  	v6 =	vadd.s32 v6, v50;
	[tilespmem:v0+s1+$0x0] =	vst.idx.msk $0xffff, v3  }
0x559: {  	v0 =	vadd.s32 v5, v6;
	v3 =	vld [tilespmem:$0x1A1E0];
	_ =	sdelay $0x4  }
0x55a: {  	[tilespmem:v0+s0+$0x0] =	vst.idx.msk $0xffff, v3  }
0x55b: {  	v3 =	vld [tilespmem:$0x1A360];
	_ =	sdelay $0x3  }
0x55c: {  	v5 =	vsel vm10, $0x1, v1  }
0x55d: {  	v5 =	vadd.s32 v5, v49;
	[tilespmem:v0+s1+$0x0] =	vst.idx.msk $0xffff, v3  }
0x55e: {  	v0 =	vadd.s32 v4, v5;
	v3 =	vld [tilespmem:$0x1A1F0];
	_ =	sdelay $0x4  }
0x55f: {  	[tilespmem:v0+s0+$0x0] =	vst.idx.msk $0xffff, v3  }
0x560: {  	v3 =	vld [tilespmem:$0x1A370];
	_ =	sdelay $0x3  }
0x561: {  	v4 =	vsel vm7, $0x1, v1  }
0x562: {  	v4 =	vadd.s32 v4, v48;
	[tilespmem:v0+s1+$0x0] =	vst.idx.msk $0xffff, v3  }
0x563: {  	v0 =	vadd.s32 v7, v4;
	v3 =	vld [tilespmem:$0x1A200];
	_ =	sdelay $0x3  }
0x564: {  	v4 =	vld [tilespmem:$0x1FF60]  }
0x565: {  	[tilespmem:v0+s0+$0x0] =	vst.idx.msk $0xffff, v3  }
0x566: {  	v3 =	vld [tilespmem:$0x1A380];
	_ =	sdelay $0x2  }
0x567: {  	vm0 =	vnez.u8 v4  }
0x568: {  	v4 =	vsel vm0, $0x1, v1  }
0x569: {  	v4 =	vadd.s32 v4, v47;
	[tilespmem:v0+s1+$0x0] =	vst.idx.msk $0xffff, v3  }
0x56a: {  	v0 =	vadd.s32 v8, v4;
	v3 =	vld [tilespmem:$0x1A210];
	_ =	sdelay $0x3  }
0x56b: {  	v4 =	vld [tilespmem:$0x1FF90]  }
0x56c: {  	[tilespmem:v0+s0+$0x0] =	vst.idx.msk $0xffff, v3  }
0x56d: {  	v3 =	vld [tilespmem:$0x1A390];
	_ =	sdelay $0x2  }
0x56e: {  	vm0 =	vnez.u8 v4  }
0x56f: {  	v4 =	vsel vm0, $0x1, v1  }
0x570: {  	v4 =	vadd.s32 v4, v46;
	[tilespmem:v0+s1+$0x0] =	vst.idx.msk $0xffff, v3  }
0x571: {  	v0 =	vadd.s32 v2, v4;
	v2 =	vld [tilespmem:$0x1A220];
	_ =	sdelay $0x4  }
0x572: {  	[tilespmem:v0+s0+$0x0] =	vst.idx.msk $0xfff, v2  }
0x573: {  	v2 =	vld [tilespmem:$0x1A3A0];
	_ =	sdelay $0x4  }
0x574: {  	s31 =	simm.s32 $0x10;
	[tilespmem:v0+s1+$0x0] =	vst.idx.msk $0xfff, v2  }
0x575: {  	v14 =	vld [tilespmem:s31+$0x1A580];
	_ =	sdelay $0x4  }
0x576: {  	(v2sf) =	vpush v14, $0x7  }
0x577: {  	(v2sf) =	vpush v14, $0x6  }
0x578: {  	(v2sf) =	vpush v14, $0xF  }
0x579: {  	(v2sf) =	vpush v14, $0xB  }
0x57a: {  	(v2sf) =	vpush v14, $0x5  }
0x57b: {  	(v2sf) =	vpush v14, $0xE  }
0x57c: {  	(v2sf) =	vpush v14, $0xA  }
0x57d: {  	(v2sf) =	vpush v14, $0x4  }
0x57e: {  	(v2sf) =	vpush v14, $0xD  }
0x57f: {  	(v2sf) =	vpush v14, $0x9  }
0x580: {  	(v2sf) =	vpush v14, $0x3  }
0x581: {  	(v2sf) =	vpush v14, $0xC  }
0x582: {  	(v2sf) =	vpush v14, $0x8  }
0x583: {  	(v2sf) =	vpush v14, $0x2  }
0x584: {  	(v2sf) =	vpush v14, $0x1  }
0x585: {  	s0 =	spop (v2sf)  }
0x586: {  	s1 =	spop (v2sf)  }
0x587: {  	(v2sf) =	vpush v14, $0x0;
	s8 =	spop (v2sf)  }
0x588: {  	s6 =	spop (v2sf)  }
0x589: {  	s2 =	spop (v2sf)  }
0x58a: {  	s9 =	spop (v2sf)  }
0x58b: {  	s11 =	smulhi.u32 $0xB40B40B5, s8;
	s5 =	spop (v2sf)  }
0x58c: {  	s10 =	smulhi.u32 $0xB40B40B5, s6;
	s4 =	spop (v2sf)  }
0x58d: {  	s7 =	smulhi.u32 $0xB40B40B5, s2;
	s13 =	spop (v2sf)  }
0x58e: {  	s12 =	smulhi.u32 $0xB40B40B5, s9;
	s14 =	spop (v2sf)  }
0x58f: {  	v15 =	vld [tilespmem:s31+$0x1A570];
	s7 =	ssub.s32 s7, s2;
	s2 =	sshra.s32 s2, $0x1F;
	s3 =	spop (v2sf)  }
0x590: {  	s2 =	smul.u32 $0xB40B40B5, s2;
	s15 =	sshra.s32 s13, $0x1F;
	s16 =	spop (v2sf)  }
0x591: {  	s19 =	smul.u32 $0xB40B40B5, s15;
	s17 =	spop (v2sf);
	s23 =	sshra.s32 s16, $0x1F  }
0x592: {  	s18 =	spop (v2sf);
	s21 =	smul.u32 $0xB40B40B5, s23  }
0x593: {  	s24 =	sshra.s32 s17, $0x1F;
	s29 =	smulhi.u32 $0xB40B40B5, s17;
	s20 =	spop (v2sf)  }
0x594: {  	v0 =	vld [tilespmem:s31+$0x1A3F0];
	(v2sf) =	vpush v15, $0x0;
	s23 =	smul.u32 $0xB40B40B5, s24;
	s25 =	sshra.s32 s20, $0x1F  }
0x595: {  	(v2sf) =	vpush v15, $0x1;
	s24 =	smul.u32 $0xB40B40B5, s25  }
0x596: {  	s22 =	spop (v2sf);
	(v2sf) =	vpush v15, $0xC;
	s25 =	smulhi.u32 $0xB40B40B5, s13  }
0x597: {  	s26 =	sshra.s32 s22, $0x1F;
	(v2sf) =	vpush v15, $0x8;
	s28 =	smulhi.u32 $0xB40B40B5, s22  }
0x598: {  	s15 =	smul.u32 $0xB40B40B5, s26;
	(v2sf) =	vpush v15, $0x2  }
0x599: {  	v30 =	vimm.s32 $0x80000000;
	vm0 =	vgt.s32 v0, $0xFFFFFFFF;
	s2 =	sadd.s32 s2, s7;
	s26 =	smulhi.u32 $0xB40B40B5, s16;
	(v2sf) =	vpush v15, $0xD  }
0x59a: {  	v2 =	vsel vm0, $0xFFFFFFFF, v30;
	s22 =	ssub.s32 s28, s22;
	s13 =	ssub.s32 s25, s13;
	s28 =	smulhi.u32 $0xB40B40B5, s20;
	(v2sf) =	vpush v15, $0x9  }
0x59b: {  	v0 =	vxor.u32 v0, v2;
	s15 =	sadd.s32 s15, s22;
	s22 =	ssub.s32 s26, s16;
	s26 =	smulhi.u32 $0xB40B40B5, s5;
	(v2sf) =	vpush v15, $0x3  }
0x59c: {  	v0 =	vsub.f32 $0.0e+00, v0;
	s19 =	sadd.s32 s19, s13;
	s25 =	ssub.s32 s28, s20;
	s28 =	smulhi.u32 $0xB40B40B5, s18;
	(v2sf) =	vpush v15, $0xE  }
0x59d: {  	s21 =	sadd.s32 s21, s22;
	s16 =	sadd.s32 s24, s25;
	s24 =	smulhi.u32 $0xB40B40B5, s14;
	(v2sf) =	vpush v15, $0xA  }
0x59e: {  	v0 =	vmul.f32 $1.442695020e+00, v0;
	s25 =	sshra.s32 s18, $0x1F;
	[smem:$0x7F0] =	sst s21;
	s21 =	smulhi.u32 $0xB40B40B5, s4;
	(v2sf) =	vpush v15, $0x4  }
0x59f: {  	s20 =	ssub.s32 s29, s17;
	s26 =	ssub.s32 s26, s5;
	s22 =	smul.u32 $0xB40B40B5, s25  }
0x5a0: {  	vm4 =	vcmask $0x300;
	(erf) = vpow2.f32 v0;
	v0 =	vmov s15;
	s5 =	sshra.s32 s5, $0x1F;
	s28 =	ssub.s32 s28, s18;
	s25 =	smulhi.u32 $0xB40B40B5, s3  }
0x5a1: {  	vm1 =	vcmask $0xB08;
	v0 =	vnsel vm4, $0x0, v0;
	s5 =	smul.u32 $0xB40B40B5, s5;
	s17 =	ssub.s32 s24, s14;
	s14 =	sshra.s32 s14, $0x1F  }
0x5a2: {  	s18 =	sadd.s32 s23, s20;
	v0 =	vsel vm1, s16, v0;
	s16 =	sld [smem:$0x7F0];
	s14 =	smul.u32 $0xB40B40B5, s14  }
0x5a3: {  	s20 =	sadd.s32 s22, s28;
	s23 =	ssub.s32 s25, s3;
	s13 =	spop (v2sf)  }
0x5a4: {  	s3 =	sshra.s32 s3, $0x1F;
	s22 =	sadd.s32 s14, s17;
	s17 =	spop (v2sf)  }
0x5a5: {  	s28 =	ssub.s32 s12, s9;
	s12 =	sshra.s32 s6, $0x1F;
	s14 =	spop (v2sf)  }
0x5a6: {  	s24 =	smul.u32 $0xB40B40B5, s3;
	s3 =	ssub.s32 s10, s6;
	s6 =	spop (v2sf)  }
0x5a7: {  	s21 =	ssub.s32 s21, s4;
	s29 =	smul.u32 $0xB40B40B5, s12;
	s12 =	spop (v2sf)  }
0x5a8: {  	s25 =	ssub.s32 s11, s8;
	s9 =	sshra.s32 s9, $0x1F;
	s10 =	spop (v2sf)  }
0x5a9: {  	s8 =	sshra.s32 s8, $0x1F;
	s9 =	smul.u32 $0xB40B40B5, s9;
	s30 =	spop (v2sf)  }
0x5aa: {  	s4 =	sshra.s32 s4, $0x1F;
	(v2sf) =	vpush v15, $0xF;
	s8 =	smul.u32 $0xB40B40B5, s8;
	s11 =	spop (v2sf)  }
0x5ab: {  	v29 =	vlaneseq.u32;
	s4 =	smul.u32 $0xB40B40B5, s4;
	(v2sf) =	vpush v15, $0xB;
	s28 =	sadd.s32 s9, s28;
	s9 =	spop (v2sf)  }
0x5ac: {  	v12 =	vmul.u32 $0x2, v29;
	(v2sf) =	vpush v15, $0x5;
	s15 =	sadd.s32 s8, s25;
	s25 =	smulhi.u32 $0xB40B40B5, s1;
	s8 =	spop (v2sf)  }
0x5ad: {  	vm2 =	vcmask $0x1310;
	v3 =	vmov s16;
	s16 =	smulhi.u32 $0xB40B40B5, s0;
	s23 =	sadd.s32 s24, s23;
	(v2sf) =	vpush v15, $0x6;
	s24 =	spop (v2sf)  }
0x5ae: {  	vm3 =	vcmask $0x1B18;
	vm5 =	vcmask $0x2320;
	v5 =	vpop (erf);
	(v2sf) =	vpush v15, $0x7;
	s7 =	ssub.s32 s25, s1;
	s1 =	sshra.s32 s1, $0x1F;
	[dreg:$0x6] =	wrdreg s24  }
0x5af: {  	v5 =	vadd.f32 $1.000000000e+00, v5;
	v4 =	vmov s18;
	v3 =	vsel vm1, s19, v3;
	s25 =	sshra.s32 s0, $0x1F;
	s1 =	smul.u32 $0xB40B40B5, s1;
	v2 =	vld [tilespmem:s31+$0x1A400]  }
0x5b0: {  	s5 =	sadd.s32 s5, s26;
	v0 =	vsel vm2, s20, v0;
	s4 =	sadd.s32 s4, s21;
	v4 =	vsel vm1, s22, v4;
	v3 =	vsel vm2, s28, v3;
	s28 =	smul.u32 $0xB40B40B5, s25  }
0x5b1: {  	s19 =	simm.s32 $0x0;
	v0 =	vsel vm3, s23, v0;
	v4 =	vsel vm2, s5, v4;
	v3 =	vsel vm3, s15, v3;
	s15 =	sshra.s32 s13, $0x1F;
	s5 =	smulhi.u32 $0xB40B40B5, s17  }
0x5b2: {  	v31 =	vld [tilespmem:$0x1FFC0];
	vm6 =	vcmask $0x2B28;
	(erf) = vrcp.f32 v5;
	s21 =	sadd.s32 s29, s3;
	v0 =	vsel vm5, s4, v0;
	s0 =	ssub.s32 s16, s0;
	s25 =	smul.u32 $0xB40B40B5, s15  }
0x5b3: {  	vm9 =	vcmask $0x3B38;
	vm7 =	vcmask $0x3330;
	v0 =	vsel vm6, s2, v0;
	s1 =	sadd.s32 s1, s7;
	s0 =	sadd.s32 s28, s0;
	s28 =	smulhi.u32 $0xB40B40B5, s14  }
0x5b4: {  	v4 =	vsel vm3, s21, v4;
	s16 =	sshra.s32 s17, $0x1F;
	s5 =	ssub.s32 s5, s17;
	s17 =	smulhi.u32 $0xB40B40B5, s6;
	v0 =	vsel vm7, s1, v0;
	vm0 =	vgt.s32 v2, $0xFFFFFFFF  }
0x5b5: {  	v3 =	vcombine.low v4, v3;
	s15 =	sshra.s32 s6, $0x1F;
	v0 =	vsel vm9, s0, v0;
	s0 =	ssub.s32 s28, s14;
	s28 =	smulhi.u32 $0xB40B40B5, s12;
	v4 =	vsel vm0, $0xFFFFFFFF, v30  }
0x5b6: {  	s3 =	simm.s32 $0x0;
	s7 =	sshra.s32 s14, $0x1F;
	s14 =	smul.u32 $0xB40B40B5, s15;
	v2 =	vxor.u32 v2, v4  }
0x5b7: {  	v3 =	vperm.xlane v3, v31;
	s1 =	sshra.s32 s10, $0x1F;
	v0 =	vperm.xlane v0, v12;
	s21 =	smov.u32 s9;
	s9 =	smulhi.u32 $0xB40B40B5, s13;
	v2 =	vsub.f32 $0.0e+00, v2  }
0x5b8: {  	vm8 =	vmmov $0xff;
	s18 =	smov.u32 s30;
	s4 =	sshra.s32 s11, $0x1F;
	s15 =	ssub.s32 s28, s12  }
0x5b9: {  	v0 =	vsel vm8, v0, v3;
	s24 =	simm.s32 $0x40;
	s26 =	spop (v2sf);
	s2 =	ssub.s32 s9, s13;
	v3 =	vmul.f32 $1.442695020e+00, v2  }
0x5ba: {  	s9 =	smul.u32 $0xB40B40B5, s16;
	s16 =	sshra.s32 s12, $0x1F;
	s29 =	spop (v2sf)  }
0x5bb: {  	v17 =	vpop (erf);
	v0 =	vadd.s32 v14, v0;
	s13 =	smul.u32 $0xB40B40B5, s7;
	s2 =	sadd.s32 s25, s2;
	s23 =	spop (v2sf);
	(erf) = vpow2.f32 v3  }
0x5bc: {  	s7 =	ssub.s32 s17, s6;
	s12 =	sshra.s32 s21, $0x1F;
	s22 =	spop (v2sf);
	v4 =	vshrl.u32 v0, $0x1F;
	v0 =	vshra.s32 v0, $0x6;
	v2 =	vmov s2  }
0x5bd: {  	v11 =	vld [tilespmem:$0x1BF00];
	s16 =	smul.u32 $0xB40B40B5, s16;
	s25 =	sadd.s32 s9, s5;
	s20 =	spop (v2sf);
	v5 =	vnsel vm4, $0x0, v2;
	v2 =	vadd.s32 v4, v0  }
0x5be: {  	v13 =	vld [tilespmem:$0x1BF10];
	s2 =	sshra.s32 s30, $0x1F;
	s30 =	smov.u32 s11;
	v6 =	vsel vm1, s25, v5;
	v5 =	vshll.u32 v2, $0x2;
	s25 =	simm.s32 $0xC0  }
.LBB2_67:
0x5bf: {  	s17 =	smulhi.u32 $0xB40B40B5, s10  }
0x5c0: {  	s9 =	smov.u32 s18;
	s18 =	smulhi.u32 $0xB40B40B5, s18  }
0x5c1: {  	s6 =	sshra.s32 s25, $0x2;
	s4 =	smul.u32 $0xB40B40B5, s4  }
0x5c2: {  	s12 =	smul.u32 $0xB40B40B5, s12;
	v3 =	vld [tilespmem:s6+$0x1A580]  }
0x5c3: {  	s11 =	sadd.s32 s14, s7;
	s14 =	sadd.s32 s16, s15;
	s15 =	smulhi.u32 $0xB40B40B5, s30  }
0x5c4: {  	v0 =	vor.u32 $0x2, v5;
	s7 =	smul.u32 $0xB40B40B5, s2;
	v8 =	vpop (erf)  }
0x5c5: {  	v7 =	vor.u32 $0x3, v5;
	s16 =	ssub.s32 s17, s10;
	s10 =	smul.u32 $0xB40B40B5, s1;
	v8 =	vadd.f32 $1.000000000e+00, v8  }
0x5c6: {  	s5 =	sshra.s32 s8, $0x1F;
	s2 =	sshra.s32 s22, $0x1F;
	v6 =	vsel vm2, s14, v6;
	s14 =	smulhi.u32 $0xB40B40B5, s21  }
0x5c7: {  	v19 =	vor.u32 $0x1, v5;
	s0 =	sadd.s32 s13, s0;
	s17 =	ssub.s32 s18, s9;
	s2 =	smul.u32 $0xB40B40B5, s2;
	(erf) = vrcp.f32 v8;
	(v2sf) =	vpush v3, $0x7  }
0x5c8: {  	v16 =	vmul.u32 $0x4, v29;
	s18 =	ssub.s32 s15, s30;
	s30 =	simm.s32 $0x1B080;
	s15 =	smulhi.u32 $0xB40B40B5, s8  }
0x5c9: {  	v9 =	vmov s0;
	v18 =	vmov s11;
	s11 =	sshra.s32 s26, $0x1F;
	s0 =	sadd.s32 s7, s17;
	s17 =	smul.u32 $0xB40B40B5, s5;
	v0 =	vld.idx.msk [tilespmem:v0+s30+$0x0], $0xffff;
	(v2sf) =	vpush v3, $0x6  }
0x5ca: {  	s28 =	rddreg [dreg:$0x6];
	v25 =	vmul.u32 $0xFFFFFFA5, v2;
	s9 =	sshra.s32 s29, $0x1F;
	s11 =	smul.u32 $0xB40B40B5, s11;
	v7 =	vld.idx.msk [tilespmem:v7+s30+$0x0], $0xffff  }
0x5cb: {  	s19 =	sadd.s32 $0x2, s19;
	s1 =	sshra.s32 s23, $0x1F;
	v22 =	vor.u32 s24, v16;
	s9 =	smul.u32 $0xB40B40B5, s9;
	v5 =	vld.idx.msk [tilespmem:v5+s30+$0x0], $0xffff  }
0x5cc: {  	s13 =	sshra.s32 s28, $0x1F;
	v20 =	vor.u32 $0x41, v16;
	v25 =	vadd.s32 v14, v25;
	s1 =	smul.u32 $0xB40B40B5, s1;
	s10 =	sadd.s32 s10, s16;
	v21 =	vld.idx.msk [tilespmem:v19+s30+$0x0], $0xffff;
	(v2sf) =	vpush v3, $0xF  }
0x5cd: {  	[dreg:$0x5] =	wrdreg s19;
	v23 =	vor.u32 s24, v20;
	s5 =	smov.u32 s31;
	s16 =	smulhi.u32 $0xB40B40B5, s28;
	v8 =	vsel vm1, s10, v9;
	(v2sf) =	vpush v3, $0xB  }
0x5ce: {  	s31 =	smov.u32 s6;
	s4 =	sadd.s32 s4, s18;
	s18 =	smul.u32 $0xB40B40B5, s13;
	v9 =	vsel vm1, s0, v18;
	(v2sf) =	vpush v3, $0x5;
	v0 =	vmul.f32 $5.000000000e-01, v0  }
0x5cf: {  	s10 =	ssub.s32 s14, s21;
	s0 =	sshra.s32 s20, $0x1F;
	v18 =	vor.u32 $0x42, v16;
	s21 =	smulhi.u32 $0xB40B40B5, s26;
	v7 =	vmul.f32 $5.000000000e-01, v7;
	(v2sf) =	vpush v3, $0xE  }
0x5d0: {  	v4 =	vld [tilespmem:s6+$0x1A570];
	s14 =	ssub.s32 s15, s8;
	v19 =	vor.u32 $0x43, v16;
	s15 =	ssub.s32 s16, s28;
	s28 =	smulhi.u32 $0xB40B40B5, s29;
	(v2sf) =	vpush v3, $0xA;
	v26 =	vsub.f32 v5, v0;
	v28 =	vpop (erf)  }
0x5d1: {  	v10 =	vld [tilespmem:s6+$0x1A3F0];
	s8 =	sadd.s32 s12, s10;
	v24 =	vor.u32 s24, v18;
	s6 =	sadd.s32 s17, s14;
	s16 =	smulhi.u32 $0xB40B40B5, s23;
	(v2sf) =	vpush v3, $0x4;
	[tilespmem:s5+$0x1A700] =	vst v28;
	v28 =	vsub.f32 v21, v7  }
0x5d2: {  	[tilespmem:s5+$0x1A880] =	vst v25;
	v27 =	vor.u32 s24, v19;
	v14 =	vmovc v3;
	s17 =	simm.s32 $0x1AB80;
	s0 =	smul.u32 $0xB40B40B5, s0;
	s10 =	sadd.s32 s18, s15;
	(v2sf) =	vpush v3, $0xD;
	v3 =	vmul.f32 v26, v11  }
0x5d3: {  	[tilespmem:s5+$0x1AA00] =	vst v2;
	s15 =	smov.u32 s25;
	s12 =	ssub.s32 s21, s26;
	s18 =	smulhi.u32 $0xB40B40B5, s22;
	v0 =	vadd.f32 v0, v5;
	v5 =	vadd.f32 v7, v21;
	v2 =	vmul.f32 v28, v13  }
0x5d4: {  	[dreg:$0x7] =	wrdreg s15;
	s13 =	ssub.s32 s28, s29;
	s14 =	ssub.s32 s16, s23;
	[tilespmem:v22+s17+$0x0] =	vst.idx.msk $0xffff, v3  }
0x5d5: {  	s11 =	sadd.s32 s11, s12;
	s21 =	ssub.s32 s18, s22;
	s22 =	smulhi.u32 $0xB40B40B5, s20;
	v0 =	vmul.f32 v0, v11;
	[tilespmem:v23+s17+$0x0] =	vst.idx.msk $0xffff, v2;
	v2 =	vmul.f32 v5, v13;
	v5 =	vsel vm3, s4, v6  }
0x5d6: {  	s9 =	sadd.s32 s9, s13;
	s1 =	sadd.s32 s1, s14;
	(v2sf) =	vpush v14, $0x9;
	v5 =	vsel vm5, s10, v5;
	s10 =	spop (v2sf)  }
0x5d7: {  	s23 =	sadd.s32 s2, s21;
	s26 =	ssub.s32 s22, s20;
	(v2sf) =	vpush v14, $0x3;
	[tilespmem:v24+s17+$0x0] =	vst.idx.msk $0xffff, v0;
	s24 =	smulhi.u32 $0xB40B40B5, s10  }
0x5d8: {  	s0 =	sadd.s32 s0, s26;
	v0 =	vsel vm2, s8, v8;
	[tilespmem:v27+s17+$0x0] =	vst.idx.msk $0xffff, v2;
	v2 =	vsel vm2, s6, v9;
	v5 =	vsel vm6, s1, v5;
	[dreg:$0x11] =	wrdreg s10;
	s6 =	spop (v2sf)  }
0x5d9: {  	v0 =	vsel vm3, s11, v0;
	v2 =	vsel vm3, s9, v2;
	v5 =	vsel vm7, s23, v5;
	s10 =	sshra.s32 s10, $0x1F;
	s28 =	smulhi.u32 $0xB40B40B5, s6;
	[smem:$0x7E3] =	sst s6  }
0x5da: {  	v0 =	vcombine.low v2, v0;
	v2 =	vsel vm9, s0, v5;
	s0 =	smul.u32 $0xB40B40B5, s10;
	[dreg:$0x8] =	wrdreg s24  }
0x5db: {  	vm0 =	vgt.s32 v10, $0xFFFFFFFF;
	s24 =	spop (v2sf);
	[dreg:$0xa] =	wrdreg s28  }
0x5dc: {  	v7 =	vsel vm0, $0xFFFFFFFF, v30;
	(v2sf) =	vpush v14, $0xC;
	s14 =	smulhi.u32 $0xB40B40B5, s24;
	s1 =	spop (v2sf)  }
0x5dd: {  	v3 =	vxor.u32 v10, v7;
	s2 =	smulhi.u32 $0xB40B40B5, s1;
	s18 =	spop (v2sf)  }
0x5de: {  	v63 =	vor.u32 s3, v16;
	v21 =	vor.u32 $0x1, v16;
	v3 =	vsub.f32 $0.0e+00, v3;
	[smem:$0x7E4] =	sst s1;
	s4 =	smulhi.u32 $0xB40B40B5, s18  }
0x5df: {  	(v2sf) =	vpush v14, $0x8;
	v2 =	vperm.xlane v2, v12;
	v0 =	vperm.xlane v0, v31;
	s21 =	spop (v2sf);
	[dreg:$0xb] =	wrdreg s2  }
0x5e0: {  	v22 =	vor.u32 $0x3, v16;
	(v2sf) =	vpush v14, $0x2;
	v3 =	vmul.f32 $1.442695020e+00, v3;
	s8 =	smulhi.u32 $0xB40B40B5, s21;
	s15 =	spop (v2sf)  }
0x5e1: {  	v23 =	vor.u32 $0x2, v16;
	(v2sf) =	vpush v14, $0x1;
	v0 =	vsel vm8, v2, v0;
	[dreg:$0xc] =	wrdreg s4;
	s9 =	smulhi.u32 $0xB40B40B5, s15  }
0x5e2: {  	(v2sf) =	vpush v14, $0x0;
	(erf) = vpow2.f32 v3;
	v0 =	vadd.s32 v15, v0;
	s16 =	spop (v2sf);
	[dreg:$0xd] =	wrdreg s8  }
0x5e3: {  	s7 =	sadd.s32 $0xFFFFFFC0, s25;
	v5 =	vor.u32 s3, v23;
	v3 =	vshrl.u32 v0, $0x1F;
	v0 =	vshra.s32 v0, $0x6;
	s11 =	smulhi.u32 $0xB40B40B5, s16;
	s2 =	spop (v2sf)  }
0x5e4: {  	v2 =	vor.u32 s3, v21;
	v0 =	vadd.s32 v3, v0;
	v3 =	vor.u32 s3, v22;
	s3 =	sshra.s32 s24, $0x1F;
	[dreg:$0xe] =	wrdreg s9;
	s12 =	smulhi.u32 $0xB40B40B5, s2  }
0x5e5: {  	s8 =	smov.u32 s7;
	s26 =	spop (v2sf);
	s7 =	smul.u32 $0xB40B40B5, s3  }
0x5e6: {  	(v2sf) =	vpush v4, $0x0;
	[dreg:$0x9] =	wrdreg s8;
	s8 =	sshra.s32 s1, $0x1F;
	s13 =	smulhi.u32 $0xB40B40B5, s26  }
0x5e7: {  	(v2sf) =	vpush v4, $0x1;
	[dreg:$0xf] =	wrdreg s11;
	s10 =	smul.u32 $0xB40B40B5, s8  }
0x5e8: {  	(v2sf) =	vpush v4, $0xC;
	s3 =	sshra.s32 s21, $0x1F;
	[dreg:$0x12] =	wrdreg s12;
	s12 =	spop (v2sf)  }
0x5e9: {  	(v2sf) =	vpush v4, $0x8;
	[dreg:$0x1f] =	wrdreg s7;
	s7 =	smul.u32 $0xB40B40B5, s3  }
0x5ea: {  	(v2sf) =	vpush v4, $0x2;
	[dreg:$0x1a] =	wrdreg s13;
	s17 =	smulhi.u32 $0xB40B40B5, s12  }
0x5eb: {  	(v2sf) =	vpush v4, $0xD;
	s22 =	spop (v2sf);
	[smem:$0x7EC] =	sst s10  }
0x5ec: {  	(v2sf) =	vpush v4, $0x9;
	s8 =	sshra.s32 s15, $0x1F;
	s20 =	smulhi.u32 $0xB40B40B5, s22;
	[smem:$0x7E8] =	sst s7  }
0x5ed: {  	(v2sf) =	vpush v4, $0x3;
	s10 =	smul.u32 $0xB40B40B5, s8;
	[dreg:$0x16] =	wrdreg s17  }
0x5ee: {  	(v2sf) =	vpush v4, $0xE;
	s17 =	spop (v2sf);
	[dreg:$0x1c] =	wrdreg s20  }
0x5ef: {  	(v2sf) =	vpush v4, $0xA;
	s23 =	smulhi.u32 $0xB40B40B5, s17;
	s13 =	spop (v2sf)  }
0x5f0: {  	(v2sf) =	vpush v4, $0x4;
	s28 =	smulhi.u32 $0xB40B40B5, s13;
	s20 =	spop (v2sf)  }
0x5f1: {  	v7 =	vshll.u32 v0, $0x2;
	(v2sf) =	vpush v4, $0xF;
	[smem:$0x7EA] =	sst s10;
	s4 =	smulhi.u32 $0xB40B40B5, s20  }
0x5f2: {  	v8 =	vor.u32 $0x2, v7;
	(v2sf) =	vpush v4, $0xB;
	[dreg:$0x1e] =	wrdreg s28;
	s28 =	spop (v2sf)  }
0x5f3: {  	v9 =	vor.u32 $0x3, v7;
	s11 =	sshra.s32 s6, $0x1F;
	(v2sf) =	vpush v4, $0x5;
	[dreg:$0x1d] =	wrdreg s23;
	s9 =	smulhi.u32 $0xB40B40B5, s28  }
0x5f4: {  	v6 =	vmul.u32 $0xFFFFFFA5, v0;
	[smem:$0x7E6] =	sst s4;
	s4 =	smul.u32 $0xB40B40B5, s11  }
0x5f5: {  	p0 =	slt.u32 s19, $0x10;
	v62 =	vor.u32 $0x1, v7;
	s19 =	spop (v2sf);
	[smem:$0x7E5] =	sst s9  }
0x5f6: {  	v6 =	vadd.s32 v15, v6;
	v15 =	vmov v4;
	v4 =	vld.idx.msk [tilespmem:v7+s30+$0x0], $0xffff;
	s11 =	sshra.s32 s18, $0x1F;
	s23 =	spop (v2sf);
	[dreg:$0x1b] =	wrdreg s4  }
0x5f7: {  	v7 =	vld.idx.msk [tilespmem:v8+s30+$0x0], $0xffff;
	s6 =	spop (v2sf);
	s4 =	smul.u32 $0xB40B40B5, s11  }
0x5f8: {  	v8 =	vld.idx.msk [tilespmem:v9+s30+$0x0], $0xffff;
	[dreg:$0x10] =	wrdreg s6;
	s9 =	spop (v2sf)  }
0x5f9: {  	[dreg:$0x15] =	wrdreg s9;
	s1 =	spop (v2sf)  }
0x5fa: {  	v9 =	vld.idx.msk [tilespmem:v62+s30+$0x0], $0xffff;
	[dreg:$0x14] =	wrdreg s1;
	s6 =	spop (v2sf)  }
0x5fb: {  	s11 =	sshra.s32 s16, $0x1F;
	[dreg:$0x19] =	wrdreg s6;
	s9 =	spop (v2sf)  }
0x5fc: {  	[tilespmem:s5+$0x1A9F0] =	vst v0;
	v0 =	vmul.f32 $5.000000000e-01, v7;
	s6 =	smul.u32 $0xB40B40B5, s11;
	s1 =	spop (v2sf)  }
0x5fd: {  	[tilespmem:s5+$0x1A870] =	vst v6;
	v6 =	vmul.f32 $5.000000000e-01, v8;
	[smem:$0x7ED] =	sst s4;
	s7 =	spop (v2sf)  }
0x5fe: {  	v7 =	vsub.f32 v4, v0;
	[smem:$0x7EB] =	sst s6;
	s10 =	spop (v2sf)  }
0x5ff: {  	s29 =	sshra.s32 s12, $0x1F;
	v0 =	vadd.f32 v0, v4;
	v4 =	vsub.f32 v9, v6;
	[smem:$0x7E9] =	sst s7;
	s11 =	spop (v2sf)  }
0x600: {  	v7 =	vmul.f32 v7, v11;
	s7 =	smul.u32 $0xB40B40B5, s29;
	s4 =	spop (v2sf)  }
0x601: {  	[tilespmem:s5+$0x1A6F0] =	vst v17;
	v4 =	vmul.f32 v4, v13;
	[dreg:$0x18] =	wrdreg s10;
	s10 =	simm.s32 $0x1AB80;
	s29 =	spop (v2sf)  }
0x602: {  	[dreg:$0x6] =	wrdreg s11;
	[tilespmem:v63+s10+$0x0] =	vst.idx.msk $0xffff, v7;
	s11 =	sshra.s32 s20, $0x1F;
	s6 =	spop (v2sf)  }
0x603: {  	[tilespmem:v2+s10+$0x0] =	vst.idx.msk $0xffff, v4;
	s10 =	smul.u32 $0xB40B40B5, s11;
	[smem:$0x7EF] =	sst s6;
	s6 =	sshra.s32 s28, $0x1F  }
0x604: {  	s11 =	smul.u32 $0xB40B40B5, s6;
	s6 =	sld [smem:$0x7E3]  }
0x605: {  	[dreg:$0x13] =	wrdreg s0  }
0x606: {  	s24 =	ssub.s32 s14, s24;
	s14 =	rddreg [dreg:$0xa];
	s3 =	sshra.s32 s2, $0x1F;
	v6 =	vadd.f32 v6, v9  }
0x607: {  	s8 =	smul.u32 $0xB40B40B5, s3;
	v0 =	vmul.f32 v0, v11;
	s14 =	ssub.s32 s14, s6;
	s6 =	rddreg [dreg:$0xd]  }
0x608: {  	s0 =	simm.s32 $0x1AB80;
	v6 =	vmul.f32 v6, v13;
	s21 =	ssub.s32 s6, s21;
	s6 =	sld [smem:$0x7E4]  }
0x609: {  	[smem:$0x7E7] =	sst s8;
	[tilespmem:v5+s0+$0x0] =	vst.idx.msk $0xffff, v0  }
0x60a: {  	(v2sf) =	vpush v15, $0x6;
	[tilespmem:v3+s0+$0x0] =	vst.idx.msk $0xffff, v6;
	s0 =	rddreg [dreg:$0xb]  }
0x60b: {  	(v2sf) =	vpush v15, $0x7;
	s6 =	ssub.s32 s0, s6;
	s0 =	rddreg [dreg:$0xc]  }
0x60c: {  	s18 =	ssub.s32 s0, s18;
	s0 =	rddreg [dreg:$0xe]  }
0x60d: {  	s15 =	ssub.s32 s0, s15;
	s0 =	sld [smem:$0x7E5]  }
0x60e: {  	[smem:$0x7EE] =	sst s9  }
0x60f: {  	[dreg:$0x17] =	wrdreg s1  }
0x610: {  	s30 =	sshra.s32 s22, $0x1F;
	s28 =	ssub.s32 s0, s28;
	s0 =	rddreg [dreg:$0xf]  }
0x611: {  	s30 =	smul.u32 $0xB40B40B5, s30;
	s16 =	ssub.s32 s0, s16;
	s0 =	rddreg [dreg:$0x12]  }
0x612: {  	s3 =	sshra.s32 s13, $0x1F;
	s11 =	sadd.s32 s11, s28;
	s28 =	rddreg [dreg:$0x1c]  }
0x613: {  	s9 =	sshra.s32 s26, $0x1F;
	s2 =	ssub.s32 s0, s2;
	s0 =	rddreg [dreg:$0x1a]  }
0x614: {  	s5 =	smul.u32 $0xB40B40B5, s9;
	s22 =	ssub.s32 s28, s22;
	s28 =	sld [smem:$0x7E6]  }
0x615: {  	s1 =	sshra.s32 s17, $0x1F;
	s9 =	smul.u32 $0xB40B40B5, s3;
	v2 =	vmov s11;
	s11 =	rddreg [dreg:$0x16]  }
0x616: {  	s8 =	smul.u32 $0xB40B40B5, s1;
	s11 =	ssub.s32 s11, s12;
	s12 =	rddreg [dreg:$0x1d]  }
0x617: {  	s7 =	sadd.s32 s7, s11;
	s11 =	sld [smem:$0x7E8];
	s20 =	ssub.s32 s28, s20  }
0x618: {  	s28 =	sadd.s32 s30, s22;
	s10 =	sadd.s32 s10, s20;
	s20 =	rddreg [dreg:$0x1e]  }
0x619: {  	s1 =	smov.u32 s25;
	s3 =	spop (v2sf);
	v2 =	vnsel vm4, $0x0, v2;
	v3 =	vmov s28;
	s28 =	sld [smem:$0x7EB]  }
0x61a: {  	s25 =	spop (v2sf);
	s17 =	ssub.s32 s12, s17;
	v2 =	vsel vm1, s10, v2;
	s10 =	sld [smem:$0x7E7]  }
0x61b: {  	s13 =	ssub.s32 s20, s13;
	s12 =	sadd.s32 s11, s21;
	s21 =	sld [smem:$0x7E9]  }
0x61c: {  	s26 =	ssub.s32 s0, s26;
	s9 =	sadd.s32 s9, s13;
	s13 =	sld [smem:$0x7EA]  }
0x61d: {  	s5 =	sadd.s32 s5, s26;
	s26 =	smov.u32 s4;
	v2 =	vsel vm2, s9, v2;
	s9 =	sld [smem:$0x7ED]  }
0x61e: {  	s22 =	smov.u32 s3;
	s2 =	sadd.s32 s10, s2;
	v2 =	vsel vm3, s7, v2;
	s7 =	sld [smem:$0x7EC]  }
0x61f: {  	v10 =	vpop (erf);
	v8 =	vld [tilespmem:s31+$0x1A400];
	s8 =	sadd.s32 s8, s17;
	s20 =	smov.u32 s25;
	v3 =	vsel vm1, s2, v3;
	s2 =	rddreg [dreg:$0x1f]  }
0x620: {  	v10 =	vadd.f32 $1.000000000e+00, v10;
	s25 =	smov.u32 s1;
	s17 =	sadd.s32 s13, s15;
	s15 =	rddreg [dreg:$0x11]  }
0x621: {  	s11 =	smulhi.u32 $0xB40B40B5, s19;
	s3 =	sadd.s32 s2, s24;
	s24 =	rddreg [dreg:$0x7]  }
0x622: {  	(erf) = vrcp.f32 v10;
	v4 =	vmov s8;
	s1 =	sadd.s32 s28, s16;
	s10 =	sadd.s32 s9, s18;
	s18 =	sld [smem:$0x7EE]  }
0x623: {  	v4 =	vsel vm1, s5, v4;
	s25 =	sadd.s32 $0x80, s25;
	v2 =	vsel vm5, s1, v2;
	s1 =	sshra.s32 s19, $0x1F;
	v3 =	vsel vm2, s12, v3;
	s12 =	rddreg [dreg:$0x1b]  }
0x624: {  	vm0 =	vgt.s32 v8, $0xFFFFFFFF;
	v4 =	vsel vm2, s17, v4;
	s17 =	smulhi.u32 $0xB40B40B5, s23;
	s13 =	sadd.s32 s12, s14;
	s14 =	rddreg [dreg:$0x8]  }
0x625: {  	v0 =	vsel vm0, $0xFFFFFFFF, v30;
	s9 =	sshra.s32 s23, $0x1F;
	s8 =	sadd.s32 s7, s6;
	v3 =	vsel vm3, s3, v3;
	s3 =	rddreg [dreg:$0x13]  }
0x626: {  	v0 =	vxor.u32 v8, v0;
	v2 =	vsel vm6, s10, v2;
	s10 =	ssub.s32 s11, s19;
	s11 =	smul.u32 $0xB40B40B5, s1;
	s12 =	rddreg [dreg:$0x10]  }
0x627: {  	v0 =	vsub.f32 $0.0e+00, v0;
	s9 =	smul.u32 $0xB40B40B5, s9;
	s16 =	ssub.s32 s14, s15;
	v2 =	vsel vm7, s13, v2;
	s13 =	rddreg [dreg:$0x15]  }
0x628: {  	s7 =	sshra.s32 s12, $0x1F;
	s5 =	ssub.s32 s17, s23;
	s23 =	sld [smem:$0x7EF]  }
0x629: {  	v0 =	vmul.f32 $1.442695020e+00, v0;
	v4 =	vsel vm3, s8, v4;
	s14 =	smulhi.u32 $0xB40B40B5, s12;
	s8 =	sadd.s32 s3, s16;
	s3 =	rddreg [dreg:$0x14]  }
0x62a: {  	s19 =	smov.u32 s12;
	v3 =	vcombine.low v4, v3;
	s28 =	sadd.s32 s11, s10;
	s11 =	rddreg [dreg:$0x19]  }
0x62b: {  	v17 =	vpop (erf);
	(erf) = vpow2.f32 v0;
	s12 =	smulhi.u32 $0xB40B40B5, s13;
	s15 =	smov.u32 s13;
	s2 =	sshra.s32 s18, $0x1F;
	v2 =	vsel vm9, s8, v2  }
0x62c: {  	s5 =	sadd.s32 s9, s5;
	s8 =	sshra.s32 s13, $0x1F;
	s6 =	sshra.s32 s3, $0x1F;
	v0 =	vperm.xlane v3, v31;
	v2 =	vperm.xlane v2, v12  }
0x62d: {  	s1 =	sshra.s32 s11, $0x1F;
	s16 =	smulhi.u32 $0xB40B40B5, s3;
	s17 =	smov.u32 s3  }
.Ltmp45:
0x62e: {  	s0 =	ssub.s32 s14, s19;
	s19 =	rddreg [dreg:$0x5];
	v0 =	vsel vm8, v2, v0;
	(pc) =	sbr.rel @p0 .LBB2_67-.Ltmp45, $4  }
0x62f: {  	s10 =	smov.u32 s11;
	s13 =	smul.u32 $0xB40B40B5, s7;
	s3 =	rddreg [dreg:$0x9];
	v3 =	vmov s28;
	v0 =	vadd.s32 v14, v0  }
0x630: {  	s28 =	rddreg [dreg:$0x17];
	s7 =	ssub.s32 s12, s15;
	s14 =	smul.u32 $0xB40B40B5, s8;
	v2 =	vnsel vm4, $0x0, v3;
	v3 =	vshrl.u32 v0, $0x1F;
	v0 =	vshra.s32 v0, $0x6  }
0x631: {  	s8 =	rddreg [dreg:$0x18];
	s12 =	sshra.s32 s21, $0x1F;
	s30 =	smov.u32 s28;
	v6 =	vsel vm1, s5, v2;
	v2 =	vadd.s32 v3, v0  }
0x632: {  	s4 =	sshra.s32 s28, $0x1F;
	s15 =	ssub.s32 s16, s17;
	s16 =	smul.u32 $0xB40B40B5, s6;
	v5 =	vshll.u32 v2, $0x2  }
0x633: {  	s1 =	smul.u32 $0xB40B40B5, s1  }
0x634: {  	s2 =	smul.u32 $0xB40B40B5, s2  }
0x635: {  	s19 =	smul.u32 $0xB40B40B5, s4  }
0x636: {  	s5 =	smul.u32 $0xB40B40B5, s12  }
0x637: {  	s6 =	smulhi.u32 $0xB40B40B5, s10  }
0x638: {  	s9 =	smulhi.u32 $0xB40B40B5, s30  }
0x639: {  	s17 =	sshra.s32 s8, $0x1F;
	s28 =	smulhi.u32 $0xB40B40B5, s21  }
0x63a: {  	s7 =	sadd.s32 s14, s7;
	s4 =	smul.u32 $0xB40B40B5, s17  }
0x63b: {  	s25 =	smov.u32 s10;
	s17 =	smov.u32 s8;
	s8 =	smulhi.u32 $0xB40B40B5, s18  }
0x63c: {  	s11 =	sadd.s32 s16, s15;
	s15 =	rddreg [dreg:$0x6];
	s16 =	smulhi.u32 $0xB40B40B5, s17  }
0x63d: {  	s6 =	ssub.s32 s6, s25;
	s14 =	smulhi.u32 $0xB40B40B5, s15;
	s9 =	ssub.s32 s9, s30  }
0x63e: {  	s25 =	ssub.s32 s28, s21;
	s30 =	smulhi.u32 $0xB40B40B5, s29;
	s21 =	sshra.s32 s23, $0x1F  }
0x63f: {  	s8 =	ssub.s32 s8, s18;
	s18 =	sshra.s32 s15, $0x1F;
	s10 =	smul.u32 $0xB40B40B5, s21  }
0x640: {  	s1 =	sadd.s32 s1, s6;
	s6 =	smul.u32 $0xB40B40B5, s18  }
0x641: {  	s5 =	sadd.s32 s5, s25;
	s2 =	sadd.s32 s2, s8;
	s8 =	smulhi.u32 $0xB40B40B5, s26  }
0x642: {  	s25 =	sshra.s32 s22, $0x1F;
	s28 =	ssub.s32 s16, s17;
	s17 =	smulhi.u32 $0xB40B40B5, s23  }
0x643: {  	s0 =	sadd.s32 s13, s0;
	s12 =	ssub.s32 s30, s29;
	s30 =	smul.u32 $0xB40B40B5, s25  }
0x644: {  	s16 =	sshra.s32 s26, $0x1F;
	s14 =	ssub.s32 s14, s15;
	s15 =	smulhi.u32 $0xB40B40B5, s20  }
0x645: {  	s18 =	sadd.s32 s19, s9;
	s19 =	sshra.s32 s29, $0x1F;
	s13 =	smul.u32 $0xB40B40B5, s16  }
0x646: {  	v4 =	vsel vm2, s11, v6;
	s29 =	sshra.s32 s20, $0x1F;
	s9 =	smul.u32 $0xB40B40B5, s19  }
0x647: {  	v4 =	vsel vm3, s18, v4;
	s18 =	smul.u32 $0xB40B40B5, s29  }
0x648: {  	v0 =	vmov s0;
	v3 =	vmov s7;
	s4 =	sadd.s32 s4, s28;
	s8 =	ssub.s32 s8, s26;
	s26 =	smulhi.u32 $0xB40B40B5, s22  }
0x649: {  	v0 =	vsel vm1, s1, v0;
	v3 =	vsel vm1, s2, v3;
	s6 =	sadd.s32 s6, s14;
	s28 =	ssub.s32 s17, s23;
	s13 =	sadd.s32 s13, s8  }
0x64a: {  	v0 =	vsel vm2, s5, v0;
	v3 =	vsel vm2, s4, v3;
	s14 =	sadd.s32 s9, s12;
	s0 =	sadd.s32 s10, s28;
	v4 =	vsel vm5, s6, v4;
	s17 =	ssub.s32 s26, s22  }
0x64b: {  	s21 =	ssub.s32 s15, s20;
	v4 =	vsel vm6, s0, v4;
	v0 =	vsel vm3, s13, v0;
	v3 =	vsel vm3, s14, v3;
	s19 =	sadd.s32 s30, s17  }
0x64c: {  	s22 =	sadd.s32 s18, s21;
	v0 =	vcombine.low v3, v0;
	v4 =	vsel vm7, s19, v4  }
0x64d: {  	v3 =	vsel vm9, s22, v4  }
0x64e: {  	v43 =	vpop (erf);
	v4 =	vor.u32 $0x2, v5;
	v0 =	vperm.xlane v0, v31;
	v3 =	vperm.xlane v3, v12  }
0x64f: {  	v7 =	vor.u32 $0x3, v5;
	v6 =	vadd.f32 $1.000000000e+00, v43  }
0x650: {  	v0 =	vsel vm8, v3, v0  }
0x651: {  	(erf) = vrcp.f32 v6;
	v3 =	vor.u32 $0x1, v5;
	v0 =	vadd.s32 v15, v0  }
0x652: {  	s19 =	simm.s32 $0x1B080;
	v44 =	vshrl.u32 v0, $0x1F;
	v0 =	vshra.s32 v0, $0x6  }
0x653: {  	v4 =	vld.idx.msk [tilespmem:v4+s19+$0x0], $0xffff;
	v0 =	vadd.s32 v44, v0  }
0x654: {  	v45 =	vld.idx.msk [tilespmem:v7+s19+$0x0], $0xffff;
	v46 =	vshll.u32 v0, $0x2  }
0x655: {  	v5 =	vld.idx.msk [tilespmem:v5+s19+$0x0], $0xffff;
	v8 =	vor.u32 $0x2, v46  }
0x656: {  	v3 =	vld.idx.msk [tilespmem:v3+s19+$0x0], $0xffff;
	v9 =	vor.u32 $0x3, v46;
	_ =	sdelay $0x1  }
0x657: {  	v10 =	vor.u32 $0x1, v46;
	v4 =	vmul.f32 $5.000000000e-01, v4  }
0x658: {  	v24 =	vor.u32 s24, v16;
	v25 =	vmul.u32 $0xFFFFFFA5, v2;
	v6 =	vmul.f32 $5.000000000e-01, v45  }
0x659: {  	v20 =	vor.u32 s24, v20;
	v27 =	vpop (erf);
	v26 =	vsub.f32 v5, v4;
	v8 =	vld.idx.msk [tilespmem:v8+s19+$0x0], $0xffff  }
0x65a: {  	v18 =	vor.u32 s24, v18;
	v14 =	vadd.s32 v14, v25;
	[tilespmem:s31+$0x1A700] =	vst v27;
	v47 =	vsub.f32 v3, v6;
	v9 =	vld.idx.msk [tilespmem:v9+s19+$0x0], $0xffff  }
0x65b: {  	v48 =	vor.u32 s24, v19;
	[tilespmem:s31+$0x1A880] =	vst v14;
	v4 =	vadd.f32 v4, v5;
	v5 =	vld.idx.msk [tilespmem:v46+s19+$0x0], $0xffff;
	v19 =	vmul.f32 v26, v11  }
0x65c: {  	s18 =	simm.s32 $0x1AB80;
	[tilespmem:s31+$0x1AA00] =	vst v2;
	v3 =	vadd.f32 v6, v3;
	v49 =	vld.idx.msk [tilespmem:v10+s19+$0x0], $0xffff;
	v2 =	vmul.f32 v47, v13  }
0x65d: {  	v4 =	vmul.f32 v4, v11;
	[tilespmem:v24+s18+$0x0] =	vst.idx.msk $0xffff, v19  }
0x65e: {  	[tilespmem:v20+s18+$0x0] =	vst.idx.msk $0xffff, v2;
	v2 =	vmul.f32 v3, v13;
	v3 =	vmul.f32 $5.000000000e-01, v8  }
0x65f: {  	v50 =	vor.u32 s3, v16;
	[tilespmem:v18+s18+$0x0] =	vst.idx.msk $0xffff, v4;
	v4 =	vmul.u32 $0xFFFFFFA5, v0;
	v51 =	vmul.f32 $5.000000000e-01, v9  }
0x660: {  	[tilespmem:v48+s18+$0x0] =	vst.idx.msk $0xffff, v2;
	v2 =	vor.u32 s3, v21;
	v52 =	vsub.f32 v5, v3  }
0x661: {  	v53 =	vor.u32 s3, v23;
	[tilespmem:s31+$0x1A6F0] =	vst v17;
	v4 =	vadd.s32 v15, v4;
	v54 =	vsub.f32 v49, v51  }
0x662: {  	v55 =	vor.u32 s3, v22;
	v3 =	vadd.f32 v3, v5;
	[tilespmem:s31+$0x1A870] =	vst v4;
	v4 =	vmul.f32 v52, v11  }
0x663: {  	[tilespmem:s31+$0x1A9F0] =	vst v0;
	v0 =	vadd.f32 v51, v49;
	v5 =	vmul.f32 v54, v13  }
0x664: {  	v3 =	vmul.f32 v3, v11;
	[tilespmem:v50+s18+$0x0] =	vst.idx.msk $0xffff, v4  }
0x665: {  	v0 =	vmul.f32 v0, v13;
	[tilespmem:v2+s18+$0x0] =	vst.idx.msk $0xffff, v5  }
0x666: {  	[tilespmem:v53+s18+$0x0] =	vst.idx.msk $0xffff, v3  }
0x667: {  	[tilespmem:v55+s18+$0x0] =	vst.idx.msk $0xffff, v0  }
0x668: {  	v2 =	vld [tilespmem:$0x1A6A0];
	_ =	sdelay $0x4  }
0x669: {  	(v2sf) =	vpush v2, $0xD;
	_ =	sdelay $0x1  }
0x66a: {  	(v2sf) =	vpush v2, $0xC;
	_ =	sdelay $0x1  }
0x66b: {  	(v2sf) =	vpush v2, $0xE  }
0x66c: {  	(v2sf) =	vpush v2, $0xF  }
0x66d: {  	(v2sf) =	vpush v2, $0x9;
	_ =	sdelay $0x1  }
0x66e: {  	(v2sf) =	vpush v2, $0x8;
	_ =	sdelay $0x1  }
0x66f: {  	(v2sf) =	vpush v2, $0xA;
	_ =	sdelay $0x1  }
0x670: {  	(v2sf) =	vpush v2, $0xB;
	_ =	sdelay $0x1  }
0x671: {  	(v2sf) =	vpush v2, $0x1  }
0x672: {  	s23 =	spop (v2sf);
	(v2sf) =	vpush v2, $0x0  }
0x673: {  	s24 =	smulhi.u32 $0xB40B40B5, s23;
	s25 =	sshra.s32 s23, $0x1F  }
0x674: {  	s26 =	spop (v2sf);
	s2 =	smul.u32 $0xB40B40B5, s25  }
0x675: {  	s29 =	smulhi.u32 $0xB40B40B5, s26;
	s30 =	sshra.s32 s26, $0x1F  }
0x676: {  	s28 =	spop (v2sf);
	s6 =	smul.u32 $0xB40B40B5, s30  }
0x677: {  	(v2sf) =	vpush v2, $0x2;
	s31 =	spop (v2sf);
	s12 =	smulhi.u32 $0xB40B40B5, s28;
	s13 =	sshra.s32 s28, $0x1F  }
0x678: {  	s0 =	ssub.s32 s24, s23;
	s10 =	spop (v2sf);
	s9 =	smul.u32 $0xB40B40B5, s13  }
0x679: {  	(v2sf) =	vpush v2, $0x3;
	s14 =	smulhi.u32 $0xB40B40B5, s31;
	s16 =	sshra.s32 s31, $0x1F;
	s1 =	sadd.s32 s2, s0  }
0x67a: {  	s17 =	ssub.s32 s29, s26;
	s11 =	spop (v2sf);
	s20 =	smul.u32 $0xB40B40B5, s16  }
0x67b: {  	(v2sf) =	vpush v2, $0x4;
	s21 =	smulhi.u32 $0xB40B40B5, s10;
	s22 =	sshra.s32 s10, $0x1F;
	s6 =	sadd.s32 s6, s17  }
0x67c: {  	s23 =	ssub.s32 s12, s28;
	s13 =	spop (v2sf);
	s24 =	smul.u32 $0xB40B40B5, s22  }
0x67d: {  	(v2sf) =	vpush v2, $0x5;
	s25 =	smulhi.u32 $0xB40B40B5, s11;
	s26 =	sshra.s32 s11, $0x1F;
	s2 =	sadd.s32 s9, s23  }
0x67e: {  	s28 =	ssub.s32 s14, s31;
	s15 =	spop (v2sf);
	s29 =	smul.u32 $0xB40B40B5, s26  }
0x67f: {  	(v2sf) =	vpush v2, $0x6;
	s30 =	smulhi.u32 $0xB40B40B5, s13;
	s31 =	sshra.s32 s13, $0x1F;
	s0 =	sadd.s32 s20, s28  }
0x680: {  	s10 =	ssub.s32 s21, s10;
	s14 =	spop (v2sf);
	s20 =	smul.u32 $0xB40B40B5, s31  }
0x681: {  	s21 =	smulhi.u32 $0xB40B40B5, s15;
	s22 =	sshra.s32 s15, $0x1F;
	s16 =	spop (v2sf);
	(v2sf) =	vpush v2, $0x7  }
0x682: {  	s3 =	sadd.s32 s24, s10;
	s8 =	ssub.s32 s25, s11;
	s23 =	smul.u32 $0xB40B40B5, s22  }
0x683: {  	s24 =	smulhi.u32 $0xB40B40B5, s14;
	s25 =	sshra.s32 s14, $0x1F;
	s26 =	ssub.s32 s30, s13  }
0x684: {  	s7 =	sadd.s32 s29, s8;
	s28 =	smul.u32 $0xB40B40B5, s25;
	s5 =	sadd.s32 s20, s26  }
0x685: {  	s10 =	ssub.s32 s21, s15;
	s29 =	smulhi.u32 $0xB40B40B5, s16;
	s30 =	sshra.s32 s16, $0x1F  }
0x686: {  	s11 =	ssub.s32 s24, s14;
	s17 =	spop (v2sf);
	s12 =	smul.u32 $0xB40B40B5, s30  }
0x687: {  	v0 =	vld [tilespmem:$0x1A520];
	s4 =	sadd.s32 s23, s10;
	s20 =	smulhi.u32 $0xB40B40B5, s17;
	s21 =	sshra.s32 s17, $0x1F  }
0x688: {  	s9 =	sadd.s32 s28, s11;
	s31 =	spop (v2sf);
	s22 =	smul.u32 $0xB40B40B5, s21  }
0x689: {  	s8 =	ssub.s32 s29, s16;
	s23 =	smulhi.u32 $0xB40B40B5, s31;
	s24 =	sshra.s32 s31, $0x1F  }
0x68a: {  	s25 =	spop (v2sf);
	s8 =	sadd.s32 s12, s8;
	s26 =	smul.u32 $0xB40B40B5, s24  }
0x68b: {  	s14 =	ssub.s32 s20, s17;
	s28 =	smulhi.u32 $0xB40B40B5, s25;
	s29 =	sshra.s32 s25, $0x1F  }
0x68c: {  	vm0 =	vgt.s32 v0, $0xFFFFFFFF;
	s10 =	sadd.s32 s22, s14;
	s14 =	spop (v2sf);
	s17 =	smul.u32 $0xB40B40B5, s29  }
0x68d: {  	v5 =	vsel vm0, $0xFFFFFFFF, v30;
	v3 =	vmov s8;
	s30 =	ssub.s32 s23, s31;
	s31 =	smulhi.u32 $0xB40B40B5, s14;
	s20 =	sshra.s32 s14, $0x1F  }
0x68e: {  	v0 =	vxor.u32 v0, v5;
	s21 =	sadd.s32 s26, s30;
	s22 =	spop (v2sf);
	v3 =	vnsel vm4, $0x0, v3;
	s23 =	smul.u32 $0xB40B40B5, s20  }
0x68f: {  	v0 =	vsub.f32 $0.0e+00, v0;
	v4 =	vmov s6;
	s24 =	ssub.s32 s28, s25;
	v3 =	vsel vm1, s9, v3;
	s25 =	smulhi.u32 $0xB40B40B5, s22;
	s26 =	sshra.s32 s22, $0x1F  }
0x690: {  	v4 =	vsel vm1, s1, v4;
	v5 =	vmov s7;
	s1 =	sadd.s32 s17, s24;
	v3 =	vsel vm2, s10, v3;
	s28 =	smul.u32 $0xB40B40B5, s26;
	s29 =	spop (v2sf)  }
0x691: {  	v0 =	vmul.f32 $1.442695020e+00, v0;
	v5 =	vsel vm1, s3, v5;
	s30 =	ssub.s32 s31, s14;
	v3 =	vsel vm3, s21, v3;
	s31 =	smulhi.u32 $0xB40B40B5, s29;
	s11 =	sshra.s32 s29, $0x1F  }
0x692: {  	v4 =	vsel vm2, s2, v4;
	v5 =	vsel vm2, s5, v5;
	s12 =	sadd.s32 s23, s30;
	s13 =	ssub.s32 s25, s22;
	v3 =	vsel vm5, s1, v3;
	s14 =	smul.u32 $0xB40B40B5, s11  }
0x693: {  	v4 =	vsel vm3, s0, v4;
	v5 =	vsel vm3, s4, v5;
	s15 =	sadd.s32 s28, s13;
	v3 =	vsel vm6, s12, v3;
	s16 =	ssub.s32 s31, s29  }
0x694: {  	(erf) = vpow2.f32 v0;
	v0 =	vcombine.low v5, v4;
	v3 =	vsel vm7, s15, v3;
	s17 =	sadd.s32 s14, s16  }
0x695: {  	v3 =	vsel vm9, s17, v3  }
0x696: {  	v0 =	vperm.xlane v0, v31;
	v3 =	vperm.xlane v3, v12;
	_ =	sdelay $0x1  }
0x697: {  	v0 =	vsel vm8, v3, v0  }
0x698: {  	v0 =	vadd.s32 v2, v0  }
0x699: {  	v3 =	vshrl.u32 v0, $0x1F;
	v0 =	vshra.s32 v0, $0x6  }
0x69a: {  	v0 =	vadd.s32 v3, v0  }
0x69b: {  	v3 =	vshll.u32 v0, $0x2  }
0x69c: {  	v4 =	vpop (erf);
	v5 =	vor.u32 $0x2, v3  }
0x69d: {  	v4 =	vadd.f32 $1.000000000e+00, v4;
	v56 =	vor.u32 $0x3, v3;
	_ =	sdelay $0x1  }
0x69e: {  	(erf) = vrcp.f32 v4;
	v4 =	vor.u32 $0x1, v3;
	_ =	sdelay $0x1  }
0x69f: {  	v5 =	vld.idx.msk [tilespmem:v5+s19+$0x0], $0xffff  }
0x6a0: {  	v6 =	vld.idx.msk [tilespmem:v56+s19+$0x0], $0xffff  }
0x6a1: {  	v3 =	vld.idx.msk [tilespmem:v3+s19+$0x0], $0xffff  }
0x6a2: {  	v4 =	vld.idx.msk [tilespmem:v4+s19+$0x0], $0xffff;
	_ =	sdelay $0x1  }
0x6a3: {  	v5 =	vmul.f32 $5.000000000e-01, v5  }
0x6a4: {  	v58 =	vor.u32 $0x480, v16;
	v57 =	vmul.u32 $0xFFFFFFA5, v0;
	v6 =	vmul.f32 $5.000000000e-01, v6  }
0x6a5: {  	v61 =	vor.u32 $0x481, v16;
	v59 =	vpop (erf);
	v60 =	vsub.f32 v3, v5  }
0x6a6: {  	v63 =	vor.u32 $0x482, v16;
	s20 =	sld [smem:$0x7FA];
	v2 =	vadd.s32 v2, v57;
	[tilespmem:$0x1A820] =	vst v59;
	v62 =	vsub.f32 v4, v6  }
0x6a7: {  	s21 =	sld [smem:$0x7F2];
	[tilespmem:$0x1A9A0] =	vst v2;
	v3 =	vadd.f32 v5, v3;
	v5 =	vor.u32 $0x483, v16;
	v2 =	vmul.f32 v60, v11  }
0x6a8: {  	[tilespmem:$0x1AB20] =	vst v0;
	v4 =	vadd.f32 v6, v4;
	v0 =	vmul.f32 v62, v13  }
0x6a9: {  	[tilespmem:v58+s18+$0x0] =	vst.idx.msk $0xffff, v2;
	v2 =	vmul.f32 v3, v11  }
0x6aa: {  	s3 =	simm.s32 $0x1;
	s0 =	sor.u32 s20, s21;
	[tilespmem:v61+s18+$0x0] =	vst.idx.msk $0xffff, v0;
	v0 =	vmul.f32 v4, v13  }
0x6ab: {  	s5 =	simm.s32 $0x80;
	s22 =	rddreg [dreg:$0x3];
	s0 =	sshrl.u32 s0, $0x3;
	[tilespmem:v63+s18+$0x0] =	vst.idx.msk $0xffff, v2  }
0x6ac: {  	s4 =	simm.s32 $0x400;
	s23 =	simm.s32 $0x1A700;
	s1 =	sadd.s32 s22, s0;
	[tilespmem:v5+s18+$0x0] =	vst.idx.msk $0xffff, v0  }
0x6ad: {  	[hbm4b:s1+s5] =	stream.strided.scatter [tilespmem:s23], [sflag:$0x1], $0x180, s4, s5, $0x38;
	[tilespmem:$0x1BF80] =	vst v63  }
0x6ae: {  	_ =	swait.ge [sflag:s3], $0x180  }
0x6af: {  	s24 =	sld [smem:$0x7F5];
	_ =	sdelay $0x1  }
0x6b0: {  	[sflag:s3] =	ssyncset.done $0x0  }
0x6b1: {  	s25 =	simm.s32 $0x1A880;
	[sflag:s3] =	ssyncadd.s32 $0xFFFFFE80;
	s1 =	sadd.s32 s24, s0  }
0x6b2: {  	[hbm4b:s1+s5] =	stream.strided.scatter [tilespmem:s25], [sflag:$0x1], $0x180, s4, s5, $0x38;
	[tilespmem:$0x1BF80] =	vst v63  }
0x6b3: {  	_ =	swait.ge [sflag:s3], $0x180  }
0x6b4: {  	s26 =	sld [smem:$0x7F7];
	_ =	sdelay $0x1  }
0x6b5: {  	[sflag:s3] =	ssyncset.done $0x0  }
0x6b6: {  	s28 =	simm.s32 $0x1AA00;
	[sflag:s3] =	ssyncadd.s32 $0xFFFFFE80;
	s0 =	sadd.s32 s26, s0  }
0x6b7: {  	[hbm4b:s0+s5] =	stream.strided.scatter [tilespmem:s28], [sflag:$0x1], $0x180, s4, s5, $0x38;
	[tilespmem:$0x1BF80] =	vst v63  }
0x6b8: {  	_ =	swait.ge [sflag:s3], $0x180  }
0x6b9: {  	s29 =	sld [smem:$0x7FC];
	_ =	sdelay $0x1  }
0x6ba: {  	s30 =	sld [smem:$0x7F6]  }
0x6bb: {  	s0 =	sor.u32 s29, s21  }
0x6bc: {  	[sflag:s3] =	ssyncset.done $0x0;
	s0 =	sshrl.u32 s0, $0x3  }
0x6bd: {  	[sflag:s3] =	ssyncadd.s32 $0xFFFFFE80;
	s0 =	sadd.s32 s30, s0  }
0x6be: {  	[hbm4b:s0+s5] =	stream.strided.scatter [tilespmem:s18], [sflag:$0x1], $0x500, s4, s5, $0x38;
	[tilespmem:$0x1BF80] =	vst v63  }
0x6bf: {  	_ =	swait.ge [sflag:s3], $0x500  }
0x6c0: {  	s31 =	sld [smem:$0x7F1];
	_ =	sdelay $0x2  }
0x6c1: {  	s1 =	sadd.s32 $0x1, s31  }
0x6c2: {  	p0 =	sne.s32 s1, $0x4  }
.Ltmp46:
0x6c3: {  	_ = 	snop;
	(pc) =	sbr.rel @p0 .LBB2_2-.Ltmp46, $4  }
.Ltmp47:
0x6c4: {  	_ = 	snop;
	(pc) =	sbr.rel @!p0 .LBB2_69-.Ltmp47, $4  }
0x6c5: {  	v19 =	vld [tilespmem:$0x1FFD0]  }
0x6c6: {  	s7 =	simm.s32 $0x1B080;
	s13 =	simm.s32 $0x14000;
	[sflag:s3] =	ssyncset.done $0x0;
	v20 =	vld [tilespmem:$0x1FFE0]  }
0x6c7: {  	s14 =	simm.s32 $0x1A100;
	s16 =	simm.s32 $0x1A280;
	v3 =	vimm.s32 $0x1;
	v21 =	vld [tilespmem:$0x1FFF0];
	[sflag:s3] =	ssyncadd.s32 $0xFFFFFB00  }
0x6c8: {  	_ = 	snop  }
.LBB2_26:
.Ltmp48:
0x6c9: {  	(pc) =	sbr.rel .LBB2_33-.Ltmp48, $2  }
0x6ca: {  	_ =	sdelay $0x2  }
0x6cb: {  	s3 =	simm.s32 $0x0;
	s4 =	simm.s32 $0x0  }
.LBB2_41:
.Ltmp49:
0x6cc: {  	(pc) =	sbr.rel .LBB2_45-.Ltmp49, $2  }
0x6cd: {  	_ =	sdelay $0x2  }
0x6ce: {  	s3 =	simm.s32 $0x0;
	s4 =	simm.s32 $0x0  }
.LBB2_53:
.Ltmp50:
0x6cf: {  	(pc) =	sbr.rel .LBB2_57-.Ltmp50, $2  }
0x6d0: {  	_ =	sdelay $0x2  }
0x6d1: {  	s4 =	simm.s32 $0x0;
	s3 =	simm.s32 $0x0  }
.LBB2_31:
.Ltmp51:
0x6d2: {  	(pc) =	sbr.rel .LBB2_33-.Ltmp51, $2  }
0x6d3: {  	_ =	sdelay $0x2  }
0x6d4: {  	s3 =	simm.s32 $0x0;
	s4 =	simm.s32 $0x0  }
.LBB2_43:
.Ltmp52:
0x6d5: {  	(pc) =	sbr.rel .LBB2_45-.Ltmp52, $2  }
0x6d6: {  	_ =	sdelay $0x2  }
0x6d7: {  	s3 =	simm.s32 $0x0;
	s4 =	simm.s32 $0x0  }
.LBB2_55:
.Ltmp53:
0x6d8: {  	(pc) =	sbr.rel .LBB2_57-.Ltmp53, $2  }
0x6d9: {  	_ =	sdelay $0x2  }
0x6da: {  	s4 =	simm.s32 $0x0;
	s3 =	simm.s32 $0x0  }
.LBB2_70:
0x6db: {  	_ =	sfence.sel $0x180000  }
0x6dc: {  	[bflag:$0x0] =	sbarrier.arrive $0xFFFF  }
0x6dd: {  	_ =	strace $0x90000047  }
0x6de: {  	s0 =	stileid.u32;
	[bflag:$0x2] =	sbarrier.arrive $0xFFFF  }
0x6df: {  	p0 =	sne.s32 s0, $0x0;
	s0 =	rddreg [dreg:$0x4]  }
0x6e0: {  	s0 =	sadd.s32 @!p0 $0x100000, s0  }
0x6e1: {  	[sflag:s0] =	ssyncadd.tile.s32 @!p0 $0x1;
	_ =	shalt  }
.Lfunc_end2:
_tile_overlayer_lowered:
.L_overlay_start_2:
0x6e2: {  	(tag) =	ssettag $0x2  }
0x6e3: {  	s0 =	rddreg [dreg:$0x0];
	s2 =	stileid.u32  }
0x6e4: {  	s1 =	rddreg [dreg:$0x1];
	p0 =	sne.s32 s2, $0x0  }
0x6e5: {  	s3 =	rddreg [dreg:$0x2];
	[bflag:$0x3] =	sbarrier.arrive $0xFFFF;
	s2 =	simm.s32 @!p0 $0x1C01  }
0x6e6: {  	[timem:s3], [sflag:s2] =	dma.local @!p0 [hbm:s0], s1  }
0x6e7: {  	s0 =	simm.s32 @!p0 $0x1  }
0x6e8: {  	_ =	swait.ge @!p0 [sflag:s0], s1  }
0x6e9: {  	s1 =	ssub.s32 @!p0 $0x0, s1;
	[sflag:s0] =	ssyncset.done @!p0 $0x0  }
0x6ea: {  	[sflag:s0] =	ssyncadd.s32 @!p0 s1  }
0x6eb: {  	[bflag:$0x3] =	sbarrier.arrive $0xFFFF  }
0x6ec: {  	_ =	shalt  }

</sc_bundles>
